<compile_context>
chip_gen: v7x
topology: tpu7x:2x2x1
jax: 0.10.2.dev20260603
libtpu: 0.0.44.dev20260713+nightly
codegen_flags: <defaults>
</compile_context>

<pallas_src>
import functools

import jax
import jax.numpy as jnp
from jax import lax
from jax.experimental import pallas as pl
from jax.experimental.pallas import tpu as pltpu
from jax.experimental.pallas import tpu_sc as plsc

NC = 2
NS = 16
NW = NC * NS


def _mesh():
    return plsc.VectorSubcoreMesh(core_axis_name="c", subcore_axis_name="s")


def _sc_degree(epk, ones, zeros):
    b = epk.shape[2]
    nch = epk.shape[0] // NW
    npad, h = zeros.shape
    rows_per_tile = npad // NS

    @functools.partial(
        pl.kernel,
        out_type=jax.ShapeDtypeStruct((NC, npad, h), jnp.float32),
        mesh=_mesh(),
        scratch_types=[
            pltpu.VMEM((b,), jnp.int32),
            pltpu.VMEM((b, h), jnp.float32),
            pltpu.VMEM_SHARED((npad, h), jnp.float32),
        ],
    )
    def k(epk_hbm, ones_hbm, zeros_hbm, out_hbm, didx, ones_v, acc):
        cid = lax.axis_index("c")
        sid = lax.axis_index("s")
        rbase = sid * rows_per_tile

        pltpu.sync_copy(ones_hbm, ones_v)
        pltpu.sync_copy(zeros_hbm.at[pl.ds(rbase, rows_per_tile)],
                        acc.at[pl.ds(rbase, rows_per_tile)])
        plsc.subcore_barrier()

        cbase = (cid * NS + sid) * nch

        def chunk_body(ci, c):
            pltpu.sync_copy(epk_hbm.at[cbase + ci, 1], didx)
            pltpu.sync_copy(ones_v, acc.at[didx], add=True)
            return c

        lax.fori_loop(0, nch, chunk_body, 0)
        plsc.subcore_barrier()
        pltpu.sync_copy(acc.at[pl.ds(rbase, rows_per_tile)],
                        out_hbm.at[cid, pl.ds(rbase, rows_per_tile)])

    return k(epk, ones, zeros)


def _sc_propagate(mp, epk):
    npad, h = mp.shape
    b = epk.shape[2]
    nch = epk.shape[0] // NW
    rows_per_tile = npad // NS

    @functools.partial(
        pl.kernel,
        out_type=jax.ShapeDtypeStruct((NC, npad, h), jnp.float32),
        mesh=_mesh(),
        scratch_types=[
            pltpu.VMEM((b,), jnp.int32),
            pltpu.VMEM((b,), jnp.int32),
            pltpu.VMEM((b,), jnp.int32),
            pltpu.VMEM((b,), jnp.int32),
            pltpu.VMEM((b, h), jnp.float32),
            pltpu.VMEM((b, h), jnp.float32),
            pltpu.VMEM_SHARED((npad, h), jnp.float32),
            pltpu.SemaphoreType.DMA,
            pltpu.SemaphoreType.DMA,
        ],
    )
    def k(mp_hbm, epk_hbm, out_hbm, sidx0, sidx1, didx0, didx1,
          rows0, rows1, acc, g0, g1):
        cid = lax.axis_index("c")
        sid = lax.axis_index("s")
        rbase = sid * rows_per_tile

        pltpu.sync_copy(mp_hbm.at[pl.ds(rbase, rows_per_tile)],
                        acc.at[pl.ds(rbase, rows_per_tile)])
        plsc.subcore_barrier()

        cbase = (cid * NS + sid) * nch

        def stage(ci, sidx, didx):
            pltpu.sync_copy(epk_hbm.at[ci, 0], sidx)
            pltpu.sync_copy(epk_hbm.at[ci, 1], didx)

        def gather(sidx, rows, sem):
            return pltpu.async_copy(mp_hbm.at[sidx], rows, sem)

        def gwait(sidx, rows, sem):
            pltpu.make_async_copy(mp_hbm.at[sidx], rows, sem).wait()

        def scatter(rows, didx):
            pltpu.sync_copy(rows, acc.at[didx], add=True)

        stage(cbase, sidx0, didx0)
        gather(sidx0, rows0, g0)

        def pair_body(j, c):
            c0 = cbase + 2 * j
            stage(c0 + 1, sidx1, didx1)
            gwait(sidx0, rows0, g0)
            gather(sidx1, rows1, g1)
            scatter(rows0, didx0)
            stage(c0 + 2, sidx0, didx0)
            gwait(sidx1, rows1, g1)
            gather(sidx0, rows0, g0)
            scatter(rows1, didx1)
            return c

        lax.fori_loop(0, nch // 2 - 1, pair_body, 0)

        stage(cbase + nch - 1, sidx1, didx1)
        gwait(sidx0, rows0, g0)
        gather(sidx1, rows1, g1)
        scatter(rows0, didx0)
        gwait(sidx1, rows1, g1)
        scatter(rows1, didx1)

        plsc.subcore_barrier()
        pltpu.sync_copy(acc.at[pl.ds(rbase, rows_per_tile)],
                        out_hbm.at[cid, pl.ds(rbase, rows_per_tile)])

    return k(mp, epk)


def _tc_dis(degp):
    _, n, _ = degp.shape

    def body(degp_ref, dis_ref):
        deg = degp_ref[0, :, 0:1] + degp_ref[1, :, 0:1] + 1.0
        dis_ref[...] = lax.rsqrt(deg)

    return pl.pallas_call(
        body,
        out_shape=jax.ShapeDtypeStruct((n, 1), jnp.float32),
    )(degp)


def _tc_prep(x, w1, dis, blk):
    n, d = x.shape
    h = w1.shape[1]
    grid = n // blk

    def body(x_ref, w_ref, dis_ref, mp_ref):
        mp_ref[...] = dis_ref[...] * jnp.dot(x_ref[...], w_ref[...],
                                             preferred_element_type=jnp.float32)

    return pl.pallas_call(
        body,
        grid=(grid,),
        in_specs=[
            pl.BlockSpec((blk, d), lambda i: (i, 0)),
            pl.BlockSpec((d, h), lambda i: (0, 0)),
            pl.BlockSpec((blk, 1), lambda i: (i, 0)),
        ],
        out_specs=pl.BlockSpec((blk, h), lambda i: (i, 0)),
        out_shape=jax.ShapeDtypeStruct((n, h), jnp.float32),
    )(x, w1, dis)


def _tc_layer(s, mp, dis, b_prev, w_next, blk):
    _, n, h = s.shape
    grid = n // blk

    def body(s_ref, mp_ref, dis_ref, b_ref, w_ref, out_ref):
        dis = dis_ref[...]
        hpre = dis * (s_ref[0] + s_ref[1] - mp_ref[...]) + b_ref[...]
        act = jnp.maximum(hpre, 0.0)
        out_ref[...] = dis * jnp.dot(act, w_ref[...],
                                     preferred_element_type=jnp.float32)

    return pl.pallas_call(
        body,
        grid=(grid,),
        in_specs=[
            pl.BlockSpec((NC, blk, h), lambda i: (0, i, 0)),
            pl.BlockSpec((blk, h), lambda i: (i, 0)),
            pl.BlockSpec((blk, 1), lambda i: (i, 0)),
            pl.BlockSpec((1, h), lambda i: (0, 0)),
            pl.BlockSpec((h, w_next.shape[1]), lambda i: (0, 0)),
        ],
        out_specs=pl.BlockSpec((blk, h), lambda i: (i, 0)),
        out_shape=jax.ShapeDtypeStruct((n, h), jnp.float32),
    )(s, mp, dis, b_prev, w_next)


def _tc_final(s, mp, dis, b6, batch3d, wlin, blin, n_graphs, blk):
    _, n, h = s.shape
    c = wlin.shape[1]
    grid = n // blk

    def body(s_ref, mp_ref, dis_ref, b_ref, batch_ref, wlin_ref, blin_ref,
             out_ref, pool_acc, cnt_acc):
        i = pl.program_id(0)

        @pl.when(i == 0)
        def _():
            pool_acc[...] = jnp.zeros_like(pool_acc)
            cnt_acc[...] = jnp.zeros_like(cnt_acc)

        h6 = dis_ref[...] * (s_ref[0] + s_ref[1] - mp_ref[...]) + b_ref[...]
        gids = lax.broadcasted_iota(jnp.int32, (n_graphs, blk), 0)
        onehot = (batch_ref[0] == gids).astype(jnp.float32)
        pool_acc[...] += jnp.dot(onehot, h6, preferred_element_type=jnp.float32)
        cnt_acc[...] += jnp.sum(onehot, axis=1, keepdims=True)

        @pl.when(i == grid - 1)
        def _():
            pooled = pool_acc[...] / jnp.maximum(cnt_acc[...], 1.0)
            out_ref[...] = jnp.dot(pooled, wlin_ref[...],
                                   preferred_element_type=jnp.float32) + blin_ref[...]

    return pl.pallas_call(
        body,
        grid=(grid,),
        in_specs=[
            pl.BlockSpec((NC, blk, h), lambda i: (0, i, 0)),
            pl.BlockSpec((blk, h), lambda i: (i, 0)),
            pl.BlockSpec((blk, 1), lambda i: (i, 0)),
            pl.BlockSpec((1, h), lambda i: (0, 0)),
            pl.BlockSpec((1, 1, blk), lambda i: (i, 0, 0)),
            pl.BlockSpec((h, c), lambda i: (0, 0)),
            pl.BlockSpec((1, c), lambda i: (0, 0)),
        ],
        out_specs=pl.BlockSpec((n_graphs, c), lambda i: (0, 0)),
        out_shape=jax.ShapeDtypeStruct((n_graphs, c), jnp.float32),
        scratch_shapes=[
            pltpu.VMEM((n_graphs, h), jnp.float32),
            pltpu.VMEM((n_graphs, 1), jnp.float32),
        ],
    )(s, mp, dis, b6, batch3d, wlin, blin)


def kernel(x, edge_index, batch, W1, b1, W2, b2, W3, b3, W4, b4, W5, b5,
           W6, b6, Wlin, blin):
    n, d = x.shape
    g = 64
    h = W1.shape[1]
    npad = 10240
    blk = 1024
    src = edge_index[0]
    dst = edge_index[1]

    x_p = jnp.pad(x, ((0, npad - n), (0, 0)))
    batch_p = jnp.pad(batch, (0, npad - n), constant_values=g)
    batch3d = batch_p.reshape(npad // blk, 1, blk)
    ones = jnp.ones((128, 16), jnp.float32)
    zeros = jnp.zeros((npad, 16), jnp.float32)

    e = src.shape[0]
    bch = 128
    ept = e // NW
    nch_t = ((ept + bch - 1) // bch + 1) // 2 * 2
    pad_t = nch_t * bch - ept
    pad_ids = n + (jnp.arange(pad_t, dtype=jnp.int32) % (npad - n))
    pad_blk = jnp.broadcast_to(pad_ids, (NW, pad_t))
    src_t = jnp.concatenate([src.reshape(NW, ept), pad_blk], axis=1)
    dst_t = jnp.concatenate([dst.reshape(NW, ept), pad_blk], axis=1)
    epk = jnp.stack([src_t.reshape(-1, bch), dst_t.reshape(-1, bch)], axis=1)

    degp = _sc_degree(epk, ones, zeros)
    dis = _tc_dis(degp)
    mp = _tc_prep(x_p, W1, dis, blk)

    for b_prev, w_next in ((b1, W2), (b2, W3), (b3, W4), (b4, W5), (b5, W6)):
        s = _sc_propagate(mp, epk)
        mp = _tc_layer(s, mp, dis, b_prev.reshape(1, -1), w_next, blk)

    s = _sc_propagate(mp, epk)
    return _tc_final(s, mp, dis, b6.reshape(1, -1), batch3d, Wlin,
                     blin.reshape(1, -1), g, blk)

# --- scband reference (transcript-rebuilt; emitter-appended) ---
"""Pipeline reference for scband-gcn-1597727834503 (READ-ONLY COPY).

The authoritative reference and input builder live on the scoring server;
editing this copy changes nothing except your own understanding.
"""

import jax, jax.numpy as jnp
import numpy as np

N = 10000
E = 320000
D = 128
H = 128
C = 40
G = 64


def setup_inputs(seed: int = 0) -> dict:
    key = jax.random.key(seed)
    ks = jax.random.split(key, 24)
    inp = {}
    inp["x"] = jax.random.normal(ks[0], (N, D), dtype=jnp.float32)
    inp["edge_index"] = jax.random.randint(ks[1], (2, E), 0, N, dtype=jnp.int32)
    inp["batch"] = jnp.sort(jax.random.randint(ks[2], (N,), 0, G, dtype=jnp.int32))
    for i in range(6):
        din = D if i == 0 else H
        inp[f"W{i+1}"] = jax.random.normal(ks[3 + i], (din, H), dtype=jnp.float32) * 0.05
        inp[f"b{i+1}"] = jnp.zeros((H,), dtype=jnp.float32)
    inp["Wlin"] = jax.random.normal(ks[10], (H, C), dtype=jnp.float32) * 0.05
    inp["blin"] = jnp.zeros((C,), dtype=jnp.float32)
    return inp


def gcn_conv(x, edge_index, W, b):
    # GCNConv: add self-loops, symmetric normalization D^-1/2 (A+I) D^-1/2
    loop = jnp.arange(N, dtype=edge_index.dtype)
    src = jnp.concatenate([edge_index[0], loop])
    dst = jnp.concatenate([edge_index[1], loop])
    deg = jnp.zeros((N,), jnp.float32).at[dst].add(1.0)
    dis = jnp.where(deg > 0, jax.lax.rsqrt(jnp.maximum(deg, 1e-12)), 0.0)
    norm = dis[src] * dis[dst]
    h = x @ W
    msg = h[src] * norm[:, None]
    out = jnp.zeros((N, W.shape[1]), jnp.float32).at[dst].add(msg)
    return out + b


def reference(x, edge_index, batch, W1, b1, W2, b2, W3, b3, W4, b4, W5, b5, W6, b6, Wlin, blin):
    h = jax.nn.relu(gcn_conv(x, edge_index, W1, b1))
    h = jax.nn.relu(gcn_conv(h, edge_index, W2, b2))
    h = jax.nn.relu(gcn_conv(h, edge_index, W3, b3))
    h = jax.nn.relu(gcn_conv(h, edge_index, W4, b4))
    h = jax.nn.relu(gcn_conv(h, edge_index, W5, b5))
    h = gcn_conv(h, edge_index, W6, b6)
    # global_mean_pool over graph ids in `batch`
    sums = jax.ops.segment_sum(h, batch, num_segments=G)
    cnt = jax.ops.segment_sum(jnp.ones((N,), jnp.float32), batch, num_segments=G)
    pooled = sums / jnp.maximum(cnt, 1.0)[:, None]
    # dropout is identity in eval mode
    return pooled @ Wlin + blin

if __name__ == "__main__":
    import jax
    _d = setup_inputs()
    print(jax.jit(kernel)(*tuple(_d.values())))

</pallas_src>

<mosaic_0001>
#map = affine_map<(d0, d1) -> (0, 0)>
#map1 = affine_map<(d0, d1) -> (0, 0, 0)>
module attributes {stable_mosaic.version = 14 : i64} {
  func.func @k(%arg0: i32, %arg1: i32, %arg2: memref<10240x128xf32, #tpu.memory_space<hbm>>, %arg3: memref<2560x2x128xi32, #tpu.memory_space<hbm>>, %arg4: memref<2x10240x128xf32, #tpu.memory_space<hbm>>, %arg5: memref<128xi32, #tpu.memory_space<vmem>>, %arg6: memref<128xi32, #tpu.memory_space<vmem>>, %arg7: memref<128xi32, #tpu.memory_space<vmem>>, %arg8: memref<128xi32, #tpu.memory_space<vmem>>, %arg9: memref<128x128xf32, #tpu.memory_space<vmem>>, %arg10: memref<128x128xf32, #tpu.memory_space<vmem>>, %arg11: memref<10240x128xf32, #tpu.memory_space<vmem_shared>>, %arg12: memref<!tpu.dma_semaphore, #tpu.memory_space<semaphore_mem>>, %arg13: memref<!tpu.dma_semaphore, #tpu.memory_space<semaphore_mem>>) attributes {dimension_semantics = [#tpu.dimension_semantics<core_parallel>, #tpu.dimension_semantics<subcore_parallel>], iteration_bounds = array<i64: 2, 16>, scalar_prefetch = 0 : i64, scratch_operands = 9 : i64, tpu.core_type = #tpu.core_type<sc_vector_subcore>, window_params = [{transform_indices = #map}, {transform_indices = #map1}, {transform_indices = #map1}]} {
    %mul3A = arith.constant 640 : i32
    %mul3A_0 = arith.muli %arg1, %mul3A : i32
    "tpu.region"() ({
      %run_scoped3A_27 = tpu.sem_alloc : memref<!tpu.dma_semaphore, #tpu.memory_space<semaphore_mem>>
      %dma_start3A_28 = arith.constant 0 : i32
      %dma_start3A_29 = tpu.memref_slice %arg11[%mul3A_0, %dma_start3A_28] : memref<10240x128xf32, #tpu.memory_space<vmem_shared>> -> memref<640x128xf32, #tpu.memory_space<vmem_shared>>
      %dma_start3A_30 = arith.constant 0 : i32
      %dma_start3A_31 = tpu.memref_slice %arg2[%mul3A_0, %dma_start3A_30] : memref<10240x128xf32, #tpu.memory_space<hbm>> -> memref<640x128xf32, #tpu.memory_space<hbm>>
      tpu.enqueue_dma source(%dma_start3A_31 : memref<640x128xf32, #tpu.memory_space<hbm>>) target(%dma_start3A_29 : memref<640x128xf32, #tpu.memory_space<vmem_shared>>) target_semaphore(%run_scoped3A_27 : memref<!tpu.dma_semaphore, #tpu.memory_space<semaphore_mem>>)
      %dma_wait3A_32 = arith.constant 0 : i32
      %dma_wait3A_33 = tpu.memref_slice %arg11[%mul3A_0, %dma_wait3A_32] : memref<10240x128xf32, #tpu.memory_space<vmem_shared>> -> memref<640x128xf32, #tpu.memory_space<vmem_shared>>
      %dma_wait3A_34 = arith.constant 0 : i32
      %dma_wait3A_35 = tpu.memref_slice %arg2[%mul3A_0, %dma_wait3A_34] : memref<10240x128xf32, #tpu.memory_space<hbm>> -> memref<640x128xf32, #tpu.memory_space<hbm>>
      tpu.wait_dma2 semaphore(%run_scoped3A_27 : memref<!tpu.dma_semaphore, #tpu.memory_space<semaphore_mem>>) src(%dma_wait3A_35 : memref<640x128xf32, #tpu.memory_space<hbm>>) dst(%dma_wait3A_33 : memref<640x128xf32, #tpu.memory_space<vmem_shared>>)
      tpu.yield
    }) : () -> ()
    %barrier3A = arith.constant 0 : index
    tpu.barrier barrier_id(%barrier3A)
    %mul3A_1 = arith.constant 16 : i32
    %mul3A_2 = arith.muli %arg0, %mul3A_1 : i32
    %add3A = arith.addi %mul3A_2, %arg1 : i32
    %mul3A_3 = arith.constant 80 : i32
    %mul3A_4 = arith.muli %add3A, %mul3A_3 : i32
    %run_scoped3A = arith.constant 0 : i32
    "tpu.region"() ({
      %run_scoped3A_27 = tpu.sem_alloc : memref<!tpu.dma_semaphore, #tpu.memory_space<semaphore_mem>>
      %dma_start3A_28 = arith.constant 0 : i32
      %dma_start3A_29 = tpu.memref_slice %arg3[%mul3A_4, %run_scoped3A, %dma_start3A_28] : memref<2560x2x128xi32, #tpu.memory_space<hbm>> -> memref<1x1x128xi32, #tpu.memory_space<hbm>>
      %dma_start3A_30 = tpu.memref_squeeze %dma_start3A_29 : memref<1x1x128xi32, #tpu.memory_space<hbm>> -> memref<128xi32, #tpu.memory_space<hbm>>
      %dma_start3A_31 = arith.constant 0 : i32
      %dma_start3A_32 = tpu.memref_slice %arg3[%mul3A_4, %run_scoped3A, %dma_start3A_31] : memref<2560x2x128xi32, #tpu.memory_space<hbm>> -> memref<1x1x128xi32, #tpu.memory_space<hbm>>
      %dma_start3A_33 = tpu.memref_squeeze %dma_start3A_32 : memref<1x1x128xi32, #tpu.memory_space<hbm>> -> memref<128xi32, #tpu.memory_space<hbm>>
      tpu.enqueue_dma source(%dma_start3A_33 : memref<128xi32, #tpu.memory_space<hbm>>) target(%arg5 : memref<128xi32, #tpu.memory_space<vmem>>) target_semaphore(%run_scoped3A_27 : memref<!tpu.dma_semaphore, #tpu.memory_space<semaphore_mem>>)
      %dma_wait3A_34 = arith.constant 0 : i32
      %dma_wait3A_35 = tpu.memref_slice %arg3[%mul3A_4, %run_scoped3A, %dma_wait3A_34] : memref<2560x2x128xi32, #tpu.memory_space<hbm>> -> memref<1x1x128xi32, #tpu.memory_space<hbm>>
      %dma_wait3A_36 = tpu.memref_squeeze %dma_wait3A_35 : memref<1x1x128xi32, #tpu.memory_space<hbm>> -> memref<128xi32, #tpu.memory_space<hbm>>
      %dma_wait3A_37 = arith.constant 0 : i32
      %dma_wait3A_38 = tpu.memref_slice %arg3[%mul3A_4, %run_scoped3A, %dma_wait3A_37] : memref<2560x2x128xi32, #tpu.memory_space<hbm>> -> memref<1x1x128xi32, #tpu.memory_space<hbm>>
      %dma_wait3A_39 = tpu.memref_squeeze %dma_wait3A_38 : memref<1x1x128xi32, #tpu.memory_space<hbm>> -> memref<128xi32, #tpu.memory_space<hbm>>
      tpu.wait_dma2 semaphore(%run_scoped3A_27 : memref<!tpu.dma_semaphore, #tpu.memory_space<semaphore_mem>>) src(%dma_wait3A_39 : memref<128xi32, #tpu.memory_space<hbm>>) dst(%arg5 : memref<128xi32, #tpu.memory_space<vmem>>)
      tpu.yield
    }) : () -> ()
    %run_scoped3A_5 = arith.constant 1 : i32
    "tpu.region"() ({
      %run_scoped3A_27 = tpu.sem_alloc : memref<!tpu.dma_semaphore, #tpu.memory_space<semaphore_mem>>
      %dma_start3A_28 = arith.constant 0 : i32
      %dma_start3A_29 = tpu.memref_slice %arg3[%mul3A_4, %run_scoped3A_5, %dma_start3A_28] : memref<2560x2x128xi32, #tpu.memory_space<hbm>> -> memref<1x1x128xi32, #tpu.memory_space<hbm>>
      %dma_start3A_30 = tpu.memref_squeeze %dma_start3A_29 : memref<1x1x128xi32, #tpu.memory_space<hbm>> -> memref<128xi32, #tpu.memory_space<hbm>>
      %dma_start3A_31 = arith.constant 0 : i32
      %dma_start3A_32 = tpu.memref_slice %arg3[%mul3A_4, %run_scoped3A_5, %dma_start3A_31] : memref<2560x2x128xi32, #tpu.memory_space<hbm>> -> memref<1x1x128xi32, #tpu.memory_space<hbm>>
      %dma_start3A_33 = tpu.memref_squeeze %dma_start3A_32 : memref<1x1x128xi32, #tpu.memory_space<hbm>> -> memref<128xi32, #tpu.memory_space<hbm>>
      tpu.enqueue_dma source(%dma_start3A_33 : memref<128xi32, #tpu.memory_space<hbm>>) target(%arg7 : memref<128xi32, #tpu.memory_space<vmem>>) target_semaphore(%run_scoped3A_27 : memref<!tpu.dma_semaphore, #tpu.memory_space<semaphore_mem>>)
      %dma_wait3A_34 = arith.constant 0 : i32
      %dma_wait3A_35 = tpu.memref_slice %arg3[%mul3A_4, %run_scoped3A_5, %dma_wait3A_34] : memref<2560x2x128xi32, #tpu.memory_space<hbm>> -> memref<1x1x128xi32, #tpu.memory_space<hbm>>
      %dma_wait3A_36 = tpu.memref_squeeze %dma_wait3A_35 : memref<1x1x128xi32, #tpu.memory_space<hbm>> -> memref<128xi32, #tpu.memory_space<hbm>>
      %dma_wait3A_37 = arith.constant 0 : i32
      %dma_wait3A_38 = tpu.memref_slice %arg3[%mul3A_4, %run_scoped3A_5, %dma_wait3A_37] : memref<2560x2x128xi32, #tpu.memory_space<hbm>> -> memref<1x1x128xi32, #tpu.memory_space<hbm>>
      %dma_wait3A_39 = tpu.memref_squeeze %dma_wait3A_38 : memref<1x1x128xi32, #tpu.memory_space<hbm>> -> memref<128xi32, #tpu.memory_space<hbm>>
      tpu.wait_dma2 semaphore(%run_scoped3A_27 : memref<!tpu.dma_semaphore, #tpu.memory_space<semaphore_mem>>) src(%dma_wait3A_39 : memref<128xi32, #tpu.memory_space<hbm>>) dst(%arg7 : memref<128xi32, #tpu.memory_space<vmem>>)
      tpu.yield
    }) : () -> ()
    %dma_start3A = arith.constant 0 : i32
    %dma_start3A_6 = arith.constant 0 : i32
    %dma_start3A_7 = tpu.memref_slice %arg2[%dma_start3A, %dma_start3A_6] : memref<10240x128xf32, #tpu.memory_space<hbm>> -> memref<10240x128xf32, #tpu.memory_space<hbm>>
    tpu.enqueue_indirect_dma source(%dma_start3A_7 : memref<10240x128xf32, #tpu.memory_space<hbm>>) target(%arg9 : memref<128x128xf32, #tpu.memory_space<vmem>>) offsets(%arg5 : memref<128xi32, #tpu.memory_space<vmem>>) semaphore(%arg12 : memref<!tpu.dma_semaphore, #tpu.memory_space<semaphore_mem>>)
    %scan3A = arith.constant 0 : i32
    %scan3A_8 = arith.constant 0 : i32
    %scan3A_9 = arith.constant 39 : i32
    %scan3A_10 = arith.addi %scan3A_8, %scan3A_9 : i32
    %scan3A_11 = arith.constant 1 : i32
    scf.for %scan3A_27 = %scan3A_8 to %scan3A_10 step %scan3A_11  : i32 {
      %mul3A_28 = arith.constant 2 : i32
      %mul3A_29 = arith.muli %mul3A_28, %scan3A_27 : i32
      %add3A_30 = arith.addi %mul3A_4, %mul3A_29 : i32
      %add3A_31 = arith.constant 1 : i32
      %add3A_32 = arith.addi %add3A_30, %add3A_31 : i32
      %run_scoped3A_33 = arith.constant 0 : i32
      "tpu.region"() ({
        %run_scoped3A_51 = tpu.sem_alloc : memref<!tpu.dma_semaphore, #tpu.memory_space<semaphore_mem>>
        %dma_start3A_52 = arith.constant 0 : i32
        %dma_start3A_53 = tpu.memref_slice %arg3[%add3A_32, %run_scoped3A_33, %dma_start3A_52] : memref<2560x2x128xi32, #tpu.memory_space<hbm>> -> memref<1x1x128xi32, #tpu.memory_space<hbm>>
        %dma_start3A_54 = tpu.memref_squeeze %dma_start3A_53 : memref<1x1x128xi32, #tpu.memory_space<hbm>> -> memref<128xi32, #tpu.memory_space<hbm>>
        %dma_start3A_55 = arith.constant 0 : i32
        %dma_start3A_56 = tpu.memref_slice %arg3[%add3A_32, %run_scoped3A_33, %dma_start3A_55] : memref<2560x2x128xi32, #tpu.memory_space<hbm>> -> memref<1x1x128xi32, #tpu.memory_space<hbm>>
        %dma_start3A_57 = tpu.memref_squeeze %dma_start3A_56 : memref<1x1x128xi32, #tpu.memory_space<hbm>> -> memref<128xi32, #tpu.memory_space<hbm>>
        tpu.enqueue_dma source(%dma_start3A_57 : memref<128xi32, #tpu.memory_space<hbm>>) target(%arg6 : memref<128xi32, #tpu.memory_space<vmem>>) target_semaphore(%run_scoped3A_51 : memref<!tpu.dma_semaphore, #tpu.memory_space<semaphore_mem>>)
        %dma_wait3A_58 = arith.constant 0 : i32
        %dma_wait3A_59 = tpu.memref_slice %arg3[%add3A_32, %run_scoped3A_33, %dma_wait3A_58] : memref<2560x2x128xi32, #tpu.memory_space<hbm>> -> memref<1x1x128xi32, #tpu.memory_space<hbm>>
        %dma_wait3A_60 = tpu.memref_squeeze %dma_wait3A_59 : memref<1x1x128xi32, #tpu.memory_space<hbm>> -> memref<128xi32, #tpu.memory_space<hbm>>
        %dma_wait3A_61 = arith.constant 0 : i32
        %dma_wait3A_62 = tpu.memref_slice %arg3[%add3A_32, %run_scoped3A_33, %dma_wait3A_61] : memref<2560x2x128xi32, #tpu.memory_space<hbm>> -> memref<1x1x128xi32, #tpu.memory_space<hbm>>
        %dma_wait3A_63 = tpu.memref_squeeze %dma_wait3A_62 : memref<1x1x128xi32, #tpu.memory_space<hbm>> -> memref<128xi32, #tpu.memory_space<hbm>>
        tpu.wait_dma2 semaphore(%run_scoped3A_51 : memref<!tpu.dma_semaphore, #tpu.memory_space<semaphore_mem>>) src(%dma_wait3A_63 : memref<128xi32, #tpu.memory_space<hbm>>) dst(%arg6 : memref<128xi32, #tpu.memory_space<vmem>>)
        tpu.yield
      }) : () -> ()
      %run_scoped3A_34 = arith.constant 1 : i32
      "tpu.region"() ({
        %run_scoped3A_51 = tpu.sem_alloc : memref<!tpu.dma_semaphore, #tpu.memory_space<semaphore_mem>>
        %dma_start3A_52 = arith.constant 0 : i32
        %dma_start3A_53 = tpu.memref_slice %arg3[%add3A_32, %run_scoped3A_34, %dma_start3A_52] : memref<2560x2x128xi32, #tpu.memory_space<hbm>> -> memref<1x1x128xi32, #tpu.memory_space<hbm>>
        %dma_start3A_54 = tpu.memref_squeeze %dma_start3A_53 : memref<1x1x128xi32, #tpu.memory_space<hbm>> -> memref<128xi32, #tpu.memory_space<hbm>>
        %dma_start3A_55 = arith.constant 0 : i32
        %dma_start3A_56 = tpu.memref_slice %arg3[%add3A_32, %run_scoped3A_34, %dma_start3A_55] : memref<2560x2x128xi32, #tpu.memory_space<hbm>> -> memref<1x1x128xi32, #tpu.memory_space<hbm>>
        %dma_start3A_57 = tpu.memref_squeeze %dma_start3A_56 : memref<1x1x128xi32, #tpu.memory_space<hbm>> -> memref<128xi32, #tpu.memory_space<hbm>>
        tpu.enqueue_dma source(%dma_start3A_57 : memref<128xi32, #tpu.memory_space<hbm>>) target(%arg8 : memref<128xi32, #tpu.memory_space<vmem>>) target_semaphore(%run_scoped3A_51 : memref<!tpu.dma_semaphore, #tpu.memory_space<semaphore_mem>>)
        %dma_wait3A_58 = arith.constant 0 : i32
        %dma_wait3A_59 = tpu.memref_slice %arg3[%add3A_32, %run_scoped3A_34, %dma_wait3A_58] : memref<2560x2x128xi32, #tpu.memory_space<hbm>> -> memref<1x1x128xi32, #tpu.memory_space<hbm>>
        %dma_wait3A_60 = tpu.memref_squeeze %dma_wait3A_59 : memref<1x1x128xi32, #tpu.memory_space<hbm>> -> memref<128xi32, #tpu.memory_space<hbm>>
        %dma_wait3A_61 = arith.constant 0 : i32
        %dma_wait3A_62 = tpu.memref_slice %arg3[%add3A_32, %run_scoped3A_34, %dma_wait3A_61] : memref<2560x2x128xi32, #tpu.memory_space<hbm>> -> memref<1x1x128xi32, #tpu.memory_space<hbm>>
        %dma_wait3A_63 = tpu.memref_squeeze %dma_wait3A_62 : memref<1x1x128xi32, #tpu.memory_space<hbm>> -> memref<128xi32, #tpu.memory_space<hbm>>
        tpu.wait_dma2 semaphore(%run_scoped3A_51 : memref<!tpu.dma_semaphore, #tpu.memory_space<semaphore_mem>>) src(%dma_wait3A_63 : memref<128xi32, #tpu.memory_space<hbm>>) dst(%arg8 : memref<128xi32, #tpu.memory_space<vmem>>)
        tpu.yield
      }) : () -> ()
      %dma_wait3A_35 = arith.constant 0 : i32
      %dma_wait3A_36 = arith.constant 0 : i32
      %dma_wait3A_37 = tpu.memref_slice %arg2[%dma_wait3A_35, %dma_wait3A_36] : memref<10240x128xf32, #tpu.memory_space<hbm>> -> memref<10240x128xf32, #tpu.memory_space<hbm>>
      tpu.wait_indirect_dma semaphore(%arg12 : memref<!tpu.dma_semaphore, #tpu.memory_space<semaphore_mem>>) src(%dma_wait3A_37 : memref<10240x128xf32, #tpu.memory_space<hbm>>) dst(%arg9 : memref<128x128xf32, #tpu.memory_space<vmem>>)
      %dma_start3A_38 = arith.constant 0 : i32
      %dma_start3A_39 = arith.constant 0 : i32
      %dma_start3A_40 = tpu.memref_slice %arg2[%dma_start3A_38, %dma_start3A_39] : memref<10240x128xf32, #tpu.memory_space<hbm>> -> memref<10240x128xf32, #tpu.memory_space<hbm>>
      tpu.enqueue_indirect_dma source(%dma_start3A_40 : memref<10240x128xf32, #tpu.memory_space<hbm>>) target(%arg10 : memref<128x128xf32, #tpu.memory_space<vmem>>) offsets(%arg6 : memref<128xi32, #tpu.memory_space<vmem>>) semaphore(%arg13 : memref<!tpu.dma_semaphore, #tpu.memory_space<semaphore_mem>>)
      "tpu.region"() ({
        %run_scoped3A_51 = tpu.sem_alloc : memref<!tpu.dma_semaphore, #tpu.memory_space<semaphore_mem>>
        %dma_start3A_52 = arith.constant 0 : i32
        %dma_start3A_53 = arith.constant 0 : i32
        %dma_start3A_54 = tpu.memref_slice %arg11[%dma_start3A_52, %dma_start3A_53] : memref<10240x128xf32, #tpu.memory_space<vmem_shared>> -> memref<10240x128xf32, #tpu.memory_space<vmem_shared>>
        tpu.enqueue_indirect_dma source(%arg9 : memref<128x128xf32, #tpu.memory_space<vmem>>) target(%dma_start3A_54 : memref<10240x128xf32, #tpu.memory_space<vmem_shared>>) offsets(%arg7 : memref<128xi32, #tpu.memory_space<vmem>>) semaphore(%run_scoped3A_51 : memref<!tpu.dma_semaphore, #tpu.memory_space<semaphore_mem>>) {add = true}
        %dma_wait3A_55 = arith.constant 0 : i32
        %dma_wait3A_56 = arith.constant 0 : i32
        %dma_wait3A_57 = tpu.memref_slice %arg11[%dma_wait3A_55, %dma_wait3A_56] : memref<10240x128xf32, #tpu.memory_space<vmem_shared>> -> memref<10240x128xf32, #tpu.memory_space<vmem_shared>>
        tpu.wait_indirect_dma semaphore(%run_scoped3A_51 : memref<!tpu.dma_semaphore, #tpu.memory_space<semaphore_mem>>) src(%arg9 : memref<128x128xf32, #tpu.memory_space<vmem>>) dst(%dma_wait3A_57 : memref<10240x128xf32, #tpu.memory_space<vmem_shared>>)
        tpu.yield
      }) : () -> ()
      %add3A_41 = arith.constant 2 : i32
      %add3A_42 = arith.addi %add3A_30, %add3A_41 : i32
      %run_scoped3A_43 = arith.constant 0 : i32
      "tpu.region"() ({
        %run_scoped3A_51 = tpu.sem_alloc : memref<!tpu.dma_semaphore, #tpu.memory_space<semaphore_mem>>
        %dma_start3A_52 = arith.constant 0 : i32
        %dma_start3A_53 = tpu.memref_slice %arg3[%add3A_42, %run_scoped3A_43, %dma_start3A_52] : memref<2560x2x128xi32, #tpu.memory_space<hbm>> -> memref<1x1x128xi32, #tpu.memory_space<hbm>>
        %dma_start3A_54 = tpu.memref_squeeze %dma_start3A_53 : memref<1x1x128xi32, #tpu.memory_space<hbm>> -> memref<128xi32, #tpu.memory_space<hbm>>
        %dma_start3A_55 = arith.constant 0 : i32
        %dma_start3A_56 = tpu.memref_slice %arg3[%add3A_42, %run_scoped3A_43, %dma_start3A_55] : memref<2560x2x128xi32, #tpu.memory_space<hbm>> -> memref<1x1x128xi32, #tpu.memory_space<hbm>>
        %dma_start3A_57 = tpu.memref_squeeze %dma_start3A_56 : memref<1x1x128xi32, #tpu.memory_space<hbm>> -> memref<128xi32, #tpu.memory_space<hbm>>
        tpu.enqueue_dma source(%dma_start3A_57 : memref<128xi32, #tpu.memory_space<hbm>>) target(%arg5 : memref<128xi32, #tpu.memory_space<vmem>>) target_semaphore(%run_scoped3A_51 : memref<!tpu.dma_semaphore, #tpu.memory_space<semaphore_mem>>)
        %dma_wait3A_58 = arith.constant 0 : i32
        %dma_wait3A_59 = tpu.memref_slice %arg3[%add3A_42, %run_scoped3A_43, %dma_wait3A_58] : memref<2560x2x128xi32, #tpu.memory_space<hbm>> -> memref<1x1x128xi32, #tpu.memory_space<hbm>>
        %dma_wait3A_60 = tpu.memref_squeeze %dma_wait3A_59 : memref<1x1x128xi32, #tpu.memory_space<hbm>> -> memref<128xi32, #tpu.memory_space<hbm>>
        %dma_wait3A_61 = arith.constant 0 : i32
        %dma_wait3A_62 = tpu.memref_slice %arg3[%add3A_42, %run_scoped3A_43, %dma_wait3A_61] : memref<2560x2x128xi32, #tpu.memory_space<hbm>> -> memref<1x1x128xi32, #tpu.memory_space<hbm>>
        %dma_wait3A_63 = tpu.memref_squeeze %dma_wait3A_62 : memref<1x1x128xi32, #tpu.memory_space<hbm>> -> memref<128xi32, #tpu.memory_space<hbm>>
        tpu.wait_dma2 semaphore(%run_scoped3A_51 : memref<!tpu.dma_semaphore, #tpu.memory_space<semaphore_mem>>) src(%dma_wait3A_63 : memref<128xi32, #tpu.memory_space<hbm>>) dst(%arg5 : memref<128xi32, #tpu.memory_space<vmem>>)
        tpu.yield
      }) : () -> ()
      %run_scoped3A_44 = arith.constant 1 : i32
      "tpu.region"() ({
        %run_scoped3A_51 = tpu.sem_alloc : memref<!tpu.dma_semaphore, #tpu.memory_space<semaphore_mem>>
        %dma_start3A_52 = arith.constant 0 : i32
        %dma_start3A_53 = tpu.memref_slice %arg3[%add3A_42, %run_scoped3A_44, %dma_start3A_52] : memref<2560x2x128xi32, #tpu.memory_space<hbm>> -> memref<1x1x128xi32, #tpu.memory_space<hbm>>
        %dma_start3A_54 = tpu.memref_squeeze %dma_start3A_53 : memref<1x1x128xi32, #tpu.memory_space<hbm>> -> memref<128xi32, #tpu.memory_space<hbm>>
        %dma_start3A_55 = arith.constant 0 : i32
        %dma_start3A_56 = tpu.memref_slice %arg3[%add3A_42, %run_scoped3A_44, %dma_start3A_55] : memref<2560x2x128xi32, #tpu.memory_space<hbm>> -> memref<1x1x128xi32, #tpu.memory_space<hbm>>
        %dma_start3A_57 = tpu.memref_squeeze %dma_start3A_56 : memref<1x1x128xi32, #tpu.memory_space<hbm>> -> memref<128xi32, #tpu.memory_space<hbm>>
        tpu.enqueue_dma source(%dma_start3A_57 : memref<128xi32, #tpu.memory_space<hbm>>) target(%arg7 : memref<128xi32, #tpu.memory_space<vmem>>) target_semaphore(%run_scoped3A_51 : memref<!tpu.dma_semaphore, #tpu.memory_space<semaphore_mem>>)
        %dma_wait3A_58 = arith.constant 0 : i32
        %dma_wait3A_59 = tpu.memref_slice %arg3[%add3A_42, %run_scoped3A_44, %dma_wait3A_58] : memref<2560x2x128xi32, #tpu.memory_space<hbm>> -> memref<1x1x128xi32, #tpu.memory_space<hbm>>
        %dma_wait3A_60 = tpu.memref_squeeze %dma_wait3A_59 : memref<1x1x128xi32, #tpu.memory_space<hbm>> -> memref<128xi32, #tpu.memory_space<hbm>>
        %dma_wait3A_61 = arith.constant 0 : i32
        %dma_wait3A_62 = tpu.memref_slice %arg3[%add3A_42, %run_scoped3A_44, %dma_wait3A_61] : memref<2560x2x128xi32, #tpu.memory_space<hbm>> -> memref<1x1x128xi32, #tpu.memory_space<hbm>>
        %dma_wait3A_63 = tpu.memref_squeeze %dma_wait3A_62 : memref<1x1x128xi32, #tpu.memory_space<hbm>> -> memref<128xi32, #tpu.memory_space<hbm>>
        tpu.wait_dma2 semaphore(%run_scoped3A_51 : memref<!tpu.dma_semaphore, #tpu.memory_space<semaphore_mem>>) src(%dma_wait3A_63 : memref<128xi32, #tpu.memory_space<hbm>>) dst(%arg7 : memref<128xi32, #tpu.memory_space<vmem>>)
        tpu.yield
      }) : () -> ()
      %dma_wait3A_45 = arith.constant 0 : i32
      %dma_wait3A_46 = arith.constant 0 : i32
      %dma_wait3A_47 = tpu.memref_slice %arg2[%dma_wait3A_45, %dma_wait3A_46] : memref<10240x128xf32, #tpu.memory_space<hbm>> -> memref<10240x128xf32, #tpu.memory_space<hbm>>
      tpu.wait_indirect_dma semaphore(%arg13 : memref<!tpu.dma_semaphore, #tpu.memory_space<semaphore_mem>>) src(%dma_wait3A_47 : memref<10240x128xf32, #tpu.memory_space<hbm>>) dst(%arg10 : memref<128x128xf32, #tpu.memory_space<vmem>>)
      %dma_start3A_48 = arith.constant 0 : i32
      %dma_start3A_49 = arith.constant 0 : i32
      %dma_start3A_50 = tpu.memref_slice %arg2[%dma_start3A_48, %dma_start3A_49] : memref<10240x128xf32, #tpu.memory_space<hbm>> -> memref<10240x128xf32, #tpu.memory_space<hbm>>
      tpu.enqueue_indirect_dma source(%dma_start3A_50 : memref<10240x128xf32, #tpu.memory_space<hbm>>) target(%arg9 : memref<128x128xf32, #tpu.memory_space<vmem>>) offsets(%arg5 : memref<128xi32, #tpu.memory_space<vmem>>) semaphore(%arg12 : memref<!tpu.dma_semaphore, #tpu.memory_space<semaphore_mem>>)
      "tpu.region"() ({
        %run_scoped3A_51 = tpu.sem_alloc : memref<!tpu.dma_semaphore, #tpu.memory_space<semaphore_mem>>
        %dma_start3A_52 = arith.constant 0 : i32
        %dma_start3A_53 = arith.constant 0 : i32
        %dma_start3A_54 = tpu.memref_slice %arg11[%dma_start3A_52, %dma_start3A_53] : memref<10240x128xf32, #tpu.memory_space<vmem_shared>> -> memref<10240x128xf32, #tpu.memory_space<vmem_shared>>
        tpu.enqueue_indirect_dma source(%arg10 : memref<128x128xf32, #tpu.memory_space<vmem>>) target(%dma_start3A_54 : memref<10240x128xf32, #tpu.memory_space<vmem_shared>>) offsets(%arg8 : memref<128xi32, #tpu.memory_space<vmem>>) semaphore(%run_scoped3A_51 : memref<!tpu.dma_semaphore, #tpu.memory_space<semaphore_mem>>) {add = true}
        %dma_wait3A_55 = arith.constant 0 : i32
        %dma_wait3A_56 = arith.constant 0 : i32
        %dma_wait3A_57 = tpu.memref_slice %arg11[%dma_wait3A_55, %dma_wait3A_56] : memref<10240x128xf32, #tpu.memory_space<vmem_shared>> -> memref<10240x128xf32, #tpu.memory_space<vmem_shared>>
        tpu.wait_indirect_dma semaphore(%run_scoped3A_51 : memref<!tpu.dma_semaphore, #tpu.memory_space<semaphore_mem>>) src(%arg10 : memref<128x128xf32, #tpu.memory_space<vmem>>) dst(%dma_wait3A_57 : memref<10240x128xf32, #tpu.memory_space<vmem_shared>>)
        tpu.yield
      }) : () -> ()
    }
    %scan3A_12 = arith.constant 39 : i32
    %add3A_13 = arith.constant 80 : i32
    %add3A_14 = arith.addi %mul3A_4, %add3A_13 : i32
    %sub3A = arith.constant 1 : i32
    %sub3A_15 = arith.subi %add3A_14, %sub3A : i32
    %run_scoped3A_16 = arith.constant 0 : i32
    "tpu.region"() ({
      %run_scoped3A_27 = tpu.sem_alloc : memref<!tpu.dma_semaphore, #tpu.memory_space<semaphore_mem>>
      %dma_start3A_28 = arith.constant 0 : i32
      %dma_start3A_29 = tpu.memref_slice %arg3[%sub3A_15, %run_scoped3A_16, %dma_start3A_28] : memref<2560x2x128xi32, #tpu.memory_space<hbm>> -> memref<1x1x128xi32, #tpu.memory_space<hbm>>
      %dma_start3A_30 = tpu.memref_squeeze %dma_start3A_29 : memref<1x1x128xi32, #tpu.memory_space<hbm>> -> memref<128xi32, #tpu.memory_space<hbm>>
      %dma_start3A_31 = arith.constant 0 : i32
      %dma_start3A_32 = tpu.memref_slice %arg3[%sub3A_15, %run_scoped3A_16, %dma_start3A_31] : memref<2560x2x128xi32, #tpu.memory_space<hbm>> -> memref<1x1x128xi32, #tpu.memory_space<hbm>>
      %dma_start3A_33 = tpu.memref_squeeze %dma_start3A_32 : memref<1x1x128xi32, #tpu.memory_space<hbm>> -> memref<128xi32, #tpu.memory_space<hbm>>
      tpu.enqueue_dma source(%dma_start3A_33 : memref<128xi32, #tpu.memory_space<hbm>>) target(%arg6 : memref<128xi32, #tpu.memory_space<vmem>>) target_semaphore(%run_scoped3A_27 : memref<!tpu.dma_semaphore, #tpu.memory_space<semaphore_mem>>)
      %dma_wait3A_34 = arith.constant 0 : i32
      %dma_wait3A_35 = tpu.memref_slice %arg3[%sub3A_15, %run_scoped3A_16, %dma_wait3A_34] : memref<2560x2x128xi32, #tpu.memory_space<hbm>> -> memref<1x1x128xi32, #tpu.memory_space<hbm>>
      %dma_wait3A_36 = tpu.memref_squeeze %dma_wait3A_35 : memref<1x1x128xi32, #tpu.memory_space<hbm>> -> memref<128xi32, #tpu.memory_space<hbm>>
      %dma_wait3A_37 = arith.constant 0 : i32
      %dma_wait3A_38 = tpu.memref_slice %arg3[%sub3A_15, %run_scoped3A_16, %dma_wait3A_37] : memref<2560x2x128xi32, #tpu.memory_space<hbm>> -> memref<1x1x128xi32, #tpu.memory_space<hbm>>
      %dma_wait3A_39 = tpu.memref_squeeze %dma_wait3A_38 : memref<1x1x128xi32, #tpu.memory_space<hbm>> -> memref<128xi32, #tpu.memory_space<hbm>>
      tpu.wait_dma2 semaphore(%run_scoped3A_27 : memref<!tpu.dma_semaphore, #tpu.memory_space<semaphore_mem>>) src(%dma_wait3A_39 : memref<128xi32, #tpu.memory_space<hbm>>) dst(%arg6 : memref<128xi32, #tpu.memory_space<vmem>>)
      tpu.yield
    }) : () -> ()
    %run_scoped3A_17 = arith.constant 1 : i32
    "tpu.region"() ({
      %run_scoped3A_27 = tpu.sem_alloc : memref<!tpu.dma_semaphore, #tpu.memory_space<semaphore_mem>>
      %dma_start3A_28 = arith.constant 0 : i32
      %dma_start3A_29 = tpu.memref_slice %arg3[%sub3A_15, %run_scoped3A_17, %dma_start3A_28] : memref<2560x2x128xi32, #tpu.memory_space<hbm>> -> memref<1x1x128xi32, #tpu.memory_space<hbm>>
      %dma_start3A_30 = tpu.memref_squeeze %dma_start3A_29 : memref<1x1x128xi32, #tpu.memory_space<hbm>> -> memref<128xi32, #tpu.memory_space<hbm>>
      %dma_start3A_31 = arith.constant 0 : i32
      %dma_start3A_32 = tpu.memref_slice %arg3[%sub3A_15, %run_scoped3A_17, %dma_start3A_31] : memref<2560x2x128xi32, #tpu.memory_space<hbm>> -> memref<1x1x128xi32, #tpu.memory_space<hbm>>
      %dma_start3A_33 = tpu.memref_squeeze %dma_start3A_32 : memref<1x1x128xi32, #tpu.memory_space<hbm>> -> memref<128xi32, #tpu.memory_space<hbm>>
      tpu.enqueue_dma source(%dma_start3A_33 : memref<128xi32, #tpu.memory_space<hbm>>) target(%arg8 : memref<128xi32, #tpu.memory_space<vmem>>) target_semaphore(%run_scoped3A_27 : memref<!tpu.dma_semaphore, #tpu.memory_space<semaphore_mem>>)
      %dma_wait3A_34 = arith.constant 0 : i32
      %dma_wait3A_35 = tpu.memref_slice %arg3[%sub3A_15, %run_scoped3A_17, %dma_wait3A_34] : memref<2560x2x128xi32, #tpu.memory_space<hbm>> -> memref<1x1x128xi32, #tpu.memory_space<hbm>>
      %dma_wait3A_36 = tpu.memref_squeeze %dma_wait3A_35 : memref<1x1x128xi32, #tpu.memory_space<hbm>> -> memref<128xi32, #tpu.memory_space<hbm>>
      %dma_wait3A_37 = arith.constant 0 : i32
      %dma_wait3A_38 = tpu.memref_slice %arg3[%sub3A_15, %run_scoped3A_17, %dma_wait3A_37] : memref<2560x2x128xi32, #tpu.memory_space<hbm>> -> memref<1x1x128xi32, #tpu.memory_space<hbm>>
      %dma_wait3A_39 = tpu.memref_squeeze %dma_wait3A_38 : memref<1x1x128xi32, #tpu.memory_space<hbm>> -> memref<128xi32, #tpu.memory_space<hbm>>
      tpu.wait_dma2 semaphore(%run_scoped3A_27 : memref<!tpu.dma_semaphore, #tpu.memory_space<semaphore_mem>>) src(%dma_wait3A_39 : memref<128xi32, #tpu.memory_space<hbm>>) dst(%arg8 : memref<128xi32, #tpu.memory_space<vmem>>)
      tpu.yield
    }) : () -> ()
    %dma_wait3A = arith.constant 0 : i32
    %dma_wait3A_18 = arith.constant 0 : i32
    %dma_wait3A_19 = tpu.memref_slice %arg2[%dma_wait3A, %dma_wait3A_18] : memref<10240x128xf32, #tpu.memory_space<hbm>> -> memref<10240x128xf32, #tpu.memory_space<hbm>>
    tpu.wait_indirect_dma semaphore(%arg12 : memref<!tpu.dma_semaphore, #tpu.memory_space<semaphore_mem>>) src(%dma_wait3A_19 : memref<10240x128xf32, #tpu.memory_space<hbm>>) dst(%arg9 : memref<128x128xf32, #tpu.memory_space<vmem>>)
    %dma_start3A_20 = arith.constant 0 : i32
    %dma_start3A_21 = arith.constant 0 : i32
    %dma_start3A_22 = tpu.memref_slice %arg2[%dma_start3A_20, %dma_start3A_21] : memref<10240x128xf32, #tpu.memory_space<hbm>> -> memref<10240x128xf32, #tpu.memory_space<hbm>>
    tpu.enqueue_indirect_dma source(%dma_start3A_22 : memref<10240x128xf32, #tpu.memory_space<hbm>>) target(%arg10 : memref<128x128xf32, #tpu.memory_space<vmem>>) offsets(%arg6 : memref<128xi32, #tpu.memory_space<vmem>>) semaphore(%arg13 : memref<!tpu.dma_semaphore, #tpu.memory_space<semaphore_mem>>)
    "tpu.region"() ({
      %run_scoped3A_27 = tpu.sem_alloc : memref<!tpu.dma_semaphore, #tpu.memory_space<semaphore_mem>>
      %dma_start3A_28 = arith.constant 0 : i32
      %dma_start3A_29 = arith.constant 0 : i32
      %dma_start3A_30 = tpu.memref_slice %arg11[%dma_start3A_28, %dma_start3A_29] : memref<10240x128xf32, #tpu.memory_space<vmem_shared>> -> memref<10240x128xf32, #tpu.memory_space<vmem_shared>>
      tpu.enqueue_indirect_dma source(%arg9 : memref<128x128xf32, #tpu.memory_space<vmem>>) target(%dma_start3A_30 : memref<10240x128xf32, #tpu.memory_space<vmem_shared>>) offsets(%arg7 : memref<128xi32, #tpu.memory_space<vmem>>) semaphore(%run_scoped3A_27 : memref<!tpu.dma_semaphore, #tpu.memory_space<semaphore_mem>>) {add = true}
      %dma_wait3A_31 = arith.constant 0 : i32
      %dma_wait3A_32 = arith.constant 0 : i32
      %dma_wait3A_33 = tpu.memref_slice %arg11[%dma_wait3A_31, %dma_wait3A_32] : memref<10240x128xf32, #tpu.memory_space<vmem_shared>> -> memref<10240x128xf32, #tpu.memory_space<vmem_shared>>
      tpu.wait_indirect_dma semaphore(%run_scoped3A_27 : memref<!tpu.dma_semaphore, #tpu.memory_space<semaphore_mem>>) src(%arg9 : memref<128x128xf32, #tpu.memory_space<vmem>>) dst(%dma_wait3A_33 : memref<10240x128xf32, #tpu.memory_space<vmem_shared>>)
      tpu.yield
    }) : () -> ()
    %dma_wait3A_23 = arith.constant 0 : i32
    %dma_wait3A_24 = arith.constant 0 : i32
    %dma_wait3A_25 = tpu.memref_slice %arg2[%dma_wait3A_23, %dma_wait3A_24] : memref<10240x128xf32, #tpu.memory_space<hbm>> -> memref<10240x128xf32, #tpu.memory_space<hbm>>
    tpu.wait_indirect_dma semaphore(%arg13 : memref<!tpu.dma_semaphore, #tpu.memory_space<semaphore_mem>>) src(%dma_wait3A_25 : memref<10240x128xf32, #tpu.memory_space<hbm>>) dst(%arg10 : memref<128x128xf32, #tpu.memory_space<vmem>>)
    "tpu.region"() ({
      %run_scoped3A_27 = tpu.sem_alloc : memref<!tpu.dma_semaphore, #tpu.memory_space<semaphore_mem>>
      %dma_start3A_28 = arith.constant 0 : i32
      %dma_start3A_29 = arith.constant 0 : i32
      %dma_start3A_30 = tpu.memref_slice %arg11[%dma_start3A_28, %dma_start3A_29] : memref<10240x128xf32, #tpu.memory_space<vmem_shared>> -> memref<10240x128xf32, #tpu.memory_space<vmem_shared>>
      tpu.enqueue_indirect_dma source(%arg10 : memref<128x128xf32, #tpu.memory_space<vmem>>) target(%dma_start3A_30 : memref<10240x128xf32, #tpu.memory_space<vmem_shared>>) offsets(%arg8 : memref<128xi32, #tpu.memory_space<vmem>>) semaphore(%run_scoped3A_27 : memref<!tpu.dma_semaphore, #tpu.memory_space<semaphore_mem>>) {add = true}
      %dma_wait3A_31 = arith.constant 0 : i32
      %dma_wait3A_32 = arith.constant 0 : i32
      %dma_wait3A_33 = tpu.memref_slice %arg11[%dma_wait3A_31, %dma_wait3A_32] : memref<10240x128xf32, #tpu.memory_space<vmem_shared>> -> memref<10240x128xf32, #tpu.memory_space<vmem_shared>>
      tpu.wait_indirect_dma semaphore(%run_scoped3A_27 : memref<!tpu.dma_semaphore, #tpu.memory_space<semaphore_mem>>) src(%arg10 : memref<128x128xf32, #tpu.memory_space<vmem>>) dst(%dma_wait3A_33 : memref<10240x128xf32, #tpu.memory_space<vmem_shared>>)
      tpu.yield
    }) : () -> ()
    %barrier3A_26 = arith.constant 0 : index
    tpu.barrier barrier_id(%barrier3A_26)
    "tpu.region"() ({
      %run_scoped3A_27 = tpu.sem_alloc : memref<!tpu.dma_semaphore, #tpu.memory_space<semaphore_mem>>
      %dma_start3A_28 = arith.constant 0 : i32
      %dma_start3A_29 = tpu.memref_slice %arg4[%arg0, %mul3A_0, %dma_start3A_28] : memref<2x10240x128xf32, #tpu.memory_space<hbm>> -> memref<1x640x128xf32, #tpu.memory_space<hbm>>
      %dma_start3A_30 = tpu.memref_squeeze %dma_start3A_29 : memref<1x640x128xf32, #tpu.memory_space<hbm>> -> memref<640x128xf32, #tpu.memory_space<hbm>>
      %dma_start3A_31 = arith.constant 0 : i32
      %dma_start3A_32 = tpu.memref_slice %arg11[%mul3A_0, %dma_start3A_31] : memref<10240x128xf32, #tpu.memory_space<vmem_shared>> -> memref<640x128xf32, #tpu.memory_space<vmem_shared>>
      tpu.enqueue_dma source(%dma_start3A_32 : memref<640x128xf32, #tpu.memory_space<vmem_shared>>) target(%dma_start3A_30 : memref<640x128xf32, #tpu.memory_space<hbm>>) target_semaphore(%run_scoped3A_27 : memref<!tpu.dma_semaphore, #tpu.memory_space<semaphore_mem>>)
      %dma_wait3A_33 = arith.constant 0 : i32
      %dma_wait3A_34 = tpu.memref_slice %arg4[%arg0, %mul3A_0, %dma_wait3A_33] : memref<2x10240x128xf32, #tpu.memory_space<hbm>> -> memref<1x640x128xf32, #tpu.memory_space<hbm>>
      %dma_wait3A_35 = tpu.memref_squeeze %dma_wait3A_34 : memref<1x640x128xf32, #tpu.memory_space<hbm>> -> memref<640x128xf32, #tpu.memory_space<hbm>>
      %dma_wait3A_36 = arith.constant 0 : i32
      %dma_wait3A_37 = tpu.memref_slice %arg11[%mul3A_0, %dma_wait3A_36] : memref<10240x128xf32, #tpu.memory_space<vmem_shared>> -> memref<640x128xf32, #tpu.memory_space<vmem_shared>>
      tpu.wait_dma2 semaphore(%run_scoped3A_27 : memref<!tpu.dma_semaphore, #tpu.memory_space<semaphore_mem>>) src(%dma_wait3A_37 : memref<640x128xf32, #tpu.memory_space<vmem_shared>>) dst(%dma_wait3A_35 : memref<640x128xf32, #tpu.memory_space<hbm>>)
      tpu.yield
    }) : () -> ()
    return
  }
}

#map = affine_map<(d0, d1) -> (0, 0, 0)>
#map1 = affine_map<(d0, d1) -> (0, 0)>
module attributes {stable_mosaic.version = 14 : i64} {
  func.func @k(%arg0: i32, %arg1: i32, %arg2: memref<2560x2x128xi32, #tpu.memory_space<hbm>>, %arg3: memref<128x16xf32, #tpu.memory_space<hbm>>, %arg4: memref<10240x16xf32, #tpu.memory_space<hbm>>, %arg5: memref<2x10240x16xf32, #tpu.memory_space<hbm>>, %arg6: memref<128xi32, #tpu.memory_space<vmem>>, %arg7: memref<128x16xf32, #tpu.memory_space<vmem>>, %arg8: memref<10240x16xf32, #tpu.memory_space<vmem_shared>>) attributes {dimension_semantics = [#tpu.dimension_semantics<core_parallel>, #tpu.dimension_semantics<subcore_parallel>], iteration_bounds = array<i64: 2, 16>, scalar_prefetch = 0 : i64, scratch_operands = 3 : i64, tpu.core_type = #tpu.core_type<sc_vector_subcore>, window_params = [{transform_indices = #map}, {transform_indices = #map1}, {transform_indices = #map1}, {transform_indices = #map}]} {
    %mul3A = arith.constant 640 : i32
    %mul3A_0 = arith.muli %arg1, %mul3A : i32
    "tpu.region"() ({
      %run_scoped3A = tpu.sem_alloc : memref<!tpu.dma_semaphore, #tpu.memory_space<semaphore_mem>>
      tpu.enqueue_dma source(%arg3 : memref<128x16xf32, #tpu.memory_space<hbm>>) target(%arg7 : memref<128x16xf32, #tpu.memory_space<vmem>>) target_semaphore(%run_scoped3A : memref<!tpu.dma_semaphore, #tpu.memory_space<semaphore_mem>>)
      tpu.wait_dma2 semaphore(%run_scoped3A : memref<!tpu.dma_semaphore, #tpu.memory_space<semaphore_mem>>) src(%arg3 : memref<128x16xf32, #tpu.memory_space<hbm>>) dst(%arg7 : memref<128x16xf32, #tpu.memory_space<vmem>>)
      tpu.yield
    }) : () -> ()
    "tpu.region"() ({
      %run_scoped3A = tpu.sem_alloc : memref<!tpu.dma_semaphore, #tpu.memory_space<semaphore_mem>>
      %dma_start3A = arith.constant 0 : i32
      %dma_start3A_11 = tpu.memref_slice %arg8[%mul3A_0, %dma_start3A] : memref<10240x16xf32, #tpu.memory_space<vmem_shared>> -> memref<640x16xf32, #tpu.memory_space<vmem_shared>>
      %dma_start3A_12 = arith.constant 0 : i32
      %dma_start3A_13 = tpu.memref_slice %arg4[%mul3A_0, %dma_start3A_12] : memref<10240x16xf32, #tpu.memory_space<hbm>> -> memref<640x16xf32, #tpu.memory_space<hbm>>
      tpu.enqueue_dma source(%dma_start3A_13 : memref<640x16xf32, #tpu.memory_space<hbm>>) target(%dma_start3A_11 : memref<640x16xf32, #tpu.memory_space<vmem_shared>>) target_semaphore(%run_scoped3A : memref<!tpu.dma_semaphore, #tpu.memory_space<semaphore_mem>>)
      %dma_wait3A = arith.constant 0 : i32
      %dma_wait3A_14 = tpu.memref_slice %arg8[%mul3A_0, %dma_wait3A] : memref<10240x16xf32, #tpu.memory_space<vmem_shared>> -> memref<640x16xf32, #tpu.memory_space<vmem_shared>>
      %dma_wait3A_15 = arith.constant 0 : i32
      %dma_wait3A_16 = tpu.memref_slice %arg4[%mul3A_0, %dma_wait3A_15] : memref<10240x16xf32, #tpu.memory_space<hbm>> -> memref<640x16xf32, #tpu.memory_space<hbm>>
      tpu.wait_dma2 semaphore(%run_scoped3A : memref<!tpu.dma_semaphore, #tpu.memory_space<semaphore_mem>>) src(%dma_wait3A_16 : memref<640x16xf32, #tpu.memory_space<hbm>>) dst(%dma_wait3A_14 : memref<640x16xf32, #tpu.memory_space<vmem_shared>>)
      tpu.yield
    }) : () -> ()
    %barrier3A = arith.constant 0 : index
    tpu.barrier barrier_id(%barrier3A)
    %mul3A_1 = arith.constant 16 : i32
    %mul3A_2 = arith.muli %arg0, %mul3A_1 : i32
    %add3A = arith.addi %mul3A_2, %arg1 : i32
    %mul3A_3 = arith.constant 80 : i32
    %mul3A_4 = arith.muli %add3A, %mul3A_3 : i32
    %scan3A = arith.constant 0 : i32
    %scan3A_5 = arith.constant 0 : i32
    %scan3A_6 = arith.constant 80 : i32
    %scan3A_7 = arith.addi %scan3A_5, %scan3A_6 : i32
    %scan3A_8 = arith.constant 1 : i32
    scf.for %scan3A_11 = %scan3A_5 to %scan3A_7 step %scan3A_8  : i32 {
      %add3A_12 = arith.addi %mul3A_4, %scan3A_11 : i32
      %run_scoped3A = arith.constant 1 : i32
      "tpu.region"() ({
        %run_scoped3A_13 = tpu.sem_alloc : memref<!tpu.dma_semaphore, #tpu.memory_space<semaphore_mem>>
        %dma_start3A = arith.constant 0 : i32
        %dma_start3A_14 = tpu.memref_slice %arg2[%add3A_12, %run_scoped3A, %dma_start3A] : memref<2560x2x128xi32, #tpu.memory_space<hbm>> -> memref<1x1x128xi32, #tpu.memory_space<hbm>>
        %dma_start3A_15 = tpu.memref_squeeze %dma_start3A_14 : memref<1x1x128xi32, #tpu.memory_space<hbm>> -> memref<128xi32, #tpu.memory_space<hbm>>
        %dma_start3A_16 = arith.constant 0 : i32
        %dma_start3A_17 = tpu.memref_slice %arg2[%add3A_12, %run_scoped3A, %dma_start3A_16] : memref<2560x2x128xi32, #tpu.memory_space<hbm>> -> memref<1x1x128xi32, #tpu.memory_space<hbm>>
        %dma_start3A_18 = tpu.memref_squeeze %dma_start3A_17 : memref<1x1x128xi32, #tpu.memory_space<hbm>> -> memref<128xi32, #tpu.memory_space<hbm>>
        tpu.enqueue_dma source(%dma_start3A_18 : memref<128xi32, #tpu.memory_space<hbm>>) target(%arg6 : memref<128xi32, #tpu.memory_space<vmem>>) target_semaphore(%run_scoped3A_13 : memref<!tpu.dma_semaphore, #tpu.memory_space<semaphore_mem>>)
        %dma_wait3A = arith.constant 0 : i32
        %dma_wait3A_19 = tpu.memref_slice %arg2[%add3A_12, %run_scoped3A, %dma_wait3A] : memref<2560x2x128xi32, #tpu.memory_space<hbm>> -> memref<1x1x128xi32, #tpu.memory_space<hbm>>
        %dma_wait3A_20 = tpu.memref_squeeze %dma_wait3A_19 : memref<1x1x128xi32, #tpu.memory_space<hbm>> -> memref<128xi32, #tpu.memory_space<hbm>>
        %dma_wait3A_21 = arith.constant 0 : i32
        %dma_wait3A_22 = tpu.memref_slice %arg2[%add3A_12, %run_scoped3A, %dma_wait3A_21] : memref<2560x2x128xi32, #tpu.memory_space<hbm>> -> memref<1x1x128xi32, #tpu.memory_space<hbm>>
        %dma_wait3A_23 = tpu.memref_squeeze %dma_wait3A_22 : memref<1x1x128xi32, #tpu.memory_space<hbm>> -> memref<128xi32, #tpu.memory_space<hbm>>
        tpu.wait_dma2 semaphore(%run_scoped3A_13 : memref<!tpu.dma_semaphore, #tpu.memory_space<semaphore_mem>>) src(%dma_wait3A_23 : memref<128xi32, #tpu.memory_space<hbm>>) dst(%arg6 : memref<128xi32, #tpu.memory_space<vmem>>)
        tpu.yield
      }) : () -> ()
      "tpu.region"() ({
        %run_scoped3A_13 = tpu.sem_alloc : memref<!tpu.dma_semaphore, #tpu.memory_space<semaphore_mem>>
        %dma_start3A = arith.constant 0 : i32
        %dma_start3A_14 = arith.constant 0 : i32
        %dma_start3A_15 = tpu.memref_slice %arg8[%dma_start3A, %dma_start3A_14] : memref<10240x16xf32, #tpu.memory_space<vmem_shared>> -> memref<10240x16xf32, #tpu.memory_space<vmem_shared>>
        tpu.enqueue_indirect_dma source(%arg7 : memref<128x16xf32, #tpu.memory_space<vmem>>) target(%dma_start3A_15 : memref<10240x16xf32, #tpu.memory_space<vmem_shared>>) offsets(%arg6 : memref<128xi32, #tpu.memory_space<vmem>>) semaphore(%run_scoped3A_13 : memref<!tpu.dma_semaphore, #tpu.memory_space<semaphore_mem>>) {add = true}
        %dma_wait3A = arith.constant 0 : i32
        %dma_wait3A_16 = arith.constant 0 : i32
        %dma_wait3A_17 = tpu.memref_slice %arg8[%dma_wait3A, %dma_wait3A_16] : memref<10240x16xf32, #tpu.memory_space<vmem_shared>> -> memref<10240x16xf32, #tpu.memory_space<vmem_shared>>
        tpu.wait_indirect_dma semaphore(%run_scoped3A_13 : memref<!tpu.dma_semaphore, #tpu.memory_space<semaphore_mem>>) src(%arg7 : memref<128x16xf32, #tpu.memory_space<vmem>>) dst(%dma_wait3A_17 : memref<10240x16xf32, #tpu.memory_space<vmem_shared>>)
        tpu.yield
      }) : () -> ()
    }
    %scan3A_9 = arith.constant 80 : i32
    %barrier3A_10 = arith.constant 0 : index
    tpu.barrier barrier_id(%barrier3A_10)
    "tpu.region"() ({
      %run_scoped3A = tpu.sem_alloc : memref<!tpu.dma_semaphore, #tpu.memory_space<semaphore_mem>>
      %dma_start3A = arith.constant 0 : i32
      %dma_start3A_11 = tpu.memref_slice %arg5[%arg0, %mul3A_0, %dma_start3A] : memref<2x10240x16xf32, #tpu.memory_space<hbm>> -> memref<1x640x16xf32, #tpu.memory_space<hbm>>
      %dma_start3A_12 = tpu.memref_squeeze %dma_start3A_11 : memref<1x640x16xf32, #tpu.memory_space<hbm>> -> memref<640x16xf32, #tpu.memory_space<hbm>>
      %dma_start3A_13 = arith.constant 0 : i32
      %dma_start3A_14 = tpu.memref_slice %arg8[%mul3A_0, %dma_start3A_13] : memref<10240x16xf32, #tpu.memory_space<vmem_shared>> -> memref<640x16xf32, #tpu.memory_space<vmem_shared>>
      tpu.enqueue_dma source(%dma_start3A_14 : memref<640x16xf32, #tpu.memory_space<vmem_shared>>) target(%dma_start3A_12 : memref<640x16xf32, #tpu.memory_space<hbm>>) target_semaphore(%run_scoped3A : memref<!tpu.dma_semaphore, #tpu.memory_space<semaphore_mem>>)
      %dma_wait3A = arith.constant 0 : i32
      %dma_wait3A_15 = tpu.memref_slice %arg5[%arg0, %mul3A_0, %dma_wait3A] : memref<2x10240x16xf32, #tpu.memory_space<hbm>> -> memref<1x640x16xf32, #tpu.memory_space<hbm>>
      %dma_wait3A_16 = tpu.memref_squeeze %dma_wait3A_15 : memref<1x640x16xf32, #tpu.memory_space<hbm>> -> memref<640x16xf32, #tpu.memory_space<hbm>>
      %dma_wait3A_17 = arith.constant 0 : i32
      %dma_wait3A_18 = tpu.memref_slice %arg8[%mul3A_0, %dma_wait3A_17] : memref<10240x16xf32, #tpu.memory_space<vmem_shared>> -> memref<640x16xf32, #tpu.memory_space<vmem_shared>>
      tpu.wait_dma2 semaphore(%run_scoped3A : memref<!tpu.dma_semaphore, #tpu.memory_space<semaphore_mem>>) src(%dma_wait3A_18 : memref<640x16xf32, #tpu.memory_space<vmem_shared>>) dst(%dma_wait3A_16 : memref<640x16xf32, #tpu.memory_space<hbm>>)
      tpu.yield
    }) : () -> ()
    return
  }
}

#map = affine_map<(d0, d1) -> (0, 0)>
#map1 = affine_map<(d0, d1) -> (0, 0, 0)>
module attributes {stable_mosaic.version = 14 : i64} {
  func.func @k(%arg0: i32, %arg1: i32, %arg2: memref<10240x128xf32, #tpu.memory_space<hbm>>, %arg3: memref<2560x2x128xi32, #tpu.memory_space<hbm>>, %arg4: memref<2x10240x128xf32, #tpu.memory_space<hbm>>, %arg5: memref<128xi32, #tpu.memory_space<vmem>>, %arg6: memref<128xi32, #tpu.memory_space<vmem>>, %arg7: memref<128xi32, #tpu.memory_space<vmem>>, %arg8: memref<128xi32, #tpu.memory_space<vmem>>, %arg9: memref<128x128xf32, #tpu.memory_space<vmem>>, %arg10: memref<128x128xf32, #tpu.memory_space<vmem>>, %arg11: memref<10240x128xf32, #tpu.memory_space<vmem_shared>>, %arg12: memref<!tpu.dma_semaphore, #tpu.memory_space<semaphore_mem>>, %arg13: memref<!tpu.dma_semaphore, #tpu.memory_space<semaphore_mem>>) attributes {dimension_semantics = [#tpu.dimension_semantics<core_parallel>, #tpu.dimension_semantics<subcore_parallel>], iteration_bounds = array<i64: 2, 16>, scalar_prefetch = 0 : i64, scratch_operands = 9 : i64, tpu.core_type = #tpu.core_type<sc_vector_subcore>, window_params = [{transform_indices = #map}, {transform_indices = #map1}, {transform_indices = #map1}]} {
    %mul3A = arith.constant 640 : i32
    %mul3A_0 = arith.muli %arg1, %mul3A : i32
    "tpu.region"() ({
      %run_scoped3A_27 = tpu.sem_alloc : memref<!tpu.dma_semaphore, #tpu.memory_space<semaphore_mem>>
      %dma_start3A_28 = arith.constant 0 : i32
      %dma_start3A_29 = tpu.memref_slice %arg11[%mul3A_0, %dma_start3A_28] : memref<10240x128xf32, #tpu.memory_space<vmem_shared>> -> memref<640x128xf32, #tpu.memory_space<vmem_shared>>
      %dma_start3A_30 = arith.constant 0 : i32
      %dma_start3A_31 = tpu.memref_slice %arg2[%mul3A_0, %dma_start3A_30] : memref<10240x128xf32, #tpu.memory_space<hbm>> -> memref<640x128xf32, #tpu.memory_space<hbm>>
      tpu.enqueue_dma source(%dma_start3A_31 : memref<640x128xf32, #tpu.memory_space<hbm>>) target(%dma_start3A_29 : memref<640x128xf32, #tpu.memory_space<vmem_shared>>) target_semaphore(%run_scoped3A_27 : memref<!tpu.dma_semaphore, #tpu.memory_space<semaphore_mem>>)
      %dma_wait3A_32 = arith.constant 0 : i32
      %dma_wait3A_33 = tpu.memref_slice %arg11[%mul3A_0, %dma_wait3A_32] : memref<10240x128xf32, #tpu.memory_space<vmem_shared>> -> memref<640x128xf32, #tpu.memory_space<vmem_shared>>
      %dma_wait3A_34 = arith.constant 0 : i32
      %dma_wait3A_35 = tpu.memref_slice %arg2[%mul3A_0, %dma_wait3A_34] : memref<10240x128xf32, #tpu.memory_space<hbm>> -> memref<640x128xf32, #tpu.memory_space<hbm>>
      tpu.wait_dma2 semaphore(%run_scoped3A_27 : memref<!tpu.dma_semaphore, #tpu.memory_space<semaphore_mem>>) src(%dma_wait3A_35 : memref<640x128xf32, #tpu.memory_space<hbm>>) dst(%dma_wait3A_33 : memref<640x128xf32, #tpu.memory_space<vmem_shared>>)
      tpu.yield
    }) : () -> ()
    %barrier3A = arith.constant 0 : index
    tpu.barrier barrier_id(%barrier3A)
    %mul3A_1 = arith.constant 16 : i32
    %mul3A_2 = arith.muli %arg0, %mul3A_1 : i32
    %add3A = arith.addi %mul3A_2, %arg1 : i32
    %mul3A_3 = arith.constant 80 : i32
    %mul3A_4 = arith.muli %add3A, %mul3A_3 : i32
    %run_scoped3A = arith.constant 0 : i32
    "tpu.region"() ({
      %run_scoped3A_27 = tpu.sem_alloc : memref<!tpu.dma_semaphore, #tpu.memory_space<semaphore_mem>>
      %dma_start3A_28 = arith.constant 0 : i32
      %dma_start3A_29 = tpu.memref_slice %arg3[%mul3A_4, %run_scoped3A, %dma_start3A_28] : memref<2560x2x128xi32, #tpu.memory_space<hbm>> -> memref<1x1x128xi32, #tpu.memory_space<hbm>>
      %dma_start3A_30 = tpu.memref_squeeze %dma_start3A_29 : memref<1x1x128xi32, #tpu.memory_space<hbm>> -> memref<128xi32, #tpu.memory_space<hbm>>
      %dma_start3A_31 = arith.constant 0 : i32
      %dma_start3A_32 = tpu.memref_slice %arg3[%mul3A_4, %run_scoped3A, %dma_start3A_31] : memref<2560x2x128xi32, #tpu.memory_space<hbm>> -> memref<1x1x128xi32, #tpu.memory_space<hbm>>
      %dma_start3A_33 = tpu.memref_squeeze %dma_start3A_32 : memref<1x1x128xi32, #tpu.memory_space<hbm>> -> memref<128xi32, #tpu.memory_space<hbm>>
      tpu.enqueue_dma source(%dma_start3A_33 : memref<128xi32, #tpu.memory_space<hbm>>) target(%arg5 : memref<128xi32, #tpu.memory_space<vmem>>) target_semaphore(%run_scoped3A_27 : memref<!tpu.dma_semaphore, #tpu.memory_space<semaphore_mem>>)
      %dma_wait3A_34 = arith.constant 0 : i32
      %dma_wait3A_35 = tpu.memref_slice %arg3[%mul3A_4, %run_scoped3A, %dma_wait3A_34] : memref<2560x2x128xi32, #tpu.memory_space<hbm>> -> memref<1x1x128xi32, #tpu.memory_space<hbm>>
      %dma_wait3A_36 = tpu.memref_squeeze %dma_wait3A_35 : memref<1x1x128xi32, #tpu.memory_space<hbm>> -> memref<128xi32, #tpu.memory_space<hbm>>
      %dma_wait3A_37 = arith.constant 0 : i32
      %dma_wait3A_38 = tpu.memref_slice %arg3[%mul3A_4, %run_scoped3A, %dma_wait3A_37] : memref<2560x2x128xi32, #tpu.memory_space<hbm>> -> memref<1x1x128xi32, #tpu.memory_space<hbm>>
      %dma_wait3A_39 = tpu.memref_squeeze %dma_wait3A_38 : memref<1x1x128xi32, #tpu.memory_space<hbm>> -> memref<128xi32, #tpu.memory_space<hbm>>
      tpu.wait_dma2 semaphore(%run_scoped3A_27 : memref<!tpu.dma_semaphore, #tpu.memory_space<semaphore_mem>>) src(%dma_wait3A_39 : memref<128xi32, #tpu.memory_space<hbm>>) dst(%arg5 : memref<128xi32, #tpu.memory_space<vmem>>)
      tpu.yield
    }) : () -> ()
    %run_scoped3A_5 = arith.constant 1 : i32
    "tpu.region"() ({
      %run_scoped3A_27 = tpu.sem_alloc : memref<!tpu.dma_semaphore, #tpu.memory_space<semaphore_mem>>
      %dma_start3A_28 = arith.constant 0 : i32
      %dma_start3A_29 = tpu.memref_slice %arg3[%mul3A_4, %run_scoped3A_5, %dma_start3A_28] : memref<2560x2x128xi32, #tpu.memory_space<hbm>> -> memref<1x1x128xi32, #tpu.memory_space<hbm>>
      %dma_start3A_30 = tpu.memref_squeeze %dma_start3A_29 : memref<1x1x128xi32, #tpu.memory_space<hbm>> -> memref<128xi32, #tpu.memory_space<hbm>>
      %dma_start3A_31 = arith.constant 0 : i32
      %dma_start3A_32 = tpu.memref_slice %arg3[%mul3A_4, %run_scoped3A_5, %dma_start3A_31] : memref<2560x2x128xi32, #tpu.memory_space<hbm>> -> memref<1x1x128xi32, #tpu.memory_space<hbm>>
      %dma_start3A_33 = tpu.memref_squeeze %dma_start3A_32 : memref<1x1x128xi32, #tpu.memory_space<hbm>> -> memref<128xi32, #tpu.memory_space<hbm>>
      tpu.enqueue_dma source(%dma_start3A_33 : memref<128xi32, #tpu.memory_space<hbm>>) target(%arg7 : memref<128xi32, #tpu.memory_space<vmem>>) target_semaphore(%run_scoped3A_27 : memref<!tpu.dma_semaphore, #tpu.memory_space<semaphore_mem>>)
      %dma_wait3A_34 = arith.constant 0 : i32
      %dma_wait3A_35 = tpu.memref_slice %arg3[%mul3A_4, %run_scoped3A_5, %dma_wait3A_34] : memref<2560x2x128xi32, #tpu.memory_space<hbm>> -> memref<1x1x128xi32, #tpu.memory_space<hbm>>
      %dma_wait3A_36 = tpu.memref_squeeze %dma_wait3A_35 : memref<1x1x128xi32, #tpu.memory_space<hbm>> -> memref<128xi32, #tpu.memory_space<hbm>>
      %dma_wait3A_37 = arith.constant 0 : i32
      %dma_wait3A_38 = tpu.memref_slice %arg3[%mul3A_4, %run_scoped3A_5, %dma_wait3A_37] : memref<2560x2x128xi32, #tpu.memory_space<hbm>> -> memref<1x1x128xi32, #tpu.memory_space<hbm>>
      %dma_wait3A_39 = tpu.memref_squeeze %dma_wait3A_38 : memref<1x1x128xi32, #tpu.memory_space<hbm>> -> memref<128xi32, #tpu.memory_space<hbm>>
      tpu.wait_dma2 semaphore(%run_scoped3A_27 : memref<!tpu.dma_semaphore, #tpu.memory_space<semaphore_mem>>) src(%dma_wait3A_39 : memref<128xi32, #tpu.memory_space<hbm>>) dst(%arg7 : memref<128xi32, #tpu.memory_space<vmem>>)
      tpu.yield
    }) : () -> ()
    %dma_start3A = arith.constant 0 : i32
    %dma_start3A_6 = arith.constant 0 : i32
    %dma_start3A_7 = tpu.memref_slice %arg2[%dma_start3A, %dma_start3A_6] : memref<10240x128xf32, #tpu.memory_space<hbm>> -> memref<10240x128xf32, #tpu.memory_space<hbm>>
    tpu.enqueue_indirect_dma source(%dma_start3A_7 : memref<10240x128xf32, #tpu.memory_space<hbm>>) target(%arg9 : memref<128x128xf32, #tpu.memory_space<vmem>>) offsets(%arg5 : memref<128xi32, #tpu.memory_space<vmem>>) semaphore(%arg12 : memref<!tpu.dma_semaphore, #tpu.memory_space<semaphore_mem>>)
    %scan3A = arith.constant 0 : i32
    %scan3A_8 = arith.constant 0 : i32
    %scan3A_9 = arith.constant 39 : i32
    %scan3A_10 = arith.addi %scan3A_8, %scan3A_9 : i32
    %scan3A_11 = arith.constant 1 : i32
    scf.for %scan3A_27 = %scan3A_8 to %scan3A_10 step %scan3A_11  : i32 {
      %mul3A_28 = arith.constant 2 : i32
      %mul3A_29 = arith.muli %mul3A_28, %scan3A_27 : i32
      %add3A_30 = arith.addi %mul3A_4, %mul3A_29 : i32
      %add3A_31 = arith.constant 1 : i32
      %add3A_32 = arith.addi %add3A_30, %add3A_31 : i32
      %run_scoped3A_33 = arith.constant 0 : i32
      "tpu.region"() ({
        %run_scoped3A_51 = tpu.sem_alloc : memref<!tpu.dma_semaphore, #tpu.memory_space<semaphore_mem>>
        %dma_start3A_52 = arith.constant 0 : i32
        %dma_start3A_53 = tpu.memref_slice %arg3[%add3A_32, %run_scoped3A_33, %dma_start3A_52] : memref<2560x2x128xi32, #tpu.memory_space<hbm>> -> memref<1x1x128xi32, #tpu.memory_space<hbm>>
        %dma_start3A_54 = tpu.memref_squeeze %dma_start3A_53 : memref<1x1x128xi32, #tpu.memory_space<hbm>> -> memref<128xi32, #tpu.memory_space<hbm>>
        %dma_start3A_55 = arith.constant 0 : i32
        %dma_start3A_56 = tpu.memref_slice %arg3[%add3A_32, %run_scoped3A_33, %dma_start3A_55] : memref<2560x2x128xi32, #tpu.memory_space<hbm>> -> memref<1x1x128xi32, #tpu.memory_space<hbm>>
        %dma_start3A_57 = tpu.memref_squeeze %dma_start3A_56 : memref<1x1x128xi32, #tpu.memory_space<hbm>> -> memref<128xi32, #tpu.memory_space<hbm>>
        tpu.enqueue_dma source(%dma_start3A_57 : memref<128xi32, #tpu.memory_space<hbm>>) target(%arg6 : memref<128xi32, #tpu.memory_space<vmem>>) target_semaphore(%run_scoped3A_51 : memref<!tpu.dma_semaphore, #tpu.memory_space<semaphore_mem>>)
        %dma_wait3A_58 = arith.constant 0 : i32
        %dma_wait3A_59 = tpu.memref_slice %arg3[%add3A_32, %run_scoped3A_33, %dma_wait3A_58] : memref<2560x2x128xi32, #tpu.memory_space<hbm>> -> memref<1x1x128xi32, #tpu.memory_space<hbm>>
        %dma_wait3A_60 = tpu.memref_squeeze %dma_wait3A_59 : memref<1x1x128xi32, #tpu.memory_space<hbm>> -> memref<128xi32, #tpu.memory_space<hbm>>
        %dma_wait3A_61 = arith.constant 0 : i32
        %dma_wait3A_62 = tpu.memref_slice %arg3[%add3A_32, %run_scoped3A_33, %dma_wait3A_61] : memref<2560x2x128xi32, #tpu.memory_space<hbm>> -> memref<1x1x128xi32, #tpu.memory_space<hbm>>
        %dma_wait3A_63 = tpu.memref_squeeze %dma_wait3A_62 : memref<1x1x128xi32, #tpu.memory_space<hbm>> -> memref<128xi32, #tpu.memory_space<hbm>>
        tpu.wait_dma2 semaphore(%run_scoped3A_51 : memref<!tpu.dma_semaphore, #tpu.memory_space<semaphore_mem>>) src(%dma_wait3A_63 : memref<128xi32, #tpu.memory_space<hbm>>) dst(%arg6 : memref<128xi32, #tpu.memory_space<vmem>>)
        tpu.yield
      }) : () -> ()
      %run_scoped3A_34 = arith.constant 1 : i32
      "tpu.region"() ({
        %run_scoped3A_51 = tpu.sem_alloc : memref<!tpu.dma_semaphore, #tpu.memory_space<semaphore_mem>>
        %dma_start3A_52 = arith.constant 0 : i32
        %dma_start3A_53 = tpu.memref_slice %arg3[%add3A_32, %run_scoped3A_34, %dma_start3A_52] : memref<2560x2x128xi32, #tpu.memory_space<hbm>> -> memref<1x1x128xi32, #tpu.memory_space<hbm>>
        %dma_start3A_54 = tpu.memref_squeeze %dma_start3A_53 : memref<1x1x128xi32, #tpu.memory_space<hbm>> -> memref<128xi32, #tpu.memory_space<hbm>>
        %dma_start3A_55 = arith.constant 0 : i32
        %dma_start3A_56 = tpu.memref_slice %arg3[%add3A_32, %run_scoped3A_34, %dma_start3A_55] : memref<2560x2x128xi32, #tpu.memory_space<hbm>> -> memref<1x1x128xi32, #tpu.memory_space<hbm>>
        %dma_start3A_57 = tpu.memref_squeeze %dma_start3A_56 : memref<1x1x128xi32, #tpu.memory_space<hbm>> -> memref<128xi32, #tpu.memory_space<hbm>>
        tpu.enqueue_dma source(%dma_start3A_57 : memref<128xi32, #tpu.memory_space<hbm>>) target(%arg8 : memref<128xi32, #tpu.memory_space<vmem>>) target_semaphore(%run_scoped3A_51 : memref<!tpu.dma_semaphore, #tpu.memory_space<semaphore_mem>>)
        %dma_wait3A_58 = arith.constant 0 : i32
        %dma_wait3A_59 = tpu.memref_slice %arg3[%add3A_32, %run_scoped3A_34, %dma_wait3A_58] : memref<2560x2x128xi32, #tpu.memory_space<hbm>> -> memref<1x1x128xi32, #tpu.memory_space<hbm>>
        %dma_wait3A_60 = tpu.memref_squeeze %dma_wait3A_59 : memref<1x1x128xi32, #tpu.memory_space<hbm>> -> memref<128xi32, #tpu.memory_space<hbm>>
        %dma_wait3A_61 = arith.constant 0 : i32
        %dma_wait3A_62 = tpu.memref_slice %arg3[%add3A_32, %run_scoped3A_34, %dma_wait3A_61] : memref<2560x2x128xi32, #tpu.memory_space<hbm>> -> memref<1x1x128xi32, #tpu.memory_space<hbm>>
        %dma_wait3A_63 = tpu.memref_squeeze %dma_wait3A_62 : memref<1x1x128xi32, #tpu.memory_space<hbm>> -> memref<128xi32, #tpu.memory_space<hbm>>
        tpu.wait_dma2 semaphore(%run_scoped3A_51 : memref<!tpu.dma_semaphore, #tpu.memory_space<semaphore_mem>>) src(%dma_wait3A_63 : memref<128xi32, #tpu.memory_space<hbm>>) dst(%arg8 : memref<128xi32, #tpu.memory_space<vmem>>)
        tpu.yield
      }) : () -> ()
      %dma_wait3A_35 = arith.constant 0 : i32
      %dma_wait3A_36 = arith.constant 0 : i32
      %dma_wait3A_37 = tpu.memref_slice %arg2[%dma_wait3A_35, %dma_wait3A_36] : memref<10240x128xf32, #tpu.memory_space<hbm>> -> memref<10240x128xf32, #tpu.memory_space<hbm>>
      tpu.wait_indirect_dma semaphore(%arg12 : memref<!tpu.dma_semaphore, #tpu.memory_space<semaphore_mem>>) src(%dma_wait3A_37 : memref<10240x128xf32, #tpu.memory_space<hbm>>) dst(%arg9 : memref<128x128xf32, #tpu.memory_space<vmem>>)
      %dma_start3A_38 = arith.constant 0 : i32
      %dma_start3A_39 = arith.constant 0 : i32
      %dma_start3A_40 = tpu.memref_slice %arg2[%dma_start3A_38, %dma_start3A_39] : memref<10240x128xf32, #tpu.memory_space<hbm>> -> memref<10240x128xf32, #tpu.memory_space<hbm>>
      tpu.enqueue_indirect_dma source(%dma_start3A_40 : memref<10240x128xf32, #tpu.memory_space<hbm>>) target(%arg10 : memref<128x128xf32, #tpu.memory_space<vmem>>) offsets(%arg6 : memref<128xi32, #tpu.memory_space<vmem>>) semaphore(%arg13 : memref<!tpu.dma_semaphore, #tpu.memory_space<semaphore_mem>>)
      "tpu.region"() ({
        %run_scoped3A_51 = tpu.sem_alloc : memref<!tpu.dma_semaphore, #tpu.memory_space<semaphore_mem>>
        %dma_start3A_52 = arith.constant 0 : i32
        %dma_start3A_53 = arith.constant 0 : i32
        %dma_start3A_54 = tpu.memref_slice %arg11[%dma_start3A_52, %dma_start3A_53] : memref<10240x128xf32, #tpu.memory_space<vmem_shared>> -> memref<10240x128xf32, #tpu.memory_space<vmem_shared>>
        tpu.enqueue_indirect_dma source(%arg9 : memref<128x128xf32, #tpu.memory_space<vmem>>) target(%dma_start3A_54 : memref<10240x128xf32, #tpu.memory_space<vmem_shared>>) offsets(%arg7 : memref<128xi32, #tpu.memory_space<vmem>>) semaphore(%run_scoped3A_51 : memref<!tpu.dma_semaphore, #tpu.memory_space<semaphore_mem>>) {add = true}
        %dma_wait3A_55 = arith.constant 0 : i32
        %dma_wait3A_56 = arith.constant 0 : i32
        %dma_wait3A_57 = tpu.memref_slice %arg11[%dma_wait3A_55, %dma_wait3A_56] : memref<10240x128xf32, #tpu.memory_space<vmem_shared>> -> memref<10240x128xf32, #tpu.memory_space<vmem_shared>>
        tpu.wait_indirect_dma semaphore(%run_scoped3A_51 : memref<!tpu.dma_semaphore, #tpu.memory_space<semaphore_mem>>) src(%arg9 : memref<128x128xf32, #tpu.memory_space<vmem>>) dst(%dma_wait3A_57 : memref<10240x128xf32, #tpu.memory_space<vmem_shared>>)
        tpu.yield
      }) : () -> ()
      %add3A_41 = arith.constant 2 : i32
      %add3A_42 = arith.addi %add3A_30, %add3A_41 : i32
      %run_scoped3A_43 = arith.constant 0 : i32
      "tpu.region"() ({
        %run_scoped3A_51 = tpu.sem_alloc : memref<!tpu.dma_semaphore, #tpu.memory_space<semaphore_mem>>
        %dma_start3A_52 = arith.constant 0 : i32
        %dma_start3A_53 = tpu.memref_slice %arg3[%add3A_42, %run_scoped3A_43, %dma_start3A_52] : memref<2560x2x128xi32, #tpu.memory_space<hbm>> -> memref<1x1x128xi32, #tpu.memory_space<hbm>>
        %dma_start3A_54 = tpu.memref_squeeze %dma_start3A_53 : memref<1x1x128xi32, #tpu.memory_space<hbm>> -> memref<128xi32, #tpu.memory_space<hbm>>
        %dma_start3A_55 = arith.constant 0 : i32
        %dma_start3A_56 = tpu.memref_slice %arg3[%add3A_42, %run_scoped3A_43, %dma_start3A_55] : memref<2560x2x128xi32, #tpu.memory_space<hbm>> -> memref<1x1x128xi32, #tpu.memory_space<hbm>>
        %dma_start3A_57 = tpu.memref_squeeze %dma_start3A_56 : memref<1x1x128xi32, #tpu.memory_space<hbm>> -> memref<128xi32, #tpu.memory_space<hbm>>
        tpu.enqueue_dma source(%dma_start3A_57 : memref<128xi32, #tpu.memory_space<hbm>>) target(%arg5 : memref<128xi32, #tpu.memory_space<vmem>>) target_semaphore(%run_scoped3A_51 : memref<!tpu.dma_semaphore, #tpu.memory_space<semaphore_mem>>)
        %dma_wait3A_58 = arith.constant 0 : i32
        %dma_wait3A_59 = tpu.memref_slice %arg3[%add3A_42, %run_scoped3A_43, %dma_wait3A_58] : memref<2560x2x128xi32, #tpu.memory_space<hbm>> -> memref<1x1x128xi32, #tpu.memory_space<hbm>>
        %dma_wait3A_60 = tpu.memref_squeeze %dma_wait3A_59 : memref<1x1x128xi32, #tpu.memory_space<hbm>> -> memref<128xi32, #tpu.memory_space<hbm>>
        %dma_wait3A_61 = arith.constant 0 : i32
        %dma_wait3A_62 = tpu.memref_slice %arg3[%add3A_42, %run_scoped3A_43, %dma_wait3A_61] : memref<2560x2x128xi32, #tpu.memory_space<hbm>> -> memref<1x1x128xi32, #tpu.memory_space<hbm>>
        %dma_wait3A_63 = tpu.memref_squeeze %dma_wait3A_62 : memref<1x1x128xi32, #tpu.memory_space<hbm>> -> memref<128xi32, #tpu.memory_space<hbm>>
        tpu.wait_dma2 semaphore(%run_scoped3A_51 : memref<!tpu.dma_semaphore, #tpu.memory_space<semaphore_mem>>) src(%dma_wait3A_63 : memref<128xi32, #tpu.memory_space<hbm>>) dst(%arg5 : memref<128xi32, #tpu.memory_space<vmem>>)
        tpu.yield
      }) : () -> ()
      %run_scoped3A_44 = arith.constant 1 : i32
      "tpu.region"() ({
        %run_scoped3A_51 = tpu.sem_alloc : memref<!tpu.dma_semaphore, #tpu.memory_space<semaphore_mem>>
        %dma_start3A_52 = arith.constant 0 : i32
        %dma_start3A_53 = tpu.memref_slice %arg3[%add3A_42, %run_scoped3A_44, %dma_start3A_52] : memref<2560x2x128xi32, #tpu.memory_space<hbm>> -> memref<1x1x128xi32, #tpu.memory_space<hbm>>
        %dma_start3A_54 = tpu.memref_squeeze %dma_start3A_53 : memref<1x1x128xi32, #tpu.memory_space<hbm>> -> memref<128xi32, #tpu.memory_space<hbm>>
        %dma_start3A_55 = arith.constant 0 : i32
        %dma_start3A_56 = tpu.memref_slice %arg3[%add3A_42, %run_scoped3A_44, %dma_start3A_55] : memref<2560x2x128xi32, #tpu.memory_space<hbm>> -> memref<1x1x128xi32, #tpu.memory_space<hbm>>
        %dma_start3A_57 = tpu.memref_squeeze %dma_start3A_56 : memref<1x1x128xi32, #tpu.memory_space<hbm>> -> memref<128xi32, #tpu.memory_space<hbm>>
        tpu.enqueue_dma source(%dma_start3A_57 : memref<128xi32, #tpu.memory_space<hbm>>) target(%arg7 : memref<128xi32, #tpu.memory_space<vmem>>) target_semaphore(%run_scoped3A_51 : memref<!tpu.dma_semaphore, #tpu.memory_space<semaphore_mem>>)
        %dma_wait3A_58 = arith.constant 0 : i32
        %dma_wait3A_59 = tpu.memref_slice %arg3[%add3A_42, %run_scoped3A_44, %dma_wait3A_58] : memref<2560x2x128xi32, #tpu.memory_space<hbm>> -> memref<1x1x128xi32, #tpu.memory_space<hbm>>
        %dma_wait3A_60 = tpu.memref_squeeze %dma_wait3A_59 : memref<1x1x128xi32, #tpu.memory_space<hbm>> -> memref<128xi32, #tpu.memory_space<hbm>>
        %dma_wait3A_61 = arith.constant 0 : i32
        %dma_wait3A_62 = tpu.memref_slice %arg3[%add3A_42, %run_scoped3A_44, %dma_wait3A_61] : memref<2560x2x128xi32, #tpu.memory_space<hbm>> -> memref<1x1x128xi32, #tpu.memory_space<hbm>>
        %dma_wait3A_63 = tpu.memref_squeeze %dma_wait3A_62 : memref<1x1x128xi32, #tpu.memory_space<hbm>> -> memref<128xi32, #tpu.memory_space<hbm>>
        tpu.wait_dma2 semaphore(%run_scoped3A_51 : memref<!tpu.dma_semaphore, #tpu.memory_space<semaphore_mem>>) src(%dma_wait3A_63 : memref<128xi32, #tpu.memory_space<hbm>>) dst(%arg7 : memref<128xi32, #tpu.memory_space<vmem>>)
        tpu.yield
      }) : () -> ()
      %dma_wait3A_45 = arith.constant 0 : i32
      %dma_wait3A_46 = arith.constant 0 : i32
      %dma_wait3A_47 = tpu.memref_slice %arg2[%dma_wait3A_45, %dma_wait3A_46] : memref<10240x128xf32, #tpu.memory_space<hbm>> -> memref<10240x128xf32, #tpu.memory_space<hbm>>
      tpu.wait_indirect_dma semaphore(%arg13 : memref<!tpu.dma_semaphore, #tpu.memory_space<semaphore_mem>>) src(%dma_wait3A_47 : memref<10240x128xf32, #tpu.memory_space<hbm>>) dst(%arg10 : memref<128x128xf32, #tpu.memory_space<vmem>>)
      %dma_start3A_48 = arith.constant 0 : i32
      %dma_start3A_49 = arith.constant 0 : i32
      %dma_start3A_50 = tpu.memref_slice %arg2[%dma_start3A_48, %dma_start3A_49] : memref<10240x128xf32, #tpu.memory_space<hbm>> -> memref<10240x128xf32, #tpu.memory_space<hbm>>
      tpu.enqueue_indirect_dma source(%dma_start3A_50 : memref<10240x128xf32, #tpu.memory_space<hbm>>) target(%arg9 : memref<128x128xf32, #tpu.memory_space<vmem>>) offsets(%arg5 : memref<128xi32, #tpu.memory_space<vmem>>) semaphore(%arg12 : memref<!tpu.dma_semaphore, #tpu.memory_space<semaphore_mem>>)
      "tpu.region"() ({
        %run_scoped3A_51 = tpu.sem_alloc : memref<!tpu.dma_semaphore, #tpu.memory_space<semaphore_mem>>
        %dma_start3A_52 = arith.constant 0 : i32
        %dma_start3A_53 = arith.constant 0 : i32
        %dma_start3A_54 = tpu.memref_slice %arg11[%dma_start3A_52, %dma_start3A_53] : memref<10240x128xf32, #tpu.memory_space<vmem_shared>> -> memref<10240x128xf32, #tpu.memory_space<vmem_shared>>
        tpu.enqueue_indirect_dma source(%arg10 : memref<128x128xf32, #tpu.memory_space<vmem>>) target(%dma_start3A_54 : memref<10240x128xf32, #tpu.memory_space<vmem_shared>>) offsets(%arg8 : memref<128xi32, #tpu.memory_space<vmem>>) semaphore(%run_scoped3A_51 : memref<!tpu.dma_semaphore, #tpu.memory_space<semaphore_mem>>) {add = true}
        %dma_wait3A_55 = arith.constant 0 : i32
        %dma_wait3A_56 = arith.constant 0 : i32
        %dma_wait3A_57 = tpu.memref_slice %arg11[%dma_wait3A_55, %dma_wait3A_56] : memref<10240x128xf32, #tpu.memory_space<vmem_shared>> -> memref<10240x128xf32, #tpu.memory_space<vmem_shared>>
        tpu.wait_indirect_dma semaphore(%run_scoped3A_51 : memref<!tpu.dma_semaphore, #tpu.memory_space<semaphore_mem>>) src(%arg10 : memref<128x128xf32, #tpu.memory_space<vmem>>) dst(%dma_wait3A_57 : memref<10240x128xf32, #tpu.memory_space<vmem_shared>>)
        tpu.yield
      }) : () -> ()
    }
    %scan3A_12 = arith.constant 39 : i32
    %add3A_13 = arith.constant 80 : i32
    %add3A_14 = arith.addi %mul3A_4, %add3A_13 : i32
    %sub3A = arith.constant 1 : i32
    %sub3A_15 = arith.subi %add3A_14, %sub3A : i32
    %run_scoped3A_16 = arith.constant 0 : i32
    "tpu.region"() ({
      %run_scoped3A_27 = tpu.sem_alloc : memref<!tpu.dma_semaphore, #tpu.memory_space<semaphore_mem>>
      %dma_start3A_28 = arith.constant 0 : i32
      %dma_start3A_29 = tpu.memref_slice %arg3[%sub3A_15, %run_scoped3A_16, %dma_start3A_28] : memref<2560x2x128xi32, #tpu.memory_space<hbm>> -> memref<1x1x128xi32, #tpu.memory_space<hbm>>
      %dma_start3A_30 = tpu.memref_squeeze %dma_start3A_29 : memref<1x1x128xi32, #tpu.memory_space<hbm>> -> memref<128xi32, #tpu.memory_space<hbm>>
      %dma_start3A_31 = arith.constant 0 : i32
      %dma_start3A_32 = tpu.memref_slice %arg3[%sub3A_15, %run_scoped3A_16, %dma_start3A_31] : memref<2560x2x128xi32, #tpu.memory_space<hbm>> -> memref<1x1x128xi32, #tpu.memory_space<hbm>>
      %dma_start3A_33 = tpu.memref_squeeze %dma_start3A_32 : memref<1x1x128xi32, #tpu.memory_space<hbm>> -> memref<128xi32, #tpu.memory_space<hbm>>
      tpu.enqueue_dma source(%dma_start3A_33 : memref<128xi32, #tpu.memory_space<hbm>>) target(%arg6 : memref<128xi32, #tpu.memory_space<vmem>>) target_semaphore(%run_scoped3A_27 : memref<!tpu.dma_semaphore, #tpu.memory_space<semaphore_mem>>)
      %dma_wait3A_34 = arith.constant 0 : i32
      %dma_wait3A_35 = tpu.memref_slice %arg3[%sub3A_15, %run_scoped3A_16, %dma_wait3A_34] : memref<2560x2x128xi32, #tpu.memory_space<hbm>> -> memref<1x1x128xi32, #tpu.memory_space<hbm>>
      %dma_wait3A_36 = tpu.memref_squeeze %dma_wait3A_35 : memref<1x1x128xi32, #tpu.memory_space<hbm>> -> memref<128xi32, #tpu.memory_space<hbm>>
      %dma_wait3A_37 = arith.constant 0 : i32
      %dma_wait3A_38 = tpu.memref_slice %arg3[%sub3A_15, %run_scoped3A_16, %dma_wait3A_37] : memref<2560x2x128xi32, #tpu.memory_space<hbm>> -> memref<1x1x128xi32, #tpu.memory_space<hbm>>
      %dma_wait3A_39 = tpu.memref_squeeze %dma_wait3A_38 : memref<1x1x128xi32, #tpu.memory_space<hbm>> -> memref<128xi32, #tpu.memory_space<hbm>>
      tpu.wait_dma2 semaphore(%run_scoped3A_27 : memref<!tpu.dma_semaphore, #tpu.memory_space<semaphore_mem>>) src(%dma_wait3A_39 : memref<128xi32, #tpu.memory_space<hbm>>) dst(%arg6 : memref<128xi32, #tpu.memory_space<vmem>>)
      tpu.yield
    }) : () -> ()
    %run_scoped3A_17 = arith.constant 1 : i32
    "tpu.region"() ({
      %run_scoped3A_27 = tpu.sem_alloc : memref<!tpu.dma_semaphore, #tpu.memory_space<semaphore_mem>>
      %dma_start3A_28 = arith.constant 0 : i32
      %dma_start3A_29 = tpu.memref_slice %arg3[%sub3A_15, %run_scoped3A_17, %dma_start3A_28] : memref<2560x2x128xi32, #tpu.memory_space<hbm>> -> memref<1x1x128xi32, #tpu.memory_space<hbm>>
      %dma_start3A_30 = tpu.memref_squeeze %dma_start3A_29 : memref<1x1x128xi32, #tpu.memory_space<hbm>> -> memref<128xi32, #tpu.memory_space<hbm>>
      %dma_start3A_31 = arith.constant 0 : i32
      %dma_start3A_32 = tpu.memref_slice %arg3[%sub3A_15, %run_scoped3A_17, %dma_start3A_31] : memref<2560x2x128xi32, #tpu.memory_space<hbm>> -> memref<1x1x128xi32, #tpu.memory_space<hbm>>
      %dma_start3A_33 = tpu.memref_squeeze %dma_start3A_32 : memref<1x1x128xi32, #tpu.memory_space<hbm>> -> memref<128xi32, #tpu.memory_space<hbm>>
      tpu.enqueue_dma source(%dma_start3A_33 : memref<128xi32, #tpu.memory_space<hbm>>) target(%arg8 : memref<128xi32, #tpu.memory_space<vmem>>) target_semaphore(%run_scoped3A_27 : memref<!tpu.dma_semaphore, #tpu.memory_space<semaphore_mem>>)
      %dma_wait3A_34 = arith.constant 0 : i32
      %dma_wait3A_35 = tpu.memref_slice %arg3[%sub3A_15, %run_scoped3A_17, %dma_wait3A_34] : memref<2560x2x128xi32, #tpu.memory_space<hbm>> -> memref<1x1x128xi32, #tpu.memory_space<hbm>>
      %dma_wait3A_36 = tpu.memref_squeeze %dma_wait3A_35 : memref<1x1x128xi32, #tpu.memory_space<hbm>> -> memref<128xi32, #tpu.memory_space<hbm>>
      %dma_wait3A_37 = arith.constant 0 : i32
      %dma_wait3A_38 = tpu.memref_slice %arg3[%sub3A_15, %run_scoped3A_17, %dma_wait3A_37] : memref<2560x2x128xi32, #tpu.memory_space<hbm>> -> memref<1x1x128xi32, #tpu.memory_space<hbm>>
      %dma_wait3A_39 = tpu.memref_squeeze %dma_wait3A_38 : memref<1x1x128xi32, #tpu.memory_space<hbm>> -> memref<128xi32, #tpu.memory_space<hbm>>
      tpu.wait_dma2 semaphore(%run_scoped3A_27 : memref<!tpu.dma_semaphore, #tpu.memory_space<semaphore_mem>>) src(%dma_wait3A_39 : memref<128xi32, #tpu.memory_space<hbm>>) dst(%arg8 : memref<128xi32, #tpu.memory_space<vmem>>)
      tpu.yield
    }) : () -> ()
    %dma_wait3A = arith.constant 0 : i32
    %dma_wait3A_18 = arith.constant 0 : i32
    %dma_wait3A_19 = tpu.memref_slice %arg2[%dma_wait3A, %dma_wait3A_18] : memref<10240x128xf32, #tpu.memory_space<hbm>> -> memref<10240x128xf32, #tpu.memory_space<hbm>>
    tpu.wait_indirect_dma semaphore(%arg12 : memref<!tpu.dma_semaphore, #tpu.memory_space<semaphore_mem>>) src(%dma_wait3A_19 : memref<10240x128xf32, #tpu.memory_space<hbm>>) dst(%arg9 : memref<128x128xf32, #tpu.memory_space<vmem>>)
    %dma_start3A_20 = arith.constant 0 : i32
    %dma_start3A_21 = arith.constant 0 : i32
    %dma_start3A_22 = tpu.memref_slice %arg2[%dma_start3A_20, %dma_start3A_21] : memref<10240x128xf32, #tpu.memory_space<hbm>> -> memref<10240x128xf32, #tpu.memory_space<hbm>>
    tpu.enqueue_indirect_dma source(%dma_start3A_22 : memref<10240x128xf32, #tpu.memory_space<hbm>>) target(%arg10 : memref<128x128xf32, #tpu.memory_space<vmem>>) offsets(%arg6 : memref<128xi32, #tpu.memory_space<vmem>>) semaphore(%arg13 : memref<!tpu.dma_semaphore, #tpu.memory_space<semaphore_mem>>)
    "tpu.region"() ({
      %run_scoped3A_27 = tpu.sem_alloc : memref<!tpu.dma_semaphore, #tpu.memory_space<semaphore_mem>>
      %dma_start3A_28 = arith.constant 0 : i32
      %dma_start3A_29 = arith.constant 0 : i32
      %dma_start3A_30 = tpu.memref_slice %arg11[%dma_start3A_28, %dma_start3A_29] : memref<10240x128xf32, #tpu.memory_space<vmem_shared>> -> memref<10240x128xf32, #tpu.memory_space<vmem_shared>>
      tpu.enqueue_indirect_dma source(%arg9 : memref<128x128xf32, #tpu.memory_space<vmem>>) target(%dma_start3A_30 : memref<10240x128xf32, #tpu.memory_space<vmem_shared>>) offsets(%arg7 : memref<128xi32, #tpu.memory_space<vmem>>) semaphore(%run_scoped3A_27 : memref<!tpu.dma_semaphore, #tpu.memory_space<semaphore_mem>>) {add = true}
      %dma_wait3A_31 = arith.constant 0 : i32
      %dma_wait3A_32 = arith.constant 0 : i32
      %dma_wait3A_33 = tpu.memref_slice %arg11[%dma_wait3A_31, %dma_wait3A_32] : memref<10240x128xf32, #tpu.memory_space<vmem_shared>> -> memref<10240x128xf32, #tpu.memory_space<vmem_shared>>
      tpu.wait_indirect_dma semaphore(%run_scoped3A_27 : memref<!tpu.dma_semaphore, #tpu.memory_space<semaphore_mem>>) src(%arg9 : memref<128x128xf32, #tpu.memory_space<vmem>>) dst(%dma_wait3A_33 : memref<10240x128xf32, #tpu.memory_space<vmem_shared>>)
      tpu.yield
    }) : () -> ()
    %dma_wait3A_23 = arith.constant 0 : i32
    %dma_wait3A_24 = arith.constant 0 : i32
    %dma_wait3A_25 = tpu.memref_slice %arg2[%dma_wait3A_23, %dma_wait3A_24] : memref<10240x128xf32, #tpu.memory_space<hbm>> -> memref<10240x128xf32, #tpu.memory_space<hbm>>
    tpu.wait_indirect_dma semaphore(%arg13 : memref<!tpu.dma_semaphore, #tpu.memory_space<semaphore_mem>>) src(%dma_wait3A_25 : memref<10240x128xf32, #tpu.memory_space<hbm>>) dst(%arg10 : memref<128x128xf32, #tpu.memory_space<vmem>>)
    "tpu.region"() ({
      %run_scoped3A_27 = tpu.sem_alloc : memref<!tpu.dma_semaphore, #tpu.memory_space<semaphore_mem>>
      %dma_start3A_28 = arith.constant 0 : i32
      %dma_start3A_29 = arith.constant 0 : i32
      %dma_start3A_30 = tpu.memref_slice %arg11[%dma_start3A_28, %dma_start3A_29] : memref<10240x128xf32, #tpu.memory_space<vmem_shared>> -> memref<10240x128xf32, #tpu.memory_space<vmem_shared>>
      tpu.enqueue_indirect_dma source(%arg10 : memref<128x128xf32, #tpu.memory_space<vmem>>) target(%dma_start3A_30 : memref<10240x128xf32, #tpu.memory_space<vmem_shared>>) offsets(%arg8 : memref<128xi32, #tpu.memory_space<vmem>>) semaphore(%run_scoped3A_27 : memref<!tpu.dma_semaphore, #tpu.memory_space<semaphore_mem>>) {add = true}
      %dma_wait3A_31 = arith.constant 0 : i32
      %dma_wait3A_32 = arith.constant 0 : i32
      %dma_wait3A_33 = tpu.memref_slice %arg11[%dma_wait3A_31, %dma_wait3A_32] : memref<10240x128xf32, #tpu.memory_space<vmem_shared>> -> memref<10240x128xf32, #tpu.memory_space<vmem_shared>>
      tpu.wait_indirect_dma semaphore(%run_scoped3A_27 : memref<!tpu.dma_semaphore, #tpu.memory_space<semaphore_mem>>) src(%arg10 : memref<128x128xf32, #tpu.memory_space<vmem>>) dst(%dma_wait3A_33 : memref<10240x128xf32, #tpu.memory_space<vmem_shared>>)
      tpu.yield
    }) : () -> ()
    %barrier3A_26 = arith.constant 0 : index
    tpu.barrier barrier_id(%barrier3A_26)
    "tpu.region"() ({
      %run_scoped3A_27 = tpu.sem_alloc : memref<!tpu.dma_semaphore, #tpu.memory_space<semaphore_mem>>
      %dma_start3A_28 = arith.constant 0 : i32
      %dma_start3A_29 = tpu.memref_slice %arg4[%arg0, %mul3A_0, %dma_start3A_28] : memref<2x10240x128xf32, #tpu.memory_space<hbm>> -> memref<1x640x128xf32, #tpu.memory_space<hbm>>
      %dma_start3A_30 = tpu.memref_squeeze %dma_start3A_29 : memref<1x640x128xf32, #tpu.memory_space<hbm>> -> memref<640x128xf32, #tpu.memory_space<hbm>>
      %dma_start3A_31 = arith.constant 0 : i32
      %dma_start3A_32 = tpu.memref_slice %arg11[%mul3A_0, %dma_start3A_31] : memref<10240x128xf32, #tpu.memory_space<vmem_shared>> -> memref<640x128xf32, #tpu.memory_space<vmem_shared>>
      tpu.enqueue_dma source(%dma_start3A_32 : memref<640x128xf32, #tpu.memory_space<vmem_shared>>) target(%dma_start3A_30 : memref<640x128xf32, #tpu.memory_space<hbm>>) target_semaphore(%run_scoped3A_27 : memref<!tpu.dma_semaphore, #tpu.memory_space<semaphore_mem>>)
      %dma_wait3A_33 = arith.constant 0 : i32
      %dma_wait3A_34 = tpu.memref_slice %arg4[%arg0, %mul3A_0, %dma_wait3A_33] : memref<2x10240x128xf32, #tpu.memory_space<hbm>> -> memref<1x640x128xf32, #tpu.memory_space<hbm>>
      %dma_wait3A_35 = tpu.memref_squeeze %dma_wait3A_34 : memref<1x640x128xf32, #tpu.memory_space<hbm>> -> memref<640x128xf32, #tpu.memory_space<hbm>>
      %dma_wait3A_36 = arith.constant 0 : i32
      %dma_wait3A_37 = tpu.memref_slice %arg11[%mul3A_0, %dma_wait3A_36] : memref<10240x128xf32, #tpu.memory_space<vmem_shared>> -> memref<640x128xf32, #tpu.memory_space<vmem_shared>>
      tpu.wait_dma2 semaphore(%run_scoped3A_27 : memref<!tpu.dma_semaphore, #tpu.memory_space<semaphore_mem>>) src(%dma_wait3A_37 : memref<640x128xf32, #tpu.memory_space<vmem_shared>>) dst(%dma_wait3A_35 : memref<640x128xf32, #tpu.memory_space<hbm>>)
      tpu.yield
    }) : () -> ()
    return
  }
}

#map = affine_map<(d0, d1) -> (0, 0)>
#map1 = affine_map<(d0, d1) -> (0, 0, 0)>
module attributes {stable_mosaic.version = 14 : i64} {
  func.func @k(%arg0: i32, %arg1: i32, %arg2: memref<10240x128xf32, #tpu.memory_space<hbm>>, %arg3: memref<2560x2x128xi32, #tpu.memory_space<hbm>>, %arg4: memref<2x10240x128xf32, #tpu.memory_space<hbm>>, %arg5: memref<128xi32, #tpu.memory_space<vmem>>, %arg6: memref<128xi32, #tpu.memory_space<vmem>>, %arg7: memref<128xi32, #tpu.memory_space<vmem>>, %arg8: memref<128xi32, #tpu.memory_space<vmem>>, %arg9: memref<128x128xf32, #tpu.memory_space<vmem>>, %arg10: memref<128x128xf32, #tpu.memory_space<vmem>>, %arg11: memref<10240x128xf32, #tpu.memory_space<vmem_shared>>, %arg12: memref<!tpu.dma_semaphore, #tpu.memory_space<semaphore_mem>>, %arg13: memref<!tpu.dma_semaphore, #tpu.memory_space<semaphore_mem>>) attributes {dimension_semantics = [#tpu.dimension_semantics<core_parallel>, #tpu.dimension_semantics<subcore_parallel>], iteration_bounds = array<i64: 2, 16>, scalar_prefetch = 0 : i64, scratch_operands = 9 : i64, tpu.core_type = #tpu.core_type<sc_vector_subcore>, window_params = [{transform_indices = #map}, {transform_indices = #map1}, {transform_indices = #map1}]} {
    %mul3A = arith.constant 640 : i32
    %mul3A_0 = arith.muli %arg1, %mul3A : i32
    "tpu.region"() ({
      %run_scoped3A_27 = tpu.sem_alloc : memref<!tpu.dma_semaphore, #tpu.memory_space<semaphore_mem>>
      %dma_start3A_28 = arith.constant 0 : i32
      %dma_start3A_29 = tpu.memref_slice %arg11[%mul3A_0, %dma_start3A_28] : memref<10240x128xf32, #tpu.memory_space<vmem_shared>> -> memref<640x128xf32, #tpu.memory_space<vmem_shared>>
      %dma_start3A_30 = arith.constant 0 : i32
      %dma_start3A_31 = tpu.memref_slice %arg2[%mul3A_0, %dma_start3A_30] : memref<10240x128xf32, #tpu.memory_space<hbm>> -> memref<640x128xf32, #tpu.memory_space<hbm>>
      tpu.enqueue_dma source(%dma_start3A_31 : memref<640x128xf32, #tpu.memory_space<hbm>>) target(%dma_start3A_29 : memref<640x128xf32, #tpu.memory_space<vmem_shared>>) target_semaphore(%run_scoped3A_27 : memref<!tpu.dma_semaphore, #tpu.memory_space<semaphore_mem>>)
      %dma_wait3A_32 = arith.constant 0 : i32
      %dma_wait3A_33 = tpu.memref_slice %arg11[%mul3A_0, %dma_wait3A_32] : memref<10240x128xf32, #tpu.memory_space<vmem_shared>> -> memref<640x128xf32, #tpu.memory_space<vmem_shared>>
      %dma_wait3A_34 = arith.constant 0 : i32
      %dma_wait3A_35 = tpu.memref_slice %arg2[%mul3A_0, %dma_wait3A_34] : memref<10240x128xf32, #tpu.memory_space<hbm>> -> memref<640x128xf32, #tpu.memory_space<hbm>>
      tpu.wait_dma2 semaphore(%run_scoped3A_27 : memref<!tpu.dma_semaphore, #tpu.memory_space<semaphore_mem>>) src(%dma_wait3A_35 : memref<640x128xf32, #tpu.memory_space<hbm>>) dst(%dma_wait3A_33 : memref<640x128xf32, #tpu.memory_space<vmem_shared>>)
      tpu.yield
    }) : () -> ()
    %barrier3A = arith.constant 0 : index
    tpu.barrier barrier_id(%barrier3A)
    %mul3A_1 = arith.constant 16 : i32
    %mul3A_2 = arith.muli %arg0, %mul3A_1 : i32
    %add3A = arith.addi %mul3A_2, %arg1 : i32
    %mul3A_3 = arith.constant 80 : i32
    %mul3A_4 = arith.muli %add3A, %mul3A_3 : i32
    %run_scoped3A = arith.constant 0 : i32
    "tpu.region"() ({
      %run_scoped3A_27 = tpu.sem_alloc : memref<!tpu.dma_semaphore, #tpu.memory_space<semaphore_mem>>
      %dma_start3A_28 = arith.constant 0 : i32
      %dma_start3A_29 = tpu.memref_slice %arg3[%mul3A_4, %run_scoped3A, %dma_start3A_28] : memref<2560x2x128xi32, #tpu.memory_space<hbm>> -> memref<1x1x128xi32, #tpu.memory_space<hbm>>
      %dma_start3A_30 = tpu.memref_squeeze %dma_start3A_29 : memref<1x1x128xi32, #tpu.memory_space<hbm>> -> memref<128xi32, #tpu.memory_space<hbm>>
      %dma_start3A_31 = arith.constant 0 : i32
      %dma_start3A_32 = tpu.memref_slice %arg3[%mul3A_4, %run_scoped3A, %dma_start3A_31] : memref<2560x2x128xi32, #tpu.memory_space<hbm>> -> memref<1x1x128xi32, #tpu.memory_space<hbm>>
      %dma_start3A_33 = tpu.memref_squeeze %dma_start3A_32 : memref<1x1x128xi32, #tpu.memory_space<hbm>> -> memref<128xi32, #tpu.memory_space<hbm>>
      tpu.enqueue_dma source(%dma_start3A_33 : memref<128xi32, #tpu.memory_space<hbm>>) target(%arg5 : memref<128xi32, #tpu.memory_space<vmem>>) target_semaphore(%run_scoped3A_27 : memref<!tpu.dma_semaphore, #tpu.memory_space<semaphore_mem>>)
      %dma_wait3A_34 = arith.constant 0 : i32
      %dma_wait3A_35 = tpu.memref_slice %arg3[%mul3A_4, %run_scoped3A, %dma_wait3A_34] : memref<2560x2x128xi32, #tpu.memory_space<hbm>> -> memref<1x1x128xi32, #tpu.memory_space<hbm>>
      %dma_wait3A_36 = tpu.memref_squeeze %dma_wait3A_35 : memref<1x1x128xi32, #tpu.memory_space<hbm>> -> memref<128xi32, #tpu.memory_space<hbm>>
      %dma_wait3A_37 = arith.constant 0 : i32
      %dma_wait3A_38 = tpu.memref_slice %arg3[%mul3A_4, %run_scoped3A, %dma_wait3A_37] : memref<2560x2x128xi32, #tpu.memory_space<hbm>> -> memref<1x1x128xi32, #tpu.memory_space<hbm>>
      %dma_wait3A_39 = tpu.memref_squeeze %dma_wait3A_38 : memref<1x1x128xi32, #tpu.memory_space<hbm>> -> memref<128xi32, #tpu.memory_space<hbm>>
      tpu.wait_dma2 semaphore(%run_scoped3A_27 : memref<!tpu.dma_semaphore, #tpu.memory_space<semaphore_mem>>) src(%dma_wait3A_39 : memref<128xi32, #tpu.memory_space<hbm>>) dst(%arg5 : memref<128xi32, #tpu.memory_space<vmem>>)
      tpu.yield
    }) : () -> ()
    %run_scoped3A_5 = arith.constant 1 : i32
    "tpu.region"() ({
      %run_scoped3A_27 = tpu.sem_alloc : memref<!tpu.dma_semaphore, #tpu.memory_space<semaphore_mem>>
      %dma_start3A_28 = arith.constant 0 : i32
      %dma_start3A_29 = tpu.memref_slice %arg3[%mul3A_4, %run_scoped3A_5, %dma_start3A_28] : memref<2560x2x128xi32, #tpu.memory_space<hbm>> -> memref<1x1x128xi32, #tpu.memory_space<hbm>>
      %dma_start3A_30 = tpu.memref_squeeze %dma_start3A_29 : memref<1x1x128xi32, #tpu.memory_space<hbm>> -> memref<128xi32, #tpu.memory_space<hbm>>
      %dma_start3A_31 = arith.constant 0 : i32
      %dma_start3A_32 = tpu.memref_slice %arg3[%mul3A_4, %run_scoped3A_5, %dma_start3A_31] : memref<2560x2x128xi32, #tpu.memory_space<hbm>> -> memref<1x1x128xi32, #tpu.memory_space<hbm>>
      %dma_start3A_33 = tpu.memref_squeeze %dma_start3A_32 : memref<1x1x128xi32, #tpu.memory_space<hbm>> -> memref<128xi32, #tpu.memory_space<hbm>>
      tpu.enqueue_dma source(%dma_start3A_33 : memref<128xi32, #tpu.memory_space<hbm>>) target(%arg7 : memref<128xi32, #tpu.memory_space<vmem>>) target_semaphore(%run_scoped3A_27 : memref<!tpu.dma_semaphore, #tpu.memory_space<semaphore_mem>>)
      %dma_wait3A_34 = arith.constant 0 : i32
      %dma_wait3A_35 = tpu.memref_slice %arg3[%mul3A_4, %run_scoped3A_5, %dma_wait3A_34] : memref<2560x2x128xi32, #tpu.memory_space<hbm>> -> memref<1x1x128xi32, #tpu.memory_space<hbm>>
      %dma_wait3A_36 = tpu.memref_squeeze %dma_wait3A_35 : memref<1x1x128xi32, #tpu.memory_space<hbm>> -> memref<128xi32, #tpu.memory_space<hbm>>
      %dma_wait3A_37 = arith.constant 0 : i32
      %dma_wait3A_38 = tpu.memref_slice %arg3[%mul3A_4, %run_scoped3A_5, %dma_wait3A_37] : memref<2560x2x128xi32, #tpu.memory_space<hbm>> -> memref<1x1x128xi32, #tpu.memory_space<hbm>>
      %dma_wait3A_39 = tpu.memref_squeeze %dma_wait3A_38 : memref<1x1x128xi32, #tpu.memory_space<hbm>> -> memref<128xi32, #tpu.memory_space<hbm>>
      tpu.wait_dma2 semaphore(%run_scoped3A_27 : memref<!tpu.dma_semaphore, #tpu.memory_space<semaphore_mem>>) src(%dma_wait3A_39 : memref<128xi32, #tpu.memory_space<hbm>>) dst(%arg7 : memref<128xi32, #tpu.memory_space<vmem>>)
      tpu.yield
    }) : () -> ()
    %dma_start3A = arith.constant 0 : i32
    %dma_start3A_6 = arith.constant 0 : i32
    %dma_start3A_7 = tpu.memref_slice %arg2[%dma_start3A, %dma_start3A_6] : memref<10240x128xf32, #tpu.memory_space<hbm>> -> memref<10240x128xf32, #tpu.memory_space<hbm>>
    tpu.enqueue_indirect_dma source(%dma_start3A_7 : memref<10240x128xf32, #tpu.memory_space<hbm>>) target(%arg9 : memref<128x128xf32, #tpu.memory_space<vmem>>) offsets(%arg5 : memref<128xi32, #tpu.memory_space<vmem>>) semaphore(%arg12 : memref<!tpu.dma_semaphore, #tpu.memory_space<semaphore_mem>>)
    %scan3A = arith.constant 0 : i32
    %scan3A_8 = arith.constant 0 : i32
    %scan3A_9 = arith.constant 39 : i32
    %scan3A_10 = arith.addi %scan3A_8, %scan3A_9 : i32
    %scan3A_11 = arith.constant 1 : i32
    scf.for %scan3A_27 = %scan3A_8 to %scan3A_10 step %scan3A_11  : i32 {
      %mul3A_28 = arith.constant 2 : i32
      %mul3A_29 = arith.muli %mul3A_28, %scan3A_27 : i32
      %add3A_30 = arith.addi %mul3A_4, %mul3A_29 : i32
      %add3A_31 = arith.constant 1 : i32
      %add3A_32 = arith.addi %add3A_30, %add3A_31 : i32
      %run_scoped3A_33 = arith.constant 0 : i32
      "tpu.region"() ({
        %run_scoped3A_51 = tpu.sem_alloc : memref<!tpu.dma_semaphore, #tpu.memory_space<semaphore_mem>>
        %dma_start3A_52 = arith.constant 0 : i32
        %dma_start3A_53 = tpu.memref_slice %arg3[%add3A_32, %run_scoped3A_33, %dma_start3A_52] : memref<2560x2x128xi32, #tpu.memory_space<hbm>> -> memref<1x1x128xi32, #tpu.memory_space<hbm>>
        %dma_start3A_54 = tpu.memref_squeeze %dma_start3A_53 : memref<1x1x128xi32, #tpu.memory_space<hbm>> -> memref<128xi32, #tpu.memory_space<hbm>>
        %dma_start3A_55 = arith.constant 0 : i32
        %dma_start3A_56 = tpu.memref_slice %arg3[%add3A_32, %run_scoped3A_33, %dma_start3A_55] : memref<2560x2x128xi32, #tpu.memory_space<hbm>> -> memref<1x1x128xi32, #tpu.memory_space<hbm>>
        %dma_start3A_57 = tpu.memref_squeeze %dma_start3A_56 : memref<1x1x128xi32, #tpu.memory_space<hbm>> -> memref<128xi32, #tpu.memory_space<hbm>>
        tpu.enqueue_dma source(%dma_start3A_57 : memref<128xi32, #tpu.memory_space<hbm>>) target(%arg6 : memref<128xi32, #tpu.memory_space<vmem>>) target_semaphore(%run_scoped3A_51 : memref<!tpu.dma_semaphore, #tpu.memory_space<semaphore_mem>>)
        %dma_wait3A_58 = arith.constant 0 : i32
        %dma_wait3A_59 = tpu.memref_slice %arg3[%add3A_32, %run_scoped3A_33, %dma_wait3A_58] : memref<2560x2x128xi32, #tpu.memory_space<hbm>> -> memref<1x1x128xi32, #tpu.memory_space<hbm>>
        %dma_wait3A_60 = tpu.memref_squeeze %dma_wait3A_59 : memref<1x1x128xi32, #tpu.memory_space<hbm>> -> memref<128xi32, #tpu.memory_space<hbm>>
        %dma_wait3A_61 = arith.constant 0 : i32
        %dma_wait3A_62 = tpu.memref_slice %arg3[%add3A_32, %run_scoped3A_33, %dma_wait3A_61] : memref<2560x2x128xi32, #tpu.memory_space<hbm>> -> memref<1x1x128xi32, #tpu.memory_space<hbm>>
        %dma_wait3A_63 = tpu.memref_squeeze %dma_wait3A_62 : memref<1x1x128xi32, #tpu.memory_space<hbm>> -> memref<128xi32, #tpu.memory_space<hbm>>
        tpu.wait_dma2 semaphore(%run_scoped3A_51 : memref<!tpu.dma_semaphore, #tpu.memory_space<semaphore_mem>>) src(%dma_wait3A_63 : memref<128xi32, #tpu.memory_space<hbm>>) dst(%arg6 : memref<128xi32, #tpu.memory_space<vmem>>)
        tpu.yield
      }) : () -> ()
      %run_scoped3A_34 = arith.constant 1 : i32
      "tpu.region"() ({
        %run_scoped3A_51 = tpu.sem_alloc : memref<!tpu.dma_semaphore, #tpu.memory_space<semaphore_mem>>
        %dma_start3A_52 = arith.constant 0 : i32
        %dma_start3A_53 = tpu.memref_slice %arg3[%add3A_32, %run_scoped3A_34, %dma_start3A_52] : memref<2560x2x128xi32, #tpu.memory_space<hbm>> -> memref<1x1x128xi32, #tpu.memory_space<hbm>>
        %dma_start3A_54 = tpu.memref_squeeze %dma_start3A_53 : memref<1x1x128xi32, #tpu.memory_space<hbm>> -> memref<128xi32, #tpu.memory_space<hbm>>
        %dma_start3A_55 = arith.constant 0 : i32
        %dma_start3A_56 = tpu.memref_slice %arg3[%add3A_32, %run_scoped3A_34, %dma_start3A_55] : memref<2560x2x128xi32, #tpu.memory_space<hbm>> -> memref<1x1x128xi32, #tpu.memory_space<hbm>>
        %dma_start3A_57 = tpu.memref_squeeze %dma_start3A_56 : memref<1x1x128xi32, #tpu.memory_space<hbm>> -> memref<128xi32, #tpu.memory_space<hbm>>
        tpu.enqueue_dma source(%dma_start3A_57 : memref<128xi32, #tpu.memory_space<hbm>>) target(%arg8 : memref<128xi32, #tpu.memory_space<vmem>>) target_semaphore(%run_scoped3A_51 : memref<!tpu.dma_semaphore, #tpu.memory_space<semaphore_mem>>)
        %dma_wait3A_58 = arith.constant 0 : i32
        %dma_wait3A_59 = tpu.memref_slice %arg3[%add3A_32, %run_scoped3A_34, %dma_wait3A_58] : memref<2560x2x128xi32, #tpu.memory_space<hbm>> -> memref<1x1x128xi32, #tpu.memory_space<hbm>>
        %dma_wait3A_60 = tpu.memref_squeeze %dma_wait3A_59 : memref<1x1x128xi32, #tpu.memory_space<hbm>> -> memref<128xi32, #tpu.memory_space<hbm>>
        %dma_wait3A_61 = arith.constant 0 : i32
        %dma_wait3A_62 = tpu.memref_slice %arg3[%add3A_32, %run_scoped3A_34, %dma_wait3A_61] : memref<2560x2x128xi32, #tpu.memory_space<hbm>> -> memref<1x1x128xi32, #tpu.memory_space<hbm>>
        %dma_wait3A_63 = tpu.memref_squeeze %dma_wait3A_62 : memref<1x1x128xi32, #tpu.memory_space<hbm>> -> memref<128xi32, #tpu.memory_space<hbm>>
        tpu.wait_dma2 semaphore(%run_scoped3A_51 : memref<!tpu.dma_semaphore, #tpu.memory_space<semaphore_mem>>) src(%dma_wait3A_63 : memref<128xi32, #tpu.memory_space<hbm>>) dst(%arg8 : memref<128xi32, #tpu.memory_space<vmem>>)
        tpu.yield
      }) : () -> ()
      %dma_wait3A_35 = arith.constant 0 : i32
      %dma_wait3A_36 = arith.constant 0 : i32
      %dma_wait3A_37 = tpu.memref_slice %arg2[%dma_wait3A_35, %dma_wait3A_36] : memref<10240x128xf32, #tpu.memory_space<hbm>> -> memref<10240x128xf32, #tpu.memory_space<hbm>>
      tpu.wait_indirect_dma semaphore(%arg12 : memref<!tpu.dma_semaphore, #tpu.memory_space<semaphore_mem>>) src(%dma_wait3A_37 : memref<10240x128xf32, #tpu.memory_space<hbm>>) dst(%arg9 : memref<128x128xf32, #tpu.memory_space<vmem>>)
      %dma_start3A_38 = arith.constant 0 : i32
      %dma_start3A_39 = arith.constant 0 : i32
      %dma_start3A_40 = tpu.memref_slice %arg2[%dma_start3A_38, %dma_start3A_39] : memref<10240x128xf32, #tpu.memory_space<hbm>> -> memref<10240x128xf32, #tpu.memory_space<hbm>>
      tpu.enqueue_indirect_dma source(%dma_start3A_40 : memref<10240x128xf32, #tpu.memory_space<hbm>>) target(%arg10 : memref<128x128xf32, #tpu.memory_space<vmem>>) offsets(%arg6 : memref<128xi32, #tpu.memory_space<vmem>>) semaphore(%arg13 : memref<!tpu.dma_semaphore, #tpu.memory_space<semaphore_mem>>)
      "tpu.region"() ({
        %run_scoped3A_51 = tpu.sem_alloc : memref<!tpu.dma_semaphore, #tpu.memory_space<semaphore_mem>>
        %dma_start3A_52 = arith.constant 0 : i32
        %dma_start3A_53 = arith.constant 0 : i32
        %dma_start3A_54 = tpu.memref_slice %arg11[%dma_start3A_52, %dma_start3A_53] : memref<10240x128xf32, #tpu.memory_space<vmem_shared>> -> memref<10240x128xf32, #tpu.memory_space<vmem_shared>>
        tpu.enqueue_indirect_dma source(%arg9 : memref<128x128xf32, #tpu.memory_space<vmem>>) target(%dma_start3A_54 : memref<10240x128xf32, #tpu.memory_space<vmem_shared>>) offsets(%arg7 : memref<128xi32, #tpu.memory_space<vmem>>) semaphore(%run_scoped3A_51 : memref<!tpu.dma_semaphore, #tpu.memory_space<semaphore_mem>>) {add = true}
        %dma_wait3A_55 = arith.constant 0 : i32
        %dma_wait3A_56 = arith.constant 0 : i32
        %dma_wait3A_57 = tpu.memref_slice %arg11[%dma_wait3A_55, %dma_wait3A_56] : memref<10240x128xf32, #tpu.memory_space<vmem_shared>> -> memref<10240x128xf32, #tpu.memory_space<vmem_shared>>
        tpu.wait_indirect_dma semaphore(%run_scoped3A_51 : memref<!tpu.dma_semaphore, #tpu.memory_space<semaphore_mem>>) src(%arg9 : memref<128x128xf32, #tpu.memory_space<vmem>>) dst(%dma_wait3A_57 : memref<10240x128xf32, #tpu.memory_space<vmem_shared>>)
        tpu.yield
      }) : () -> ()
      %add3A_41 = arith.constant 2 : i32
      %add3A_42 = arith.addi %add3A_30, %add3A_41 : i32
      %run_scoped3A_43 = arith.constant 0 : i32
      "tpu.region"() ({
        %run_scoped3A_51 = tpu.sem_alloc : memref<!tpu.dma_semaphore, #tpu.memory_space<semaphore_mem>>
        %dma_start3A_52 = arith.constant 0 : i32
        %dma_start3A_53 = tpu.memref_slice %arg3[%add3A_42, %run_scoped3A_43, %dma_start3A_52] : memref<2560x2x128xi32, #tpu.memory_space<hbm>> -> memref<1x1x128xi32, #tpu.memory_space<hbm>>
        %dma_start3A_54 = tpu.memref_squeeze %dma_start3A_53 : memref<1x1x128xi32, #tpu.memory_space<hbm>> -> memref<128xi32, #tpu.memory_space<hbm>>
        %dma_start3A_55 = arith.constant 0 : i32
        %dma_start3A_56 = tpu.memref_slice %arg3[%add3A_42, %run_scoped3A_43, %dma_start3A_55] : memref<2560x2x128xi32, #tpu.memory_space<hbm>> -> memref<1x1x128xi32, #tpu.memory_space<hbm>>
        %dma_start3A_57 = tpu.memref_squeeze %dma_start3A_56 : memref<1x1x128xi32, #tpu.memory_space<hbm>> -> memref<128xi32, #tpu.memory_space<hbm>>
        tpu.enqueue_dma source(%dma_start3A_57 : memref<128xi32, #tpu.memory_space<hbm>>) target(%arg5 : memref<128xi32, #tpu.memory_space<vmem>>) target_semaphore(%run_scoped3A_51 : memref<!tpu.dma_semaphore, #tpu.memory_space<semaphore_mem>>)
        %dma_wait3A_58 = arith.constant 0 : i32
        %dma_wait3A_59 = tpu.memref_slice %arg3[%add3A_42, %run_scoped3A_43, %dma_wait3A_58] : memref<2560x2x128xi32, #tpu.memory_space<hbm>> -> memref<1x1x128xi32, #tpu.memory_space<hbm>>
        %dma_wait3A_60 = tpu.memref_squeeze %dma_wait3A_59 : memref<1x1x128xi32, #tpu.memory_space<hbm>> -> memref<128xi32, #tpu.memory_space<hbm>>
        %dma_wait3A_61 = arith.constant 0 : i32
        %dma_wait3A_62 = tpu.memref_slice %arg3[%add3A_42, %run_scoped3A_43, %dma_wait3A_61] : memref<2560x2x128xi32, #tpu.memory_space<hbm>> -> memref<1x1x128xi32, #tpu.memory_space<hbm>>
        %dma_wait3A_63 = tpu.memref_squeeze %dma_wait3A_62 : memref<1x1x128xi32, #tpu.memory_space<hbm>> -> memref<128xi32, #tpu.memory_space<hbm>>
        tpu.wait_dma2 semaphore(%run_scoped3A_51 : memref<!tpu.dma_semaphore, #tpu.memory_space<semaphore_mem>>) src(%dma_wait3A_63 : memref<128xi32, #tpu.memory_space<hbm>>) dst(%arg5 : memref<128xi32, #tpu.memory_space<vmem>>)
        tpu.yield
      }) : () -> ()
      %run_scoped3A_44 = arith.constant 1 : i32
      "tpu.region"() ({
        %run_scoped3A_51 = tpu.sem_alloc : memref<!tpu.dma_semaphore, #tpu.memory_space<semaphore_mem>>
        %dma_start3A_52 = arith.constant 0 : i32
        %dma_start3A_53 = tpu.memref_slice %arg3[%add3A_42, %run_scoped3A_44, %dma_start3A_52] : memref<2560x2x128xi32, #tpu.memory_space<hbm>> -> memref<1x1x128xi32, #tpu.memory_space<hbm>>
        %dma_start3A_54 = tpu.memref_squeeze %dma_start3A_53 : memref<1x1x128xi32, #tpu.memory_space<hbm>> -> memref<128xi32, #tpu.memory_space<hbm>>
        %dma_start3A_55 = arith.constant 0 : i32
        %dma_start3A_56 = tpu.memref_slice %arg3[%add3A_42, %run_scoped3A_44, %dma_start3A_55] : memref<2560x2x128xi32, #tpu.memory_space<hbm>> -> memref<1x1x128xi32, #tpu.memory_space<hbm>>
        %dma_start3A_57 = tpu.memref_squeeze %dma_start3A_56 : memref<1x1x128xi32, #tpu.memory_space<hbm>> -> memref<128xi32, #tpu.memory_space<hbm>>
        tpu.enqueue_dma source(%dma_start3A_57 : memref<128xi32, #tpu.memory_space<hbm>>) target(%arg7 : memref<128xi32, #tpu.memory_space<vmem>>) target_semaphore(%run_scoped3A_51 : memref<!tpu.dma_semaphore, #tpu.memory_space<semaphore_mem>>)
        %dma_wait3A_58 = arith.constant 0 : i32
        %dma_wait3A_59 = tpu.memref_slice %arg3[%add3A_42, %run_scoped3A_44, %dma_wait3A_58] : memref<2560x2x128xi32, #tpu.memory_space<hbm>> -> memref<1x1x128xi32, #tpu.memory_space<hbm>>
        %dma_wait3A_60 = tpu.memref_squeeze %dma_wait3A_59 : memref<1x1x128xi32, #tpu.memory_space<hbm>> -> memref<128xi32, #tpu.memory_space<hbm>>
        %dma_wait3A_61 = arith.constant 0 : i32
        %dma_wait3A_62 = tpu.memref_slice %arg3[%add3A_42, %run_scoped3A_44, %dma_wait3A_61] : memref<2560x2x128xi32, #tpu.memory_space<hbm>> -> memref<1x1x128xi32, #tpu.memory_space<hbm>>
        %dma_wait3A_63 = tpu.memref_squeeze %dma_wait3A_62 : memref<1x1x128xi32, #tpu.memory_space<hbm>> -> memref<128xi32, #tpu.memory_space<hbm>>
        tpu.wait_dma2 semaphore(%run_scoped3A_51 : memref<!tpu.dma_semaphore, #tpu.memory_space<semaphore_mem>>) src(%dma_wait3A_63 : memref<128xi32, #tpu.memory_space<hbm>>) dst(%arg7 : memref<128xi32, #tpu.memory_space<vmem>>)
        tpu.yield
      }) : () -> ()
      %dma_wait3A_45 = arith.constant 0 : i32
      %dma_wait3A_46 = arith.constant 0 : i32
      %dma_wait3A_47 = tpu.memref_slice %arg2[%dma_wait3A_45, %dma_wait3A_46] : memref<10240x128xf32, #tpu.memory_space<hbm>> -> memref<10240x128xf32, #tpu.memory_space<hbm>>
      tpu.wait_indirect_dma semaphore(%arg13 : memref<!tpu.dma_semaphore, #tpu.memory_space<semaphore_mem>>) src(%dma_wait3A_47 : memref<10240x128xf32, #tpu.memory_space<hbm>>) dst(%arg10 : memref<128x128xf32, #tpu.memory_space<vmem>>)
      %dma_start3A_48 = arith.constant 0 : i32
      %dma_start3A_49 = arith.constant 0 : i32
      %dma_start3A_50 = tpu.memref_slice %arg2[%dma_start3A_48, %dma_start3A_49] : memref<10240x128xf32, #tpu.memory_space<hbm>> -> memref<10240x128xf32, #tpu.memory_space<hbm>>
      tpu.enqueue_indirect_dma source(%dma_start3A_50 : memref<10240x128xf32, #tpu.memory_space<hbm>>) target(%arg9 : memref<128x128xf32, #tpu.memory_space<vmem>>) offsets(%arg5 : memref<128xi32, #tpu.memory_space<vmem>>) semaphore(%arg12 : memref<!tpu.dma_semaphore, #tpu.memory_space<semaphore_mem>>)
      "tpu.region"() ({
        %run_scoped3A_51 = tpu.sem_alloc : memref<!tpu.dma_semaphore, #tpu.memory_space<semaphore_mem>>
        %dma_start3A_52 = arith.constant 0 : i32
        %dma_start3A_53 = arith.constant 0 : i32
        %dma_start3A_54 = tpu.memref_slice %arg11[%dma_start3A_52, %dma_start3A_53] : memref<10240x128xf32, #tpu.memory_space<vmem_shared>> -> memref<10240x128xf32, #tpu.memory_space<vmem_shared>>
        tpu.enqueue_indirect_dma source(%arg10 : memref<128x128xf32, #tpu.memory_space<vmem>>) target(%dma_start3A_54 : memref<10240x128xf32, #tpu.memory_space<vmem_shared>>) offsets(%arg8 : memref<128xi32, #tpu.memory_space<vmem>>) semaphore(%run_scoped3A_51 : memref<!tpu.dma_semaphore, #tpu.memory_space<semaphore_mem>>) {add = true}
        %dma_wait3A_55 = arith.constant 0 : i32
        %dma_wait3A_56 = arith.constant 0 : i32
        %dma_wait3A_57 = tpu.memref_slice %arg11[%dma_wait3A_55, %dma_wait3A_56] : memref<10240x128xf32, #tpu.memory_space<vmem_shared>> -> memref<10240x128xf32, #tpu.memory_space<vmem_shared>>
        tpu.wait_indirect_dma semaphore(%run_scoped3A_51 : memref<!tpu.dma_semaphore, #tpu.memory_space<semaphore_mem>>) src(%arg10 : memref<128x128xf32, #tpu.memory_space<vmem>>) dst(%dma_wait3A_57 : memref<10240x128xf32, #tpu.memory_space<vmem_shared>>)
        tpu.yield
      }) : () -> ()
    }
    %scan3A_12 = arith.constant 39 : i32
    %add3A_13 = arith.constant 80 : i32
    %add3A_14 = arith.addi %mul3A_4, %add3A_13 : i32
    %sub3A = arith.constant 1 : i32
    %sub3A_15 = arith.subi %add3A_14, %sub3A : i32
    %run_scoped3A_16 = arith.constant 0 : i32
    "tpu.region"() ({
      %run_scoped3A_27 = tpu.sem_alloc : memref<!tpu.dma_semaphore, #tpu.memory_space<semaphore_mem>>
      %dma_start3A_28 = arith.constant 0 : i32
      %dma_start3A_29 = tpu.memref_slice %arg3[%sub3A_15, %run_scoped3A_16, %dma_start3A_28] : memref<2560x2x128xi32, #tpu.memory_space<hbm>> -> memref<1x1x128xi32, #tpu.memory_space<hbm>>
      %dma_start3A_30 = tpu.memref_squeeze %dma_start3A_29 : memref<1x1x128xi32, #tpu.memory_space<hbm>> -> memref<128xi32, #tpu.memory_space<hbm>>
      %dma_start3A_31 = arith.constant 0 : i32
      %dma_start3A_32 = tpu.memref_slice %arg3[%sub3A_15, %run_scoped3A_16, %dma_start3A_31] : memref<2560x2x128xi32, #tpu.memory_space<hbm>> -> memref<1x1x128xi32, #tpu.memory_space<hbm>>
      %dma_start3A_33 = tpu.memref_squeeze %dma_start3A_32 : memref<1x1x128xi32, #tpu.memory_space<hbm>> -> memref<128xi32, #tpu.memory_space<hbm>>
      tpu.enqueue_dma source(%dma_start3A_33 : memref<128xi32, #tpu.memory_space<hbm>>) target(%arg6 : memref<128xi32, #tpu.memory_space<vmem>>) target_semaphore(%run_scoped3A_27 : memref<!tpu.dma_semaphore, #tpu.memory_space<semaphore_mem>>)
      %dma_wait3A_34 = arith.constant 0 : i32
      %dma_wait3A_35 = tpu.memref_slice %arg3[%sub3A_15, %run_scoped3A_16, %dma_wait3A_34] : memref<2560x2x128xi32, #tpu.memory_space<hbm>> -> memref<1x1x128xi32, #tpu.memory_space<hbm>>
      %dma_wait3A_36 = tpu.memref_squeeze %dma_wait3A_35 : memref<1x1x128xi32, #tpu.memory_space<hbm>> -> memref<128xi32, #tpu.memory_space<hbm>>
      %dma_wait3A_37 = arith.constant 0 : i32
      %dma_wait3A_38 = tpu.memref_slice %arg3[%sub3A_15, %run_scoped3A_16, %dma_wait3A_37] : memref<2560x2x128xi32, #tpu.memory_space<hbm>> -> memref<1x1x128xi32, #tpu.memory_space<hbm>>
      %dma_wait3A_39 = tpu.memref_squeeze %dma_wait3A_38 : memref<1x1x128xi32, #tpu.memory_space<hbm>> -> memref<128xi32, #tpu.memory_space<hbm>>
      tpu.wait_dma2 semaphore(%run_scoped3A_27 : memref<!tpu.dma_semaphore, #tpu.memory_space<semaphore_mem>>) src(%dma_wait3A_39 : memref<128xi32, #tpu.memory_space<hbm>>) dst(%arg6 : memref<128xi32, #tpu.memory_space<vmem>>)
      tpu.yield
    }) : () -> ()
    %run_scoped3A_17 = arith.constant 1 : i32
    "tpu.region"() ({
      %run_scoped3A_27 = tpu.sem_alloc : memref<!tpu.dma_semaphore, #tpu.memory_space<semaphore_mem>>
      %dma_start3A_28 = arith.constant 0 : i32
      %dma_start3A_29 = tpu.memref_slice %arg3[%sub3A_15, %run_scoped3A_17, %dma_start3A_28] : memref<2560x2x128xi32, #tpu.memory_space<hbm>> -> memref<1x1x128xi32, #tpu.memory_space<hbm>>
      %dma_start3A_30 = tpu.memref_squeeze %dma_start3A_29 : memref<1x1x128xi32, #tpu.memory_space<hbm>> -> memref<128xi32, #tpu.memory_space<hbm>>
      %dma_start3A_31 = arith.constant 0 : i32
      %dma_start3A_32 = tpu.memref_slice %arg3[%sub3A_15, %run_scoped3A_17, %dma_start3A_31] : memref<2560x2x128xi32, #tpu.memory_space<hbm>> -> memref<1x1x128xi32, #tpu.memory_space<hbm>>
      %dma_start3A_33 = tpu.memref_squeeze %dma_start3A_32 : memref<1x1x128xi32, #tpu.memory_space<hbm>> -> memref<128xi32, #tpu.memory_space<hbm>>
      tpu.enqueue_dma source(%dma_start3A_33 : memref<128xi32, #tpu.memory_space<hbm>>) target(%arg8 : memref<128xi32, #tpu.memory_space<vmem>>) target_semaphore(%run_scoped3A_27 : memref<!tpu.dma_semaphore, #tpu.memory_space<semaphore_mem>>)
      %dma_wait3A_34 = arith.constant 0 : i32
      %dma_wait3A_35 = tpu.memref_slice %arg3[%sub3A_15, %run_scoped3A_17, %dma_wait3A_34] : memref<2560x2x128xi32, #tpu.memory_space<hbm>> -> memref<1x1x128xi32, #tpu.memory_space<hbm>>
      %dma_wait3A_36 = tpu.memref_squeeze %dma_wait3A_35 : memref<1x1x128xi32, #tpu.memory_space<hbm>> -> memref<128xi32, #tpu.memory_space<hbm>>
      %dma_wait3A_37 = arith.constant 0 : i32
      %dma_wait3A_38 = tpu.memref_slice %arg3[%sub3A_15, %run_scoped3A_17, %dma_wait3A_37] : memref<2560x2x128xi32, #tpu.memory_space<hbm>> -> memref<1x1x128xi32, #tpu.memory_space<hbm>>
      %dma_wait3A_39 = tpu.memref_squeeze %dma_wait3A_38 : memref<1x1x128xi32, #tpu.memory_space<hbm>> -> memref<128xi32, #tpu.memory_space<hbm>>
      tpu.wait_dma2 semaphore(%run_scoped3A_27 : memref<!tpu.dma_semaphore, #tpu.memory_space<semaphore_mem>>) src(%dma_wait3A_39 : memref<128xi32, #tpu.memory_space<hbm>>) dst(%arg8 : memref<128xi32, #tpu.memory_space<vmem>>)
      tpu.yield
    }) : () -> ()
    %dma_wait3A = arith.constant 0 : i32
    %dma_wait3A_18 = arith.constant 0 : i32
    %dma_wait3A_19 = tpu.memref_slice %arg2[%dma_wait3A, %dma_wait3A_18] : memref<10240x128xf32, #tpu.memory_space<hbm>> -> memref<10240x128xf32, #tpu.memory_space<hbm>>
    tpu.wait_indirect_dma semaphore(%arg12 : memref<!tpu.dma_semaphore, #tpu.memory_space<semaphore_mem>>) src(%dma_wait3A_19 : memref<10240x128xf32, #tpu.memory_space<hbm>>) dst(%arg9 : memref<128x128xf32, #tpu.memory_space<vmem>>)
    %dma_start3A_20 = arith.constant 0 : i32
    %dma_start3A_21 = arith.constant 0 : i32
    %dma_start3A_22 = tpu.memref_slice %arg2[%dma_start3A_20, %dma_start3A_21] : memref<10240x128xf32, #tpu.memory_space<hbm>> -> memref<10240x128xf32, #tpu.memory_space<hbm>>
    tpu.enqueue_indirect_dma source(%dma_start3A_22 : memref<10240x128xf32, #tpu.memory_space<hbm>>) target(%arg10 : memref<128x128xf32, #tpu.memory_space<vmem>>) offsets(%arg6 : memref<128xi32, #tpu.memory_space<vmem>>) semaphore(%arg13 : memref<!tpu.dma_semaphore, #tpu.memory_space<semaphore_mem>>)
    "tpu.region"() ({
      %run_scoped3A_27 = tpu.sem_alloc : memref<!tpu.dma_semaphore, #tpu.memory_space<semaphore_mem>>
      %dma_start3A_28 = arith.constant 0 : i32
      %dma_start3A_29 = arith.constant 0 : i32
      %dma_start3A_30 = tpu.memref_slice %arg11[%dma_start3A_28, %dma_start3A_29] : memref<10240x128xf32, #tpu.memory_space<vmem_shared>> -> memref<10240x128xf32, #tpu.memory_space<vmem_shared>>
      tpu.enqueue_indirect_dma source(%arg9 : memref<128x128xf32, #tpu.memory_space<vmem>>) target(%dma_start3A_30 : memref<10240x128xf32, #tpu.memory_space<vmem_shared>>) offsets(%arg7 : memref<128xi32, #tpu.memory_space<vmem>>) semaphore(%run_scoped3A_27 : memref<!tpu.dma_semaphore, #tpu.memory_space<semaphore_mem>>) {add = true}
      %dma_wait3A_31 = arith.constant 0 : i32
      %dma_wait3A_32 = arith.constant 0 : i32
      %dma_wait3A_33 = tpu.memref_slice %arg11[%dma_wait3A_31, %dma_wait3A_32] : memref<10240x128xf32, #tpu.memory_space<vmem_shared>> -> memref<10240x128xf32, #tpu.memory_space<vmem_shared>>
      tpu.wait_indirect_dma semaphore(%run_scoped3A_27 : memref<!tpu.dma_semaphore, #tpu.memory_space<semaphore_mem>>) src(%arg9 : memref<128x128xf32, #tpu.memory_space<vmem>>) dst(%dma_wait3A_33 : memref<10240x128xf32, #tpu.memory_space<vmem_shared>>)
      tpu.yield
    }) : () -> ()
    %dma_wait3A_23 = arith.constant 0 : i32
    %dma_wait3A_24 = arith.constant 0 : i32
    %dma_wait3A_25 = tpu.memref_slice %arg2[%dma_wait3A_23, %dma_wait3A_24] : memref<10240x128xf32, #tpu.memory_space<hbm>> -> memref<10240x128xf32, #tpu.memory_space<hbm>>
    tpu.wait_indirect_dma semaphore(%arg13 : memref<!tpu.dma_semaphore, #tpu.memory_space<semaphore_mem>>) src(%dma_wait3A_25 : memref<10240x128xf32, #tpu.memory_space<hbm>>) dst(%arg10 : memref<128x128xf32, #tpu.memory_space<vmem>>)
    "tpu.region"() ({
      %run_scoped3A_27 = tpu.sem_alloc : memref<!tpu.dma_semaphore, #tpu.memory_space<semaphore_mem>>
      %dma_start3A_28 = arith.constant 0 : i32
      %dma_start3A_29 = arith.constant 0 : i32
      %dma_start3A_30 = tpu.memref_slice %arg11[%dma_start3A_28, %dma_start3A_29] : memref<10240x128xf32, #tpu.memory_space<vmem_shared>> -> memref<10240x128xf32, #tpu.memory_space<vmem_shared>>
      tpu.enqueue_indirect_dma source(%arg10 : memref<128x128xf32, #tpu.memory_space<vmem>>) target(%dma_start3A_30 : memref<10240x128xf32, #tpu.memory_space<vmem_shared>>) offsets(%arg8 : memref<128xi32, #tpu.memory_space<vmem>>) semaphore(%run_scoped3A_27 : memref<!tpu.dma_semaphore, #tpu.memory_space<semaphore_mem>>) {add = true}
      %dma_wait3A_31 = arith.constant 0 : i32
      %dma_wait3A_32 = arith.constant 0 : i32
      %dma_wait3A_33 = tpu.memref_slice %arg11[%dma_wait3A_31, %dma_wait3A_32] : memref<10240x128xf32, #tpu.memory_space<vmem_shared>> -> memref<10240x128xf32, #tpu.memory_space<vmem_shared>>
      tpu.wait_indirect_dma semaphore(%run_scoped3A_27 : memref<!tpu.dma_semaphore, #tpu.memory_space<semaphore_mem>>) src(%arg10 : memref<128x128xf32, #tpu.memory_space<vmem>>) dst(%dma_wait3A_33 : memref<10240x128xf32, #tpu.memory_space<vmem_shared>>)
      tpu.yield
    }) : () -> ()
    %barrier3A_26 = arith.constant 0 : index
    tpu.barrier barrier_id(%barrier3A_26)
    "tpu.region"() ({
      %run_scoped3A_27 = tpu.sem_alloc : memref<!tpu.dma_semaphore, #tpu.memory_space<semaphore_mem>>
      %dma_start3A_28 = arith.constant 0 : i32
      %dma_start3A_29 = tpu.memref_slice %arg4[%arg0, %mul3A_0, %dma_start3A_28] : memref<2x10240x128xf32, #tpu.memory_space<hbm>> -> memref<1x640x128xf32, #tpu.memory_space<hbm>>
      %dma_start3A_30 = tpu.memref_squeeze %dma_start3A_29 : memref<1x640x128xf32, #tpu.memory_space<hbm>> -> memref<640x128xf32, #tpu.memory_space<hbm>>
      %dma_start3A_31 = arith.constant 0 : i32
      %dma_start3A_32 = tpu.memref_slice %arg11[%mul3A_0, %dma_start3A_31] : memref<10240x128xf32, #tpu.memory_space<vmem_shared>> -> memref<640x128xf32, #tpu.memory_space<vmem_shared>>
      tpu.enqueue_dma source(%dma_start3A_32 : memref<640x128xf32, #tpu.memory_space<vmem_shared>>) target(%dma_start3A_30 : memref<640x128xf32, #tpu.memory_space<hbm>>) target_semaphore(%run_scoped3A_27 : memref<!tpu.dma_semaphore, #tpu.memory_space<semaphore_mem>>)
      %dma_wait3A_33 = arith.constant 0 : i32
      %dma_wait3A_34 = tpu.memref_slice %arg4[%arg0, %mul3A_0, %dma_wait3A_33] : memref<2x10240x128xf32, #tpu.memory_space<hbm>> -> memref<1x640x128xf32, #tpu.memory_space<hbm>>
      %dma_wait3A_35 = tpu.memref_squeeze %dma_wait3A_34 : memref<1x640x128xf32, #tpu.memory_space<hbm>> -> memref<640x128xf32, #tpu.memory_space<hbm>>
      %dma_wait3A_36 = arith.constant 0 : i32
      %dma_wait3A_37 = tpu.memref_slice %arg11[%mul3A_0, %dma_wait3A_36] : memref<10240x128xf32, #tpu.memory_space<vmem_shared>> -> memref<640x128xf32, #tpu.memory_space<vmem_shared>>
      tpu.wait_dma2 semaphore(%run_scoped3A_27 : memref<!tpu.dma_semaphore, #tpu.memory_space<semaphore_mem>>) src(%dma_wait3A_37 : memref<640x128xf32, #tpu.memory_space<vmem_shared>>) dst(%dma_wait3A_35 : memref<640x128xf32, #tpu.memory_space<hbm>>)
      tpu.yield
    }) : () -> ()
    return
  }
}

#map = affine_map<(d0, d1) -> (0, 0)>
#map1 = affine_map<(d0, d1) -> (0, 0, 0)>
module attributes {stable_mosaic.version = 14 : i64} {
  func.func @k(%arg0: i32, %arg1: i32, %arg2: memref<10240x128xf32, #tpu.memory_space<hbm>>, %arg3: memref<2560x2x128xi32, #tpu.memory_space<hbm>>, %arg4: memref<2x10240x128xf32, #tpu.memory_space<hbm>>, %arg5: memref<128xi32, #tpu.memory_space<vmem>>, %arg6: memref<128xi32, #tpu.memory_space<vmem>>, %arg7: memref<128xi32, #tpu.memory_space<vmem>>, %arg8: memref<128xi32, #tpu.memory_space<vmem>>, %arg9: memref<128x128xf32, #tpu.memory_space<vmem>>, %arg10: memref<128x128xf32, #tpu.memory_space<vmem>>, %arg11: memref<10240x128xf32, #tpu.memory_space<vmem_shared>>, %arg12: memref<!tpu.dma_semaphore, #tpu.memory_space<semaphore_mem>>, %arg13: memref<!tpu.dma_semaphore, #tpu.memory_space<semaphore_mem>>) attributes {dimension_semantics = [#tpu.dimension_semantics<core_parallel>, #tpu.dimension_semantics<subcore_parallel>], iteration_bounds = array<i64: 2, 16>, scalar_prefetch = 0 : i64, scratch_operands = 9 : i64, tpu.core_type = #tpu.core_type<sc_vector_subcore>, window_params = [{transform_indices = #map}, {transform_indices = #map1}, {transform_indices = #map1}]} {
    %mul3A = arith.constant 640 : i32
    %mul3A_0 = arith.muli %arg1, %mul3A : i32
    "tpu.region"() ({
      %run_scoped3A_27 = tpu.sem_alloc : memref<!tpu.dma_semaphore, #tpu.memory_space<semaphore_mem>>
      %dma_start3A_28 = arith.constant 0 : i32
      %dma_start3A_29 = tpu.memref_slice %arg11[%mul3A_0, %dma_start3A_28] : memref<10240x128xf32, #tpu.memory_space<vmem_shared>> -> memref<640x128xf32, #tpu.memory_space<vmem_shared>>
      %dma_start3A_30 = arith.constant 0 : i32
      %dma_start3A_31 = tpu.memref_slice %arg2[%mul3A_0, %dma_start3A_30] : memref<10240x128xf32, #tpu.memory_space<hbm>> -> memref<640x128xf32, #tpu.memory_space<hbm>>
      tpu.enqueue_dma source(%dma_start3A_31 : memref<640x128xf32, #tpu.memory_space<hbm>>) target(%dma_start3A_29 : memref<640x128xf32, #tpu.memory_space<vmem_shared>>) target_semaphore(%run_scoped3A_27 : memref<!tpu.dma_semaphore, #tpu.memory_space<semaphore_mem>>)
      %dma_wait3A_32 = arith.constant 0 : i32
      %dma_wait3A_33 = tpu.memref_slice %arg11[%mul3A_0, %dma_wait3A_32] : memref<10240x128xf32, #tpu.memory_space<vmem_shared>> -> memref<640x128xf32, #tpu.memory_space<vmem_shared>>
      %dma_wait3A_34 = arith.constant 0 : i32
      %dma_wait3A_35 = tpu.memref_slice %arg2[%mul3A_0, %dma_wait3A_34] : memref<10240x128xf32, #tpu.memory_space<hbm>> -> memref<640x128xf32, #tpu.memory_space<hbm>>
      tpu.wait_dma2 semaphore(%run_scoped3A_27 : memref<!tpu.dma_semaphore, #tpu.memory_space<semaphore_mem>>) src(%dma_wait3A_35 : memref<640x128xf32, #tpu.memory_space<hbm>>) dst(%dma_wait3A_33 : memref<640x128xf32, #tpu.memory_space<vmem_shared>>)
      tpu.yield
    }) : () -> ()
    %barrier3A = arith.constant 0 : index
    tpu.barrier barrier_id(%barrier3A)
    %mul3A_1 = arith.constant 16 : i32
    %mul3A_2 = arith.muli %arg0, %mul3A_1 : i32
    %add3A = arith.addi %mul3A_2, %arg1 : i32
    %mul3A_3 = arith.constant 80 : i32
    %mul3A_4 = arith.muli %add3A, %mul3A_3 : i32
    %run_scoped3A = arith.constant 0 : i32
    "tpu.region"() ({
      %run_scoped3A_27 = tpu.sem_alloc : memref<!tpu.dma_semaphore, #tpu.memory_space<semaphore_mem>>
      %dma_start3A_28 = arith.constant 0 : i32
      %dma_start3A_29 = tpu.memref_slice %arg3[%mul3A_4, %run_scoped3A, %dma_start3A_28] : memref<2560x2x128xi32, #tpu.memory_space<hbm>> -> memref<1x1x128xi32, #tpu.memory_space<hbm>>
      %dma_start3A_30 = tpu.memref_squeeze %dma_start3A_29 : memref<1x1x128xi32, #tpu.memory_space<hbm>> -> memref<128xi32, #tpu.memory_space<hbm>>
      %dma_start3A_31 = arith.constant 0 : i32
      %dma_start3A_32 = tpu.memref_slice %arg3[%mul3A_4, %run_scoped3A, %dma_start3A_31] : memref<2560x2x128xi32, #tpu.memory_space<hbm>> -> memref<1x1x128xi32, #tpu.memory_space<hbm>>
      %dma_start3A_33 = tpu.memref_squeeze %dma_start3A_32 : memref<1x1x128xi32, #tpu.memory_space<hbm>> -> memref<128xi32, #tpu.memory_space<hbm>>
      tpu.enqueue_dma source(%dma_start3A_33 : memref<128xi32, #tpu.memory_space<hbm>>) target(%arg5 : memref<128xi32, #tpu.memory_space<vmem>>) target_semaphore(%run_scoped3A_27 : memref<!tpu.dma_semaphore, #tpu.memory_space<semaphore_mem>>)
      %dma_wait3A_34 = arith.constant 0 : i32
      %dma_wait3A_35 = tpu.memref_slice %arg3[%mul3A_4, %run_scoped3A, %dma_wait3A_34] : memref<2560x2x128xi32, #tpu.memory_space<hbm>> -> memref<1x1x128xi32, #tpu.memory_space<hbm>>
      %dma_wait3A_36 = tpu.memref_squeeze %dma_wait3A_35 : memref<1x1x128xi32, #tpu.memory_space<hbm>> -> memref<128xi32, #tpu.memory_space<hbm>>
      %dma_wait3A_37 = arith.constant 0 : i32
      %dma_wait3A_38 = tpu.memref_slice %arg3[%mul3A_4, %run_scoped3A, %dma_wait3A_37] : memref<2560x2x128xi32, #tpu.memory_space<hbm>> -> memref<1x1x128xi32, #tpu.memory_space<hbm>>
      %dma_wait3A_39 = tpu.memref_squeeze %dma_wait3A_38 : memref<1x1x128xi32, #tpu.memory_space<hbm>> -> memref<128xi32, #tpu.memory_space<hbm>>
      tpu.wait_dma2 semaphore(%run_scoped3A_27 : memref<!tpu.dma_semaphore, #tpu.memory_space<semaphore_mem>>) src(%dma_wait3A_39 : memref<128xi32, #tpu.memory_space<hbm>>) dst(%arg5 : memref<128xi32, #tpu.memory_space<vmem>>)
      tpu.yield
    }) : () -> ()
    %run_scoped3A_5 = arith.constant 1 : i32
    "tpu.region"() ({
      %run_scoped3A_27 = tpu.sem_alloc : memref<!tpu.dma_semaphore, #tpu.memory_space<semaphore_mem>>
      %dma_start3A_28 = arith.constant 0 : i32
      %dma_start3A_29 = tpu.memref_slice %arg3[%mul3A_4, %run_scoped3A_5, %dma_start3A_28] : memref<2560x2x128xi32, #tpu.memory_space<hbm>> -> memref<1x1x128xi32, #tpu.memory_space<hbm>>
      %dma_start3A_30 = tpu.memref_squeeze %dma_start3A_29 : memref<1x1x128xi32, #tpu.memory_space<hbm>> -> memref<128xi32, #tpu.memory_space<hbm>>
      %dma_start3A_31 = arith.constant 0 : i32
      %dma_start3A_32 = tpu.memref_slice %arg3[%mul3A_4, %run_scoped3A_5, %dma_start3A_31] : memref<2560x2x128xi32, #tpu.memory_space<hbm>> -> memref<1x1x128xi32, #tpu.memory_space<hbm>>
      %dma_start3A_33 = tpu.memref_squeeze %dma_start3A_32 : memref<1x1x128xi32, #tpu.memory_space<hbm>> -> memref<128xi32, #tpu.memory_space<hbm>>
      tpu.enqueue_dma source(%dma_start3A_33 : memref<128xi32, #tpu.memory_space<hbm>>) target(%arg7 : memref<128xi32, #tpu.memory_space<vmem>>) target_semaphore(%run_scoped3A_27 : memref<!tpu.dma_semaphore, #tpu.memory_space<semaphore_mem>>)
      %dma_wait3A_34 = arith.constant 0 : i32
      %dma_wait3A_35 = tpu.memref_slice %arg3[%mul3A_4, %run_scoped3A_5, %dma_wait3A_34] : memref<2560x2x128xi32, #tpu.memory_space<hbm>> -> memref<1x1x128xi32, #tpu.memory_space<hbm>>
      %dma_wait3A_36 = tpu.memref_squeeze %dma_wait3A_35 : memref<1x1x128xi32, #tpu.memory_space<hbm>> -> memref<128xi32, #tpu.memory_space<hbm>>
      %dma_wait3A_37 = arith.constant 0 : i32
      %dma_wait3A_38 = tpu.memref_slice %arg3[%mul3A_4, %run_scoped3A_5, %dma_wait3A_37] : memref<2560x2x128xi32, #tpu.memory_space<hbm>> -> memref<1x1x128xi32, #tpu.memory_space<hbm>>
      %dma_wait3A_39 = tpu.memref_squeeze %dma_wait3A_38 : memref<1x1x128xi32, #tpu.memory_space<hbm>> -> memref<128xi32, #tpu.memory_space<hbm>>
      tpu.wait_dma2 semaphore(%run_scoped3A_27 : memref<!tpu.dma_semaphore, #tpu.memory_space<semaphore_mem>>) src(%dma_wait3A_39 : memref<128xi32, #tpu.memory_space<hbm>>) dst(%arg7 : memref<128xi32, #tpu.memory_space<vmem>>)
      tpu.yield
    }) : () -> ()
    %dma_start3A = arith.constant 0 : i32
    %dma_start3A_6 = arith.constant 0 : i32
    %dma_start3A_7 = tpu.memref_slice %arg2[%dma_start3A, %dma_start3A_6] : memref<10240x128xf32, #tpu.memory_space<hbm>> -> memref<10240x128xf32, #tpu.memory_space<hbm>>
    tpu.enqueue_indirect_dma source(%dma_start3A_7 : memref<10240x128xf32, #tpu.memory_space<hbm>>) target(%arg9 : memref<128x128xf32, #tpu.memory_space<vmem>>) offsets(%arg5 : memref<128xi32, #tpu.memory_space<vmem>>) semaphore(%arg12 : memref<!tpu.dma_semaphore, #tpu.memory_space<semaphore_mem>>)
    %scan3A = arith.constant 0 : i32
    %scan3A_8 = arith.constant 0 : i32
    %scan3A_9 = arith.constant 39 : i32
    %scan3A_10 = arith.addi %scan3A_8, %scan3A_9 : i32
    %scan3A_11 = arith.constant 1 : i32
    scf.for %scan3A_27 = %scan3A_8 to %scan3A_10 step %scan3A_11  : i32 {
      %mul3A_28 = arith.constant 2 : i32
      %mul3A_29 = arith.muli %mul3A_28, %scan3A_27 : i32
      %add3A_30 = arith.addi %mul3A_4, %mul3A_29 : i32
      %add3A_31 = arith.constant 1 : i32
      %add3A_32 = arith.addi %add3A_30, %add3A_31 : i32
      %run_scoped3A_33 = arith.constant 0 : i32
      "tpu.region"() ({
        %run_scoped3A_51 = tpu.sem_alloc : memref<!tpu.dma_semaphore, #tpu.memory_space<semaphore_mem>>
        %dma_start3A_52 = arith.constant 0 : i32
        %dma_start3A_53 = tpu.memref_slice %arg3[%add3A_32, %run_scoped3A_33, %dma_start3A_52] : memref<2560x2x128xi32, #tpu.memory_space<hbm>> -> memref<1x1x128xi32, #tpu.memory_space<hbm>>
        %dma_start3A_54 = tpu.memref_squeeze %dma_start3A_53 : memref<1x1x128xi32, #tpu.memory_space<hbm>> -> memref<128xi32, #tpu.memory_space<hbm>>
        %dma_start3A_55 = arith.constant 0 : i32
        %dma_start3A_56 = tpu.memref_slice %arg3[%add3A_32, %run_scoped3A_33, %dma_start3A_55] : memref<2560x2x128xi32, #tpu.memory_space<hbm>> -> memref<1x1x128xi32, #tpu.memory_space<hbm>>
        %dma_start3A_57 = tpu.memref_squeeze %dma_start3A_56 : memref<1x1x128xi32, #tpu.memory_space<hbm>> -> memref<128xi32, #tpu.memory_space<hbm>>
        tpu.enqueue_dma source(%dma_start3A_57 : memref<128xi32, #tpu.memory_space<hbm>>) target(%arg6 : memref<128xi32, #tpu.memory_space<vmem>>) target_semaphore(%run_scoped3A_51 : memref<!tpu.dma_semaphore, #tpu.memory_space<semaphore_mem>>)
        %dma_wait3A_58 = arith.constant 0 : i32
        %dma_wait3A_59 = tpu.memref_slice %arg3[%add3A_32, %run_scoped3A_33, %dma_wait3A_58] : memref<2560x2x128xi32, #tpu.memory_space<hbm>> -> memref<1x1x128xi32, #tpu.memory_space<hbm>>
        %dma_wait3A_60 = tpu.memref_squeeze %dma_wait3A_59 : memref<1x1x128xi32, #tpu.memory_space<hbm>> -> memref<128xi32, #tpu.memory_space<hbm>>
        %dma_wait3A_61 = arith.constant 0 : i32
        %dma_wait3A_62 = tpu.memref_slice %arg3[%add3A_32, %run_scoped3A_33, %dma_wait3A_61] : memref<2560x2x128xi32, #tpu.memory_space<hbm>> -> memref<1x1x128xi32, #tpu.memory_space<hbm>>
        %dma_wait3A_63 = tpu.memref_squeeze %dma_wait3A_62 : memref<1x1x128xi32, #tpu.memory_space<hbm>> -> memref<128xi32, #tpu.memory_space<hbm>>
        tpu.wait_dma2 semaphore(%run_scoped3A_51 : memref<!tpu.dma_semaphore, #tpu.memory_space<semaphore_mem>>) src(%dma_wait3A_63 : memref<128xi32, #tpu.memory_space<hbm>>) dst(%arg6 : memref<128xi32, #tpu.memory_space<vmem>>)
        tpu.yield
      }) : () -> ()
      %run_scoped3A_34 = arith.constant 1 : i32
      "tpu.region"() ({
        %run_scoped3A_51 = tpu.sem_alloc : memref<!tpu.dma_semaphore, #tpu.memory_space<semaphore_mem>>
        %dma_start3A_52 = arith.constant 0 : i32
        %dma_start3A_53 = tpu.memref_slice %arg3[%add3A_32, %run_scoped3A_34, %dma_start3A_52] : memref<2560x2x128xi32, #tpu.memory_space<hbm>> -> memref<1x1x128xi32, #tpu.memory_space<hbm>>
        %dma_start3A_54 = tpu.memref_squeeze %dma_start3A_53 : memref<1x1x128xi32, #tpu.memory_space<hbm>> -> memref<128xi32, #tpu.memory_space<hbm>>
        %dma_start3A_55 = arith.constant 0 : i32
        %dma_start3A_56 = tpu.memref_slice %arg3[%add3A_32, %run_scoped3A_34, %dma_start3A_55] : memref<2560x2x128xi32, #tpu.memory_space<hbm>> -> memref<1x1x128xi32, #tpu.memory_space<hbm>>
        %dma_start3A_57 = tpu.memref_squeeze %dma_start3A_56 : memref<1x1x128xi32, #tpu.memory_space<hbm>> -> memref<128xi32, #tpu.memory_space<hbm>>
        tpu.enqueue_dma source(%dma_start3A_57 : memref<128xi32, #tpu.memory_space<hbm>>) target(%arg8 : memref<128xi32, #tpu.memory_space<vmem>>) target_semaphore(%run_scoped3A_51 : memref<!tpu.dma_semaphore, #tpu.memory_space<semaphore_mem>>)
        %dma_wait3A_58 = arith.constant 0 : i32
        %dma_wait3A_59 = tpu.memref_slice %arg3[%add3A_32, %run_scoped3A_34, %dma_wait3A_58] : memref<2560x2x128xi32, #tpu.memory_space<hbm>> -> memref<1x1x128xi32, #tpu.memory_space<hbm>>
        %dma_wait3A_60 = tpu.memref_squeeze %dma_wait3A_59 : memref<1x1x128xi32, #tpu.memory_space<hbm>> -> memref<128xi32, #tpu.memory_space<hbm>>
        %dma_wait3A_61 = arith.constant 0 : i32
        %dma_wait3A_62 = tpu.memref_slice %arg3[%add3A_32, %run_scoped3A_34, %dma_wait3A_61] : memref<2560x2x128xi32, #tpu.memory_space<hbm>> -> memref<1x1x128xi32, #tpu.memory_space<hbm>>
        %dma_wait3A_63 = tpu.memref_squeeze %dma_wait3A_62 : memref<1x1x128xi32, #tpu.memory_space<hbm>> -> memref<128xi32, #tpu.memory_space<hbm>>
        tpu.wait_dma2 semaphore(%run_scoped3A_51 : memref<!tpu.dma_semaphore, #tpu.memory_space<semaphore_mem>>) src(%dma_wait3A_63 : memref<128xi32, #tpu.memory_space<hbm>>) dst(%arg8 : memref<128xi32, #tpu.memory_space<vmem>>)
        tpu.yield
      }) : () -> ()
      %dma_wait3A_35 = arith.constant 0 : i32
      %dma_wait3A_36 = arith.constant 0 : i32
      %dma_wait3A_37 = tpu.memref_slice %arg2[%dma_wait3A_35, %dma_wait3A_36] : memref<10240x128xf32, #tpu.memory_space<hbm>> -> memref<10240x128xf32, #tpu.memory_space<hbm>>
      tpu.wait_indirect_dma semaphore(%arg12 : memref<!tpu.dma_semaphore, #tpu.memory_space<semaphore_mem>>) src(%dma_wait3A_37 : memref<10240x128xf32, #tpu.memory_space<hbm>>) dst(%arg9 : memref<128x128xf32, #tpu.memory_space<vmem>>)
      %dma_start3A_38 = arith.constant 0 : i32
      %dma_start3A_39 = arith.constant 0 : i32
      %dma_start3A_40 = tpu.memref_slice %arg2[%dma_start3A_38, %dma_start3A_39] : memref<10240x128xf32, #tpu.memory_space<hbm>> -> memref<10240x128xf32, #tpu.memory_space<hbm>>
      tpu.enqueue_indirect_dma source(%dma_start3A_40 : memref<10240x128xf32, #tpu.memory_space<hbm>>) target(%arg10 : memref<128x128xf32, #tpu.memory_space<vmem>>) offsets(%arg6 : memref<128xi32, #tpu.memory_space<vmem>>) semaphore(%arg13 : memref<!tpu.dma_semaphore, #tpu.memory_space<semaphore_mem>>)
      "tpu.region"() ({
        %run_scoped3A_51 = tpu.sem_alloc : memref<!tpu.dma_semaphore, #tpu.memory_space<semaphore_mem>>
        %dma_start3A_52 = arith.constant 0 : i32
        %dma_start3A_53 = arith.constant 0 : i32
        %dma_start3A_54 = tpu.memref_slice %arg11[%dma_start3A_52, %dma_start3A_53] : memref<10240x128xf32, #tpu.memory_space<vmem_shared>> -> memref<10240x128xf32, #tpu.memory_space<vmem_shared>>
        tpu.enqueue_indirect_dma source(%arg9 : memref<128x128xf32, #tpu.memory_space<vmem>>) target(%dma_start3A_54 : memref<10240x128xf32, #tpu.memory_space<vmem_shared>>) offsets(%arg7 : memref<128xi32, #tpu.memory_space<vmem>>) semaphore(%run_scoped3A_51 : memref<!tpu.dma_semaphore, #tpu.memory_space<semaphore_mem>>) {add = true}
        %dma_wait3A_55 = arith.constant 0 : i32
        %dma_wait3A_56 = arith.constant 0 : i32
        %dma_wait3A_57 = tpu.memref_slice %arg11[%dma_wait3A_55, %dma_wait3A_56] : memref<10240x128xf32, #tpu.memory_space<vmem_shared>> -> memref<10240x128xf32, #tpu.memory_space<vmem_shared>>
        tpu.wait_indirect_dma semaphore(%run_scoped3A_51 : memref<!tpu.dma_semaphore, #tpu.memory_space<semaphore_mem>>) src(%arg9 : memref<128x128xf32, #tpu.memory_space<vmem>>) dst(%dma_wait3A_57 : memref<10240x128xf32, #tpu.memory_space<vmem_shared>>)
        tpu.yield
      }) : () -> ()
      %add3A_41 = arith.constant 2 : i32
      %add3A_42 = arith.addi %add3A_30, %add3A_41 : i32
      %run_scoped3A_43 = arith.constant 0 : i32
      "tpu.region"() ({
        %run_scoped3A_51 = tpu.sem_alloc : memref<!tpu.dma_semaphore, #tpu.memory_space<semaphore_mem>>
        %dma_start3A_52 = arith.constant 0 : i32
        %dma_start3A_53 = tpu.memref_slice %arg3[%add3A_42, %run_scoped3A_43, %dma_start3A_52] : memref<2560x2x128xi32, #tpu.memory_space<hbm>> -> memref<1x1x128xi32, #tpu.memory_space<hbm>>
        %dma_start3A_54 = tpu.memref_squeeze %dma_start3A_53 : memref<1x1x128xi32, #tpu.memory_space<hbm>> -> memref<128xi32, #tpu.memory_space<hbm>>
        %dma_start3A_55 = arith.constant 0 : i32
        %dma_start3A_56 = tpu.memref_slice %arg3[%add3A_42, %run_scoped3A_43, %dma_start3A_55] : memref<2560x2x128xi32, #tpu.memory_space<hbm>> -> memref<1x1x128xi32, #tpu.memory_space<hbm>>
        %dma_start3A_57 = tpu.memref_squeeze %dma_start3A_56 : memref<1x1x128xi32, #tpu.memory_space<hbm>> -> memref<128xi32, #tpu.memory_space<hbm>>
        tpu.enqueue_dma source(%dma_start3A_57 : memref<128xi32, #tpu.memory_space<hbm>>) target(%arg5 : memref<128xi32, #tpu.memory_space<vmem>>) target_semaphore(%run_scoped3A_51 : memref<!tpu.dma_semaphore, #tpu.memory_space<semaphore_mem>>)
        %dma_wait3A_58 = arith.constant 0 : i32
        %dma_wait3A_59 = tpu.memref_slice %arg3[%add3A_42, %run_scoped3A_43, %dma_wait3A_58] : memref<2560x2x128xi32, #tpu.memory_space<hbm>> -> memref<1x1x128xi32, #tpu.memory_space<hbm>>
        %dma_wait3A_60 = tpu.memref_squeeze %dma_wait3A_59 : memref<1x1x128xi32, #tpu.memory_space<hbm>> -> memref<128xi32, #tpu.memory_space<hbm>>
        %dma_wait3A_61 = arith.constant 0 : i32
        %dma_wait3A_62 = tpu.memref_slice %arg3[%add3A_42, %run_scoped3A_43, %dma_wait3A_61] : memref<2560x2x128xi32, #tpu.memory_space<hbm>> -> memref<1x1x128xi32, #tpu.memory_space<hbm>>
        %dma_wait3A_63 = tpu.memref_squeeze %dma_wait3A_62 : memref<1x1x128xi32, #tpu.memory_space<hbm>> -> memref<128xi32, #tpu.memory_space<hbm>>
        tpu.wait_dma2 semaphore(%run_scoped3A_51 : memref<!tpu.dma_semaphore, #tpu.memory_space<semaphore_mem>>) src(%dma_wait3A_63 : memref<128xi32, #tpu.memory_space<hbm>>) dst(%arg5 : memref<128xi32, #tpu.memory_space<vmem>>)
        tpu.yield
      }) : () -> ()
      %run_scoped3A_44 = arith.constant 1 : i32
      "tpu.region"() ({
        %run_scoped3A_51 = tpu.sem_alloc : memref<!tpu.dma_semaphore, #tpu.memory_space<semaphore_mem>>
        %dma_start3A_52 = arith.constant 0 : i32
        %dma_start3A_53 = tpu.memref_slice %arg3[%add3A_42, %run_scoped3A_44, %dma_start3A_52] : memref<2560x2x128xi32, #tpu.memory_space<hbm>> -> memref<1x1x128xi32, #tpu.memory_space<hbm>>
        %dma_start3A_54 = tpu.memref_squeeze %dma_start3A_53 : memref<1x1x128xi32, #tpu.memory_space<hbm>> -> memref<128xi32, #tpu.memory_space<hbm>>
        %dma_start3A_55 = arith.constant 0 : i32
        %dma_start3A_56 = tpu.memref_slice %arg3[%add3A_42, %run_scoped3A_44, %dma_start3A_55] : memref<2560x2x128xi32, #tpu.memory_space<hbm>> -> memref<1x1x128xi32, #tpu.memory_space<hbm>>
        %dma_start3A_57 = tpu.memref_squeeze %dma_start3A_56 : memref<1x1x128xi32, #tpu.memory_space<hbm>> -> memref<128xi32, #tpu.memory_space<hbm>>
        tpu.enqueue_dma source(%dma_start3A_57 : memref<128xi32, #tpu.memory_space<hbm>>) target(%arg7 : memref<128xi32, #tpu.memory_space<vmem>>) target_semaphore(%run_scoped3A_51 : memref<!tpu.dma_semaphore, #tpu.memory_space<semaphore_mem>>)
        %dma_wait3A_58 = arith.constant 0 : i32
        %dma_wait3A_59 = tpu.memref_slice %arg3[%add3A_42, %run_scoped3A_44, %dma_wait3A_58] : memref<2560x2x128xi32, #tpu.memory_space<hbm>> -> memref<1x1x128xi32, #tpu.memory_space<hbm>>
        %dma_wait3A_60 = tpu.memref_squeeze %dma_wait3A_59 : memref<1x1x128xi32, #tpu.memory_space<hbm>> -> memref<128xi32, #tpu.memory_space<hbm>>
        %dma_wait3A_61 = arith.constant 0 : i32
        %dma_wait3A_62 = tpu.memref_slice %arg3[%add3A_42, %run_scoped3A_44, %dma_wait3A_61] : memref<2560x2x128xi32, #tpu.memory_space<hbm>> -> memref<1x1x128xi32, #tpu.memory_space<hbm>>
        %dma_wait3A_63 = tpu.memref_squeeze %dma_wait3A_62 : memref<1x1x128xi32, #tpu.memory_space<hbm>> -> memref<128xi32, #tpu.memory_space<hbm>>
        tpu.wait_dma2 semaphore(%run_scoped3A_51 : memref<!tpu.dma_semaphore, #tpu.memory_space<semaphore_mem>>) src(%dma_wait3A_63 : memref<128xi32, #tpu.memory_space<hbm>>) dst(%arg7 : memref<128xi32, #tpu.memory_space<vmem>>)
        tpu.yield
      }) : () -> ()
      %dma_wait3A_45 = arith.constant 0 : i32
      %dma_wait3A_46 = arith.constant 0 : i32
      %dma_wait3A_47 = tpu.memref_slice %arg2[%dma_wait3A_45, %dma_wait3A_46] : memref<10240x128xf32, #tpu.memory_space<hbm>> -> memref<10240x128xf32, #tpu.memory_space<hbm>>
      tpu.wait_indirect_dma semaphore(%arg13 : memref<!tpu.dma_semaphore, #tpu.memory_space<semaphore_mem>>) src(%dma_wait3A_47 : memref<10240x128xf32, #tpu.memory_space<hbm>>) dst(%arg10 : memref<128x128xf32, #tpu.memory_space<vmem>>)
      %dma_start3A_48 = arith.constant 0 : i32
      %dma_start3A_49 = arith.constant 0 : i32
      %dma_start3A_50 = tpu.memref_slice %arg2[%dma_start3A_48, %dma_start3A_49] : memref<10240x128xf32, #tpu.memory_space<hbm>> -> memref<10240x128xf32, #tpu.memory_space<hbm>>
      tpu.enqueue_indirect_dma source(%dma_start3A_50 : memref<10240x128xf32, #tpu.memory_space<hbm>>) target(%arg9 : memref<128x128xf32, #tpu.memory_space<vmem>>) offsets(%arg5 : memref<128xi32, #tpu.memory_space<vmem>>) semaphore(%arg12 : memref<!tpu.dma_semaphore, #tpu.memory_space<semaphore_mem>>)
      "tpu.region"() ({
        %run_scoped3A_51 = tpu.sem_alloc : memref<!tpu.dma_semaphore, #tpu.memory_space<semaphore_mem>>
        %dma_start3A_52 = arith.constant 0 : i32
        %dma_start3A_53 = arith.constant 0 : i32
        %dma_start3A_54 = tpu.memref_slice %arg11[%dma_start3A_52, %dma_start3A_53] : memref<10240x128xf32, #tpu.memory_space<vmem_shared>> -> memref<10240x128xf32, #tpu.memory_space<vmem_shared>>
        tpu.enqueue_indirect_dma source(%arg10 : memref<128x128xf32, #tpu.memory_space<vmem>>) target(%dma_start3A_54 : memref<10240x128xf32, #tpu.memory_space<vmem_shared>>) offsets(%arg8 : memref<128xi32, #tpu.memory_space<vmem>>) semaphore(%run_scoped3A_51 : memref<!tpu.dma_semaphore, #tpu.memory_space<semaphore_mem>>) {add = true}
        %dma_wait3A_55 = arith.constant 0 : i32
        %dma_wait3A_56 = arith.constant 0 : i32
        %dma_wait3A_57 = tpu.memref_slice %arg11[%dma_wait3A_55, %dma_wait3A_56] : memref<10240x128xf32, #tpu.memory_space<vmem_shared>> -> memref<10240x128xf32, #tpu.memory_space<vmem_shared>>
        tpu.wait_indirect_dma semaphore(%run_scoped3A_51 : memref<!tpu.dma_semaphore, #tpu.memory_space<semaphore_mem>>) src(%arg10 : memref<128x128xf32, #tpu.memory_space<vmem>>) dst(%dma_wait3A_57 : memref<10240x128xf32, #tpu.memory_space<vmem_shared>>)
        tpu.yield
      }) : () -> ()
    }
    %scan3A_12 = arith.constant 39 : i32
    %add3A_13 = arith.constant 80 : i32
    %add3A_14 = arith.addi %mul3A_4, %add3A_13 : i32
    %sub3A = arith.constant 1 : i32
    %sub3A_15 = arith.subi %add3A_14, %sub3A : i32
    %run_scoped3A_16 = arith.constant 0 : i32
    "tpu.region"() ({
      %run_scoped3A_27 = tpu.sem_alloc : memref<!tpu.dma_semaphore, #tpu.memory_space<semaphore_mem>>
      %dma_start3A_28 = arith.constant 0 : i32
      %dma_start3A_29 = tpu.memref_slice %arg3[%sub3A_15, %run_scoped3A_16, %dma_start3A_28] : memref<2560x2x128xi32, #tpu.memory_space<hbm>> -> memref<1x1x128xi32, #tpu.memory_space<hbm>>
      %dma_start3A_30 = tpu.memref_squeeze %dma_start3A_29 : memref<1x1x128xi32, #tpu.memory_space<hbm>> -> memref<128xi32, #tpu.memory_space<hbm>>
      %dma_start3A_31 = arith.constant 0 : i32
      %dma_start3A_32 = tpu.memref_slice %arg3[%sub3A_15, %run_scoped3A_16, %dma_start3A_31] : memref<2560x2x128xi32, #tpu.memory_space<hbm>> -> memref<1x1x128xi32, #tpu.memory_space<hbm>>
      %dma_start3A_33 = tpu.memref_squeeze %dma_start3A_32 : memref<1x1x128xi32, #tpu.memory_space<hbm>> -> memref<128xi32, #tpu.memory_space<hbm>>
      tpu.enqueue_dma source(%dma_start3A_33 : memref<128xi32, #tpu.memory_space<hbm>>) target(%arg6 : memref<128xi32, #tpu.memory_space<vmem>>) target_semaphore(%run_scoped3A_27 : memref<!tpu.dma_semaphore, #tpu.memory_space<semaphore_mem>>)
      %dma_wait3A_34 = arith.constant 0 : i32
      %dma_wait3A_35 = tpu.memref_slice %arg3[%sub3A_15, %run_scoped3A_16, %dma_wait3A_34] : memref<2560x2x128xi32, #tpu.memory_space<hbm>> -> memref<1x1x128xi32, #tpu.memory_space<hbm>>
      %dma_wait3A_36 = tpu.memref_squeeze %dma_wait3A_35 : memref<1x1x128xi32, #tpu.memory_space<hbm>> -> memref<128xi32, #tpu.memory_space<hbm>>
      %dma_wait3A_37 = arith.constant 0 : i32
      %dma_wait3A_38 = tpu.memref_slice %arg3[%sub3A_15, %run_scoped3A_16, %dma_wait3A_37] : memref<2560x2x128xi32, #tpu.memory_space<hbm>> -> memref<1x1x128xi32, #tpu.memory_space<hbm>>
      %dma_wait3A_39 = tpu.memref_squeeze %dma_wait3A_38 : memref<1x1x128xi32, #tpu.memory_space<hbm>> -> memref<128xi32, #tpu.memory_space<hbm>>
      tpu.wait_dma2 semaphore(%run_scoped3A_27 : memref<!tpu.dma_semaphore, #tpu.memory_space<semaphore_mem>>) src(%dma_wait3A_39 : memref<128xi32, #tpu.memory_space<hbm>>) dst(%arg6 : memref<128xi32, #tpu.memory_space<vmem>>)
      tpu.yield
    }) : () -> ()
    %run_scoped3A_17 = arith.constant 1 : i32
    "tpu.region"() ({
      %run_scoped3A_27 = tpu.sem_alloc : memref<!tpu.dma_semaphore, #tpu.memory_space<semaphore_mem>>
      %dma_start3A_28 = arith.constant 0 : i32
      %dma_start3A_29 = tpu.memref_slice %arg3[%sub3A_15, %run_scoped3A_17, %dma_start3A_28] : memref<2560x2x128xi32, #tpu.memory_space<hbm>> -> memref<1x1x128xi32, #tpu.memory_space<hbm>>
      %dma_start3A_30 = tpu.memref_squeeze %dma_start3A_29 : memref<1x1x128xi32, #tpu.memory_space<hbm>> -> memref<128xi32, #tpu.memory_space<hbm>>
      %dma_start3A_31 = arith.constant 0 : i32
      %dma_start3A_32 = tpu.memref_slice %arg3[%sub3A_15, %run_scoped3A_17, %dma_start3A_31] : memref<2560x2x128xi32, #tpu.memory_space<hbm>> -> memref<1x1x128xi32, #tpu.memory_space<hbm>>
      %dma_start3A_33 = tpu.memref_squeeze %dma_start3A_32 : memref<1x1x128xi32, #tpu.memory_space<hbm>> -> memref<128xi32, #tpu.memory_space<hbm>>
      tpu.enqueue_dma source(%dma_start3A_33 : memref<128xi32, #tpu.memory_space<hbm>>) target(%arg8 : memref<128xi32, #tpu.memory_space<vmem>>) target_semaphore(%run_scoped3A_27 : memref<!tpu.dma_semaphore, #tpu.memory_space<semaphore_mem>>)
      %dma_wait3A_34 = arith.constant 0 : i32
      %dma_wait3A_35 = tpu.memref_slice %arg3[%sub3A_15, %run_scoped3A_17, %dma_wait3A_34] : memref<2560x2x128xi32, #tpu.memory_space<hbm>> -> memref<1x1x128xi32, #tpu.memory_space<hbm>>
      %dma_wait3A_36 = tpu.memref_squeeze %dma_wait3A_35 : memref<1x1x128xi32, #tpu.memory_space<hbm>> -> memref<128xi32, #tpu.memory_space<hbm>>
      %dma_wait3A_37 = arith.constant 0 : i32
      %dma_wait3A_38 = tpu.memref_slice %arg3[%sub3A_15, %run_scoped3A_17, %dma_wait3A_37] : memref<2560x2x128xi32, #tpu.memory_space<hbm>> -> memref<1x1x128xi32, #tpu.memory_space<hbm>>
      %dma_wait3A_39 = tpu.memref_squeeze %dma_wait3A_38 : memref<1x1x128xi32, #tpu.memory_space<hbm>> -> memref<128xi32, #tpu.memory_space<hbm>>
      tpu.wait_dma2 semaphore(%run_scoped3A_27 : memref<!tpu.dma_semaphore, #tpu.memory_space<semaphore_mem>>) src(%dma_wait3A_39 : memref<128xi32, #tpu.memory_space<hbm>>) dst(%arg8 : memref<128xi32, #tpu.memory_space<vmem>>)
      tpu.yield
    }) : () -> ()
    %dma_wait3A = arith.constant 0 : i32
    %dma_wait3A_18 = arith.constant 0 : i32
    %dma_wait3A_19 = tpu.memref_slice %arg2[%dma_wait3A, %dma_wait3A_18] : memref<10240x128xf32, #tpu.memory_space<hbm>> -> memref<10240x128xf32, #tpu.memory_space<hbm>>
    tpu.wait_indirect_dma semaphore(%arg12 : memref<!tpu.dma_semaphore, #tpu.memory_space<semaphore_mem>>) src(%dma_wait3A_19 : memref<10240x128xf32, #tpu.memory_space<hbm>>) dst(%arg9 : memref<128x128xf32, #tpu.memory_space<vmem>>)
    %dma_start3A_20 = arith.constant 0 : i32
    %dma_start3A_21 = arith.constant 0 : i32
    %dma_start3A_22 = tpu.memref_slice %arg2[%dma_start3A_20, %dma_start3A_21] : memref<10240x128xf32, #tpu.memory_space<hbm>> -> memref<10240x128xf32, #tpu.memory_space<hbm>>
    tpu.enqueue_indirect_dma source(%dma_start3A_22 : memref<10240x128xf32, #tpu.memory_space<hbm>>) target(%arg10 : memref<128x128xf32, #tpu.memory_space<vmem>>) offsets(%arg6 : memref<128xi32, #tpu.memory_space<vmem>>) semaphore(%arg13 : memref<!tpu.dma_semaphore, #tpu.memory_space<semaphore_mem>>)
    "tpu.region"() ({
      %run_scoped3A_27 = tpu.sem_alloc : memref<!tpu.dma_semaphore, #tpu.memory_space<semaphore_mem>>
      %dma_start3A_28 = arith.constant 0 : i32
      %dma_start3A_29 = arith.constant 0 : i32
      %dma_start3A_30 = tpu.memref_slice %arg11[%dma_start3A_28, %dma_start3A_29] : memref<10240x128xf32, #tpu.memory_space<vmem_shared>> -> memref<10240x128xf32, #tpu.memory_space<vmem_shared>>
      tpu.enqueue_indirect_dma source(%arg9 : memref<128x128xf32, #tpu.memory_space<vmem>>) target(%dma_start3A_30 : memref<10240x128xf32, #tpu.memory_space<vmem_shared>>) offsets(%arg7 : memref<128xi32, #tpu.memory_space<vmem>>) semaphore(%run_scoped3A_27 : memref<!tpu.dma_semaphore, #tpu.memory_space<semaphore_mem>>) {add = true}
      %dma_wait3A_31 = arith.constant 0 : i32
      %dma_wait3A_32 = arith.constant 0 : i32
      %dma_wait3A_33 = tpu.memref_slice %arg11[%dma_wait3A_31, %dma_wait3A_32] : memref<10240x128xf32, #tpu.memory_space<vmem_shared>> -> memref<10240x128xf32, #tpu.memory_space<vmem_shared>>
      tpu.wait_indirect_dma semaphore(%run_scoped3A_27 : memref<!tpu.dma_semaphore, #tpu.memory_space<semaphore_mem>>) src(%arg9 : memref<128x128xf32, #tpu.memory_space<vmem>>) dst(%dma_wait3A_33 : memref<10240x128xf32, #tpu.memory_space<vmem_shared>>)
      tpu.yield
    }) : () -> ()
    %dma_wait3A_23 = arith.constant 0 : i32
    %dma_wait3A_24 = arith.constant 0 : i32
    %dma_wait3A_25 = tpu.memref_slice %arg2[%dma_wait3A_23, %dma_wait3A_24] : memref<10240x128xf32, #tpu.memory_space<hbm>> -> memref<10240x128xf32, #tpu.memory_space<hbm>>
    tpu.wait_indirect_dma semaphore(%arg13 : memref<!tpu.dma_semaphore, #tpu.memory_space<semaphore_mem>>) src(%dma_wait3A_25 : memref<10240x128xf32, #tpu.memory_space<hbm>>) dst(%arg10 : memref<128x128xf32, #tpu.memory_space<vmem>>)
    "tpu.region"() ({
      %run_scoped3A_27 = tpu.sem_alloc : memref<!tpu.dma_semaphore, #tpu.memory_space<semaphore_mem>>
      %dma_start3A_28 = arith.constant 0 : i32
      %dma_start3A_29 = arith.constant 0 : i32
      %dma_start3A_30 = tpu.memref_slice %arg11[%dma_start3A_28, %dma_start3A_29] : memref<10240x128xf32, #tpu.memory_space<vmem_shared>> -> memref<10240x128xf32, #tpu.memory_space<vmem_shared>>
      tpu.enqueue_indirect_dma source(%arg10 : memref<128x128xf32, #tpu.memory_space<vmem>>) target(%dma_start3A_30 : memref<10240x128xf32, #tpu.memory_space<vmem_shared>>) offsets(%arg8 : memref<128xi32, #tpu.memory_space<vmem>>) semaphore(%run_scoped3A_27 : memref<!tpu.dma_semaphore, #tpu.memory_space<semaphore_mem>>) {add = true}
      %dma_wait3A_31 = arith.constant 0 : i32
      %dma_wait3A_32 = arith.constant 0 : i32
      %dma_wait3A_33 = tpu.memref_slice %arg11[%dma_wait3A_31, %dma_wait3A_32] : memref<10240x128xf32, #tpu.memory_space<vmem_shared>> -> memref<10240x128xf32, #tpu.memory_space<vmem_shared>>
      tpu.wait_indirect_dma semaphore(%run_scoped3A_27 : memref<!tpu.dma_semaphore, #tpu.memory_space<semaphore_mem>>) src(%arg10 : memref<128x128xf32, #tpu.memory_space<vmem>>) dst(%dma_wait3A_33 : memref<10240x128xf32, #tpu.memory_space<vmem_shared>>)
      tpu.yield
    }) : () -> ()
    %barrier3A_26 = arith.constant 0 : index
    tpu.barrier barrier_id(%barrier3A_26)
    "tpu.region"() ({
      %run_scoped3A_27 = tpu.sem_alloc : memref<!tpu.dma_semaphore, #tpu.memory_space<semaphore_mem>>
      %dma_start3A_28 = arith.constant 0 : i32
      %dma_start3A_29 = tpu.memref_slice %arg4[%arg0, %mul3A_0, %dma_start3A_28] : memref<2x10240x128xf32, #tpu.memory_space<hbm>> -> memref<1x640x128xf32, #tpu.memory_space<hbm>>
      %dma_start3A_30 = tpu.memref_squeeze %dma_start3A_29 : memref<1x640x128xf32, #tpu.memory_space<hbm>> -> memref<640x128xf32, #tpu.memory_space<hbm>>
      %dma_start3A_31 = arith.constant 0 : i32
      %dma_start3A_32 = tpu.memref_slice %arg11[%mul3A_0, %dma_start3A_31] : memref<10240x128xf32, #tpu.memory_space<vmem_shared>> -> memref<640x128xf32, #tpu.memory_space<vmem_shared>>
      tpu.enqueue_dma source(%dma_start3A_32 : memref<640x128xf32, #tpu.memory_space<vmem_shared>>) target(%dma_start3A_30 : memref<640x128xf32, #tpu.memory_space<hbm>>) target_semaphore(%run_scoped3A_27 : memref<!tpu.dma_semaphore, #tpu.memory_space<semaphore_mem>>)
      %dma_wait3A_33 = arith.constant 0 : i32
      %dma_wait3A_34 = tpu.memref_slice %arg4[%arg0, %mul3A_0, %dma_wait3A_33] : memref<2x10240x128xf32, #tpu.memory_space<hbm>> -> memref<1x640x128xf32, #tpu.memory_space<hbm>>
      %dma_wait3A_35 = tpu.memref_squeeze %dma_wait3A_34 : memref<1x640x128xf32, #tpu.memory_space<hbm>> -> memref<640x128xf32, #tpu.memory_space<hbm>>
      %dma_wait3A_36 = arith.constant 0 : i32
      %dma_wait3A_37 = tpu.memref_slice %arg11[%mul3A_0, %dma_wait3A_36] : memref<10240x128xf32, #tpu.memory_space<vmem_shared>> -> memref<640x128xf32, #tpu.memory_space<vmem_shared>>
      tpu.wait_dma2 semaphore(%run_scoped3A_27 : memref<!tpu.dma_semaphore, #tpu.memory_space<semaphore_mem>>) src(%dma_wait3A_37 : memref<640x128xf32, #tpu.memory_space<vmem_shared>>) dst(%dma_wait3A_35 : memref<640x128xf32, #tpu.memory_space<hbm>>)
      tpu.yield
    }) : () -> ()
    return
  }
}

#map = affine_map<(d0, d1) -> (0, 0)>
#map1 = affine_map<(d0, d1) -> (0, 0, 0)>
module attributes {stable_mosaic.version = 14 : i64} {
  func.func @k(%arg0: i32, %arg1: i32, %arg2: memref<10240x128xf32, #tpu.memory_space<hbm>>, %arg3: memref<2560x2x128xi32, #tpu.memory_space<hbm>>, %arg4: memref<2x10240x128xf32, #tpu.memory_space<hbm>>, %arg5: memref<128xi32, #tpu.memory_space<vmem>>, %arg6: memref<128xi32, #tpu.memory_space<vmem>>, %arg7: memref<128xi32, #tpu.memory_space<vmem>>, %arg8: memref<128xi32, #tpu.memory_space<vmem>>, %arg9: memref<128x128xf32, #tpu.memory_space<vmem>>, %arg10: memref<128x128xf32, #tpu.memory_space<vmem>>, %arg11: memref<10240x128xf32, #tpu.memory_space<vmem_shared>>, %arg12: memref<!tpu.dma_semaphore, #tpu.memory_space<semaphore_mem>>, %arg13: memref<!tpu.dma_semaphore, #tpu.memory_space<semaphore_mem>>) attributes {dimension_semantics = [#tpu.dimension_semantics<core_parallel>, #tpu.dimension_semantics<subcore_parallel>], iteration_bounds = array<i64: 2, 16>, scalar_prefetch = 0 : i64, scratch_operands = 9 : i64, tpu.core_type = #tpu.core_type<sc_vector_subcore>, window_params = [{transform_indices = #map}, {transform_indices = #map1}, {transform_indices = #map1}]} {
    %mul3A = arith.constant 640 : i32
    %mul3A_0 = arith.muli %arg1, %mul3A : i32
    "tpu.region"() ({
      %run_scoped3A_27 = tpu.sem_alloc : memref<!tpu.dma_semaphore, #tpu.memory_space<semaphore_mem>>
      %dma_start3A_28 = arith.constant 0 : i32
      %dma_start3A_29 = tpu.memref_slice %arg11[%mul3A_0, %dma_start3A_28] : memref<10240x128xf32, #tpu.memory_space<vmem_shared>> -> memref<640x128xf32, #tpu.memory_space<vmem_shared>>
      %dma_start3A_30 = arith.constant 0 : i32
      %dma_start3A_31 = tpu.memref_slice %arg2[%mul3A_0, %dma_start3A_30] : memref<10240x128xf32, #tpu.memory_space<hbm>> -> memref<640x128xf32, #tpu.memory_space<hbm>>
      tpu.enqueue_dma source(%dma_start3A_31 : memref<640x128xf32, #tpu.memory_space<hbm>>) target(%dma_start3A_29 : memref<640x128xf32, #tpu.memory_space<vmem_shared>>) target_semaphore(%run_scoped3A_27 : memref<!tpu.dma_semaphore, #tpu.memory_space<semaphore_mem>>)
      %dma_wait3A_32 = arith.constant 0 : i32
      %dma_wait3A_33 = tpu.memref_slice %arg11[%mul3A_0, %dma_wait3A_32] : memref<10240x128xf32, #tpu.memory_space<vmem_shared>> -> memref<640x128xf32, #tpu.memory_space<vmem_shared>>
      %dma_wait3A_34 = arith.constant 0 : i32
      %dma_wait3A_35 = tpu.memref_slice %arg2[%mul3A_0, %dma_wait3A_34] : memref<10240x128xf32, #tpu.memory_space<hbm>> -> memref<640x128xf32, #tpu.memory_space<hbm>>
      tpu.wait_dma2 semaphore(%run_scoped3A_27 : memref<!tpu.dma_semaphore, #tpu.memory_space<semaphore_mem>>) src(%dma_wait3A_35 : memref<640x128xf32, #tpu.memory_space<hbm>>) dst(%dma_wait3A_33 : memref<640x128xf32, #tpu.memory_space<vmem_shared>>)
      tpu.yield
    }) : () -> ()
    %barrier3A = arith.constant 0 : index
    tpu.barrier barrier_id(%barrier3A)
    %mul3A_1 = arith.constant 16 : i32
    %mul3A_2 = arith.muli %arg0, %mul3A_1 : i32
    %add3A = arith.addi %mul3A_2, %arg1 : i32
    %mul3A_3 = arith.constant 80 : i32
    %mul3A_4 = arith.muli %add3A, %mul3A_3 : i32
    %run_scoped3A = arith.constant 0 : i32
    "tpu.region"() ({
      %run_scoped3A_27 = tpu.sem_alloc : memref<!tpu.dma_semaphore, #tpu.memory_space<semaphore_mem>>
      %dma_start3A_28 = arith.constant 0 : i32
      %dma_start3A_29 = tpu.memref_slice %arg3[%mul3A_4, %run_scoped3A, %dma_start3A_28] : memref<2560x2x128xi32, #tpu.memory_space<hbm>> -> memref<1x1x128xi32, #tpu.memory_space<hbm>>
      %dma_start3A_30 = tpu.memref_squeeze %dma_start3A_29 : memref<1x1x128xi32, #tpu.memory_space<hbm>> -> memref<128xi32, #tpu.memory_space<hbm>>
      %dma_start3A_31 = arith.constant 0 : i32
      %dma_start3A_32 = tpu.memref_slice %arg3[%mul3A_4, %run_scoped3A, %dma_start3A_31] : memref<2560x2x128xi32, #tpu.memory_space<hbm>> -> memref<1x1x128xi32, #tpu.memory_space<hbm>>
      %dma_start3A_33 = tpu.memref_squeeze %dma_start3A_32 : memref<1x1x128xi32, #tpu.memory_space<hbm>> -> memref<128xi32, #tpu.memory_space<hbm>>
      tpu.enqueue_dma source(%dma_start3A_33 : memref<128xi32, #tpu.memory_space<hbm>>) target(%arg5 : memref<128xi32, #tpu.memory_space<vmem>>) target_semaphore(%run_scoped3A_27 : memref<!tpu.dma_semaphore, #tpu.memory_space<semaphore_mem>>)
      %dma_wait3A_34 = arith.constant 0 : i32
      %dma_wait3A_35 = tpu.memref_slice %arg3[%mul3A_4, %run_scoped3A, %dma_wait3A_34] : memref<2560x2x128xi32, #tpu.memory_space<hbm>> -> memref<1x1x128xi32, #tpu.memory_space<hbm>>
      %dma_wait3A_36 = tpu.memref_squeeze %dma_wait3A_35 : memref<1x1x128xi32, #tpu.memory_space<hbm>> -> memref<128xi32, #tpu.memory_space<hbm>>
      %dma_wait3A_37 = arith.constant 0 : i32
      %dma_wait3A_38 = tpu.memref_slice %arg3[%mul3A_4, %run_scoped3A, %dma_wait3A_37] : memref<2560x2x128xi32, #tpu.memory_space<hbm>> -> memref<1x1x128xi32, #tpu.memory_space<hbm>>
      %dma_wait3A_39 = tpu.memref_squeeze %dma_wait3A_38 : memref<1x1x128xi32, #tpu.memory_space<hbm>> -> memref<128xi32, #tpu.memory_space<hbm>>
      tpu.wait_dma2 semaphore(%run_scoped3A_27 : memref<!tpu.dma_semaphore, #tpu.memory_space<semaphore_mem>>) src(%dma_wait3A_39 : memref<128xi32, #tpu.memory_space<hbm>>) dst(%arg5 : memref<128xi32, #tpu.memory_space<vmem>>)
      tpu.yield
    }) : () -> ()
    %run_scoped3A_5 = arith.constant 1 : i32
    "tpu.region"() ({
      %run_scoped3A_27 = tpu.sem_alloc : memref<!tpu.dma_semaphore, #tpu.memory_space<semaphore_mem>>
      %dma_start3A_28 = arith.constant 0 : i32
      %dma_start3A_29 = tpu.memref_slice %arg3[%mul3A_4, %run_scoped3A_5, %dma_start3A_28] : memref<2560x2x128xi32, #tpu.memory_space<hbm>> -> memref<1x1x128xi32, #tpu.memory_space<hbm>>
      %dma_start3A_30 = tpu.memref_squeeze %dma_start3A_29 : memref<1x1x128xi32, #tpu.memory_space<hbm>> -> memref<128xi32, #tpu.memory_space<hbm>>
      %dma_start3A_31 = arith.constant 0 : i32
      %dma_start3A_32 = tpu.memref_slice %arg3[%mul3A_4, %run_scoped3A_5, %dma_start3A_31] : memref<2560x2x128xi32, #tpu.memory_space<hbm>> -> memref<1x1x128xi32, #tpu.memory_space<hbm>>
      %dma_start3A_33 = tpu.memref_squeeze %dma_start3A_32 : memref<1x1x128xi32, #tpu.memory_space<hbm>> -> memref<128xi32, #tpu.memory_space<hbm>>
      tpu.enqueue_dma source(%dma_start3A_33 : memref<128xi32, #tpu.memory_space<hbm>>) target(%arg7 : memref<128xi32, #tpu.memory_space<vmem>>) target_semaphore(%run_scoped3A_27 : memref<!tpu.dma_semaphore, #tpu.memory_space<semaphore_mem>>)
      %dma_wait3A_34 = arith.constant 0 : i32
      %dma_wait3A_35 = tpu.memref_slice %arg3[%mul3A_4, %run_scoped3A_5, %dma_wait3A_34] : memref<2560x2x128xi32, #tpu.memory_space<hbm>> -> memref<1x1x128xi32, #tpu.memory_space<hbm>>
      %dma_wait3A_36 = tpu.memref_squeeze %dma_wait3A_35 : memref<1x1x128xi32, #tpu.memory_space<hbm>> -> memref<128xi32, #tpu.memory_space<hbm>>
      %dma_wait3A_37 = arith.constant 0 : i32
      %dma_wait3A_38 = tpu.memref_slice %arg3[%mul3A_4, %run_scoped3A_5, %dma_wait3A_37] : memref<2560x2x128xi32, #tpu.memory_space<hbm>> -> memref<1x1x128xi32, #tpu.memory_space<hbm>>
      %dma_wait3A_39 = tpu.memref_squeeze %dma_wait3A_38 : memref<1x1x128xi32, #tpu.memory_space<hbm>> -> memref<128xi32, #tpu.memory_space<hbm>>
      tpu.wait_dma2 semaphore(%run_scoped3A_27 : memref<!tpu.dma_semaphore, #tpu.memory_space<semaphore_mem>>) src(%dma_wait3A_39 : memref<128xi32, #tpu.memory_space<hbm>>) dst(%arg7 : memref<128xi32, #tpu.memory_space<vmem>>)
      tpu.yield
    }) : () -> ()
    %dma_start3A = arith.constant 0 : i32
    %dma_start3A_6 = arith.constant 0 : i32
    %dma_start3A_7 = tpu.memref_slice %arg2[%dma_start3A, %dma_start3A_6] : memref<10240x128xf32, #tpu.memory_space<hbm>> -> memref<10240x128xf32, #tpu.memory_space<hbm>>
    tpu.enqueue_indirect_dma source(%dma_start3A_7 : memref<10240x128xf32, #tpu.memory_space<hbm>>) target(%arg9 : memref<128x128xf32, #tpu.memory_space<vmem>>) offsets(%arg5 : memref<128xi32, #tpu.memory_space<vmem>>) semaphore(%arg12 : memref<!tpu.dma_semaphore, #tpu.memory_space<semaphore_mem>>)
    %scan3A = arith.constant 0 : i32
    %scan3A_8 = arith.constant 0 : i32
    %scan3A_9 = arith.constant 39 : i32
    %scan3A_10 = arith.addi %scan3A_8, %scan3A_9 : i32
    %scan3A_11 = arith.constant 1 : i32
    scf.for %scan3A_27 = %scan3A_8 to %scan3A_10 step %scan3A_11  : i32 {
      %mul3A_28 = arith.constant 2 : i32
      %mul3A_29 = arith.muli %mul3A_28, %scan3A_27 : i32
      %add3A_30 = arith.addi %mul3A_4, %mul3A_29 : i32
      %add3A_31 = arith.constant 1 : i32
      %add3A_32 = arith.addi %add3A_30, %add3A_31 : i32
      %run_scoped3A_33 = arith.constant 0 : i32
      "tpu.region"() ({
        %run_scoped3A_51 = tpu.sem_alloc : memref<!tpu.dma_semaphore, #tpu.memory_space<semaphore_mem>>
        %dma_start3A_52 = arith.constant 0 : i32
        %dma_start3A_53 = tpu.memref_slice %arg3[%add3A_32, %run_scoped3A_33, %dma_start3A_52] : memref<2560x2x128xi32, #tpu.memory_space<hbm>> -> memref<1x1x128xi32, #tpu.memory_space<hbm>>
        %dma_start3A_54 = tpu.memref_squeeze %dma_start3A_53 : memref<1x1x128xi32, #tpu.memory_space<hbm>> -> memref<128xi32, #tpu.memory_space<hbm>>
        %dma_start3A_55 = arith.constant 0 : i32
        %dma_start3A_56 = tpu.memref_slice %arg3[%add3A_32, %run_scoped3A_33, %dma_start3A_55] : memref<2560x2x128xi32, #tpu.memory_space<hbm>> -> memref<1x1x128xi32, #tpu.memory_space<hbm>>
        %dma_start3A_57 = tpu.memref_squeeze %dma_start3A_56 : memref<1x1x128xi32, #tpu.memory_space<hbm>> -> memref<128xi32, #tpu.memory_space<hbm>>
        tpu.enqueue_dma source(%dma_start3A_57 : memref<128xi32, #tpu.memory_space<hbm>>) target(%arg6 : memref<128xi32, #tpu.memory_space<vmem>>) target_semaphore(%run_scoped3A_51 : memref<!tpu.dma_semaphore, #tpu.memory_space<semaphore_mem>>)
        %dma_wait3A_58 = arith.constant 0 : i32
        %dma_wait3A_59 = tpu.memref_slice %arg3[%add3A_32, %run_scoped3A_33, %dma_wait3A_58] : memref<2560x2x128xi32, #tpu.memory_space<hbm>> -> memref<1x1x128xi32, #tpu.memory_space<hbm>>
        %dma_wait3A_60 = tpu.memref_squeeze %dma_wait3A_59 : memref<1x1x128xi32, #tpu.memory_space<hbm>> -> memref<128xi32, #tpu.memory_space<hbm>>
        %dma_wait3A_61 = arith.constant 0 : i32
        %dma_wait3A_62 = tpu.memref_slice %arg3[%add3A_32, %run_scoped3A_33, %dma_wait3A_61] : memref<2560x2x128xi32, #tpu.memory_space<hbm>> -> memref<1x1x128xi32, #tpu.memory_space<hbm>>
        %dma_wait3A_63 = tpu.memref_squeeze %dma_wait3A_62 : memref<1x1x128xi32, #tpu.memory_space<hbm>> -> memref<128xi32, #tpu.memory_space<hbm>>
        tpu.wait_dma2 semaphore(%run_scoped3A_51 : memref<!tpu.dma_semaphore, #tpu.memory_space<semaphore_mem>>) src(%dma_wait3A_63 : memref<128xi32, #tpu.memory_space<hbm>>) dst(%arg6 : memref<128xi32, #tpu.memory_space<vmem>>)
        tpu.yield
      }) : () -> ()
      %run_scoped3A_34 = arith.constant 1 : i32
      "tpu.region"() ({
        %run_scoped3A_51 = tpu.sem_alloc : memref<!tpu.dma_semaphore, #tpu.memory_space<semaphore_mem>>
        %dma_start3A_52 = arith.constant 0 : i32
        %dma_start3A_53 = tpu.memref_slice %arg3[%add3A_32, %run_scoped3A_34, %dma_start3A_52] : memref<2560x2x128xi32, #tpu.memory_space<hbm>> -> memref<1x1x128xi32, #tpu.memory_space<hbm>>
        %dma_start3A_54 = tpu.memref_squeeze %dma_start3A_53 : memref<1x1x128xi32, #tpu.memory_space<hbm>> -> memref<128xi32, #tpu.memory_space<hbm>>
        %dma_start3A_55 = arith.constant 0 : i32
        %dma_start3A_56 = tpu.memref_slice %arg3[%add3A_32, %run_scoped3A_34, %dma_start3A_55] : memref<2560x2x128xi32, #tpu.memory_space<hbm>> -> memref<1x1x128xi32, #tpu.memory_space<hbm>>
        %dma_start3A_57 = tpu.memref_squeeze %dma_start3A_56 : memref<1x1x128xi32, #tpu.memory_space<hbm>> -> memref<128xi32, #tpu.memory_space<hbm>>
        tpu.enqueue_dma source(%dma_start3A_57 : memref<128xi32, #tpu.memory_space<hbm>>) target(%arg8 : memref<128xi32, #tpu.memory_space<vmem>>) target_semaphore(%run_scoped3A_51 : memref<!tpu.dma_semaphore, #tpu.memory_space<semaphore_mem>>)
        %dma_wait3A_58 = arith.constant 0 : i32
        %dma_wait3A_59 = tpu.memref_slice %arg3[%add3A_32, %run_scoped3A_34, %dma_wait3A_58] : memref<2560x2x128xi32, #tpu.memory_space<hbm>> -> memref<1x1x128xi32, #tpu.memory_space<hbm>>
        %dma_wait3A_60 = tpu.memref_squeeze %dma_wait3A_59 : memref<1x1x128xi32, #tpu.memory_space<hbm>> -> memref<128xi32, #tpu.memory_space<hbm>>
        %dma_wait3A_61 = arith.constant 0 : i32
        %dma_wait3A_62 = tpu.memref_slice %arg3[%add3A_32, %run_scoped3A_34, %dma_wait3A_61] : memref<2560x2x128xi32, #tpu.memory_space<hbm>> -> memref<1x1x128xi32, #tpu.memory_space<hbm>>
        %dma_wait3A_63 = tpu.memref_squeeze %dma_wait3A_62 : memref<1x1x128xi32, #tpu.memory_space<hbm>> -> memref<128xi32, #tpu.memory_space<hbm>>
        tpu.wait_dma2 semaphore(%run_scoped3A_51 : memref<!tpu.dma_semaphore, #tpu.memory_space<semaphore_mem>>) src(%dma_wait3A_63 : memref<128xi32, #tpu.memory_space<hbm>>) dst(%arg8 : memref<128xi32, #tpu.memory_space<vmem>>)
        tpu.yield
      }) : () -> ()
      %dma_wait3A_35 = arith.constant 0 : i32
      %dma_wait3A_36 = arith.constant 0 : i32
      %dma_wait3A_37 = tpu.memref_slice %arg2[%dma_wait3A_35, %dma_wait3A_36] : memref<10240x128xf32, #tpu.memory_space<hbm>> -> memref<10240x128xf32, #tpu.memory_space<hbm>>
      tpu.wait_indirect_dma semaphore(%arg12 : memref<!tpu.dma_semaphore, #tpu.memory_space<semaphore_mem>>) src(%dma_wait3A_37 : memref<10240x128xf32, #tpu.memory_space<hbm>>) dst(%arg9 : memref<128x128xf32, #tpu.memory_space<vmem>>)
      %dma_start3A_38 = arith.constant 0 : i32
      %dma_start3A_39 = arith.constant 0 : i32
      %dma_start3A_40 = tpu.memref_slice %arg2[%dma_start3A_38, %dma_start3A_39] : memref<10240x128xf32, #tpu.memory_space<hbm>> -> memref<10240x128xf32, #tpu.memory_space<hbm>>
      tpu.enqueue_indirect_dma source(%dma_start3A_40 : memref<10240x128xf32, #tpu.memory_space<hbm>>) target(%arg10 : memref<128x128xf32, #tpu.memory_space<vmem>>) offsets(%arg6 : memref<128xi32, #tpu.memory_space<vmem>>) semaphore(%arg13 : memref<!tpu.dma_semaphore, #tpu.memory_space<semaphore_mem>>)
      "tpu.region"() ({
        %run_scoped3A_51 = tpu.sem_alloc : memref<!tpu.dma_semaphore, #tpu.memory_space<semaphore_mem>>
        %dma_start3A_52 = arith.constant 0 : i32
        %dma_start3A_53 = arith.constant 0 : i32
        %dma_start3A_54 = tpu.memref_slice %arg11[%dma_start3A_52, %dma_start3A_53] : memref<10240x128xf32, #tpu.memory_space<vmem_shared>> -> memref<10240x128xf32, #tpu.memory_space<vmem_shared>>
        tpu.enqueue_indirect_dma source(%arg9 : memref<128x128xf32, #tpu.memory_space<vmem>>) target(%dma_start3A_54 : memref<10240x128xf32, #tpu.memory_space<vmem_shared>>) offsets(%arg7 : memref<128xi32, #tpu.memory_space<vmem>>) semaphore(%run_scoped3A_51 : memref<!tpu.dma_semaphore, #tpu.memory_space<semaphore_mem>>) {add = true}
        %dma_wait3A_55 = arith.constant 0 : i32
        %dma_wait3A_56 = arith.constant 0 : i32
        %dma_wait3A_57 = tpu.memref_slice %arg11[%dma_wait3A_55, %dma_wait3A_56] : memref<10240x128xf32, #tpu.memory_space<vmem_shared>> -> memref<10240x128xf32, #tpu.memory_space<vmem_shared>>
        tpu.wait_indirect_dma semaphore(%run_scoped3A_51 : memref<!tpu.dma_semaphore, #tpu.memory_space<semaphore_mem>>) src(%arg9 : memref<128x128xf32, #tpu.memory_space<vmem>>) dst(%dma_wait3A_57 : memref<10240x128xf32, #tpu.memory_space<vmem_shared>>)
        tpu.yield
      }) : () -> ()
      %add3A_41 = arith.constant 2 : i32
      %add3A_42 = arith.addi %add3A_30, %add3A_41 : i32
      %run_scoped3A_43 = arith.constant 0 : i32
      "tpu.region"() ({
        %run_scoped3A_51 = tpu.sem_alloc : memref<!tpu.dma_semaphore, #tpu.memory_space<semaphore_mem>>
        %dma_start3A_52 = arith.constant 0 : i32
        %dma_start3A_53 = tpu.memref_slice %arg3[%add3A_42, %run_scoped3A_43, %dma_start3A_52] : memref<2560x2x128xi32, #tpu.memory_space<hbm>> -> memref<1x1x128xi32, #tpu.memory_space<hbm>>
        %dma_start3A_54 = tpu.memref_squeeze %dma_start3A_53 : memref<1x1x128xi32, #tpu.memory_space<hbm>> -> memref<128xi32, #tpu.memory_space<hbm>>
        %dma_start3A_55 = arith.constant 0 : i32
        %dma_start3A_56 = tpu.memref_slice %arg3[%add3A_42, %run_scoped3A_43, %dma_start3A_55] : memref<2560x2x128xi32, #tpu.memory_space<hbm>> -> memref<1x1x128xi32, #tpu.memory_space<hbm>>
        %dma_start3A_57 = tpu.memref_squeeze %dma_start3A_56 : memref<1x1x128xi32, #tpu.memory_space<hbm>> -> memref<128xi32, #tpu.memory_space<hbm>>
        tpu.enqueue_dma source(%dma_start3A_57 : memref<128xi32, #tpu.memory_space<hbm>>) target(%arg5 : memref<128xi32, #tpu.memory_space<vmem>>) target_semaphore(%run_scoped3A_51 : memref<!tpu.dma_semaphore, #tpu.memory_space<semaphore_mem>>)
        %dma_wait3A_58 = arith.constant 0 : i32
        %dma_wait3A_59 = tpu.memref_slice %arg3[%add3A_42, %run_scoped3A_43, %dma_wait3A_58] : memref<2560x2x128xi32, #tpu.memory_space<hbm>> -> memref<1x1x128xi32, #tpu.memory_space<hbm>>
        %dma_wait3A_60 = tpu.memref_squeeze %dma_wait3A_59 : memref<1x1x128xi32, #tpu.memory_space<hbm>> -> memref<128xi32, #tpu.memory_space<hbm>>
        %dma_wait3A_61 = arith.constant 0 : i32
        %dma_wait3A_62 = tpu.memref_slice %arg3[%add3A_42, %run_scoped3A_43, %dma_wait3A_61] : memref<2560x2x128xi32, #tpu.memory_space<hbm>> -> memref<1x1x128xi32, #tpu.memory_space<hbm>>
        %dma_wait3A_63 = tpu.memref_squeeze %dma_wait3A_62 : memref<1x1x128xi32, #tpu.memory_space<hbm>> -> memref<128xi32, #tpu.memory_space<hbm>>
        tpu.wait_dma2 semaphore(%run_scoped3A_51 : memref<!tpu.dma_semaphore, #tpu.memory_space<semaphore_mem>>) src(%dma_wait3A_63 : memref<128xi32, #tpu.memory_space<hbm>>) dst(%arg5 : memref<128xi32, #tpu.memory_space<vmem>>)
        tpu.yield
      }) : () -> ()
      %run_scoped3A_44 = arith.constant 1 : i32
      "tpu.region"() ({
        %run_scoped3A_51 = tpu.sem_alloc : memref<!tpu.dma_semaphore, #tpu.memory_space<semaphore_mem>>
        %dma_start3A_52 = arith.constant 0 : i32
        %dma_start3A_53 = tpu.memref_slice %arg3[%add3A_42, %run_scoped3A_44, %dma_start3A_52] : memref<2560x2x128xi32, #tpu.memory_space<hbm>> -> memref<1x1x128xi32, #tpu.memory_space<hbm>>
        %dma_start3A_54 = tpu.memref_squeeze %dma_start3A_53 : memref<1x1x128xi32, #tpu.memory_space<hbm>> -> memref<128xi32, #tpu.memory_space<hbm>>
        %dma_start3A_55 = arith.constant 0 : i32
        %dma_start3A_56 = tpu.memref_slice %arg3[%add3A_42, %run_scoped3A_44, %dma_start3A_55] : memref<2560x2x128xi32, #tpu.memory_space<hbm>> -> memref<1x1x128xi32, #tpu.memory_space<hbm>>
        %dma_start3A_57 = tpu.memref_squeeze %dma_start3A_56 : memref<1x1x128xi32, #tpu.memory_space<hbm>> -> memref<128xi32, #tpu.memory_space<hbm>>
        tpu.enqueue_dma source(%dma_start3A_57 : memref<128xi32, #tpu.memory_space<hbm>>) target(%arg7 : memref<128xi32, #tpu.memory_space<vmem>>) target_semaphore(%run_scoped3A_51 : memref<!tpu.dma_semaphore, #tpu.memory_space<semaphore_mem>>)
        %dma_wait3A_58 = arith.constant 0 : i32
        %dma_wait3A_59 = tpu.memref_slice %arg3[%add3A_42, %run_scoped3A_44, %dma_wait3A_58] : memref<2560x2x128xi32, #tpu.memory_space<hbm>> -> memref<1x1x128xi32, #tpu.memory_space<hbm>>
        %dma_wait3A_60 = tpu.memref_squeeze %dma_wait3A_59 : memref<1x1x128xi32, #tpu.memory_space<hbm>> -> memref<128xi32, #tpu.memory_space<hbm>>
        %dma_wait3A_61 = arith.constant 0 : i32
        %dma_wait3A_62 = tpu.memref_slice %arg3[%add3A_42, %run_scoped3A_44, %dma_wait3A_61] : memref<2560x2x128xi32, #tpu.memory_space<hbm>> -> memref<1x1x128xi32, #tpu.memory_space<hbm>>
        %dma_wait3A_63 = tpu.memref_squeeze %dma_wait3A_62 : memref<1x1x128xi32, #tpu.memory_space<hbm>> -> memref<128xi32, #tpu.memory_space<hbm>>
        tpu.wait_dma2 semaphore(%run_scoped3A_51 : memref<!tpu.dma_semaphore, #tpu.memory_space<semaphore_mem>>) src(%dma_wait3A_63 : memref<128xi32, #tpu.memory_space<hbm>>) dst(%arg7 : memref<128xi32, #tpu.memory_space<vmem>>)
        tpu.yield
      }) : () -> ()
      %dma_wait3A_45 = arith.constant 0 : i32
      %dma_wait3A_46 = arith.constant 0 : i32
      %dma_wait3A_47 = tpu.memref_slice %arg2[%dma_wait3A_45, %dma_wait3A_46] : memref<10240x128xf32, #tpu.memory_space<hbm>> -> memref<10240x128xf32, #tpu.memory_space<hbm>>
      tpu.wait_indirect_dma semaphore(%arg13 : memref<!tpu.dma_semaphore, #tpu.memory_space<semaphore_mem>>) src(%dma_wait3A_47 : memref<10240x128xf32, #tpu.memory_space<hbm>>) dst(%arg10 : memref<128x128xf32, #tpu.memory_space<vmem>>)
      %dma_start3A_48 = arith.constant 0 : i32
      %dma_start3A_49 = arith.constant 0 : i32
      %dma_start3A_50 = tpu.memref_slice %arg2[%dma_start3A_48, %dma_start3A_49] : memref<10240x128xf32, #tpu.memory_space<hbm>> -> memref<10240x128xf32, #tpu.memory_space<hbm>>
      tpu.enqueue_indirect_dma source(%dma_start3A_50 : memref<10240x128xf32, #tpu.memory_space<hbm>>) target(%arg9 : memref<128x128xf32, #tpu.memory_space<vmem>>) offsets(%arg5 : memref<128xi32, #tpu.memory_space<vmem>>) semaphore(%arg12 : memref<!tpu.dma_semaphore, #tpu.memory_space<semaphore_mem>>)
      "tpu.region"() ({
        %run_scoped3A_51 = tpu.sem_alloc : memref<!tpu.dma_semaphore, #tpu.memory_space<semaphore_mem>>
        %dma_start3A_52 = arith.constant 0 : i32
        %dma_start3A_53 = arith.constant 0 : i32
        %dma_start3A_54 = tpu.memref_slice %arg11[%dma_start3A_52, %dma_start3A_53] : memref<10240x128xf32, #tpu.memory_space<vmem_shared>> -> memref<10240x128xf32, #tpu.memory_space<vmem_shared>>
        tpu.enqueue_indirect_dma source(%arg10 : memref<128x128xf32, #tpu.memory_space<vmem>>) target(%dma_start3A_54 : memref<10240x128xf32, #tpu.memory_space<vmem_shared>>) offsets(%arg8 : memref<128xi32, #tpu.memory_space<vmem>>) semaphore(%run_scoped3A_51 : memref<!tpu.dma_semaphore, #tpu.memory_space<semaphore_mem>>) {add = true}
        %dma_wait3A_55 = arith.constant 0 : i32
        %dma_wait3A_56 = arith.constant 0 : i32
        %dma_wait3A_57 = tpu.memref_slice %arg11[%dma_wait3A_55, %dma_wait3A_56] : memref<10240x128xf32, #tpu.memory_space<vmem_shared>> -> memref<10240x128xf32, #tpu.memory_space<vmem_shared>>
        tpu.wait_indirect_dma semaphore(%run_scoped3A_51 : memref<!tpu.dma_semaphore, #tpu.memory_space<semaphore_mem>>) src(%arg10 : memref<128x128xf32, #tpu.memory_space<vmem>>) dst(%dma_wait3A_57 : memref<10240x128xf32, #tpu.memory_space<vmem_shared>>)
        tpu.yield
      }) : () -> ()
    }
    %scan3A_12 = arith.constant 39 : i32
    %add3A_13 = arith.constant 80 : i32
    %add3A_14 = arith.addi %mul3A_4, %add3A_13 : i32
    %sub3A = arith.constant 1 : i32
    %sub3A_15 = arith.subi %add3A_14, %sub3A : i32
    %run_scoped3A_16 = arith.constant 0 : i32
    "tpu.region"() ({
      %run_scoped3A_27 = tpu.sem_alloc : memref<!tpu.dma_semaphore, #tpu.memory_space<semaphore_mem>>
      %dma_start3A_28 = arith.constant 0 : i32
      %dma_start3A_29 = tpu.memref_slice %arg3[%sub3A_15, %run_scoped3A_16, %dma_start3A_28] : memref<2560x2x128xi32, #tpu.memory_space<hbm>> -> memref<1x1x128xi32, #tpu.memory_space<hbm>>
      %dma_start3A_30 = tpu.memref_squeeze %dma_start3A_29 : memref<1x1x128xi32, #tpu.memory_space<hbm>> -> memref<128xi32, #tpu.memory_space<hbm>>
      %dma_start3A_31 = arith.constant 0 : i32
      %dma_start3A_32 = tpu.memref_slice %arg3[%sub3A_15, %run_scoped3A_16, %dma_start3A_31] : memref<2560x2x128xi32, #tpu.memory_space<hbm>> -> memref<1x1x128xi32, #tpu.memory_space<hbm>>
      %dma_start3A_33 = tpu.memref_squeeze %dma_start3A_32 : memref<1x1x128xi32, #tpu.memory_space<hbm>> -> memref<128xi32, #tpu.memory_space<hbm>>
      tpu.enqueue_dma source(%dma_start3A_33 : memref<128xi32, #tpu.memory_space<hbm>>) target(%arg6 : memref<128xi32, #tpu.memory_space<vmem>>) target_semaphore(%run_scoped3A_27 : memref<!tpu.dma_semaphore, #tpu.memory_space<semaphore_mem>>)
      %dma_wait3A_34 = arith.constant 0 : i32
      %dma_wait3A_35 = tpu.memref_slice %arg3[%sub3A_15, %run_scoped3A_16, %dma_wait3A_34] : memref<2560x2x128xi32, #tpu.memory_space<hbm>> -> memref<1x1x128xi32, #tpu.memory_space<hbm>>
      %dma_wait3A_36 = tpu.memref_squeeze %dma_wait3A_35 : memref<1x1x128xi32, #tpu.memory_space<hbm>> -> memref<128xi32, #tpu.memory_space<hbm>>
      %dma_wait3A_37 = arith.constant 0 : i32
      %dma_wait3A_38 = tpu.memref_slice %arg3[%sub3A_15, %run_scoped3A_16, %dma_wait3A_37] : memref<2560x2x128xi32, #tpu.memory_space<hbm>> -> memref<1x1x128xi32, #tpu.memory_space<hbm>>
      %dma_wait3A_39 = tpu.memref_squeeze %dma_wait3A_38 : memref<1x1x128xi32, #tpu.memory_space<hbm>> -> memref<128xi32, #tpu.memory_space<hbm>>
      tpu.wait_dma2 semaphore(%run_scoped3A_27 : memref<!tpu.dma_semaphore, #tpu.memory_space<semaphore_mem>>) src(%dma_wait3A_39 : memref<128xi32, #tpu.memory_space<hbm>>) dst(%arg6 : memref<128xi32, #tpu.memory_space<vmem>>)
      tpu.yield
    }) : () -> ()
    %run_scoped3A_17 = arith.constant 1 : i32
    "tpu.region"() ({
      %run_scoped3A_27 = tpu.sem_alloc : memref<!tpu.dma_semaphore, #tpu.memory_space<semaphore_mem>>
      %dma_start3A_28 = arith.constant 0 : i32
      %dma_start3A_29 = tpu.memref_slice %arg3[%sub3A_15, %run_scoped3A_17, %dma_start3A_28] : memref<2560x2x128xi32, #tpu.memory_space<hbm>> -> memref<1x1x128xi32, #tpu.memory_space<hbm>>
      %dma_start3A_30 = tpu.memref_squeeze %dma_start3A_29 : memref<1x1x128xi32, #tpu.memory_space<hbm>> -> memref<128xi32, #tpu.memory_space<hbm>>
      %dma_start3A_31 = arith.constant 0 : i32
      %dma_start3A_32 = tpu.memref_slice %arg3[%sub3A_15, %run_scoped3A_17, %dma_start3A_31] : memref<2560x2x128xi32, #tpu.memory_space<hbm>> -> memref<1x1x128xi32, #tpu.memory_space<hbm>>
      %dma_start3A_33 = tpu.memref_squeeze %dma_start3A_32 : memref<1x1x128xi32, #tpu.memory_space<hbm>> -> memref<128xi32, #tpu.memory_space<hbm>>
      tpu.enqueue_dma source(%dma_start3A_33 : memref<128xi32, #tpu.memory_space<hbm>>) target(%arg8 : memref<128xi32, #tpu.memory_space<vmem>>) target_semaphore(%run_scoped3A_27 : memref<!tpu.dma_semaphore, #tpu.memory_space<semaphore_mem>>)
      %dma_wait3A_34 = arith.constant 0 : i32
      %dma_wait3A_35 = tpu.memref_slice %arg3[%sub3A_15, %run_scoped3A_17, %dma_wait3A_34] : memref<2560x2x128xi32, #tpu.memory_space<hbm>> -> memref<1x1x128xi32, #tpu.memory_space<hbm>>
      %dma_wait3A_36 = tpu.memref_squeeze %dma_wait3A_35 : memref<1x1x128xi32, #tpu.memory_space<hbm>> -> memref<128xi32, #tpu.memory_space<hbm>>
      %dma_wait3A_37 = arith.constant 0 : i32
      %dma_wait3A_38 = tpu.memref_slice %arg3[%sub3A_15, %run_scoped3A_17, %dma_wait3A_37] : memref<2560x2x128xi32, #tpu.memory_space<hbm>> -> memref<1x1x128xi32, #tpu.memory_space<hbm>>
      %dma_wait3A_39 = tpu.memref_squeeze %dma_wait3A_38 : memref<1x1x128xi32, #tpu.memory_space<hbm>> -> memref<128xi32, #tpu.memory_space<hbm>>
      tpu.wait_dma2 semaphore(%run_scoped3A_27 : memref<!tpu.dma_semaphore, #tpu.memory_space<semaphore_mem>>) src(%dma_wait3A_39 : memref<128xi32, #tpu.memory_space<hbm>>) dst(%arg8 : memref<128xi32, #tpu.memory_space<vmem>>)
      tpu.yield
    }) : () -> ()
    %dma_wait3A = arith.constant 0 : i32
    %dma_wait3A_18 = arith.constant 0 : i32
    %dma_wait3A_19 = tpu.memref_slice %arg2[%dma_wait3A, %dma_wait3A_18] : memref<10240x128xf32, #tpu.memory_space<hbm>> -> memref<10240x128xf32, #tpu.memory_space<hbm>>
    tpu.wait_indirect_dma semaphore(%arg12 : memref<!tpu.dma_semaphore, #tpu.memory_space<semaphore_mem>>) src(%dma_wait3A_19 : memref<10240x128xf32, #tpu.memory_space<hbm>>) dst(%arg9 : memref<128x128xf32, #tpu.memory_space<vmem>>)
    %dma_start3A_20 = arith.constant 0 : i32
    %dma_start3A_21 = arith.constant 0 : i32
    %dma_start3A_22 = tpu.memref_slice %arg2[%dma_start3A_20, %dma_start3A_21] : memref<10240x128xf32, #tpu.memory_space<hbm>> -> memref<10240x128xf32, #tpu.memory_space<hbm>>
    tpu.enqueue_indirect_dma source(%dma_start3A_22 : memref<10240x128xf32, #tpu.memory_space<hbm>>) target(%arg10 : memref<128x128xf32, #tpu.memory_space<vmem>>) offsets(%arg6 : memref<128xi32, #tpu.memory_space<vmem>>) semaphore(%arg13 : memref<!tpu.dma_semaphore, #tpu.memory_space<semaphore_mem>>)
    "tpu.region"() ({
      %run_scoped3A_27 = tpu.sem_alloc : memref<!tpu.dma_semaphore, #tpu.memory_space<semaphore_mem>>
      %dma_start3A_28 = arith.constant 0 : i32
      %dma_start3A_29 = arith.constant 0 : i32
      %dma_start3A_30 = tpu.memref_slice %arg11[%dma_start3A_28, %dma_start3A_29] : memref<10240x128xf32, #tpu.memory_space<vmem_shared>> -> memref<10240x128xf32, #tpu.memory_space<vmem_shared>>
      tpu.enqueue_indirect_dma source(%arg9 : memref<128x128xf32, #tpu.memory_space<vmem>>) target(%dma_start3A_30 : memref<10240x128xf32, #tpu.memory_space<vmem_shared>>) offsets(%arg7 : memref<128xi32, #tpu.memory_space<vmem>>) semaphore(%run_scoped3A_27 : memref<!tpu.dma_semaphore, #tpu.memory_space<semaphore_mem>>) {add = true}
      %dma_wait3A_31 = arith.constant 0 : i32
      %dma_wait3A_32 = arith.constant 0 : i32
      %dma_wait3A_33 = tpu.memref_slice %arg11[%dma_wait3A_31, %dma_wait3A_32] : memref<10240x128xf32, #tpu.memory_space<vmem_shared>> -> memref<10240x128xf32, #tpu.memory_space<vmem_shared>>
      tpu.wait_indirect_dma semaphore(%run_scoped3A_27 : memref<!tpu.dma_semaphore, #tpu.memory_space<semaphore_mem>>) src(%arg9 : memref<128x128xf32, #tpu.memory_space<vmem>>) dst(%dma_wait3A_33 : memref<10240x128xf32, #tpu.memory_space<vmem_shared>>)
      tpu.yield
    }) : () -> ()
    %dma_wait3A_23 = arith.constant 0 : i32
    %dma_wait3A_24 = arith.constant 0 : i32
    %dma_wait3A_25 = tpu.memref_slice %arg2[%dma_wait3A_23, %dma_wait3A_24] : memref<10240x128xf32, #tpu.memory_space<hbm>> -> memref<10240x128xf32, #tpu.memory_space<hbm>>
    tpu.wait_indirect_dma semaphore(%arg13 : memref<!tpu.dma_semaphore, #tpu.memory_space<semaphore_mem>>) src(%dma_wait3A_25 : memref<10240x128xf32, #tpu.memory_space<hbm>>) dst(%arg10 : memref<128x128xf32, #tpu.memory_space<vmem>>)
    "tpu.region"() ({
      %run_scoped3A_27 = tpu.sem_alloc : memref<!tpu.dma_semaphore, #tpu.memory_space<semaphore_mem>>
      %dma_start3A_28 = arith.constant 0 : i32
      %dma_start3A_29 = arith.constant 0 : i32
      %dma_start3A_30 = tpu.memref_slice %arg11[%dma_start3A_28, %dma_start3A_29] : memref<10240x128xf32, #tpu.memory_space<vmem_shared>> -> memref<10240x128xf32, #tpu.memory_space<vmem_shared>>
      tpu.enqueue_indirect_dma source(%arg10 : memref<128x128xf32, #tpu.memory_space<vmem>>) target(%dma_start3A_30 : memref<10240x128xf32, #tpu.memory_space<vmem_shared>>) offsets(%arg8 : memref<128xi32, #tpu.memory_space<vmem>>) semaphore(%run_scoped3A_27 : memref<!tpu.dma_semaphore, #tpu.memory_space<semaphore_mem>>) {add = true}
      %dma_wait3A_31 = arith.constant 0 : i32
      %dma_wait3A_32 = arith.constant 0 : i32
      %dma_wait3A_33 = tpu.memref_slice %arg11[%dma_wait3A_31, %dma_wait3A_32] : memref<10240x128xf32, #tpu.memory_space<vmem_shared>> -> memref<10240x128xf32, #tpu.memory_space<vmem_shared>>
      tpu.wait_indirect_dma semaphore(%run_scoped3A_27 : memref<!tpu.dma_semaphore, #tpu.memory_space<semaphore_mem>>) src(%arg10 : memref<128x128xf32, #tpu.memory_space<vmem>>) dst(%dma_wait3A_33 : memref<10240x128xf32, #tpu.memory_space<vmem_shared>>)
      tpu.yield
    }) : () -> ()
    %barrier3A_26 = arith.constant 0 : index
    tpu.barrier barrier_id(%barrier3A_26)
    "tpu.region"() ({
      %run_scoped3A_27 = tpu.sem_alloc : memref<!tpu.dma_semaphore, #tpu.memory_space<semaphore_mem>>
      %dma_start3A_28 = arith.constant 0 : i32
      %dma_start3A_29 = tpu.memref_slice %arg4[%arg0, %mul3A_0, %dma_start3A_28] : memref<2x10240x128xf32, #tpu.memory_space<hbm>> -> memref<1x640x128xf32, #tpu.memory_space<hbm>>
      %dma_start3A_30 = tpu.memref_squeeze %dma_start3A_29 : memref<1x640x128xf32, #tpu.memory_space<hbm>> -> memref<640x128xf32, #tpu.memory_space<hbm>>
      %dma_start3A_31 = arith.constant 0 : i32
      %dma_start3A_32 = tpu.memref_slice %arg11[%mul3A_0, %dma_start3A_31] : memref<10240x128xf32, #tpu.memory_space<vmem_shared>> -> memref<640x128xf32, #tpu.memory_space<vmem_shared>>
      tpu.enqueue_dma source(%dma_start3A_32 : memref<640x128xf32, #tpu.memory_space<vmem_shared>>) target(%dma_start3A_30 : memref<640x128xf32, #tpu.memory_space<hbm>>) target_semaphore(%run_scoped3A_27 : memref<!tpu.dma_semaphore, #tpu.memory_space<semaphore_mem>>)
      %dma_wait3A_33 = arith.constant 0 : i32
      %dma_wait3A_34 = tpu.memref_slice %arg4[%arg0, %mul3A_0, %dma_wait3A_33] : memref<2x10240x128xf32, #tpu.memory_space<hbm>> -> memref<1x640x128xf32, #tpu.memory_space<hbm>>
      %dma_wait3A_35 = tpu.memref_squeeze %dma_wait3A_34 : memref<1x640x128xf32, #tpu.memory_space<hbm>> -> memref<640x128xf32, #tpu.memory_space<hbm>>
      %dma_wait3A_36 = arith.constant 0 : i32
      %dma_wait3A_37 = tpu.memref_slice %arg11[%mul3A_0, %dma_wait3A_36] : memref<10240x128xf32, #tpu.memory_space<vmem_shared>> -> memref<640x128xf32, #tpu.memory_space<vmem_shared>>
      tpu.wait_dma2 semaphore(%run_scoped3A_27 : memref<!tpu.dma_semaphore, #tpu.memory_space<semaphore_mem>>) src(%dma_wait3A_37 : memref<640x128xf32, #tpu.memory_space<vmem_shared>>) dst(%dma_wait3A_35 : memref<640x128xf32, #tpu.memory_space<hbm>>)
      tpu.yield
    }) : () -> ()
    return
  }
}

#map = affine_map<(d0, d1) -> (0, 0)>
#map1 = affine_map<(d0, d1) -> (0, 0, 0)>
module attributes {stable_mosaic.version = 14 : i64} {
  func.func @k(%arg0: i32, %arg1: i32, %arg2: memref<10240x128xf32, #tpu.memory_space<hbm>>, %arg3: memref<2560x2x128xi32, #tpu.memory_space<hbm>>, %arg4: memref<2x10240x128xf32, #tpu.memory_space<hbm>>, %arg5: memref<128xi32, #tpu.memory_space<vmem>>, %arg6: memref<128xi32, #tpu.memory_space<vmem>>, %arg7: memref<128xi32, #tpu.memory_space<vmem>>, %arg8: memref<128xi32, #tpu.memory_space<vmem>>, %arg9: memref<128x128xf32, #tpu.memory_space<vmem>>, %arg10: memref<128x128xf32, #tpu.memory_space<vmem>>, %arg11: memref<10240x128xf32, #tpu.memory_space<vmem_shared>>, %arg12: memref<!tpu.dma_semaphore, #tpu.memory_space<semaphore_mem>>, %arg13: memref<!tpu.dma_semaphore, #tpu.memory_space<semaphore_mem>>) attributes {dimension_semantics = [#tpu.dimension_semantics<core_parallel>, #tpu.dimension_semantics<subcore_parallel>], iteration_bounds = array<i64: 2, 16>, scalar_prefetch = 0 : i64, scratch_operands = 9 : i64, tpu.core_type = #tpu.core_type<sc_vector_subcore>, window_params = [{transform_indices = #map}, {transform_indices = #map1}, {transform_indices = #map1}]} {
    %mul3A = arith.constant 640 : i32
    %mul3A_0 = arith.muli %arg1, %mul3A : i32
    "tpu.region"() ({
      %run_scoped3A_27 = tpu.sem_alloc : memref<!tpu.dma_semaphore, #tpu.memory_space<semaphore_mem>>
      %dma_start3A_28 = arith.constant 0 : i32
      %dma_start3A_29 = tpu.memref_slice %arg11[%mul3A_0, %dma_start3A_28] : memref<10240x128xf32, #tpu.memory_space<vmem_shared>> -> memref<640x128xf32, #tpu.memory_space<vmem_shared>>
      %dma_start3A_30 = arith.constant 0 : i32
      %dma_start3A_31 = tpu.memref_slice %arg2[%mul3A_0, %dma_start3A_30] : memref<10240x128xf32, #tpu.memory_space<hbm>> -> memref<640x128xf32, #tpu.memory_space<hbm>>
      tpu.enqueue_dma source(%dma_start3A_31 : memref<640x128xf32, #tpu.memory_space<hbm>>) target(%dma_start3A_29 : memref<640x128xf32, #tpu.memory_space<vmem_shared>>) target_semaphore(%run_scoped3A_27 : memref<!tpu.dma_semaphore, #tpu.memory_space<semaphore_mem>>)
      %dma_wait3A_32 = arith.constant 0 : i32
      %dma_wait3A_33 = tpu.memref_slice %arg11[%mul3A_0, %dma_wait3A_32] : memref<10240x128xf32, #tpu.memory_space<vmem_shared>> -> memref<640x128xf32, #tpu.memory_space<vmem_shared>>
      %dma_wait3A_34 = arith.constant 0 : i32
      %dma_wait3A_35 = tpu.memref_slice %arg2[%mul3A_0, %dma_wait3A_34] : memref<10240x128xf32, #tpu.memory_space<hbm>> -> memref<640x128xf32, #tpu.memory_space<hbm>>
      tpu.wait_dma2 semaphore(%run_scoped3A_27 : memref<!tpu.dma_semaphore, #tpu.memory_space<semaphore_mem>>) src(%dma_wait3A_35 : memref<640x128xf32, #tpu.memory_space<hbm>>) dst(%dma_wait3A_33 : memref<640x128xf32, #tpu.memory_space<vmem_shared>>)
      tpu.yield
    }) : () -> ()
    %barrier3A = arith.constant 0 : index
    tpu.barrier barrier_id(%barrier3A)
    %mul3A_1 = arith.constant 16 : i32
    %mul3A_2 = arith.muli %arg0, %mul3A_1 : i32
    %add3A = arith.addi %mul3A_2, %arg1 : i32
    %mul3A_3 = arith.constant 80 : i32
    %mul3A_4 = arith.muli %add3A, %mul3A_3 : i32
    %run_scoped3A = arith.constant 0 : i32
    "tpu.region"() ({
      %run_scoped3A_27 = tpu.sem_alloc : memref<!tpu.dma_semaphore, #tpu.memory_space<semaphore_mem>>
      %dma_start3A_28 = arith.constant 0 : i32
      %dma_start3A_29 = tpu.memref_slice %arg3[%mul3A_4, %run_scoped3A, %dma_start3A_28] : memref<2560x2x128xi32, #tpu.memory_space<hbm>> -> memref<1x1x128xi32, #tpu.memory_space<hbm>>
      %dma_start3A_30 = tpu.memref_squeeze %dma_start3A_29 : memref<1x1x128xi32, #tpu.memory_space<hbm>> -> memref<128xi32, #tpu.memory_space<hbm>>
      %dma_start3A_31 = arith.constant 0 : i32
      %dma_start3A_32 = tpu.memref_slice %arg3[%mul3A_4, %run_scoped3A, %dma_start3A_31] : memref<2560x2x128xi32, #tpu.memory_space<hbm>> -> memref<1x1x128xi32, #tpu.memory_space<hbm>>
      %dma_start3A_33 = tpu.memref_squeeze %dma_start3A_32 : memref<1x1x128xi32, #tpu.memory_space<hbm>> -> memref<128xi32, #tpu.memory_space<hbm>>
      tpu.enqueue_dma source(%dma_start3A_33 : memref<128xi32, #tpu.memory_space<hbm>>) target(%arg5 : memref<128xi32, #tpu.memory_space<vmem>>) target_semaphore(%run_scoped3A_27 : memref<!tpu.dma_semaphore, #tpu.memory_space<semaphore_mem>>)
      %dma_wait3A_34 = arith.constant 0 : i32
      %dma_wait3A_35 = tpu.memref_slice %arg3[%mul3A_4, %run_scoped3A, %dma_wait3A_34] : memref<2560x2x128xi32, #tpu.memory_space<hbm>> -> memref<1x1x128xi32, #tpu.memory_space<hbm>>
      %dma_wait3A_36 = tpu.memref_squeeze %dma_wait3A_35 : memref<1x1x128xi32, #tpu.memory_space<hbm>> -> memref<128xi32, #tpu.memory_space<hbm>>
      %dma_wait3A_37 = arith.constant 0 : i32
      %dma_wait3A_38 = tpu.memref_slice %arg3[%mul3A_4, %run_scoped3A, %dma_wait3A_37] : memref<2560x2x128xi32, #tpu.memory_space<hbm>> -> memref<1x1x128xi32, #tpu.memory_space<hbm>>
      %dma_wait3A_39 = tpu.memref_squeeze %dma_wait3A_38 : memref<1x1x128xi32, #tpu.memory_space<hbm>> -> memref<128xi32, #tpu.memory_space<hbm>>
      tpu.wait_dma2 semaphore(%run_scoped3A_27 : memref<!tpu.dma_semaphore, #tpu.memory_space<semaphore_mem>>) src(%dma_wait3A_39 : memref<128xi32, #tpu.memory_space<hbm>>) dst(%arg5 : memref<128xi32, #tpu.memory_space<vmem>>)
      tpu.yield
    }) : () -> ()
    %run_scoped3A_5 = arith.constant 1 : i32
    "tpu.region"() ({
      %run_scoped3A_27 = tpu.sem_alloc : memref<!tpu.dma_semaphore, #tpu.memory_space<semaphore_mem>>
      %dma_start3A_28 = arith.constant 0 : i32
      %dma_start3A_29 = tpu.memref_slice %arg3[%mul3A_4, %run_scoped3A_5, %dma_start3A_28] : memref<2560x2x128xi32, #tpu.memory_space<hbm>> -> memref<1x1x128xi32, #tpu.memory_space<hbm>>
      %dma_start3A_30 = tpu.memref_squeeze %dma_start3A_29 : memref<1x1x128xi32, #tpu.memory_space<hbm>> -> memref<128xi32, #tpu.memory_space<hbm>>
      %dma_start3A_31 = arith.constant 0 : i32
      %dma_start3A_32 = tpu.memref_slice %arg3[%mul3A_4, %run_scoped3A_5, %dma_start3A_31] : memref<2560x2x128xi32, #tpu.memory_space<hbm>> -> memref<1x1x128xi32, #tpu.memory_space<hbm>>
      %dma_start3A_33 = tpu.memref_squeeze %dma_start3A_32 : memref<1x1x128xi32, #tpu.memory_space<hbm>> -> memref<128xi32, #tpu.memory_space<hbm>>
      tpu.enqueue_dma source(%dma_start3A_33 : memref<128xi32, #tpu.memory_space<hbm>>) target(%arg7 : memref<128xi32, #tpu.memory_space<vmem>>) target_semaphore(%run_scoped3A_27 : memref<!tpu.dma_semaphore, #tpu.memory_space<semaphore_mem>>)
      %dma_wait3A_34 = arith.constant 0 : i32
      %dma_wait3A_35 = tpu.memref_slice %arg3[%mul3A_4, %run_scoped3A_5, %dma_wait3A_34] : memref<2560x2x128xi32, #tpu.memory_space<hbm>> -> memref<1x1x128xi32, #tpu.memory_space<hbm>>
      %dma_wait3A_36 = tpu.memref_squeeze %dma_wait3A_35 : memref<1x1x128xi32, #tpu.memory_space<hbm>> -> memref<128xi32, #tpu.memory_space<hbm>>
      %dma_wait3A_37 = arith.constant 0 : i32
      %dma_wait3A_38 = tpu.memref_slice %arg3[%mul3A_4, %run_scoped3A_5, %dma_wait3A_37] : memref<2560x2x128xi32, #tpu.memory_space<hbm>> -> memref<1x1x128xi32, #tpu.memory_space<hbm>>
      %dma_wait3A_39 = tpu.memref_squeeze %dma_wait3A_38 : memref<1x1x128xi32, #tpu.memory_space<hbm>> -> memref<128xi32, #tpu.memory_space<hbm>>
      tpu.wait_dma2 semaphore(%run_scoped3A_27 : memref<!tpu.dma_semaphore, #tpu.memory_space<semaphore_mem>>) src(%dma_wait3A_39 : memref<128xi32, #tpu.memory_space<hbm>>) dst(%arg7 : memref<128xi32, #tpu.memory_space<vmem>>)
      tpu.yield
    }) : () -> ()
    %dma_start3A = arith.constant 0 : i32
    %dma_start3A_6 = arith.constant 0 : i32
    %dma_start3A_7 = tpu.memref_slice %arg2[%dma_start3A, %dma_start3A_6] : memref<10240x128xf32, #tpu.memory_space<hbm>> -> memref<10240x128xf32, #tpu.memory_space<hbm>>
    tpu.enqueue_indirect_dma source(%dma_start3A_7 : memref<10240x128xf32, #tpu.memory_space<hbm>>) target(%arg9 : memref<128x128xf32, #tpu.memory_space<vmem>>) offsets(%arg5 : memref<128xi32, #tpu.memory_space<vmem>>) semaphore(%arg12 : memref<!tpu.dma_semaphore, #tpu.memory_space<semaphore_mem>>)
    %scan3A = arith.constant 0 : i32
    %scan3A_8 = arith.constant 0 : i32
    %scan3A_9 = arith.constant 39 : i32
    %scan3A_10 = arith.addi %scan3A_8, %scan3A_9 : i32
    %scan3A_11 = arith.constant 1 : i32
    scf.for %scan3A_27 = %scan3A_8 to %scan3A_10 step %scan3A_11  : i32 {
      %mul3A_28 = arith.constant 2 : i32
      %mul3A_29 = arith.muli %mul3A_28, %scan3A_27 : i32
      %add3A_30 = arith.addi %mul3A_4, %mul3A_29 : i32
      %add3A_31 = arith.constant 1 : i32
      %add3A_32 = arith.addi %add3A_30, %add3A_31 : i32
      %run_scoped3A_33 = arith.constant 0 : i32
      "tpu.region"() ({
        %run_scoped3A_51 = tpu.sem_alloc : memref<!tpu.dma_semaphore, #tpu.memory_space<semaphore_mem>>
        %dma_start3A_52 = arith.constant 0 : i32
        %dma_start3A_53 = tpu.memref_slice %arg3[%add3A_32, %run_scoped3A_33, %dma_start3A_52] : memref<2560x2x128xi32, #tpu.memory_space<hbm>> -> memref<1x1x128xi32, #tpu.memory_space<hbm>>
        %dma_start3A_54 = tpu.memref_squeeze %dma_start3A_53 : memref<1x1x128xi32, #tpu.memory_space<hbm>> -> memref<128xi32, #tpu.memory_space<hbm>>
        %dma_start3A_55 = arith.constant 0 : i32
        %dma_start3A_56 = tpu.memref_slice %arg3[%add3A_32, %run_scoped3A_33, %dma_start3A_55] : memref<2560x2x128xi32, #tpu.memory_space<hbm>> -> memref<1x1x128xi32, #tpu.memory_space<hbm>>
        %dma_start3A_57 = tpu.memref_squeeze %dma_start3A_56 : memref<1x1x128xi32, #tpu.memory_space<hbm>> -> memref<128xi32, #tpu.memory_space<hbm>>
        tpu.enqueue_dma source(%dma_start3A_57 : memref<128xi32, #tpu.memory_space<hbm>>) target(%arg6 : memref<128xi32, #tpu.memory_space<vmem>>) target_semaphore(%run_scoped3A_51 : memref<!tpu.dma_semaphore, #tpu.memory_space<semaphore_mem>>)
        %dma_wait3A_58 = arith.constant 0 : i32
        %dma_wait3A_59 = tpu.memref_slice %arg3[%add3A_32, %run_scoped3A_33, %dma_wait3A_58] : memref<2560x2x128xi32, #tpu.memory_space<hbm>> -> memref<1x1x128xi32, #tpu.memory_space<hbm>>
        %dma_wait3A_60 = tpu.memref_squeeze %dma_wait3A_59 : memref<1x1x128xi32, #tpu.memory_space<hbm>> -> memref<128xi32, #tpu.memory_space<hbm>>
        %dma_wait3A_61 = arith.constant 0 : i32
        %dma_wait3A_62 = tpu.memref_slice %arg3[%add3A_32, %run_scoped3A_33, %dma_wait3A_61] : memref<2560x2x128xi32, #tpu.memory_space<hbm>> -> memref<1x1x128xi32, #tpu.memory_space<hbm>>
        %dma_wait3A_63 = tpu.memref_squeeze %dma_wait3A_62 : memref<1x1x128xi32, #tpu.memory_space<hbm>> -> memref<128xi32, #tpu.memory_space<hbm>>
        tpu.wait_dma2 semaphore(%run_scoped3A_51 : memref<!tpu.dma_semaphore, #tpu.memory_space<semaphore_mem>>) src(%dma_wait3A_63 : memref<128xi32, #tpu.memory_space<hbm>>) dst(%arg6 : memref<128xi32, #tpu.memory_space<vmem>>)
        tpu.yield
      }) : () -> ()
      %run_scoped3A_34 = arith.constant 1 : i32
      "tpu.region"() ({
        %run_scoped3A_51 = tpu.sem_alloc : memref<!tpu.dma_semaphore, #tpu.memory_space<semaphore_mem>>
        %dma_start3A_52 = arith.constant 0 : i32
        %dma_start3A_53 = tpu.memref_slice %arg3[%add3A_32, %run_scoped3A_34, %dma_start3A_52] : memref<2560x2x128xi32, #tpu.memory_space<hbm>> -> memref<1x1x128xi32, #tpu.memory_space<hbm>>
        %dma_start3A_54 = tpu.memref_squeeze %dma_start3A_53 : memref<1x1x128xi32, #tpu.memory_space<hbm>> -> memref<128xi32, #tpu.memory_space<hbm>>
        %dma_start3A_55 = arith.constant 0 : i32
        %dma_start3A_56 = tpu.memref_slice %arg3[%add3A_32, %run_scoped3A_34, %dma_start3A_55] : memref<2560x2x128xi32, #tpu.memory_space<hbm>> -> memref<1x1x128xi32, #tpu.memory_space<hbm>>
        %dma_start3A_57 = tpu.memref_squeeze %dma_start3A_56 : memref<1x1x128xi32, #tpu.memory_space<hbm>> -> memref<128xi32, #tpu.memory_space<hbm>>
        tpu.enqueue_dma source(%dma_start3A_57 : memref<128xi32, #tpu.memory_space<hbm>>) target(%arg8 : memref<128xi32, #tpu.memory_space<vmem>>) target_semaphore(%run_scoped3A_51 : memref<!tpu.dma_semaphore, #tpu.memory_space<semaphore_mem>>)
        %dma_wait3A_58 = arith.constant 0 : i32
        %dma_wait3A_59 = tpu.memref_slice %arg3[%add3A_32, %run_scoped3A_34, %dma_wait3A_58] : memref<2560x2x128xi32, #tpu.memory_space<hbm>> -> memref<1x1x128xi32, #tpu.memory_space<hbm>>
        %dma_wait3A_60 = tpu.memref_squeeze %dma_wait3A_59 : memref<1x1x128xi32, #tpu.memory_space<hbm>> -> memref<128xi32, #tpu.memory_space<hbm>>
        %dma_wait3A_61 = arith.constant 0 : i32
        %dma_wait3A_62 = tpu.memref_slice %arg3[%add3A_32, %run_scoped3A_34, %dma_wait3A_61] : memref<2560x2x128xi32, #tpu.memory_space<hbm>> -> memref<1x1x128xi32, #tpu.memory_space<hbm>>
        %dma_wait3A_63 = tpu.memref_squeeze %dma_wait3A_62 : memref<1x1x128xi32, #tpu.memory_space<hbm>> -> memref<128xi32, #tpu.memory_space<hbm>>
        tpu.wait_dma2 semaphore(%run_scoped3A_51 : memref<!tpu.dma_semaphore, #tpu.memory_space<semaphore_mem>>) src(%dma_wait3A_63 : memref<128xi32, #tpu.memory_space<hbm>>) dst(%arg8 : memref<128xi32, #tpu.memory_space<vmem>>)
        tpu.yield
      }) : () -> ()
      %dma_wait3A_35 = arith.constant 0 : i32
      %dma_wait3A_36 = arith.constant 0 : i32
      %dma_wait3A_37 = tpu.memref_slice %arg2[%dma_wait3A_35, %dma_wait3A_36] : memref<10240x128xf32, #tpu.memory_space<hbm>> -> memref<10240x128xf32, #tpu.memory_space<hbm>>
      tpu.wait_indirect_dma semaphore(%arg12 : memref<!tpu.dma_semaphore, #tpu.memory_space<semaphore_mem>>) src(%dma_wait3A_37 : memref<10240x128xf32, #tpu.memory_space<hbm>>) dst(%arg9 : memref<128x128xf32, #tpu.memory_space<vmem>>)
      %dma_start3A_38 = arith.constant 0 : i32
      %dma_start3A_39 = arith.constant 0 : i32
      %dma_start3A_40 = tpu.memref_slice %arg2[%dma_start3A_38, %dma_start3A_39] : memref<10240x128xf32, #tpu.memory_space<hbm>> -> memref<10240x128xf32, #tpu.memory_space<hbm>>
      tpu.enqueue_indirect_dma source(%dma_start3A_40 : memref<10240x128xf32, #tpu.memory_space<hbm>>) target(%arg10 : memref<128x128xf32, #tpu.memory_space<vmem>>) offsets(%arg6 : memref<128xi32, #tpu.memory_space<vmem>>) semaphore(%arg13 : memref<!tpu.dma_semaphore, #tpu.memory_space<semaphore_mem>>)
      "tpu.region"() ({
        %run_scoped3A_51 = tpu.sem_alloc : memref<!tpu.dma_semaphore, #tpu.memory_space<semaphore_mem>>
        %dma_start3A_52 = arith.constant 0 : i32
        %dma_start3A_53 = arith.constant 0 : i32
        %dma_start3A_54 = tpu.memref_slice %arg11[%dma_start3A_52, %dma_start3A_53] : memref<10240x128xf32, #tpu.memory_space<vmem_shared>> -> memref<10240x128xf32, #tpu.memory_space<vmem_shared>>
        tpu.enqueue_indirect_dma source(%arg9 : memref<128x128xf32, #tpu.memory_space<vmem>>) target(%dma_start3A_54 : memref<10240x128xf32, #tpu.memory_space<vmem_shared>>) offsets(%arg7 : memref<128xi32, #tpu.memory_space<vmem>>) semaphore(%run_scoped3A_51 : memref<!tpu.dma_semaphore, #tpu.memory_space<semaphore_mem>>) {add = true}
        %dma_wait3A_55 = arith.constant 0 : i32
        %dma_wait3A_56 = arith.constant 0 : i32
        %dma_wait3A_57 = tpu.memref_slice %arg11[%dma_wait3A_55, %dma_wait3A_56] : memref<10240x128xf32, #tpu.memory_space<vmem_shared>> -> memref<10240x128xf32, #tpu.memory_space<vmem_shared>>
        tpu.wait_indirect_dma semaphore(%run_scoped3A_51 : memref<!tpu.dma_semaphore, #tpu.memory_space<semaphore_mem>>) src(%arg9 : memref<128x128xf32, #tpu.memory_space<vmem>>) dst(%dma_wait3A_57 : memref<10240x128xf32, #tpu.memory_space<vmem_shared>>)
        tpu.yield
      }) : () -> ()
      %add3A_41 = arith.constant 2 : i32
      %add3A_42 = arith.addi %add3A_30, %add3A_41 : i32
      %run_scoped3A_43 = arith.constant 0 : i32
      "tpu.region"() ({
        %run_scoped3A_51 = tpu.sem_alloc : memref<!tpu.dma_semaphore, #tpu.memory_space<semaphore_mem>>
        %dma_start3A_52 = arith.constant 0 : i32
        %dma_start3A_53 = tpu.memref_slice %arg3[%add3A_42, %run_scoped3A_43, %dma_start3A_52] : memref<2560x2x128xi32, #tpu.memory_space<hbm>> -> memref<1x1x128xi32, #tpu.memory_space<hbm>>
        %dma_start3A_54 = tpu.memref_squeeze %dma_start3A_53 : memref<1x1x128xi32, #tpu.memory_space<hbm>> -> memref<128xi32, #tpu.memory_space<hbm>>
        %dma_start3A_55 = arith.constant 0 : i32
        %dma_start3A_56 = tpu.memref_slice %arg3[%add3A_42, %run_scoped3A_43, %dma_start3A_55] : memref<2560x2x128xi32, #tpu.memory_space<hbm>> -> memref<1x1x128xi32, #tpu.memory_space<hbm>>
        %dma_start3A_57 = tpu.memref_squeeze %dma_start3A_56 : memref<1x1x128xi32, #tpu.memory_space<hbm>> -> memref<128xi32, #tpu.memory_space<hbm>>
        tpu.enqueue_dma source(%dma_start3A_57 : memref<128xi32, #tpu.memory_space<hbm>>) target(%arg5 : memref<128xi32, #tpu.memory_space<vmem>>) target_semaphore(%run_scoped3A_51 : memref<!tpu.dma_semaphore, #tpu.memory_space<semaphore_mem>>)
        %dma_wait3A_58 = arith.constant 0 : i32
        %dma_wait3A_59 = tpu.memref_slice %arg3[%add3A_42, %run_scoped3A_43, %dma_wait3A_58] : memref<2560x2x128xi32, #tpu.memory_space<hbm>> -> memref<1x1x128xi32, #tpu.memory_space<hbm>>
        %dma_wait3A_60 = tpu.memref_squeeze %dma_wait3A_59 : memref<1x1x128xi32, #tpu.memory_space<hbm>> -> memref<128xi32, #tpu.memory_space<hbm>>
        %dma_wait3A_61 = arith.constant 0 : i32
        %dma_wait3A_62 = tpu.memref_slice %arg3[%add3A_42, %run_scoped3A_43, %dma_wait3A_61] : memref<2560x2x128xi32, #tpu.memory_space<hbm>> -> memref<1x1x128xi32, #tpu.memory_space<hbm>>
        %dma_wait3A_63 = tpu.memref_squeeze %dma_wait3A_62 : memref<1x1x128xi32, #tpu.memory_space<hbm>> -> memref<128xi32, #tpu.memory_space<hbm>>
        tpu.wait_dma2 semaphore(%run_scoped3A_51 : memref<!tpu.dma_semaphore, #tpu.memory_space<semaphore_mem>>) src(%dma_wait3A_63 : memref<128xi32, #tpu.memory_space<hbm>>) dst(%arg5 : memref<128xi32, #tpu.memory_space<vmem>>)
        tpu.yield
      }) : () -> ()
      %run_scoped3A_44 = arith.constant 1 : i32
      "tpu.region"() ({
        %run_scoped3A_51 = tpu.sem_alloc : memref<!tpu.dma_semaphore, #tpu.memory_space<semaphore_mem>>
        %dma_start3A_52 = arith.constant 0 : i32
        %dma_start3A_53 = tpu.memref_slice %arg3[%add3A_42, %run_scoped3A_44, %dma_start3A_52] : memref<2560x2x128xi32, #tpu.memory_space<hbm>> -> memref<1x1x128xi32, #tpu.memory_space<hbm>>
        %dma_start3A_54 = tpu.memref_squeeze %dma_start3A_53 : memref<1x1x128xi32, #tpu.memory_space<hbm>> -> memref<128xi32, #tpu.memory_space<hbm>>
        %dma_start3A_55 = arith.constant 0 : i32
        %dma_start3A_56 = tpu.memref_slice %arg3[%add3A_42, %run_scoped3A_44, %dma_start3A_55] : memref<2560x2x128xi32, #tpu.memory_space<hbm>> -> memref<1x1x128xi32, #tpu.memory_space<hbm>>
        %dma_start3A_57 = tpu.memref_squeeze %dma_start3A_56 : memref<1x1x128xi32, #tpu.memory_space<hbm>> -> memref<128xi32, #tpu.memory_space<hbm>>
        tpu.enqueue_dma source(%dma_start3A_57 : memref<128xi32, #tpu.memory_space<hbm>>) target(%arg7 : memref<128xi32, #tpu.memory_space<vmem>>) target_semaphore(%run_scoped3A_51 : memref<!tpu.dma_semaphore, #tpu.memory_space<semaphore_mem>>)
        %dma_wait3A_58 = arith.constant 0 : i32
        %dma_wait3A_59 = tpu.memref_slice %arg3[%add3A_42, %run_scoped3A_44, %dma_wait3A_58] : memref<2560x2x128xi32, #tpu.memory_space<hbm>> -> memref<1x1x128xi32, #tpu.memory_space<hbm>>
        %dma_wait3A_60 = tpu.memref_squeeze %dma_wait3A_59 : memref<1x1x128xi32, #tpu.memory_space<hbm>> -> memref<128xi32, #tpu.memory_space<hbm>>
        %dma_wait3A_61 = arith.constant 0 : i32
        %dma_wait3A_62 = tpu.memref_slice %arg3[%add3A_42, %run_scoped3A_44, %dma_wait3A_61] : memref<2560x2x128xi32, #tpu.memory_space<hbm>> -> memref<1x1x128xi32, #tpu.memory_space<hbm>>
        %dma_wait3A_63 = tpu.memref_squeeze %dma_wait3A_62 : memref<1x1x128xi32, #tpu.memory_space<hbm>> -> memref<128xi32, #tpu.memory_space<hbm>>
        tpu.wait_dma2 semaphore(%run_scoped3A_51 : memref<!tpu.dma_semaphore, #tpu.memory_space<semaphore_mem>>) src(%dma_wait3A_63 : memref<128xi32, #tpu.memory_space<hbm>>) dst(%arg7 : memref<128xi32, #tpu.memory_space<vmem>>)
        tpu.yield
      }) : () -> ()
      %dma_wait3A_45 = arith.constant 0 : i32
      %dma_wait3A_46 = arith.constant 0 : i32
      %dma_wait3A_47 = tpu.memref_slice %arg2[%dma_wait3A_45, %dma_wait3A_46] : memref<10240x128xf32, #tpu.memory_space<hbm>> -> memref<10240x128xf32, #tpu.memory_space<hbm>>
      tpu.wait_indirect_dma semaphore(%arg13 : memref<!tpu.dma_semaphore, #tpu.memory_space<semaphore_mem>>) src(%dma_wait3A_47 : memref<10240x128xf32, #tpu.memory_space<hbm>>) dst(%arg10 : memref<128x128xf32, #tpu.memory_space<vmem>>)
      %dma_start3A_48 = arith.constant 0 : i32
      %dma_start3A_49 = arith.constant 0 : i32
      %dma_start3A_50 = tpu.memref_slice %arg2[%dma_start3A_48, %dma_start3A_49] : memref<10240x128xf32, #tpu.memory_space<hbm>> -> memref<10240x128xf32, #tpu.memory_space<hbm>>
      tpu.enqueue_indirect_dma source(%dma_start3A_50 : memref<10240x128xf32, #tpu.memory_space<hbm>>) target(%arg9 : memref<128x128xf32, #tpu.memory_space<vmem>>) offsets(%arg5 : memref<128xi32, #tpu.memory_space<vmem>>) semaphore(%arg12 : memref<!tpu.dma_semaphore, #tpu.memory_space<semaphore_mem>>)
      "tpu.region"() ({
        %run_scoped3A_51 = tpu.sem_alloc : memref<!tpu.dma_semaphore, #tpu.memory_space<semaphore_mem>>
        %dma_start3A_52 = arith.constant 0 : i32
        %dma_start3A_53 = arith.constant 0 : i32
        %dma_start3A_54 = tpu.memref_slice %arg11[%dma_start3A_52, %dma_start3A_53] : memref<10240x128xf32, #tpu.memory_space<vmem_shared>> -> memref<10240x128xf32, #tpu.memory_space<vmem_shared>>
        tpu.enqueue_indirect_dma source(%arg10 : memref<128x128xf32, #tpu.memory_space<vmem>>) target(%dma_start3A_54 : memref<10240x128xf32, #tpu.memory_space<vmem_shared>>) offsets(%arg8 : memref<128xi32, #tpu.memory_space<vmem>>) semaphore(%run_scoped3A_51 : memref<!tpu.dma_semaphore, #tpu.memory_space<semaphore_mem>>) {add = true}
        %dma_wait3A_55 = arith.constant 0 : i32
        %dma_wait3A_56 = arith.constant 0 : i32
        %dma_wait3A_57 = tpu.memref_slice %arg11[%dma_wait3A_55, %dma_wait3A_56] : memref<10240x128xf32, #tpu.memory_space<vmem_shared>> -> memref<10240x128xf32, #tpu.memory_space<vmem_shared>>
        tpu.wait_indirect_dma semaphore(%run_scoped3A_51 : memref<!tpu.dma_semaphore, #tpu.memory_space<semaphore_mem>>) src(%arg10 : memref<128x128xf32, #tpu.memory_space<vmem>>) dst(%dma_wait3A_57 : memref<10240x128xf32, #tpu.memory_space<vmem_shared>>)
        tpu.yield
      }) : () -> ()
    }
    %scan3A_12 = arith.constant 39 : i32
    %add3A_13 = arith.constant 80 : i32
    %add3A_14 = arith.addi %mul3A_4, %add3A_13 : i32
    %sub3A = arith.constant 1 : i32
    %sub3A_15 = arith.subi %add3A_14, %sub3A : i32
    %run_scoped3A_16 = arith.constant 0 : i32
    "tpu.region"() ({
      %run_scoped3A_27 = tpu.sem_alloc : memref<!tpu.dma_semaphore, #tpu.memory_space<semaphore_mem>>
      %dma_start3A_28 = arith.constant 0 : i32
      %dma_start3A_29 = tpu.memref_slice %arg3[%sub3A_15, %run_scoped3A_16, %dma_start3A_28] : memref<2560x2x128xi32, #tpu.memory_space<hbm>> -> memref<1x1x128xi32, #tpu.memory_space<hbm>>
      %dma_start3A_30 = tpu.memref_squeeze %dma_start3A_29 : memref<1x1x128xi32, #tpu.memory_space<hbm>> -> memref<128xi32, #tpu.memory_space<hbm>>
      %dma_start3A_31 = arith.constant 0 : i32
      %dma_start3A_32 = tpu.memref_slice %arg3[%sub3A_15, %run_scoped3A_16, %dma_start3A_31] : memref<2560x2x128xi32, #tpu.memory_space<hbm>> -> memref<1x1x128xi32, #tpu.memory_space<hbm>>
      %dma_start3A_33 = tpu.memref_squeeze %dma_start3A_32 : memref<1x1x128xi32, #tpu.memory_space<hbm>> -> memref<128xi32, #tpu.memory_space<hbm>>
      tpu.enqueue_dma source(%dma_start3A_33 : memref<128xi32, #tpu.memory_space<hbm>>) target(%arg6 : memref<128xi32, #tpu.memory_space<vmem>>) target_semaphore(%run_scoped3A_27 : memref<!tpu.dma_semaphore, #tpu.memory_space<semaphore_mem>>)
      %dma_wait3A_34 = arith.constant 0 : i32
      %dma_wait3A_35 = tpu.memref_slice %arg3[%sub3A_15, %run_scoped3A_16, %dma_wait3A_34] : memref<2560x2x128xi32, #tpu.memory_space<hbm>> -> memref<1x1x128xi32, #tpu.memory_space<hbm>>
      %dma_wait3A_36 = tpu.memref_squeeze %dma_wait3A_35 : memref<1x1x128xi32, #tpu.memory_space<hbm>> -> memref<128xi32, #tpu.memory_space<hbm>>
      %dma_wait3A_37 = arith.constant 0 : i32
      %dma_wait3A_38 = tpu.memref_slice %arg3[%sub3A_15, %run_scoped3A_16, %dma_wait3A_37] : memref<2560x2x128xi32, #tpu.memory_space<hbm>> -> memref<1x1x128xi32, #tpu.memory_space<hbm>>
      %dma_wait3A_39 = tpu.memref_squeeze %dma_wait3A_38 : memref<1x1x128xi32, #tpu.memory_space<hbm>> -> memref<128xi32, #tpu.memory_space<hbm>>
      tpu.wait_dma2 semaphore(%run_scoped3A_27 : memref<!tpu.dma_semaphore, #tpu.memory_space<semaphore_mem>>) src(%dma_wait3A_39 : memref<128xi32, #tpu.memory_space<hbm>>) dst(%arg6 : memref<128xi32, #tpu.memory_space<vmem>>)
      tpu.yield
    }) : () -> ()
    %run_scoped3A_17 = arith.constant 1 : i32
    "tpu.region"() ({
      %run_scoped3A_27 = tpu.sem_alloc : memref<!tpu.dma_semaphore, #tpu.memory_space<semaphore_mem>>
      %dma_start3A_28 = arith.constant 0 : i32
      %dma_start3A_29 = tpu.memref_slice %arg3[%sub3A_15, %run_scoped3A_17, %dma_start3A_28] : memref<2560x2x128xi32, #tpu.memory_space<hbm>> -> memref<1x1x128xi32, #tpu.memory_space<hbm>>
      %dma_start3A_30 = tpu.memref_squeeze %dma_start3A_29 : memref<1x1x128xi32, #tpu.memory_space<hbm>> -> memref<128xi32, #tpu.memory_space<hbm>>
      %dma_start3A_31 = arith.constant 0 : i32
      %dma_start3A_32 = tpu.memref_slice %arg3[%sub3A_15, %run_scoped3A_17, %dma_start3A_31] : memref<2560x2x128xi32, #tpu.memory_space<hbm>> -> memref<1x1x128xi32, #tpu.memory_space<hbm>>
      %dma_start3A_33 = tpu.memref_squeeze %dma_start3A_32 : memref<1x1x128xi32, #tpu.memory_space<hbm>> -> memref<128xi32, #tpu.memory_space<hbm>>
      tpu.enqueue_dma source(%dma_start3A_33 : memref<128xi32, #tpu.memory_space<hbm>>) target(%arg8 : memref<128xi32, #tpu.memory_space<vmem>>) target_semaphore(%run_scoped3A_27 : memref<!tpu.dma_semaphore, #tpu.memory_space<semaphore_mem>>)
      %dma_wait3A_34 = arith.constant 0 : i32
      %dma_wait3A_35 = tpu.memref_slice %arg3[%sub3A_15, %run_scoped3A_17, %dma_wait3A_34] : memref<2560x2x128xi32, #tpu.memory_space<hbm>> -> memref<1x1x128xi32, #tpu.memory_space<hbm>>
      %dma_wait3A_36 = tpu.memref_squeeze %dma_wait3A_35 : memref<1x1x128xi32, #tpu.memory_space<hbm>> -> memref<128xi32, #tpu.memory_space<hbm>>
      %dma_wait3A_37 = arith.constant 0 : i32
      %dma_wait3A_38 = tpu.memref_slice %arg3[%sub3A_15, %run_scoped3A_17, %dma_wait3A_37] : memref<2560x2x128xi32, #tpu.memory_space<hbm>> -> memref<1x1x128xi32, #tpu.memory_space<hbm>>
      %dma_wait3A_39 = tpu.memref_squeeze %dma_wait3A_38 : memref<1x1x128xi32, #tpu.memory_space<hbm>> -> memref<128xi32, #tpu.memory_space<hbm>>
      tpu.wait_dma2 semaphore(%run_scoped3A_27 : memref<!tpu.dma_semaphore, #tpu.memory_space<semaphore_mem>>) src(%dma_wait3A_39 : memref<128xi32, #tpu.memory_space<hbm>>) dst(%arg8 : memref<128xi32, #tpu.memory_space<vmem>>)
      tpu.yield
    }) : () -> ()
    %dma_wait3A = arith.constant 0 : i32
    %dma_wait3A_18 = arith.constant 0 : i32
    %dma_wait3A_19 = tpu.memref_slice %arg2[%dma_wait3A, %dma_wait3A_18] : memref<10240x128xf32, #tpu.memory_space<hbm>> -> memref<10240x128xf32, #tpu.memory_space<hbm>>
    tpu.wait_indirect_dma semaphore(%arg12 : memref<!tpu.dma_semaphore, #tpu.memory_space<semaphore_mem>>) src(%dma_wait3A_19 : memref<10240x128xf32, #tpu.memory_space<hbm>>) dst(%arg9 : memref<128x128xf32, #tpu.memory_space<vmem>>)
    %dma_start3A_20 = arith.constant 0 : i32
    %dma_start3A_21 = arith.constant 0 : i32
    %dma_start3A_22 = tpu.memref_slice %arg2[%dma_start3A_20, %dma_start3A_21] : memref<10240x128xf32, #tpu.memory_space<hbm>> -> memref<10240x128xf32, #tpu.memory_space<hbm>>
    tpu.enqueue_indirect_dma source(%dma_start3A_22 : memref<10240x128xf32, #tpu.memory_space<hbm>>) target(%arg10 : memref<128x128xf32, #tpu.memory_space<vmem>>) offsets(%arg6 : memref<128xi32, #tpu.memory_space<vmem>>) semaphore(%arg13 : memref<!tpu.dma_semaphore, #tpu.memory_space<semaphore_mem>>)
    "tpu.region"() ({
      %run_scoped3A_27 = tpu.sem_alloc : memref<!tpu.dma_semaphore, #tpu.memory_space<semaphore_mem>>
      %dma_start3A_28 = arith.constant 0 : i32
      %dma_start3A_29 = arith.constant 0 : i32
      %dma_start3A_30 = tpu.memref_slice %arg11[%dma_start3A_28, %dma_start3A_29] : memref<10240x128xf32, #tpu.memory_space<vmem_shared>> -> memref<10240x128xf32, #tpu.memory_space<vmem_shared>>
      tpu.enqueue_indirect_dma source(%arg9 : memref<128x128xf32, #tpu.memory_space<vmem>>) target(%dma_start3A_30 : memref<10240x128xf32, #tpu.memory_space<vmem_shared>>) offsets(%arg7 : memref<128xi32, #tpu.memory_space<vmem>>) semaphore(%run_scoped3A_27 : memref<!tpu.dma_semaphore, #tpu.memory_space<semaphore_mem>>) {add = true}
      %dma_wait3A_31 = arith.constant 0 : i32
      %dma_wait3A_32 = arith.constant 0 : i32
      %dma_wait3A_33 = tpu.memref_slice %arg11[%dma_wait3A_31, %dma_wait3A_32] : memref<10240x128xf32, #tpu.memory_space<vmem_shared>> -> memref<10240x128xf32, #tpu.memory_space<vmem_shared>>
      tpu.wait_indirect_dma semaphore(%run_scoped3A_27 : memref<!tpu.dma_semaphore, #tpu.memory_space<semaphore_mem>>) src(%arg9 : memref<128x128xf32, #tpu.memory_space<vmem>>) dst(%dma_wait3A_33 : memref<10240x128xf32, #tpu.memory_space<vmem_shared>>)
      tpu.yield
    }) : () -> ()
    %dma_wait3A_23 = arith.constant 0 : i32
    %dma_wait3A_24 = arith.constant 0 : i32
    %dma_wait3A_25 = tpu.memref_slice %arg2[%dma_wait3A_23, %dma_wait3A_24] : memref<10240x128xf32, #tpu.memory_space<hbm>> -> memref<10240x128xf32, #tpu.memory_space<hbm>>
    tpu.wait_indirect_dma semaphore(%arg13 : memref<!tpu.dma_semaphore, #tpu.memory_space<semaphore_mem>>) src(%dma_wait3A_25 : memref<10240x128xf32, #tpu.memory_space<hbm>>) dst(%arg10 : memref<128x128xf32, #tpu.memory_space<vmem>>)
    "tpu.region"() ({
      %run_scoped3A_27 = tpu.sem_alloc : memref<!tpu.dma_semaphore, #tpu.memory_space<semaphore_mem>>
      %dma_start3A_28 = arith.constant 0 : i32
      %dma_start3A_29 = arith.constant 0 : i32
      %dma_start3A_30 = tpu.memref_slice %arg11[%dma_start3A_28, %dma_start3A_29] : memref<10240x128xf32, #tpu.memory_space<vmem_shared>> -> memref<10240x128xf32, #tpu.memory_space<vmem_shared>>
      tpu.enqueue_indirect_dma source(%arg10 : memref<128x128xf32, #tpu.memory_space<vmem>>) target(%dma_start3A_30 : memref<10240x128xf32, #tpu.memory_space<vmem_shared>>) offsets(%arg8 : memref<128xi32, #tpu.memory_space<vmem>>) semaphore(%run_scoped3A_27 : memref<!tpu.dma_semaphore, #tpu.memory_space<semaphore_mem>>) {add = true}
      %dma_wait3A_31 = arith.constant 0 : i32
      %dma_wait3A_32 = arith.constant 0 : i32
      %dma_wait3A_33 = tpu.memref_slice %arg11[%dma_wait3A_31, %dma_wait3A_32] : memref<10240x128xf32, #tpu.memory_space<vmem_shared>> -> memref<10240x128xf32, #tpu.memory_space<vmem_shared>>
      tpu.wait_indirect_dma semaphore(%run_scoped3A_27 : memref<!tpu.dma_semaphore, #tpu.memory_space<semaphore_mem>>) src(%arg10 : memref<128x128xf32, #tpu.memory_space<vmem>>) dst(%dma_wait3A_33 : memref<10240x128xf32, #tpu.memory_space<vmem_shared>>)
      tpu.yield
    }) : () -> ()
    %barrier3A_26 = arith.constant 0 : index
    tpu.barrier barrier_id(%barrier3A_26)
    "tpu.region"() ({
      %run_scoped3A_27 = tpu.sem_alloc : memref<!tpu.dma_semaphore, #tpu.memory_space<semaphore_mem>>
      %dma_start3A_28 = arith.constant 0 : i32
      %dma_start3A_29 = tpu.memref_slice %arg4[%arg0, %mul3A_0, %dma_start3A_28] : memref<2x10240x128xf32, #tpu.memory_space<hbm>> -> memref<1x640x128xf32, #tpu.memory_space<hbm>>
      %dma_start3A_30 = tpu.memref_squeeze %dma_start3A_29 : memref<1x640x128xf32, #tpu.memory_space<hbm>> -> memref<640x128xf32, #tpu.memory_space<hbm>>
      %dma_start3A_31 = arith.constant 0 : i32
      %dma_start3A_32 = tpu.memref_slice %arg11[%mul3A_0, %dma_start3A_31] : memref<10240x128xf32, #tpu.memory_space<vmem_shared>> -> memref<640x128xf32, #tpu.memory_space<vmem_shared>>
      tpu.enqueue_dma source(%dma_start3A_32 : memref<640x128xf32, #tpu.memory_space<vmem_shared>>) target(%dma_start3A_30 : memref<640x128xf32, #tpu.memory_space<hbm>>) target_semaphore(%run_scoped3A_27 : memref<!tpu.dma_semaphore, #tpu.memory_space<semaphore_mem>>)
      %dma_wait3A_33 = arith.constant 0 : i32
      %dma_wait3A_34 = tpu.memref_slice %arg4[%arg0, %mul3A_0, %dma_wait3A_33] : memref<2x10240x128xf32, #tpu.memory_space<hbm>> -> memref<1x640x128xf32, #tpu.memory_space<hbm>>
      %dma_wait3A_35 = tpu.memref_squeeze %dma_wait3A_34 : memref<1x640x128xf32, #tpu.memory_space<hbm>> -> memref<640x128xf32, #tpu.memory_space<hbm>>
      %dma_wait3A_36 = arith.constant 0 : i32
      %dma_wait3A_37 = tpu.memref_slice %arg11[%mul3A_0, %dma_wait3A_36] : memref<10240x128xf32, #tpu.memory_space<vmem_shared>> -> memref<640x128xf32, #tpu.memory_space<vmem_shared>>
      tpu.wait_dma2 semaphore(%run_scoped3A_27 : memref<!tpu.dma_semaphore, #tpu.memory_space<semaphore_mem>>) src(%dma_wait3A_37 : memref<640x128xf32, #tpu.memory_space<vmem_shared>>) dst(%dma_wait3A_35 : memref<640x128xf32, #tpu.memory_space<hbm>>)
      tpu.yield
    }) : () -> ()
    return
  }
}

module attributes {stable_mosaic.version = 14 : i64} {
  func.func @body(%arg0: memref<2x10240x16xf32, #tpu.memory_space<vmem>>, %arg1: memref<10240x1xf32, #tpu.memory_space<vmem>>) attributes {dimension_semantics = [], scalar_prefetch = 0 : i64, scratch_operands = 0 : i64, tpu.core_type = #tpu.core_type<tc>} {
    %get3A = arith.constant 0 : index
    %get3A_0 = arith.constant 0 : index
    %get3A_1 = arith.constant 0 : index
    %get3A_2 = vector.load %arg0[%get3A, %get3A_0, %get3A_1] : memref<2x10240x16xf32, #tpu.memory_space<vmem>>, vector<1x10240x1xf32>
    %get3A_3 = vector.shape_cast %get3A_2 : vector<1x10240x1xf32> to vector<10240x1xf32>
    %get3A_4 = arith.constant 1 : index
    %get3A_5 = arith.constant 0 : index
    %get3A_6 = arith.constant 0 : index
    %get3A_7 = vector.load %arg0[%get3A_4, %get3A_5, %get3A_6] : memref<2x10240x16xf32, #tpu.memory_space<vmem>>, vector<1x10240x1xf32>
    %get3A_8 = vector.shape_cast %get3A_7 : vector<1x10240x1xf32> to vector<10240x1xf32>
    %add3A = arith.addf %get3A_3, %get3A_8 : vector<10240x1xf32>
    %add3A_9 = arith.constant 1.000000e+00 : f32
    %add3A_10 = vector.broadcast %add3A_9 : f32 to vector<10240x1xf32>
    %add3A_11 = arith.addf %add3A, %add3A_10 : vector<10240x1xf32>
    %rsqrt3A = math.rsqrt %add3A_11 : vector<10240x1xf32>
    %swap3A = arith.constant 0 : index
    %swap3A_12 = arith.constant 0 : index
    %swap3A_13 = vector.load %arg1[%swap3A, %swap3A_12] : memref<10240x1xf32, #tpu.memory_space<vmem>>, vector<10240x1xf32>
    tpu.vector_store %arg1[%swap3A, %swap3A_12], %rsqrt3A {strides = array<i32>} : memref<10240x1xf32, #tpu.memory_space<vmem>>, vector<10240x1xf32>,
    return
  }
}

module attributes {stable_mosaic.version = 14 : i64} {
  func.func @body(%arg0: i32, %arg1: memref<1024x128xf32, #tpu.memory_space<vmem>>, %arg2: memref<128x128xf32, #tpu.memory_space<vmem>>, %arg3: memref<1024x1xf32, #tpu.memory_space<vmem>>, %arg4: memref<1024x128xf32, #tpu.memory_space<vmem>>) attributes {dimension_semantics = [#tpu.dimension_semantics<arbitrary>], iteration_bounds = array<i64: 10>, scalar_prefetch = 0 : i64, scratch_operands = 0 : i64, tpu.core_type = #tpu.core_type<tc>, window_params = [{transform_indices = @transform_0, window_bounds = array<i64: 1024, 128>}, {pipeline_mode = #tpu.pipeline_mode<synchronous>, transform_indices = @transform_1, window_bounds = array<i64: 128, 128>}, {transform_indices = @transform_2, window_bounds = array<i64: 1024, 1>}, {transform_indices = @transform_3, window_bounds = array<i64: 1024, 128>}]} {
    %get3A = arith.constant 0 : index
    %get3A_0 = arith.constant 0 : index
    %get3A_1 = vector.load %arg3[%get3A, %get3A_0] : memref<1024x1xf32, #tpu.memory_space<vmem>>, vector<1024x1xf32>
    %get3A_2 = arith.constant 0 : index
    %get3A_3 = arith.constant 0 : index
    %get3A_4 = vector.load %arg1[%get3A_2, %get3A_3] : memref<1024x128xf32, #tpu.memory_space<vmem>>, vector<1024x128xf32>
    %get3A_5 = arith.constant 0 : index
    %get3A_6 = arith.constant 0 : index
    %get3A_7 = vector.load %arg2[%get3A_5, %get3A_6] : memref<128x128xf32, #tpu.memory_space<vmem>>, vector<128x128xf32>
    %dot_general3A = arith.constant dense<0.000000e+00> : vector<1024x128xf32>
    %dot_general3A_8 = tpu.matmul %get3A_4, %get3A_7, %dot_general3A {dimension_numbers = #tpu.dot_dimension_numbers<[1], [0], [0], [1], [0, 0, 1, 1], [], []>, transpose_lhs_hint = false} : vector<1024x128xf32>, vector<128x128xf32>, vector<1024x128xf32> -> vector<1024x128xf32>
    %mul3A = vector.broadcast %get3A_1 : vector<1024x1xf32> to vector<1024x128xf32>
    %mul3A_9 = arith.mulf %mul3A, %dot_general3A_8 : vector<1024x128xf32>
    %swap3A = arith.constant 0 : index
    %swap3A_10 = arith.constant 0 : index
    %swap3A_11 = vector.load %arg4[%swap3A, %swap3A_10] : memref<1024x128xf32, #tpu.memory_space<vmem>>, vector<1024x128xf32>
    tpu.vector_store %arg4[%swap3A, %swap3A_10], %mul3A_9 {strides = array<i32>} : memref<1024x128xf32, #tpu.memory_space<vmem>>, vector<1024x128xf32>,
    return
  }
  func.func @transform_0(%arg0: i32) -> (i32, i32) {
    %c0_i32 = arith.constant 0 : i32
    %c0_i32_0 = arith.constant 0 : i32
    return %arg0, %c0_i32 : i32, i32
  }
  func.func @transform_1(%arg0: i32) -> (i32, i32) {
    %c0_i32 = arith.constant 0 : i32
    %c0_i32_0 = arith.constant 0 : i32
    %c0_i32_1 = arith.constant 0 : i32
    return %c0_i32, %c0_i32_0 : i32, i32
  }
  func.func @transform_2(%arg0: i32) -> (i32, i32) {
    %c0_i32 = arith.constant 0 : i32
    %c0_i32_0 = arith.constant 0 : i32
    return %arg0, %c0_i32 : i32, i32
  }
  func.func @transform_3(%arg0: i32) -> (i32, i32) {
    %c0_i32 = arith.constant 0 : i32
    %c0_i32_0 = arith.constant 0 : i32
    return %arg0, %c0_i32 : i32, i32
  }
}

module attributes {stable_mosaic.version = 14 : i64} {
  func.func @body(%arg0: i32, %arg1: memref<2x1024x128xf32, #tpu.memory_space<vmem>>, %arg2: memref<1024x128xf32, #tpu.memory_space<vmem>>, %arg3: memref<1024x1xf32, #tpu.memory_space<vmem>>, %arg4: memref<1x128xf32, #tpu.memory_space<vmem>>, %arg5: memref<128x128xf32, #tpu.memory_space<vmem>>, %arg6: memref<1024x128xf32, #tpu.memory_space<vmem>>) attributes {dimension_semantics = [#tpu.dimension_semantics<arbitrary>], iteration_bounds = array<i64: 10>, scalar_prefetch = 0 : i64, scratch_operands = 0 : i64, tpu.core_type = #tpu.core_type<tc>, window_params = [{transform_indices = @transform_0, window_bounds = array<i64: 2, 1024, 128>}, {transform_indices = @transform_1, window_bounds = array<i64: 1024, 128>}, {transform_indices = @transform_2, window_bounds = array<i64: 1024, 1>}, {pipeline_mode = #tpu.pipeline_mode<synchronous>, transform_indices = @transform_3, window_bounds = array<i64: 1, 128>}, {pipeline_mode = #tpu.pipeline_mode<synchronous>, transform_indices = @transform_4, window_bounds = array<i64: 128, 128>}, {transform_indices = @transform_5, window_bounds = array<i64: 1024, 128>}]} {
    %get3A = arith.constant 0 : index
    %get3A_0 = arith.constant 0 : index
    %get3A_1 = vector.load %arg3[%get3A, %get3A_0] : memref<1024x1xf32, #tpu.memory_space<vmem>>, vector<1024x1xf32>
    %get3A_2 = arith.constant 0 : index
    %get3A_3 = arith.constant 0 : index
    %get3A_4 = arith.constant 0 : index
    %get3A_5 = vector.load %arg1[%get3A_2, %get3A_3, %get3A_4] : memref<2x1024x128xf32, #tpu.memory_space<vmem>>, vector<1x1024x128xf32>
    %get3A_6 = vector.shape_cast %get3A_5 : vector<1x1024x128xf32> to vector<1024x128xf32>
    %get3A_7 = arith.constant 1 : index
    %get3A_8 = arith.constant 0 : index
    %get3A_9 = arith.constant 0 : index
    %get3A_10 = vector.load %arg1[%get3A_7, %get3A_8, %get3A_9] : memref<2x1024x128xf32, #tpu.memory_space<vmem>>, vector<1x1024x128xf32>
    %get3A_11 = vector.shape_cast %get3A_10 : vector<1x1024x128xf32> to vector<1024x128xf32>
    %add3A = arith.addf %get3A_6, %get3A_11 : vector<1024x128xf32>
    %get3A_12 = arith.constant 0 : index
    %get3A_13 = arith.constant 0 : index
    %get3A_14 = vector.load %arg2[%get3A_12, %get3A_13] : memref<1024x128xf32, #tpu.memory_space<vmem>>, vector<1024x128xf32>
    %sub3A = arith.subf %add3A, %get3A_14 : vector<1024x128xf32>
    %mul3A = vector.broadcast %get3A_1 : vector<1024x1xf32> to vector<1024x128xf32>
    %mul3A_15 = arith.mulf %mul3A, %sub3A : vector<1024x128xf32>
    %get3A_16 = arith.constant 0 : index
    %get3A_17 = arith.constant 0 : index
    %get3A_18 = vector.load %arg4[%get3A_16, %get3A_17] : memref<1x128xf32, #tpu.memory_space<vmem>>, vector<1x128xf32>
    %add3A_19 = vector.broadcast %get3A_18 : vector<1x128xf32> to vector<1024x128xf32>
    %add3A_20 = arith.addf %mul3A_15, %add3A_19 : vector<1024x128xf32>
    %max3A = arith.constant 0.000000e+00 : f32
    %max3A_21 = vector.broadcast %max3A : f32 to vector<1024x128xf32>
    %max3A_22 = arith.maximumf %add3A_20, %max3A_21 : vector<1024x128xf32>
    %get3A_23 = arith.constant 0 : index
    %get3A_24 = arith.constant 0 : index
    %get3A_25 = vector.load %arg5[%get3A_23, %get3A_24] : memref<128x128xf32, #tpu.memory_space<vmem>>, vector<128x128xf32>
    %dot_general3A = arith.constant dense<0.000000e+00> : vector<1024x128xf32>
    %dot_general3A_26 = tpu.matmul %max3A_22, %get3A_25, %dot_general3A {dimension_numbers = #tpu.dot_dimension_numbers<[1], [0], [0], [1], [0, 0, 1, 1], [], []>, transpose_lhs_hint = false} : vector<1024x128xf32>, vector<128x128xf32>, vector<1024x128xf32> -> vector<1024x128xf32>
    %mul3A_27 = vector.broadcast %get3A_1 : vector<1024x1xf32> to vector<1024x128xf32>
    %mul3A_28 = arith.mulf %mul3A_27, %dot_general3A_26 : vector<1024x128xf32>
    %swap3A = arith.constant 0 : index
    %swap3A_29 = arith.constant 0 : index
    %swap3A_30 = vector.load %arg6[%swap3A, %swap3A_29] : memref<1024x128xf32, #tpu.memory_space<vmem>>, vector<1024x128xf32>
    tpu.vector_store %arg6[%swap3A, %swap3A_29], %mul3A_28 {strides = array<i32>} : memref<1024x128xf32, #tpu.memory_space<vmem>>, vector<1024x128xf32>,
    return
  }
  func.func @transform_0(%arg0: i32) -> (i32, i32, i32) {
    %c0_i32 = arith.constant 0 : i32
    %c0_i32_0 = arith.constant 0 : i32
    %c0_i32_1 = arith.constant 0 : i32
    return %c0_i32, %arg0, %c0_i32_0 : i32, i32, i32
  }
  func.func @transform_1(%arg0: i32) -> (i32, i32) {
    %c0_i32 = arith.constant 0 : i32
    %c0_i32_0 = arith.constant 0 : i32
    return %arg0, %c0_i32 : i32, i32
  }
  func.func @transform_2(%arg0: i32) -> (i32, i32) {
    %c0_i32 = arith.constant 0 : i32
    %c0_i32_0 = arith.constant 0 : i32
    return %arg0, %c0_i32 : i32, i32
  }
  func.func @transform_3(%arg0: i32) -> (i32, i32) {
    %c0_i32 = arith.constant 0 : i32
    %c0_i32_0 = arith.constant 0 : i32
    %c0_i32_1 = arith.constant 0 : i32
    return %c0_i32, %c0_i32_0 : i32, i32
  }
  func.func @transform_4(%arg0: i32) -> (i32, i32) {
    %c0_i32 = arith.constant 0 : i32
    %c0_i32_0 = arith.constant 0 : i32
    %c0_i32_1 = arith.constant 0 : i32
    return %c0_i32, %c0_i32_0 : i32, i32
  }
  func.func @transform_5(%arg0: i32) -> (i32, i32) {
    %c0_i32 = arith.constant 0 : i32
    %c0_i32_0 = arith.constant 0 : i32
    return %arg0, %c0_i32 : i32, i32
  }
}

module attributes {stable_mosaic.version = 14 : i64} {
  func.func @body(%arg0: i32, %arg1: memref<2x1024x128xf32, #tpu.memory_space<vmem>>, %arg2: memref<1024x128xf32, #tpu.memory_space<vmem>>, %arg3: memref<1024x1xf32, #tpu.memory_space<vmem>>, %arg4: memref<1x128xf32, #tpu.memory_space<vmem>>, %arg5: memref<1x1x1024xi32, #tpu.memory_space<vmem>>, %arg6: memref<128x40xf32, #tpu.memory_space<vmem>>, %arg7: memref<1x40xf32, #tpu.memory_space<vmem>>, %arg8: memref<64x40xf32, #tpu.memory_space<vmem>>, %arg9: memref<64x128xf32, #tpu.memory_space<vmem>>, %arg10: memref<64x1xf32, #tpu.memory_space<vmem>>) attributes {dimension_semantics = [#tpu.dimension_semantics<arbitrary>], iteration_bounds = array<i64: 10>, scalar_prefetch = 0 : i64, scratch_operands = 2 : i64, tpu.core_type = #tpu.core_type<tc>, window_params = [{transform_indices = @transform_0, window_bounds = array<i64: 2, 1024, 128>}, {transform_indices = @transform_1, window_bounds = array<i64: 1024, 128>}, {transform_indices = @transform_2, window_bounds = array<i64: 1024, 1>}, {pipeline_mode = #tpu.pipeline_mode<synchronous>, transform_indices = @transform_3, window_bounds = array<i64: 1, 128>}, {transform_indices = @transform_4, window_bounds = array<i64: 1, 1, 1024>}, {pipeline_mode = #tpu.pipeline_mode<synchronous>, transform_indices = @transform_5, window_bounds = array<i64: 128, 40>}, {pipeline_mode = #tpu.pipeline_mode<synchronous>, transform_indices = @transform_6, window_bounds = array<i64: 1, 40>}, {pipeline_mode = #tpu.pipeline_mode<synchronous>, transform_indices = @transform_7, window_bounds = array<i64: 64, 40>}]} {
    %eq3A = arith.constant 0 : i32
    %eq3A_0 = arith.cmpi eq, %arg0, %eq3A : i32
    %convert_element_type3A = arith.extui %eq3A_0 : i1 to i32
    %cond3A = arith.constant 0 : i32
    %cond3A_1 = arith.cmpi ne, %convert_element_type3A, %cond3A : i32
    scf.if %cond3A_1 {
      %broadcast_in_dim3A_52 = arith.constant 0.000000e+00 : f32
      %broadcast_in_dim3A_53 = vector.broadcast %broadcast_in_dim3A_52 : f32 to vector<64x128xf32>
      %swap3A_54 = arith.constant 0 : index
      %swap3A_55 = arith.constant 0 : index
      %swap3A_56 = vector.load %arg9[%swap3A_54, %swap3A_55] : memref<64x128xf32, #tpu.memory_space<vmem>>, vector<64x128xf32>
      tpu.vector_store %arg9[%swap3A_54, %swap3A_55], %broadcast_in_dim3A_53 {strides = array<i32>} : memref<64x128xf32, #tpu.memory_space<vmem>>, vector<64x128xf32>,
      %broadcast_in_dim3A_57 = arith.constant 0.000000e+00 : f32
      %broadcast_in_dim3A_58 = vector.broadcast %broadcast_in_dim3A_57 : f32 to vector<64x1xf32>
      %swap3A_59 = arith.constant 0 : index
      %swap3A_60 = arith.constant 0 : index
      %swap3A_61 = vector.load %arg10[%swap3A_59, %swap3A_60] : memref<64x1xf32, #tpu.memory_space<vmem>>, vector<64x1xf32>
      tpu.vector_store %arg10[%swap3A_59, %swap3A_60], %broadcast_in_dim3A_58 {strides = array<i32>} : memref<64x1xf32, #tpu.memory_space<vmem>>, vector<64x1xf32>,
    } else {
    }
    %get3A = arith.constant 0 : index
    %get3A_2 = arith.constant 0 : index
    %get3A_3 = vector.load %arg3[%get3A, %get3A_2] : memref<1024x1xf32, #tpu.memory_space<vmem>>, vector<1024x1xf32>
    %get3A_4 = arith.constant 0 : index
    %get3A_5 = arith.constant 0 : index
    %get3A_6 = arith.constant 0 : index
    %get3A_7 = vector.load %arg1[%get3A_4, %get3A_5, %get3A_6] : memref<2x1024x128xf32, #tpu.memory_space<vmem>>, vector<1x1024x128xf32>
    %get3A_8 = vector.shape_cast %get3A_7 : vector<1x1024x128xf32> to vector<1024x128xf32>
    %get3A_9 = arith.constant 1 : index
    %get3A_10 = arith.constant 0 : index
    %get3A_11 = arith.constant 0 : index
    %get3A_12 = vector.load %arg1[%get3A_9, %get3A_10, %get3A_11] : memref<2x1024x128xf32, #tpu.memory_space<vmem>>, vector<1x1024x128xf32>
    %get3A_13 = vector.shape_cast %get3A_12 : vector<1x1024x128xf32> to vector<1024x128xf32>
    %add3A = arith.addf %get3A_8, %get3A_13 : vector<1024x128xf32>
    %get3A_14 = arith.constant 0 : index
    %get3A_15 = arith.constant 0 : index
    %get3A_16 = vector.load %arg2[%get3A_14, %get3A_15] : memref<1024x128xf32, #tpu.memory_space<vmem>>, vector<1024x128xf32>
    %sub3A = arith.subf %add3A, %get3A_16 : vector<1024x128xf32>
    %mul3A = vector.broadcast %get3A_3 : vector<1024x1xf32> to vector<1024x128xf32>
    %mul3A_17 = arith.mulf %mul3A, %sub3A : vector<1024x128xf32>
    %get3A_18 = arith.constant 0 : index
    %get3A_19 = arith.constant 0 : index
    %get3A_20 = vector.load %arg4[%get3A_18, %get3A_19] : memref<1x128xf32, #tpu.memory_space<vmem>>, vector<1x128xf32>
    %add3A_21 = vector.broadcast %get3A_20 : vector<1x128xf32> to vector<1024x128xf32>
    %add3A_22 = arith.addf %mul3A_17, %add3A_21 : vector<1024x128xf32>
    %iota3A = tpu.iota {dimensions = array<i32: 0>} : vector<64x1024xi32>
    %get3A_23 = arith.constant 0 : index
    %get3A_24 = arith.constant 0 : index
    %get3A_25 = arith.constant 0 : index
    %get3A_26 = vector.load %arg5[%get3A_23, %get3A_24, %get3A_25] : memref<1x1x1024xi32, #tpu.memory_space<vmem>>, vector<1x1x1024xi32>
    %get3A_27 = vector.shape_cast %get3A_26 : vector<1x1x1024xi32> to vector<1x1024xi32>
    %eq3A_28 = vector.broadcast %get3A_27 : vector<1x1024xi32> to vector<64x1024xi32>
    %eq3A_29 = arith.cmpi eq, %eq3A_28, %iota3A : vector<64x1024xi32>
    %convert_element_type3A_30 = arith.extui %eq3A_29 : vector<64x1024xi1> to vector<64x1024xi32>
    %convert_element_type3A_31 = arith.sitofp %convert_element_type3A_30 : vector<64x1024xi32> to vector<64x1024xf32>
    %get3A_32 = arith.constant 0 : index
    %get3A_33 = arith.constant 0 : index
    %get3A_34 = vector.load %arg9[%get3A_32, %get3A_33] : memref<64x128xf32, #tpu.memory_space<vmem>>, vector<64x128xf32>
    %dot_general3A = arith.constant dense<0.000000e+00> : vector<64x128xf32>
    %dot_general3A_35 = tpu.matmul %convert_element_type3A_31, %add3A_22, %dot_general3A {dimension_numbers = #tpu.dot_dimension_numbers<[1], [0], [0], [1], [0, 0, 1, 1], [], []>, transpose_lhs_hint = false} : vector<64x1024xf32>, vector<1024x128xf32>, vector<64x128xf32> -> vector<64x128xf32>
    %add3A_36 = arith.addf %get3A_34, %dot_general3A_35 : vector<64x128xf32>
    %swap3A = arith.constant 0 : index
    %swap3A_37 = arith.constant 0 : index
    %swap3A_38 = vector.load %arg9[%swap3A, %swap3A_37] : memref<64x128xf32, #tpu.memory_space<vmem>>, vector<64x128xf32>
    tpu.vector_store %arg9[%swap3A, %swap3A_37], %add3A_36 {strides = array<i32>} : memref<64x128xf32, #tpu.memory_space<vmem>>, vector<64x128xf32>,
    %get3A_39 = arith.constant 0 : index
    %get3A_40 = arith.constant 0 : index
    %get3A_41 = vector.load %arg10[%get3A_39, %get3A_40] : memref<64x1xf32, #tpu.memory_space<vmem>>, vector<64x1xf32>
    %reduce_sum3A = arith.constant dense<0.000000e+00> : vector<64xf32>
    %reduce_sum3A_42 = vector.multi_reduction <add>, %convert_element_type3A_31, %reduce_sum3A [1] : vector<64x1024xf32> to vector<64xf32>
    %broadcast_in_dim3A = vector.shape_cast %reduce_sum3A_42 : vector<64xf32> to vector<64x1xf32>
    %add3A_43 = arith.addf %get3A_41, %broadcast_in_dim3A : vector<64x1xf32>
    %swap3A_44 = arith.constant 0 : index
    %swap3A_45 = arith.constant 0 : index
    %swap3A_46 = vector.load %arg10[%swap3A_44, %swap3A_45] : memref<64x1xf32, #tpu.memory_space<vmem>>, vector<64x1xf32>
    tpu.vector_store %arg10[%swap3A_44, %swap3A_45], %add3A_43 {strides = array<i32>} : memref<64x1xf32, #tpu.memory_space<vmem>>, vector<64x1xf32>,
    %eq3A_47 = arith.constant 9 : i32
    %eq3A_48 = arith.cmpi eq, %arg0, %eq3A_47 : i32
    %convert_element_type3A_49 = arith.extui %eq3A_48 : i1 to i32
    %cond3A_50 = arith.constant 0 : i32
    %cond3A_51 = arith.cmpi ne, %convert_element_type3A_49, %cond3A_50 : i32
    scf.if %cond3A_51 {
      %get3A_52 = arith.constant 0 : index
      %get3A_53 = arith.constant 0 : index
      %get3A_54 = vector.load %arg9[%get3A_52, %get3A_53] : memref<64x128xf32, #tpu.memory_space<vmem>>, vector<64x128xf32>
      %get3A_55 = arith.constant 0 : index
      %get3A_56 = arith.constant 0 : index
      %get3A_57 = vector.load %arg10[%get3A_55, %get3A_56] : memref<64x1xf32, #tpu.memory_space<vmem>>, vector<64x1xf32>
      %max3A = arith.constant 1.000000e+00 : f32
      %max3A_58 = vector.broadcast %max3A : f32 to vector<64x1xf32>
      %max3A_59 = arith.maximumf %get3A_57, %max3A_58 : vector<64x1xf32>
      %div3A = vector.broadcast %max3A_59 : vector<64x1xf32> to vector<64x128xf32>
      %div3A_60 = arith.divf %get3A_54, %div3A : vector<64x128xf32>
      %get3A_61 = arith.constant 0 : index
      %get3A_62 = arith.constant 0 : index
      %get3A_63 = vector.load %arg6[%get3A_61, %get3A_62] : memref<128x40xf32, #tpu.memory_space<vmem>>, vector<128x40xf32>
      %dot_general3A_64 = arith.constant dense<0.000000e+00> : vector<64x40xf32>
      %dot_general3A_65 = tpu.matmul %div3A_60, %get3A_63, %dot_general3A_64 {dimension_numbers = #tpu.dot_dimension_numbers<[1], [0], [0], [1], [0, 0, 1, 1], [], []>, transpose_lhs_hint = false} : vector<64x128xf32>, vector<128x40xf32>, vector<64x40xf32> -> vector<64x40xf32>
      %get3A_66 = arith.constant 0 : index
      %get3A_67 = arith.constant 0 : index
      %get3A_68 = vector.load %arg7[%get3A_66, %get3A_67] : memref<1x40xf32, #tpu.memory_space<vmem>>, vector<1x40xf32>
      %add3A_69 = vector.broadcast %get3A_68 : vector<1x40xf32> to vector<64x40xf32>
      %add3A_70 = arith.addf %dot_general3A_65, %add3A_69 : vector<64x40xf32>
      %swap3A_71 = arith.constant 0 : index
      %swap3A_72 = arith.constant 0 : index
      %swap3A_73 = vector.load %arg8[%swap3A_71, %swap3A_72] : memref<64x40xf32, #tpu.memory_space<vmem>>, vector<64x40xf32>
      tpu.vector_store %arg8[%swap3A_71, %swap3A_72], %add3A_70 {strides = array<i32>} : memref<64x40xf32, #tpu.memory_space<vmem>>, vector<64x40xf32>,
    } else {
    }
    return
  }
  func.func @transform_0(%arg0: i32) -> (i32, i32, i32) {
    %c0_i32 = arith.constant 0 : i32
    %c0_i32_0 = arith.constant 0 : i32
    %c0_i32_1 = arith.constant 0 : i32
    return %c0_i32, %arg0, %c0_i32_0 : i32, i32, i32
  }
  func.func @transform_1(%arg0: i32) -> (i32, i32) {
    %c0_i32 = arith.constant 0 : i32
    %c0_i32_0 = arith.constant 0 : i32
    return %arg0, %c0_i32 : i32, i32
  }
  func.func @transform_2(%arg0: i32) -> (i32, i32) {
    %c0_i32 = arith.constant 0 : i32
    %c0_i32_0 = arith.constant 0 : i32
    return %arg0, %c0_i32 : i32, i32
  }
  func.func @transform_3(%arg0: i32) -> (i32, i32) {
    %c0_i32 = arith.constant 0 : i32
    %c0_i32_0 = arith.constant 0 : i32
    %c0_i32_1 = arith.constant 0 : i32
    return %c0_i32, %c0_i32_0 : i32, i32
  }
  func.func @transform_4(%arg0: i32) -> (i32, i32, i32) {
    %c0_i32 = arith.constant 0 : i32
    %c0_i32_0 = arith.constant 0 : i32
    %c0_i32_1 = arith.constant 0 : i32
    return %arg0, %c0_i32, %c0_i32_0 : i32, i32, i32
  }
  func.func @transform_5(%arg0: i32) -> (i32, i32) {
    %c0_i32 = arith.constant 0 : i32
    %c0_i32_0 = arith.constant 0 : i32
    %c0_i32_1 = arith.constant 0 : i32
    return %c0_i32, %c0_i32_0 : i32, i32
  }
  func.func @transform_6(%arg0: i32) -> (i32, i32) {
    %c0_i32 = arith.constant 0 : i32
    %c0_i32_0 = arith.constant 0 : i32
    %c0_i32_1 = arith.constant 0 : i32
    return %c0_i32, %c0_i32_0 : i32, i32
  }
  func.func @transform_7(%arg0: i32) -> (i32, i32) {
    %c0_i32 = arith.constant 0 : i32
    %c0_i32_0 = arith.constant 0 : i32
    %c0_i32_1 = arith.constant 0 : i32
    return %c0_i32, %c0_i32_0 : i32, i32
  }
}

</mosaic_0001>

<sc_bundles>
// kernel: kernel.17.cloned.1.call-start
scs
__scs_entry_jumppad:
0x0: {  	(pc) =	sbr.rel $0x88, $3  }
0x1: {  	(tag) =	ssettag $0x0;
	lr =	simm.s32 $0x1  }
0x2: {  	[smem:$0x3F90] =	sst lr;
	_ =	strace $0xD0000000  }
0x3: {  	_ = 	snop  }
0x4: {  	_ = 	snop  }
0x5: {  	_ = 	snop  }
0x6: {  	_ = 	snop  }
0x7: {  	_ = 	snop  }
__scs_overlays_trampoline_lowered:
0x8: {  	[smem:$0x3F9F] =	sst s0  }
0x9: {  	[smem:$0x3FA0] =	sst s1  }
0xa: {  	[smem:$0x3FA1] =	sst s2  }
0xb: {  	[smem:$0x3FA2] =	sst s3  }
0xc: {  	[smem:$0x3FA3] =	sst s4  }
0xd: {  	[smem:$0x3FA4] =	sst s5  }
0xe: {  	[smem:$0x3FA5] =	sst s6  }
0xf: {  	[smem:$0x3FA6] =	sst s7  }
0x10: {  	[smem:$0x3FA7] =	sst s8  }
0x11: {  	[smem:$0x3FA8] =	sst s9;
	s0 =	simm.s32 @!p0 $0x0  }
0x12: {  	s1 =	sld [smem:$0x3F8E];
	s0 =	simm.s32 @p0 $0x1  }
0x13: {  	[smem:$0x3FA9] =	sst s0;
	s0 =	simm.s32 @!p1 $0x0  }
0x14: {  	s2 =	sld [smem:$0x3F8D];
	s0 =	simm.s32 @p1 $0x1  }
0x15: {  	[smem:$0x3FAA] =	sst s0;
	s0 =	simm.s32 @!p2 $0x0  }
0x16: {  	s3 =	sld [smem:$0x3FDB];
	s0 =	simm.s32 @p2 $0x1  }
0x17: {  	s4 =	simm.s32 $0x1BF5;
	[smem:$0x3FAC] =	sst s0  }
0x18: {  	s0 =	sld [smem:$0x3F8F];
	_ =	swait.ge [sflag:s4], $0x0  }
0x19: {  	s7 =	sld [smem:$0x3F90]  }
0x1a: {  	s8 =	sadd.s32 $0xFFFFE003, lr  }
0x1b: {  	s9 =	sadd.s32 $0xFFFFFEF7, lr;
	s5 =	simm.s32 $0xFFFFFFFF;
	p2 =	slt.u32 s8, $0xFFFFF086  }
0x1c: {  	p1 =	slt.u32 s9, $0xF7A;
	s5 =	simm.s32 @!p2 $0x0  }
0x1d: {  	s5 =	simm.s32 @p1 $0x1;
	p0 =	seq.s32 s7, s2  }
0x1e: {  	s7 =	smul.u32 @!p0 $0xF7A, s2;
	p2 =	seq.s32 @!p0 s5, $0x0  }
0x1f: {  	s9 =	smul.u32 $0xF7A, s1;
	s8 =	simm.s32 @!p0 $0x1BF5;
	p2 =	por !p2, p0  }
0x20: {  	[sflag:s8] =	ssyncset.s32 @!p0 $0xFFFFF086;
	s6 =	sadd.s32 @!p0 s3, s7;
	s7 =	simm.s32 @!p0 $0x108  }
0x21: {  	s3 =	sadd.s32 s3, s9;
	s6 =	sadd.s32 @!p0 $0x88, s6;
	s7 =	simm.s32 @p2 $0x1082  }
0x22: {  	[simem:s7], [sflag:s8] =	dma.local @!p0 [hbm:s6], $0xF7A  }
0x23: {  	s9 =	sor.u32 $0xD0000000, s2;
	s6 =	simm.s32 $0x108;
	_ =	swait.ge @!p0 [sflag:s8], $0x0  }
0x24: {  	s3 =	sadd.s32 $0x88, s3;
	s6 =	simm.s32 @!p1 $0x1082;
	[sflag:s4] =	ssyncset.s32 $0xFFFFF086  }
0x25: {  	[simem:s6], [sflag:s4] =	dma.local [hbm:s3], $0xF7A  }
0x26: {  	[smem:$0x3F90] =	sst s1;
	(tag) =	ssettag s2;
	_ =	strace s9  }
0x27: {  	s1 =	sld [smem:$0x3FA0]  }
0x28: {  	s2 =	sld [smem:$0x3FA1]  }
0x29: {  	s4 =	sld [smem:$0x3FA3]  }
0x2a: {  	p0 =	seq.s32 s5, $0x0;
	s5 =	sld [smem:$0x3FA4]  }
0x2b: {  	s6 =	sld [smem:$0x3FA5]  }
0x2c: {  	s7 =	sld [smem:$0x3FA6]  }
0x2d: {  	s3 =	simm.s32 $0x108;
	s8 =	sld [smem:$0x3FA7]  }
0x2e: {  	s3 =	simm.s32 @!p0 $0x1082;
	s9 =	sld [smem:$0x3FA8]  }
0x2f: {  	lr =	sadd.s32 s0, s3;
	s0 =	sld [smem:$0x3F9F]  }
0x30: {  	s3 =	sld [smem:$0x3FA2]  }
0x31: {  	[smem:$0x3FAB] =	sst s10  }
0x32: {  	s10 =	sld [smem:$0x3FA9];
	_ =	sdelay $0x3  }
0x33: {  	p0 =	seq.s32 s10, $0x1;
	s10 =	sld [smem:$0x3FAB];
	_ =	sdelay $0x3  }
0x34: {  	[smem:$0x3FAB] =	sst s10  }
0x35: {  	s10 =	sld [smem:$0x3FAA];
	_ =	sdelay $0x3  }
0x36: {  	p1 =	seq.s32 s10, $0x1;
	s10 =	sld [smem:$0x3FAB];
	_ =	sdelay $0x3  }
0x37: {  	[smem:$0x3FAB] =	sst s10  }
0x38: {  	s10 =	sld [smem:$0x3FAC]  }
0x39: {  	_ = 	snop;
	(pc) =	sbr.ind lr, $3  }
0x3a: {  	_ = 	snop  }
0x3b: {  	_ = 	snop  }
0x3c: {  	p2 =	seq.s32 s10, $0x1;
	s10 =	sld [smem:$0x3FAB]  }
0x3d: {  	_ =	shalt  }
0x3e: {  	_ =	shalt  }
0x3f: {  	_ =	shalt  }
0x40: {  	_ =	shalt  }
0x41: {  	_ =	shalt  }
0x42: {  	_ =	shalt  }
0x43: {  	_ =	shalt  }
0x44: {  	_ =	shalt  }
0x45: {  	_ =	shalt  }
0x46: {  	_ =	shalt  }
0x47: {  	_ =	shalt  }
0x48: {  	_ =	shalt  }
0x49: {  	_ =	shalt  }
0x4a: {  	_ =	shalt  }
0x4b: {  	_ =	shalt  }
0x4c: {  	_ =	shalt  }
0x4d: {  	_ =	shalt  }
0x4e: {  	_ =	shalt  }
0x4f: {  	_ =	shalt  }
0x50: {  	_ =	shalt  }
0x51: {  	_ =	shalt  }
0x52: {  	_ =	shalt  }
0x53: {  	_ =	shalt  }
0x54: {  	_ =	shalt  }
0x55: {  	_ =	shalt  }
0x56: {  	_ =	shalt  }
0x57: {  	_ =	shalt  }
0x58: {  	_ =	shalt  }
0x59: {  	_ =	shalt  }
0x5a: {  	_ =	shalt  }
0x5b: {  	_ =	shalt  }
0x5c: {  	_ =	shalt  }
0x5d: {  	_ =	shalt  }
0x5e: {  	_ =	shalt  }
0x5f: {  	_ =	shalt  }
0x60: {  	_ =	shalt  }
0x61: {  	_ =	shalt  }
0x62: {  	_ =	shalt  }
0x63: {  	_ =	shalt  }
0x64: {  	_ =	shalt  }
0x65: {  	_ =	shalt  }
0x66: {  	_ =	shalt  }
0x67: {  	_ =	shalt  }
0x68: {  	_ =	shalt  }
0x69: {  	_ =	shalt  }
0x6a: {  	_ =	shalt  }
0x6b: {  	_ =	shalt  }
0x6c: {  	_ =	shalt  }
0x6d: {  	_ =	shalt  }
0x6e: {  	_ =	shalt  }
0x6f: {  	_ =	shalt  }
0x70: {  	_ =	shalt  }
0x71: {  	_ =	shalt  }
0x72: {  	_ =	shalt  }
0x73: {  	_ =	shalt  }
0x74: {  	_ =	shalt  }
0x75: {  	_ =	shalt  }
0x76: {  	_ =	shalt  }
0x77: {  	_ =	shalt  }
0x78: {  	_ =	shalt  }
0x79: {  	_ =	shalt  }
0x7a: {  	_ =	shalt  }
0x7b: {  	_ =	shalt  }
0x7c: {  	_ =	shalt  }
0x7d: {  	_ =	shalt  }
0x7e: {  	_ =	shalt  }
0x7f: {  	_ =	shalt  }
0x80: {  	_ =	shalt  }
0x81: {  	_ =	shalt  }
0x82: {  	_ =	shalt  }
0x83: {  	_ =	shalt  }
0x84: {  	_ =	shalt  }
0x85: {  	_ =	shalt  }
0x86: {  	_ =	shalt  }
0x87: {  	_ =	shalt  }
.Lfunc_end0:
.L_simem_size_0:
called_computation_lowered:
.L_overlay_start_0:
0x88: {  	s2 =	sld [smem:$0x3FD9]  }
0x89: {  	s3 =	sld [smem:$0x3FFE];
	_ =	sdelay $0x1  }
0x8a: {  	s1 =	srdreg.scid  }
0x8b: {  	s0 =	sand.u32 $0x1, s1  }
0x8c: {  	s16 =	sshll.u32 s0, $0xA;
	s2 =	sadd.s32 s3, s2  }
0x8d: {  	s2 =	sadd.s32 s2, s16  }
0x8e: {  	[smem:$0x3FB7] =	sst s2  }
0x8f: {  	_ = 	snop  }
0x90: {  	(tm) =	ssettm $0x1  }
0x91: {  	s17 =	sld [smem:$0x3FFB];
	_ =	sdelay $0x3  }
0x92: {  	_ =	strace s17  }
0x93: {  	s2 =	sld [smem:$0x3FFC];
	_ =	sdelay $0x3  }
0x94: {  	_ =	strace s2  }
0x95: {  	s2 =	sld [smem:$0x3FFD];
	_ =	sdelay $0x3  }
0x96: {  	_ =	strace s2  }
0x97: {  	_ =	strace $0x8FFFFFFF  }
0x98: {  	s18 =	sld [smem:$0x3FDB];
	_ =	sdelay $0x1  }
0x99: {  	s19 =	simm.s32 $_scs_section_size  }
0x9a: {  	s4 =	simm.s32 $_size__tile_overlayer_lowered;
	s5 =	simm.s32 $_tile_overlayer_lowered  }
0x9b: {  	s22 =	simm.s32 $0x1BFF;
	s21 =	sshll.u32 s5, $0x1;
	s2 =	sadd.s32 s19, s18  }
0x9c: {  	s6 =	simm.s32 $0x0;
	s20 =	sshll.u32 s4, $0x1;
	s4 =	sadd.s32 s21, s2  }
0x9d: {  	[timem:s6], [sflag:s22] =	dma.local [hbm:s4], s20  }
0x9e: {  	_ =	swait.ge [sflag:s22], s20  }
0x9f: {  	s3 =	ssub.s32 $0x0, s20;
	[sflag:s22] =	ssyncset.done $0x0  }
0xa0: {  	[sflag:s22] =	ssyncadd.s32 s3;
	_ =	sdelay $0x1  }
0xa1: {  	s23 =	simm.s32 $0x1B8B  }
0xa2: {  	_ =	swait.ge [sflag:s23], $0x1  }
0xa3: {  	[sflag:s23] =	ssyncset.done $0x0  }
0xa4: {  	s25 =	simm.s32 $0x1B8E;
	s24 =	sld [smem:$0x3FFE];
	[sflag:s23] =	ssyncadd.s32 $0xFFFFFFFF  }
0xa5: {  	s26 =	simm.s32 $execute0_lowered;
	[smem:$0x3FD2] =	sst s25  }
0xa6: {  	s4 =	sshll.u32 s26, $0x1;
	_ =	strace $0x80000046;
	[dreg:$0x1] =	wrdreg $0xFFFFFFFF  }
0xa7: {  	s28 =	simm.s32 $_size_execute0_lowered;
	s2 =	sadd.s32 s2, s4;
	[dreg:$0x0] =	wrdreg $0x0  }
0xa8: {  	s4 =	sshll.u32 s28, $0x1;
	[dreg:$0x2] =	wrdreg s2  }
0xa9: {  	[dreg:$0x3] =	wrdreg s4  }
0xaa: {  	[dreg:$0x4] =	wrdreg $0xC0  }
0xab: {  	_ =	task [dreg:s6], $0x5FFFF  }
0xac: {  	[dreg:$0x1] =	wrdreg $0xFFFFFFFF  }
0xad: {  	[dreg:$0x0] =	wrdreg $0x60  }
0xae: {  	[dreg:$0x2] =	wrdreg s24  }
0xaf: {  	[dreg:$0x3] =	wrdreg $0x40800  }
0xb0: {  	[dreg:$0x4] =	wrdreg $0x9  }
0xb1: {  	_ =	task.clear_ibuf [dreg:s6], $0x5FFFF;
	_ =	strace $0x90000046  }
0xb2: {  	s29 =	simm.s32 $0x9;
	_ =	strace $0x80000048  }
0xb3: {  	_ =	swait.ge [sflag:s29], $0x1  }
0xb4: {  	[sflag:s29] =	ssyncadd.s32 $0xFFFFFFFF  }
0xb5: {  	_ =	strace $0x90000048  }
0xb6: {  	_ =	sfence  }
0xb7: {  	s30 =	sld [smem:$0x0];
	_ =	sdelay $0x2  }
0xb8: {  	s31 =	sshll.u32 s1, $0xD;
	s1 =	sshrl.u32 s1, $0x2  }
0xb9: {  	s3 =	sand.u32 $0x4000, s31;
	s1 =	sadd.s32 s1, s30  }
0xba: {  	s0 =	sor.u32 s3, s0;
	s1 =	sshll.u32 s1, $0x11  }
0xbb: {  	s0 =	sor.u32 s1, s0  }
0xbc: {  	s0 =	sadd.s32 $0x8F2B, s0  }
0xbd: {  	[sflag:s0] =	ssyncadd.remote.s32 $0x1  }
0xbe: {  	_ =	sfence.sel $0xFFFF  }
0xbf: {  	[dreg:$0x0] =	wrdreg $0xFFFFFFFF;
	(pc) =	sbr.abs _section_cstart, $3  }
0xc0: {  	[dreg:$0x1] =	wrdreg $0xFFFFFFFF  }
0xc1: {  	_ =	task.clear_ibuf [dreg:s6], $0x2FFFF;
	_ =	strace $0x9FFFFFFF  }
0xc2: {  	(tm) =	ssettm $0x7FFFFFFF  }
0xc3: {  	_ =	shalt  }
tec
execute0_lowered:
.L_overlay_start_1:
0x0: {  	(tag) =	ssettag $0x1  }
0x1: {  	s5 =	rddreg [dreg:$0x0]  }
0x2: {  	s2 =	rddreg [dreg:$0x1];
	s1 =	stileid.u32  }
0x3: {  	s0 =	rddreg [dreg:$0x2];
	s7 =	smul.u32 $0x14000, s1  }
0x4: {  	s4 =	srdreg.scid;
	s28 =	smul.u32 $0x50000, s1  }
0x5: {  	s3 =	simm.s32 $0x0;
	s6 =	sand.u32 $0x1, s4;
	s12 =	smul.u32 $0xA00, s1  }
0x6: {  	[smem:$0x7FF] =	sst s3;
	s31 =	sshll.u32 s1, $0x6;
	s4 =	smul.u32 $0xA000, s6  }
0x7: {  	_ =	strace $0x80000047;
	s9 =	smul.u32 $0x140000, s6;
	s6 =	ssub.s32 $0x2, s6  }
0x8: {  	s8 =	sshrl.u32 s7, $0x3;
	s11 =	sshrl.u32 s6, $0x1;
	s29 =	sshrl.u32 s28, $0x2  }
0x9: {  	s10 =	sadd.s32 s4, s5;
	s4 =	sadd.s32 $0x41800, s5;
	s8 =	sadd.s32 s8, s5  }
0xa: {  	s7 =	sadd.s32 s7, s9;
	s11 =	ssub.s32 s6, s11;
	s13 =	sadd.s32 s29, s2  }
0xb: {  	s9 =	simm.s32 $0x80;
	s7 =	sshrl.u32 s7, $0x3;
	s30 =	sadd.s32 s12, s10  }
0xc: {  	s10 =	simm.s32 $0x1;
	s12 =	sshrl.u32 s13, $0x3;
	s13 =	simm.s32 $0x0  }
0xd: {  	s7 =	sadd.s32 s7, s5;
	s5 =	sadd.s32 $0x19800, s8;
	s8 =	sadd.s32 $0x5800, s30  }
0xe: {  	s6 =	sadd.s32 $0x42000, s7;
	s7 =	smax.u32 s11, $0x1;
	s11 =	sor.u32 $0x1C01, s31  }
.LBB2_1:
0xf: {  	[tilespmem:s9], [sflag:$0x1] =	stream.linear.gather [hbm4b:s4+s3], $0x4000, $0x38;
	[tilespmem:$0x6880] =	vst v63  }
0x10: {  	_ =	swait.ge [sflag:s10], $0x4000  }
0x11: {  	[sflag:s10] =	ssyncset.done $0x0  }
0x12: {  	[sflag:s10] =	ssyncadd.s32 $0xFFFFC000  }
0x13: {  	[spmem:s12], [sflag:s11] =	dma.local [hbm:s5], $0x2800  }
0x14: {  	_ =	swait.ge [sflag:s10], $0x2800  }
0x15: {  	[sflag:s10] =	ssyncset.done $0x0  }
0x16: {  	[sflag:s10] =	ssyncadd.s32 $0xFFFFD800  }
0x17: {  	s14 =	sadd.s32 $0x10, s8;
	[bflag:$0x0] =	sbarrier.arrive $0xFFFF  }
0x18: {  	[tilespmem:s3], [sflag:$0x1] =	stream.linear.gather [hbm4b:s14+s3], $0x80, $0x38;
	[tilespmem:$0x6880] =	vst v63  }
0x19: {  	_ =	swait.ge [sflag:s10], $0x80  }
0x1a: {  	[sflag:s10] =	ssyncset.done $0x0  }
0x1b: {  	[sflag:s10] =	ssyncadd.s32 $0xFFFFFF80  }
0x1c: {  	[spmem:s2] =	stream.indirect.scatter.add.f32 [tilespmem:s9], [sflag:$0x1], $0x10, s3, s9, $0xb8;
	[tilespmem:$0x6880] =	vst v63  }
0x1d: {  	_ =	swait.ge [sflag:s10], $0x800  }
0x1e: {  	s15 =	simm.s32 $0x50;
	s14 =	simm.s32 $0x30;
	[sflag:s10] =	ssyncset.done $0x0  }
.LBB2_2:
0x1f: {  	s16 =	sadd.s32 s14, s8  }
0x20: {  	[sflag:s10] =	ssyncadd.s32 $0xFFFFF800;
	s14 =	smov.u32 s15;
	s17 =	sadd.s32 $0x20, s15  }
0x21: {  	[tilespmem:s3], [sflag:$0x1] =	stream.linear.gather [hbm4b:s16+s3], $0x80, $0x38;
	[tilespmem:$0x6880] =	vst v63  }
0x22: {  	p0 =	sne.s32 s15, $0x9F0;
	_ =	swait.ge [sflag:s10], $0x80  }
.Ltmp0:
0x23: {  	[sflag:s10] =	ssyncset.done $0x0;
	(pc) =	sbr.rel @p0 .LBB2_2-.Ltmp0, $4  }
0x24: {  	[sflag:s10] =	ssyncadd.s32 $0xFFFFFF80  }
0x25: {  	[spmem:s2] =	stream.indirect.scatter.add.f32 [tilespmem:s9], [sflag:$0x1], $0x10, s3, s9, $0xb8;
	[tilespmem:$0x6880] =	vst v63  }
0x26: {  	_ =	swait.ge [sflag:s10], $0x800  }
0x27: {  	s15 =	smov.u32 s17;
	[sflag:s10] =	ssyncset.done $0x0  }
0x28: {  	s14 =	sadd.s32 s14, s8;
	[sflag:s10] =	ssyncadd.s32 $0xFFFFF800  }
0x29: {  	[tilespmem:s3], [sflag:$0x1] =	stream.linear.gather [hbm4b:s14+s3], $0x80, $0x38;
	[tilespmem:$0x6880] =	vst v63  }
0x2a: {  	_ =	swait.ge [sflag:s10], $0x80  }
0x2b: {  	[sflag:s10] =	ssyncset.done $0x0  }
0x2c: {  	[sflag:s10] =	ssyncadd.s32 $0xFFFFFF80  }
0x2d: {  	[spmem:s2] =	stream.indirect.scatter.add.f32 [tilespmem:s9], [sflag:$0x1], $0x10, s3, s9, $0xb8;
	[tilespmem:$0x6880] =	vst v63  }
0x2e: {  	_ =	swait.ge [sflag:s10], $0x800  }
0x2f: {  	s13 =	sadd.s32 $0x1, s13;
	[sflag:s10] =	ssyncset.done $0x0  }
0x30: {  	p0 =	sne.s32 s13, s7;
	[sflag:s10] =	ssyncadd.s32 $0xFFFFF800  }
.Ltmp1:
0x31: {  	[bflag:$0x0] =	sbarrier.arrive $0xFFFF;
	(pc) =	sbr.rel @p0 .LBB2_1-.Ltmp1, $4  }
0x32: {  	[hbm:s6], [sflag:s11] =	dma.local [spmem:s12], $0x2800  }
0x33: {  	_ =	swait.ge [sflag:s10], $0x2800  }
0x34: {  	[sflag:s10] =	ssyncset.done $0x0  }
0x35: {  	[sflag:s10] =	ssyncadd.s32 $0xFFFFD800  }
0x36: {  	_ =	sfence.sel $0x180000  }
0x37: {  	[bflag:$0x0] =	sbarrier.arrive $0xFFFF  }
0x38: {  	p0 =	sne.s32 s1, $0x0;
	_ =	strace $0x90000047  }
0x39: {  	s0 =	sadd.s32 @!p0 $0x100000, s0;
	[bflag:$0x2] =	sbarrier.arrive $0xFFFF  }
0x3a: {  	[sflag:s0] =	ssyncadd.tile.s32 @!p0 $0x1;
	_ =	shalt  }
.Lfunc_end2:
_tile_overlayer_lowered:
.L_overlay_start_2:
0x3b: {  	(tag) =	ssettag $0x2  }
0x3c: {  	s0 =	rddreg [dreg:$0x0];
	s2 =	stileid.u32  }
0x3d: {  	s1 =	rddreg [dreg:$0x1];
	p0 =	sne.s32 s2, $0x0  }
0x3e: {  	s3 =	rddreg [dreg:$0x2];
	[bflag:$0x3] =	sbarrier.arrive $0xFFFF;
	s2 =	simm.s32 @!p0 $0x1C01  }
0x3f: {  	[timem:s3], [sflag:s2] =	dma.local @!p0 [hbm:s0], s1  }
0x40: {  	s0 =	simm.s32 @!p0 $0x1  }
0x41: {  	_ =	swait.ge @!p0 [sflag:s0], s1  }
0x42: {  	s1 =	ssub.s32 @!p0 $0x0, s1;
	[sflag:s0] =	ssyncset.done @!p0 $0x0  }
0x43: {  	[sflag:s0] =	ssyncadd.s32 @!p0 s1  }
0x44: {  	[bflag:$0x3] =	sbarrier.arrive $0xFFFF  }
0x45: {  	_ =	shalt  }

// kernel: kernel.20.cloned.1.call-start
scs
__scs_entry_jumppad:
0x0: {  	(pc) =	sbr.rel $0x88, $3  }
0x1: {  	(tag) =	ssettag $0x0;
	lr =	simm.s32 $0x1  }
0x2: {  	[smem:$0x3F90] =	sst lr;
	_ =	strace $0xD0000000  }
0x3: {  	_ = 	snop  }
0x4: {  	_ = 	snop  }
0x5: {  	_ = 	snop  }
0x6: {  	_ = 	snop  }
0x7: {  	_ = 	snop  }
__scs_overlays_trampoline_lowered:
0x8: {  	[smem:$0x3F9F] =	sst s0  }
0x9: {  	[smem:$0x3FA0] =	sst s1  }
0xa: {  	[smem:$0x3FA1] =	sst s2  }
0xb: {  	[smem:$0x3FA2] =	sst s3  }
0xc: {  	[smem:$0x3FA3] =	sst s4  }
0xd: {  	[smem:$0x3FA4] =	sst s5  }
0xe: {  	[smem:$0x3FA5] =	sst s6  }
0xf: {  	[smem:$0x3FA6] =	sst s7  }
0x10: {  	[smem:$0x3FA7] =	sst s8  }
0x11: {  	[smem:$0x3FA8] =	sst s9;
	s0 =	simm.s32 @!p0 $0x0  }
0x12: {  	s1 =	sld [smem:$0x3F8E];
	s0 =	simm.s32 @p0 $0x1  }
0x13: {  	[smem:$0x3FA9] =	sst s0;
	s0 =	simm.s32 @!p1 $0x0  }
0x14: {  	s2 =	sld [smem:$0x3F8D];
	s0 =	simm.s32 @p1 $0x1  }
0x15: {  	[smem:$0x3FAA] =	sst s0;
	s0 =	simm.s32 @!p2 $0x0  }
0x16: {  	s3 =	sld [smem:$0x3FDB];
	s0 =	simm.s32 @p2 $0x1  }
0x17: {  	s4 =	simm.s32 $0x1BF5;
	[smem:$0x3FAC] =	sst s0  }
0x18: {  	s0 =	sld [smem:$0x3F8F];
	_ =	swait.ge [sflag:s4], $0x0  }
0x19: {  	s7 =	sld [smem:$0x3F90]  }
0x1a: {  	s8 =	sadd.s32 $0xFFFFE003, lr  }
0x1b: {  	s9 =	sadd.s32 $0xFFFFFEF7, lr;
	s5 =	simm.s32 $0xFFFFFFFF;
	p2 =	slt.u32 s8, $0xFFFFF086  }
0x1c: {  	p1 =	slt.u32 s9, $0xF7A;
	s5 =	simm.s32 @!p2 $0x0  }
0x1d: {  	s5 =	simm.s32 @p1 $0x1;
	p0 =	seq.s32 s7, s2  }
0x1e: {  	s7 =	smul.u32 @!p0 $0xF7A, s2;
	p2 =	seq.s32 @!p0 s5, $0x0  }
0x1f: {  	s9 =	smul.u32 $0xF7A, s1;
	s8 =	simm.s32 @!p0 $0x1BF5;
	p2 =	por !p2, p0  }
0x20: {  	[sflag:s8] =	ssyncset.s32 @!p0 $0xFFFFF086;
	s6 =	sadd.s32 @!p0 s3, s7;
	s7 =	simm.s32 @!p0 $0x108  }
0x21: {  	s3 =	sadd.s32 s3, s9;
	s6 =	sadd.s32 @!p0 $0x88, s6;
	s7 =	simm.s32 @p2 $0x1082  }
0x22: {  	[simem:s7], [sflag:s8] =	dma.local @!p0 [hbm:s6], $0xF7A  }
0x23: {  	s9 =	sor.u32 $0xD0000000, s2;
	s6 =	simm.s32 $0x108;
	_ =	swait.ge @!p0 [sflag:s8], $0x0  }
0x24: {  	s3 =	sadd.s32 $0x88, s3;
	s6 =	simm.s32 @!p1 $0x1082;
	[sflag:s4] =	ssyncset.s32 $0xFFFFF086  }
0x25: {  	[simem:s6], [sflag:s4] =	dma.local [hbm:s3], $0xF7A  }
0x26: {  	[smem:$0x3F90] =	sst s1;
	(tag) =	ssettag s2;
	_ =	strace s9  }
0x27: {  	s1 =	sld [smem:$0x3FA0]  }
0x28: {  	s2 =	sld [smem:$0x3FA1]  }
0x29: {  	s4 =	sld [smem:$0x3FA3]  }
0x2a: {  	p0 =	seq.s32 s5, $0x0;
	s5 =	sld [smem:$0x3FA4]  }
0x2b: {  	s6 =	sld [smem:$0x3FA5]  }
0x2c: {  	s7 =	sld [smem:$0x3FA6]  }
0x2d: {  	s3 =	simm.s32 $0x108;
	s8 =	sld [smem:$0x3FA7]  }
0x2e: {  	s3 =	simm.s32 @!p0 $0x1082;
	s9 =	sld [smem:$0x3FA8]  }
0x2f: {  	lr =	sadd.s32 s0, s3;
	s0 =	sld [smem:$0x3F9F]  }
0x30: {  	s3 =	sld [smem:$0x3FA2]  }
0x31: {  	[smem:$0x3FAB] =	sst s10  }
0x32: {  	s10 =	sld [smem:$0x3FA9];
	_ =	sdelay $0x3  }
0x33: {  	p0 =	seq.s32 s10, $0x1;
	s10 =	sld [smem:$0x3FAB];
	_ =	sdelay $0x3  }
0x34: {  	[smem:$0x3FAB] =	sst s10  }
0x35: {  	s10 =	sld [smem:$0x3FAA];
	_ =	sdelay $0x3  }
0x36: {  	p1 =	seq.s32 s10, $0x1;
	s10 =	sld [smem:$0x3FAB];
	_ =	sdelay $0x3  }
0x37: {  	[smem:$0x3FAB] =	sst s10  }
0x38: {  	s10 =	sld [smem:$0x3FAC]  }
0x39: {  	_ = 	snop;
	(pc) =	sbr.ind lr, $3  }
0x3a: {  	_ = 	snop  }
0x3b: {  	_ = 	snop  }
0x3c: {  	p2 =	seq.s32 s10, $0x1;
	s10 =	sld [smem:$0x3FAB]  }
0x3d: {  	_ =	shalt  }
0x3e: {  	_ =	shalt  }
0x3f: {  	_ =	shalt  }
0x40: {  	_ =	shalt  }
0x41: {  	_ =	shalt  }
0x42: {  	_ =	shalt  }
0x43: {  	_ =	shalt  }
0x44: {  	_ =	shalt  }
0x45: {  	_ =	shalt  }
0x46: {  	_ =	shalt  }
0x47: {  	_ =	shalt  }
0x48: {  	_ =	shalt  }
0x49: {  	_ =	shalt  }
0x4a: {  	_ =	shalt  }
0x4b: {  	_ =	shalt  }
0x4c: {  	_ =	shalt  }
0x4d: {  	_ =	shalt  }
0x4e: {  	_ =	shalt  }
0x4f: {  	_ =	shalt  }
0x50: {  	_ =	shalt  }
0x51: {  	_ =	shalt  }
0x52: {  	_ =	shalt  }
0x53: {  	_ =	shalt  }
0x54: {  	_ =	shalt  }
0x55: {  	_ =	shalt  }
0x56: {  	_ =	shalt  }
0x57: {  	_ =	shalt  }
0x58: {  	_ =	shalt  }
0x59: {  	_ =	shalt  }
0x5a: {  	_ =	shalt  }
0x5b: {  	_ =	shalt  }
0x5c: {  	_ =	shalt  }
0x5d: {  	_ =	shalt  }
0x5e: {  	_ =	shalt  }
0x5f: {  	_ =	shalt  }
0x60: {  	_ =	shalt  }
0x61: {  	_ =	shalt  }
0x62: {  	_ =	shalt  }
0x63: {  	_ =	shalt  }
0x64: {  	_ =	shalt  }
0x65: {  	_ =	shalt  }
0x66: {  	_ =	shalt  }
0x67: {  	_ =	shalt  }
0x68: {  	_ =	shalt  }
0x69: {  	_ =	shalt  }
0x6a: {  	_ =	shalt  }
0x6b: {  	_ =	shalt  }
0x6c: {  	_ =	shalt  }
0x6d: {  	_ =	shalt  }
0x6e: {  	_ =	shalt  }
0x6f: {  	_ =	shalt  }
0x70: {  	_ =	shalt  }
0x71: {  	_ =	shalt  }
0x72: {  	_ =	shalt  }
0x73: {  	_ =	shalt  }
0x74: {  	_ =	shalt  }
0x75: {  	_ =	shalt  }
0x76: {  	_ =	shalt  }
0x77: {  	_ =	shalt  }
0x78: {  	_ =	shalt  }
0x79: {  	_ =	shalt  }
0x7a: {  	_ =	shalt  }
0x7b: {  	_ =	shalt  }
0x7c: {  	_ =	shalt  }
0x7d: {  	_ =	shalt  }
0x7e: {  	_ =	shalt  }
0x7f: {  	_ =	shalt  }
0x80: {  	_ =	shalt  }
0x81: {  	_ =	shalt  }
0x82: {  	_ =	shalt  }
0x83: {  	_ =	shalt  }
0x84: {  	_ =	shalt  }
0x85: {  	_ =	shalt  }
0x86: {  	_ =	shalt  }
0x87: {  	_ =	shalt  }
.Lfunc_end0:
.L_simem_size_0:
called_computation.1_lowered:
.L_overlay_start_0:
0x88: {  	s2 =	sld [smem:$0x3FD9]  }
0x89: {  	s3 =	sld [smem:$0x3FFE];
	_ =	sdelay $0x1  }
0x8a: {  	s1 =	srdreg.scid  }
0x8b: {  	s0 =	sand.u32 $0x1, s1  }
0x8c: {  	s16 =	sshll.u32 s0, $0xA;
	s2 =	sadd.s32 s3, s2  }
0x8d: {  	s2 =	sadd.s32 s2, s16  }
0x8e: {  	[smem:$0x3FB7] =	sst s2  }
0x8f: {  	_ = 	snop  }
0x90: {  	(tm) =	ssettm $0x1  }
0x91: {  	s17 =	sld [smem:$0x3FFB];
	_ =	sdelay $0x3  }
0x92: {  	_ =	strace s17  }
0x93: {  	s2 =	sld [smem:$0x3FFC];
	_ =	sdelay $0x3  }
0x94: {  	_ =	strace s2  }
0x95: {  	s2 =	sld [smem:$0x3FFD];
	_ =	sdelay $0x3  }
0x96: {  	_ =	strace s2  }
0x97: {  	_ =	strace $0x8FFFFFFF  }
0x98: {  	s18 =	sld [smem:$0x3FDB];
	_ =	sdelay $0x1  }
0x99: {  	s19 =	simm.s32 $_scs_section_size  }
0x9a: {  	s4 =	simm.s32 $_size__tile_overlayer_lowered;
	s5 =	simm.s32 $_tile_overlayer_lowered  }
0x9b: {  	s22 =	simm.s32 $0x1BFF;
	s21 =	sshll.u32 s5, $0x1;
	s2 =	sadd.s32 s19, s18  }
0x9c: {  	s6 =	simm.s32 $0x0;
	s20 =	sshll.u32 s4, $0x1;
	s4 =	sadd.s32 s21, s2  }
0x9d: {  	[timem:s6], [sflag:s22] =	dma.local [hbm:s4], s20  }
0x9e: {  	_ =	swait.ge [sflag:s22], s20  }
0x9f: {  	s3 =	ssub.s32 $0x0, s20;
	[sflag:s22] =	ssyncset.done $0x0  }
0xa0: {  	[sflag:s22] =	ssyncadd.s32 s3;
	_ =	sdelay $0x1  }
0xa1: {  	s23 =	simm.s32 $0x1B8B  }
0xa2: {  	_ =	swait.ge [sflag:s23], $0x1  }
0xa3: {  	[sflag:s23] =	ssyncset.done $0x0  }
0xa4: {  	s25 =	simm.s32 $0x1B8E;
	s24 =	sld [smem:$0x3FFE];
	[sflag:s23] =	ssyncadd.s32 $0xFFFFFFFF  }
0xa5: {  	s26 =	simm.s32 $execute0_lowered;
	[smem:$0x3FD2] =	sst s25  }
0xa6: {  	s4 =	sshll.u32 s26, $0x1;
	_ =	strace $0x80000049;
	[dreg:$0x1] =	wrdreg $0xFFFFFFFF  }
0xa7: {  	s28 =	simm.s32 $_size_execute0_lowered;
	s2 =	sadd.s32 s2, s4;
	[dreg:$0x0] =	wrdreg $0x0  }
0xa8: {  	s4 =	sshll.u32 s28, $0x1;
	[dreg:$0x2] =	wrdreg s2  }
0xa9: {  	[dreg:$0x3] =	wrdreg s4  }
0xaa: {  	[dreg:$0x4] =	wrdreg $0xC0  }
0xab: {  	_ =	task [dreg:s6], $0x5FFFF  }
0xac: {  	[dreg:$0x1] =	wrdreg $0xFFFFFFFF  }
0xad: {  	[dreg:$0x0] =	wrdreg $0x60  }
0xae: {  	[dreg:$0x2] =	wrdreg s24  }
0xaf: {  	[dreg:$0x3] =	wrdreg $0x82000  }
0xb0: {  	[dreg:$0x4] =	wrdreg $0x9  }
0xb1: {  	_ =	task.clear_ibuf [dreg:s6], $0x5FFFF;
	_ =	strace $0x90000049  }
0xb2: {  	s29 =	simm.s32 $0x9;
	_ =	strace $0x8000004B  }
0xb3: {  	_ =	swait.ge [sflag:s29], $0x1  }
0xb4: {  	[sflag:s29] =	ssyncadd.s32 $0xFFFFFFFF  }
0xb5: {  	_ =	strace $0x9000004B  }
0xb6: {  	_ =	sfence  }
0xb7: {  	s30 =	sld [smem:$0x0];
	_ =	sdelay $0x2  }
0xb8: {  	s31 =	sshll.u32 s1, $0xD;
	s1 =	sshrl.u32 s1, $0x2  }
0xb9: {  	s3 =	sand.u32 $0x4000, s31;
	s1 =	sadd.s32 s1, s30  }
0xba: {  	s0 =	sor.u32 s3, s0;
	s1 =	sshll.u32 s1, $0x11  }
0xbb: {  	s0 =	sor.u32 s1, s0  }
0xbc: {  	s0 =	sadd.s32 $0x8F2B, s0  }
0xbd: {  	[sflag:s0] =	ssyncadd.remote.s32 $0x1  }
0xbe: {  	_ =	sfence.sel $0xFFFF  }
0xbf: {  	[dreg:$0x0] =	wrdreg $0xFFFFFFFF;
	(pc) =	sbr.abs _section_cstart, $3  }
0xc0: {  	[dreg:$0x1] =	wrdreg $0xFFFFFFFF  }
0xc1: {  	_ =	task.clear_ibuf [dreg:s6], $0x2FFFF;
	_ =	strace $0x9FFFFFFF  }
0xc2: {  	(tm) =	ssettm $0x7FFFFFFF  }
0xc3: {  	_ =	shalt  }
tec
execute0_lowered:
.L_overlay_start_1:
0x0: {  	(tag) =	ssettag $0x1  }
0x1: {  	s5 =	rddreg [dreg:$0x0]  }
0x2: {  	s2 =	rddreg [dreg:$0x1]  }
0x3: {  	s0 =	rddreg [dreg:$0x2]  }
0x4: {  	s4 =	srdreg.scid;
	s1 =	stileid.u32  }
0x5: {  	s3 =	simm.s32 $0x0;
	s19 =	simm.s32 $0x80;
	s6 =	smul.u32 $0x14000, s1  }
0x6: {  	s20 =	simm.s32 $0x200;
	s21 =	simm.s32 $0x180;
	s8 =	smul.u32 $0x50000, s1  }
0x7: {  	s22 =	simm.s32 $0x1;
	s13 =	sand.u32 $0x1, s4;
	s17 =	smul.u32 $0x5000, s1  }
0x8: {  	[smem:$0x7FF] =	sst s3;
	s4 =	sadd.s32 $0x19800, s5;
	s31 =	smul.u32 $0xA00, s1  }
0x9: {  	s14 =	sadd.s32 $0x5800, s5;
	s29 =	sshll.u32 s1, $0x6;
	s7 =	smul.u32 $0x140000, s13  }
0xa: {  	_ =	strace $0x8000004A;
	s9 =	sshll.u32 s13, $0x4;
	s15 =	smul.u32 $0x50000, s13  }
0xb: {  	s23 =	ssub.s32 $0x2, s13;
	s18 =	smul.u32 $0xA000, s13;
	s24 =	sor.u32 s1, s9  }
0xc: {  	s25 =	sshrl.u32 s23, $0x1;
	s8 =	sshrl.u32 s8, $0x2;
	s26 =	sshrl.u32 s6, $0x3  }
0xd: {  	s7 =	sadd.s32 s6, s7;
	s12 =	ssub.s32 s23, s25;
	s16 =	sadd.s32 s8, s2  }
0xe: {  	s15 =	sadd.s32 s17, s15;
	s18 =	sadd.s32 s18, s14;
	s23 =	simm.s32 $0x4200  }
0xf: {  	s25 =	simm.s32 $0x0;
	s7 =	sshrl.u32 s7, $0x3;
	s12 =	smax.u32 s12, $0x1  }
0x10: {  	s17 =	sor.u32 $0x280, s15;
	s15 =	sor.u32 $0x200, s15;
	s16 =	sshrl.u32 s16, $0x3  }
0x11: {  	s11 =	sadd.s32 s7, s5;
	s7 =	smul.u32 $0x5000, s24;
	s5 =	sadd.s32 s4, s26  }
0x12: {  	s30 =	sshrl.u32 s17, $0x3;
	s15 =	sshrl.u32 s15, $0x3;
	s17 =	simm.s32 $0x3  }
0x13: {  	s24 =	simm.s32 $0x2;
	s11 =	sadd.s32 $0x41800, s11;
	s28 =	sshrl.u32 s7, $0x3  }
0x14: {  	s13 =	sadd.s32 s30, s14;
	s7 =	sor.u32 $0x1C03, s29;
	s6 =	sadd.s32 s14, s28  }
0x15: {  	s14 =	sadd.s32 s15, s14;
	s15 =	sadd.s32 s31, s18;
	s18 =	simm.s32 $0x100  }
0x16: {  	s8 =	sadd.s32 $0x10, s6;
	s9 =	sadd.s32 $0x9E0, s6;
	s10 =	sadd.s32 $0x9F0, s6  }
.LBB2_1:
0x17: {  	[spmem:s16], [sflag:s7] =	dma.local [hbm:s5], $0x2800  }
0x18: {  	_ =	swait.ge [sflag:s17], $0x2800  }
0x19: {  	[sflag:s17] =	ssyncset.done $0x0  }
0x1a: {  	[sflag:s17] =	ssyncadd.s32 $0xFFFFD800  }
0x1b: {  	[bflag:$0x0] =	sbarrier.arrive $0xFFFF  }
0x1c: {  	[tilespmem:s3], [sflag:$0x3] =	stream.linear.gather [hbm4b:s6+s3], $0x80, $0x38;
	[tilespmem:$0x1C200] =	vst v63  }
0x1d: {  	_ =	swait.ge [sflag:s17], $0x80  }
0x1e: {  	[sflag:s17] =	ssyncset.done $0x0  }
0x1f: {  	[sflag:s17] =	ssyncadd.s32 $0xFFFFFF80  }
0x20: {  	[tilespmem:s18], [sflag:$0x3] =	stream.linear.gather [hbm4b:s8+s3], $0x80, $0x38;
	[tilespmem:$0x1C200] =	vst v63  }
0x21: {  	_ =	swait.ge [sflag:s17], $0x80  }
0x22: {  	[sflag:s17] =	ssyncset.done $0x0  }
0x23: {  	s26 =	sadd.s32 $0x0, s15;
	[sflag:s17] =	ssyncadd.s32 $0xFFFFFF80  }
0x24: {  	[tilespmem:s20], [sflag:$0x1] =	stream.indirect.gather [hbm4b:s4+s19], $0x80, s3, s19, $0xb8;
	[tilespmem:$0x1C200] =	vst v63  }
0x25: {  	s28 =	sadd.s32 $0x20, s26  }
0x26: {  	[tilespmem:s19], [sflag:$0x3] =	stream.linear.gather [hbm4b:s28+s3], $0x80, $0x38;
	[tilespmem:$0x1C200] =	vst v63  }
0x27: {  	_ =	swait.ge [sflag:s17], $0x80  }
0x28: {  	[sflag:s17] =	ssyncset.done $0x0  }
0x29: {  	s26 =	sadd.s32 $0x30, s26;
	[sflag:s17] =	ssyncadd.s32 $0xFFFFFF80  }
0x2a: {  	[tilespmem:s21], [sflag:$0x3] =	stream.linear.gather [hbm4b:s26+s3], $0x80, $0x38;
	[tilespmem:$0x1C200] =	vst v63  }
0x2b: {  	_ =	swait.ge [sflag:s17], $0x80  }
0x2c: {  	[sflag:s17] =	ssyncset.done $0x0  }
0x2d: {  	[sflag:s17] =	ssyncadd.s32 $0xFFFFFF80  }
0x2e: {  	_ =	swait.ge [sflag:s22], $0x4000  }
0x2f: {  	[sflag:s22] =	ssyncset.done $0x0  }
0x30: {  	[sflag:s22] =	ssyncadd.s32 $0xFFFFC000  }
0x31: {  	[tilespmem:s23], [sflag:$0x2] =	stream.indirect.gather [hbm4b:s4+s19], $0x80, s19, s19, $0xb8;
	[tilespmem:$0x1C200] =	vst v63  }
0x32: {  	_ = 	snop  }
0x33: {  	[spmem:s2] =	stream.indirect.scatter.add.f32 [tilespmem:s20], [sflag:$0x3], $0x80, s18, s19, $0xb8;
	[tilespmem:$0x1C200] =	vst v63  }
0x34: {  	_ =	swait.ge [sflag:s17], $0x4000  }
0x35: {  	[sflag:s17] =	ssyncset.done $0x0  }
0x36: {  	s30 =	sadd.s32 $0x0, s14;
	[sflag:s17] =	ssyncadd.s32 $0xFFFFC000  }
0x37: {  	[tilespmem:s3], [sflag:$0x3] =	stream.linear.gather [hbm4b:s30+s3], $0x80, $0x38;
	[tilespmem:$0x1C200] =	vst v63  }
0x38: {  	_ =	swait.ge [sflag:s17], $0x80  }
0x39: {  	[sflag:s17] =	ssyncset.done $0x0  }
0x3a: {  	s31 =	sadd.s32 $0x0, s13;
	[sflag:s17] =	ssyncadd.s32 $0xFFFFFF80  }
0x3b: {  	[tilespmem:s18], [sflag:$0x3] =	stream.linear.gather [hbm4b:s31+s3], $0x80, $0x38;
	[tilespmem:$0x1C200] =	vst v63  }
0x3c: {  	_ =	swait.ge [sflag:s17], $0x80  }
0x3d: {  	[sflag:s17] =	ssyncset.done $0x0  }
0x3e: {  	[sflag:s17] =	ssyncadd.s32 $0xFFFFFF80  }
0x3f: {  	_ =	swait.ge [sflag:s24], $0x4000  }
0x40: {  	[sflag:s24] =	ssyncset.done $0x0  }
0x41: {  	[sflag:s24] =	ssyncadd.s32 $0xFFFFC000  }
0x42: {  	[tilespmem:s20], [sflag:$0x1] =	stream.indirect.gather [hbm4b:s4+s19], $0x80, s3, s19, $0xb8;
	[tilespmem:$0x1C200] =	vst v63  }
0x43: {  	_ = 	snop  }
0x44: {  	[spmem:s2] =	stream.indirect.scatter.add.f32 [tilespmem:s23], [sflag:$0x3], $0x80, s21, s19, $0xb8;
	[tilespmem:$0x1C200] =	vst v63  }
0x45: {  	_ =	swait.ge [sflag:s17], $0x4000  }
0x46: {  	s29 =	simm.s32 $0x80;
	s26 =	simm.s32 $0x40;
	[sflag:s17] =	ssyncset.done $0x0  }
.LBB2_2:
0x47: {  	s30 =	sadd.s32 s26, s15  }
0x48: {  	[sflag:s17] =	ssyncadd.s32 $0xFFFFC000;
	s31 =	smov.u32 s29;
	s28 =	sadd.s32 $0x40, s29  }
0x49: {  	p0 =	sne.s32 s29, $0x980;
	s29 =	sadd.s32 $0x20, s30  }
0x4a: {  	[tilespmem:s19], [sflag:$0x3] =	stream.linear.gather [hbm4b:s29+s3], $0x80, $0x38;
	[tilespmem:$0x1C200] =	vst v63  }
0x4b: {  	_ =	swait.ge [sflag:s17], $0x80  }
0x4c: {  	[sflag:s17] =	ssyncset.done $0x0  }
0x4d: {  	s29 =	sadd.s32 $0x30, s30;
	[sflag:s17] =	ssyncadd.s32 $0xFFFFFF80  }
0x4e: {  	[tilespmem:s21], [sflag:$0x3] =	stream.linear.gather [hbm4b:s29+s3], $0x80, $0x38;
	[tilespmem:$0x1C200] =	vst v63  }
0x4f: {  	_ =	swait.ge [sflag:s17], $0x80  }
0x50: {  	[sflag:s17] =	ssyncset.done $0x0  }
0x51: {  	[sflag:s17] =	ssyncadd.s32 $0xFFFFFF80  }
0x52: {  	_ =	swait.ge [sflag:s22], $0x4000  }
0x53: {  	[sflag:s22] =	ssyncset.done $0x0  }
0x54: {  	[sflag:s22] =	ssyncadd.s32 $0xFFFFC000  }
0x55: {  	[tilespmem:s23], [sflag:$0x2] =	stream.indirect.gather [hbm4b:s4+s19], $0x80, s19, s19, $0xb8;
	[tilespmem:$0x1C200] =	vst v63  }
0x56: {  	_ = 	snop  }
0x57: {  	[spmem:s2] =	stream.indirect.scatter.add.f32 [tilespmem:s20], [sflag:$0x3], $0x80, s18, s19, $0xb8;
	[tilespmem:$0x1C200] =	vst v63  }
0x58: {  	_ =	swait.ge [sflag:s17], $0x4000  }
0x59: {  	[sflag:s17] =	ssyncset.done $0x0  }
0x5a: {  	s29 =	sadd.s32 s26, s14;
	[sflag:s17] =	ssyncadd.s32 $0xFFFFC000  }
0x5b: {  	[tilespmem:s3], [sflag:$0x3] =	stream.linear.gather [hbm4b:s29+s3], $0x80, $0x38;
	[tilespmem:$0x1C200] =	vst v63  }
0x5c: {  	_ =	swait.ge [sflag:s17], $0x80  }
0x5d: {  	[sflag:s17] =	ssyncset.done $0x0  }
0x5e: {  	s29 =	sadd.s32 s26, s13;
	s26 =	smov.u32 s31;
	[sflag:s17] =	ssyncadd.s32 $0xFFFFFF80  }
0x5f: {  	[tilespmem:s18], [sflag:$0x3] =	stream.linear.gather [hbm4b:s29+s3], $0x80, $0x38;
	[tilespmem:$0x1C200] =	vst v63  }
0x60: {  	_ =	swait.ge [sflag:s17], $0x80  }
0x61: {  	[sflag:s17] =	ssyncset.done $0x0  }
0x62: {  	[sflag:s17] =	ssyncadd.s32 $0xFFFFFF80  }
0x63: {  	_ =	swait.ge [sflag:s24], $0x4000  }
0x64: {  	[sflag:s24] =	ssyncset.done $0x0  }
0x65: {  	[sflag:s24] =	ssyncadd.s32 $0xFFFFC000  }
0x66: {  	[tilespmem:s20], [sflag:$0x1] =	stream.indirect.gather [hbm4b:s4+s19], $0x80, s3, s19, $0xb8;
	[tilespmem:$0x1C200] =	vst v63  }
.Ltmp0:
0x67: {  	_ = 	snop;
	(pc) =	sbr.rel @p0 .LBB2_2-.Ltmp0, $4  }
0x68: {  	_ = 	snop  }
0x69: {  	[spmem:s2] =	stream.indirect.scatter.add.f32 [tilespmem:s23], [sflag:$0x3], $0x80, s21, s19, $0xb8;
	[tilespmem:$0x1C200] =	vst v63  }
0x6a: {  	_ =	swait.ge [sflag:s17], $0x4000  }
0x6b: {  	s29 =	smov.u32 s28;
	[sflag:s17] =	ssyncset.done $0x0  }
0x6c: {  	s28 =	sadd.s32 s26, s15  }
0x6d: {  	[sflag:s17] =	ssyncadd.s32 $0xFFFFC000;
	s29 =	sadd.s32 $0x20, s28  }
0x6e: {  	[tilespmem:s19], [sflag:$0x3] =	stream.linear.gather [hbm4b:s29+s3], $0x80, $0x38;
	[tilespmem:$0x1C200] =	vst v63  }
0x6f: {  	_ =	swait.ge [sflag:s17], $0x80  }
0x70: {  	[sflag:s17] =	ssyncset.done $0x0  }
0x71: {  	s28 =	sadd.s32 $0x30, s28;
	[sflag:s17] =	ssyncadd.s32 $0xFFFFFF80  }
0x72: {  	[tilespmem:s21], [sflag:$0x3] =	stream.linear.gather [hbm4b:s28+s3], $0x80, $0x38;
	[tilespmem:$0x1C200] =	vst v63  }
0x73: {  	_ =	swait.ge [sflag:s17], $0x80  }
0x74: {  	[sflag:s17] =	ssyncset.done $0x0  }
0x75: {  	[sflag:s17] =	ssyncadd.s32 $0xFFFFFF80  }
0x76: {  	_ =	swait.ge [sflag:s22], $0x4000  }
0x77: {  	[sflag:s22] =	ssyncset.done $0x0  }
0x78: {  	[sflag:s22] =	ssyncadd.s32 $0xFFFFC000  }
0x79: {  	[tilespmem:s23], [sflag:$0x2] =	stream.indirect.gather [hbm4b:s4+s19], $0x80, s19, s19, $0xb8;
	[tilespmem:$0x1C200] =	vst v63  }
0x7a: {  	_ = 	snop  }
0x7b: {  	[spmem:s2] =	stream.indirect.scatter.add.f32 [tilespmem:s20], [sflag:$0x3], $0x80, s18, s19, $0xb8;
	[tilespmem:$0x1C200] =	vst v63  }
0x7c: {  	_ =	swait.ge [sflag:s17], $0x4000  }
0x7d: {  	[sflag:s17] =	ssyncset.done $0x0  }
0x7e: {  	s30 =	sadd.s32 s26, s14;
	[sflag:s17] =	ssyncadd.s32 $0xFFFFC000  }
0x7f: {  	[tilespmem:s3], [sflag:$0x3] =	stream.linear.gather [hbm4b:s30+s3], $0x80, $0x38;
	[tilespmem:$0x1C200] =	vst v63  }
0x80: {  	_ =	swait.ge [sflag:s17], $0x80  }
0x81: {  	[sflag:s17] =	ssyncset.done $0x0  }
0x82: {  	s31 =	sadd.s32 s26, s13;
	[sflag:s17] =	ssyncadd.s32 $0xFFFFFF80  }
0x83: {  	[tilespmem:s18], [sflag:$0x3] =	stream.linear.gather [hbm4b:s31+s3], $0x80, $0x38;
	[tilespmem:$0x1C200] =	vst v63  }
0x84: {  	_ =	swait.ge [sflag:s17], $0x80  }
0x85: {  	[sflag:s17] =	ssyncset.done $0x0  }
0x86: {  	[sflag:s17] =	ssyncadd.s32 $0xFFFFFF80  }
0x87: {  	_ =	swait.ge [sflag:s24], $0x4000  }
0x88: {  	[sflag:s24] =	ssyncset.done $0x0  }
0x89: {  	[sflag:s24] =	ssyncadd.s32 $0xFFFFC000  }
0x8a: {  	[tilespmem:s20], [sflag:$0x1] =	stream.indirect.gather [hbm4b:s4+s19], $0x80, s3, s19, $0xb8;
	[tilespmem:$0x1C200] =	vst v63  }
0x8b: {  	_ = 	snop  }
0x8c: {  	[spmem:s2] =	stream.indirect.scatter.add.f32 [tilespmem:s23], [sflag:$0x3], $0x80, s21, s19, $0xb8;
	[tilespmem:$0x1C200] =	vst v63  }
0x8d: {  	_ =	swait.ge [sflag:s17], $0x4000  }
0x8e: {  	[sflag:s17] =	ssyncset.done $0x0  }
0x8f: {  	[sflag:s17] =	ssyncadd.s32 $0xFFFFC000  }
0x90: {  	[tilespmem:s19], [sflag:$0x3] =	stream.linear.gather [hbm4b:s9+s3], $0x80, $0x38;
	[tilespmem:$0x1C200] =	vst v63  }
0x91: {  	_ =	swait.ge [sflag:s17], $0x80  }
0x92: {  	[sflag:s17] =	ssyncset.done $0x0  }
0x93: {  	[sflag:s17] =	ssyncadd.s32 $0xFFFFFF80  }
0x94: {  	[tilespmem:s21], [sflag:$0x3] =	stream.linear.gather [hbm4b:s10+s3], $0x80, $0x38;
	[tilespmem:$0x1C200] =	vst v63  }
0x95: {  	_ =	swait.ge [sflag:s17], $0x80  }
0x96: {  	[sflag:s17] =	ssyncset.done $0x0  }
0x97: {  	[sflag:s17] =	ssyncadd.s32 $0xFFFFFF80  }
0x98: {  	_ =	swait.ge [sflag:s22], $0x4000  }
0x99: {  	[sflag:s22] =	ssyncset.done $0x0  }
0x9a: {  	[sflag:s22] =	ssyncadd.s32 $0xFFFFC000  }
0x9b: {  	[tilespmem:s23], [sflag:$0x2] =	stream.indirect.gather [hbm4b:s4+s19], $0x80, s19, s19, $0xb8;
	[tilespmem:$0x1C200] =	vst v63  }
0x9c: {  	_ = 	snop  }
0x9d: {  	[spmem:s2] =	stream.indirect.scatter.add.f32 [tilespmem:s20], [sflag:$0x3], $0x80, s18, s19, $0xb8;
	[tilespmem:$0x1C200] =	vst v63  }
0x9e: {  	_ =	swait.ge [sflag:s17], $0x4000  }
0x9f: {  	[sflag:s17] =	ssyncset.done $0x0  }
0xa0: {  	[sflag:s17] =	ssyncadd.s32 $0xFFFFC000  }
0xa1: {  	_ =	swait.ge [sflag:s24], $0x4000  }
0xa2: {  	[sflag:s24] =	ssyncset.done $0x0  }
0xa3: {  	[sflag:s24] =	ssyncadd.s32 $0xFFFFC000  }
0xa4: {  	[spmem:s2] =	stream.indirect.scatter.add.f32 [tilespmem:s23], [sflag:$0x3], $0x80, s21, s19, $0xb8;
	[tilespmem:$0x1C200] =	vst v63  }
0xa5: {  	_ =	swait.ge [sflag:s17], $0x4000  }
0xa6: {  	s25 =	sadd.s32 $0x1, s25;
	[sflag:s17] =	ssyncset.done $0x0  }
0xa7: {  	p0 =	sne.s32 s25, s12;
	[sflag:s17] =	ssyncadd.s32 $0xFFFFC000  }
.Ltmp1:
0xa8: {  	[bflag:$0x0] =	sbarrier.arrive $0xFFFF;
	(pc) =	sbr.rel @p0 .LBB2_1-.Ltmp1, $4  }
0xa9: {  	[hbm:s11], [sflag:s7] =	dma.local [spmem:s16], $0x2800  }
0xaa: {  	_ =	swait.ge [sflag:s17], $0x2800  }
0xab: {  	[sflag:s17] =	ssyncset.done $0x0  }
0xac: {  	[sflag:s17] =	ssyncadd.s32 $0xFFFFD800  }
0xad: {  	_ =	sfence.sel $0x180000  }
0xae: {  	[bflag:$0x0] =	sbarrier.arrive $0xFFFF  }
0xaf: {  	p0 =	sne.s32 s1, $0x0;
	_ =	strace $0x9000004A  }
0xb0: {  	s0 =	sadd.s32 @!p0 $0x100000, s0;
	[bflag:$0x2] =	sbarrier.arrive $0xFFFF  }
0xb1: {  	[sflag:s0] =	ssyncadd.tile.s32 @!p0 $0x1;
	_ =	shalt  }
.Lfunc_end2:
_tile_overlayer_lowered:
.L_overlay_start_2:
0xb2: {  	(tag) =	ssettag $0x2  }
0xb3: {  	s0 =	rddreg [dreg:$0x0];
	s2 =	stileid.u32  }
0xb4: {  	s1 =	rddreg [dreg:$0x1];
	p0 =	sne.s32 s2, $0x0  }
0xb5: {  	s3 =	rddreg [dreg:$0x2];
	[bflag:$0x3] =	sbarrier.arrive $0xFFFF;
	s2 =	simm.s32 @!p0 $0x1C03  }
0xb6: {  	[timem:s3], [sflag:s2] =	dma.local @!p0 [hbm:s0], s1  }
0xb7: {  	s0 =	simm.s32 @!p0 $0x3  }
0xb8: {  	_ =	swait.ge @!p0 [sflag:s0], s1  }
0xb9: {  	s1 =	ssub.s32 @!p0 $0x0, s1;
	[sflag:s0] =	ssyncset.done @!p0 $0x0  }
0xba: {  	[sflag:s0] =	ssyncadd.s32 @!p0 s1  }
0xbb: {  	[bflag:$0x3] =	sbarrier.arrive $0xFFFF  }
0xbc: {  	_ =	shalt  }

// kernel: kernel.23.cloned.1.call-start
scs
__scs_entry_jumppad:
0x0: {  	(pc) =	sbr.rel $0x88, $3  }
0x1: {  	(tag) =	ssettag $0x0;
	lr =	simm.s32 $0x1  }
0x2: {  	[smem:$0x3F90] =	sst lr;
	_ =	strace $0xD0000000  }
0x3: {  	_ = 	snop  }
0x4: {  	_ = 	snop  }
0x5: {  	_ = 	snop  }
0x6: {  	_ = 	snop  }
0x7: {  	_ = 	snop  }
__scs_overlays_trampoline_lowered:
0x8: {  	[smem:$0x3F9F] =	sst s0  }
0x9: {  	[smem:$0x3FA0] =	sst s1  }
0xa: {  	[smem:$0x3FA1] =	sst s2  }
0xb: {  	[smem:$0x3FA2] =	sst s3  }
0xc: {  	[smem:$0x3FA3] =	sst s4  }
0xd: {  	[smem:$0x3FA4] =	sst s5  }
0xe: {  	[smem:$0x3FA5] =	sst s6  }
0xf: {  	[smem:$0x3FA6] =	sst s7  }
0x10: {  	[smem:$0x3FA7] =	sst s8  }
0x11: {  	[smem:$0x3FA8] =	sst s9;
	s0 =	simm.s32 @!p0 $0x0  }
0x12: {  	s1 =	sld [smem:$0x3F8E];
	s0 =	simm.s32 @p0 $0x1  }
0x13: {  	[smem:$0x3FA9] =	sst s0;
	s0 =	simm.s32 @!p1 $0x0  }
0x14: {  	s2 =	sld [smem:$0x3F8D];
	s0 =	simm.s32 @p1 $0x1  }
0x15: {  	[smem:$0x3FAA] =	sst s0;
	s0 =	simm.s32 @!p2 $0x0  }
0x16: {  	s3 =	sld [smem:$0x3FDB];
	s0 =	simm.s32 @p2 $0x1  }
0x17: {  	s4 =	simm.s32 $0x1BF5;
	[smem:$0x3FAC] =	sst s0  }
0x18: {  	s0 =	sld [smem:$0x3F8F];
	_ =	swait.ge [sflag:s4], $0x0  }
0x19: {  	s7 =	sld [smem:$0x3F90]  }
0x1a: {  	s8 =	sadd.s32 $0xFFFFE003, lr  }
0x1b: {  	s9 =	sadd.s32 $0xFFFFFEF7, lr;
	s5 =	simm.s32 $0xFFFFFFFF;
	p2 =	slt.u32 s8, $0xFFFFF086  }
0x1c: {  	p1 =	slt.u32 s9, $0xF7A;
	s5 =	simm.s32 @!p2 $0x0  }
0x1d: {  	s5 =	simm.s32 @p1 $0x1;
	p0 =	seq.s32 s7, s2  }
0x1e: {  	s7 =	smul.u32 @!p0 $0xF7A, s2;
	p2 =	seq.s32 @!p0 s5, $0x0  }
0x1f: {  	s9 =	smul.u32 $0xF7A, s1;
	s8 =	simm.s32 @!p0 $0x1BF5;
	p2 =	por !p2, p0  }
0x20: {  	[sflag:s8] =	ssyncset.s32 @!p0 $0xFFFFF086;
	s6 =	sadd.s32 @!p0 s3, s7;
	s7 =	simm.s32 @!p0 $0x108  }
0x21: {  	s3 =	sadd.s32 s3, s9;
	s6 =	sadd.s32 @!p0 $0x88, s6;
	s7 =	simm.s32 @p2 $0x1082  }
0x22: {  	[simem:s7], [sflag:s8] =	dma.local @!p0 [hbm:s6], $0xF7A  }
0x23: {  	s9 =	sor.u32 $0xD0000000, s2;
	s6 =	simm.s32 $0x108;
	_ =	swait.ge @!p0 [sflag:s8], $0x0  }
0x24: {  	s3 =	sadd.s32 $0x88, s3;
	s6 =	simm.s32 @!p1 $0x1082;
	[sflag:s4] =	ssyncset.s32 $0xFFFFF086  }
0x25: {  	[simem:s6], [sflag:s4] =	dma.local [hbm:s3], $0xF7A  }
0x26: {  	[smem:$0x3F90] =	sst s1;
	(tag) =	ssettag s2;
	_ =	strace s9  }
0x27: {  	s1 =	sld [smem:$0x3FA0]  }
0x28: {  	s2 =	sld [smem:$0x3FA1]  }
0x29: {  	s4 =	sld [smem:$0x3FA3]  }
0x2a: {  	p0 =	seq.s32 s5, $0x0;
	s5 =	sld [smem:$0x3FA4]  }
0x2b: {  	s6 =	sld [smem:$0x3FA5]  }
0x2c: {  	s7 =	sld [smem:$0x3FA6]  }
0x2d: {  	s3 =	simm.s32 $0x108;
	s8 =	sld [smem:$0x3FA7]  }
0x2e: {  	s3 =	simm.s32 @!p0 $0x1082;
	s9 =	sld [smem:$0x3FA8]  }
0x2f: {  	lr =	sadd.s32 s0, s3;
	s0 =	sld [smem:$0x3F9F]  }
0x30: {  	s3 =	sld [smem:$0x3FA2]  }
0x31: {  	[smem:$0x3FAB] =	sst s10  }
0x32: {  	s10 =	sld [smem:$0x3FA9];
	_ =	sdelay $0x3  }
0x33: {  	p0 =	seq.s32 s10, $0x1;
	s10 =	sld [smem:$0x3FAB];
	_ =	sdelay $0x3  }
0x34: {  	[smem:$0x3FAB] =	sst s10  }
0x35: {  	s10 =	sld [smem:$0x3FAA];
	_ =	sdelay $0x3  }
0x36: {  	p1 =	seq.s32 s10, $0x1;
	s10 =	sld [smem:$0x3FAB];
	_ =	sdelay $0x3  }
0x37: {  	[smem:$0x3FAB] =	sst s10  }
0x38: {  	s10 =	sld [smem:$0x3FAC]  }
0x39: {  	_ = 	snop;
	(pc) =	sbr.ind lr, $3  }
0x3a: {  	_ = 	snop  }
0x3b: {  	_ = 	snop  }
0x3c: {  	p2 =	seq.s32 s10, $0x1;
	s10 =	sld [smem:$0x3FAB]  }
0x3d: {  	_ =	shalt  }
0x3e: {  	_ =	shalt  }
0x3f: {  	_ =	shalt  }
0x40: {  	_ =	shalt  }
0x41: {  	_ =	shalt  }
0x42: {  	_ =	shalt  }
0x43: {  	_ =	shalt  }
0x44: {  	_ =	shalt  }
0x45: {  	_ =	shalt  }
0x46: {  	_ =	shalt  }
0x47: {  	_ =	shalt  }
0x48: {  	_ =	shalt  }
0x49: {  	_ =	shalt  }
0x4a: {  	_ =	shalt  }
0x4b: {  	_ =	shalt  }
0x4c: {  	_ =	shalt  }
0x4d: {  	_ =	shalt  }
0x4e: {  	_ =	shalt  }
0x4f: {  	_ =	shalt  }
0x50: {  	_ =	shalt  }
0x51: {  	_ =	shalt  }
0x52: {  	_ =	shalt  }
0x53: {  	_ =	shalt  }
0x54: {  	_ =	shalt  }
0x55: {  	_ =	shalt  }
0x56: {  	_ =	shalt  }
0x57: {  	_ =	shalt  }
0x58: {  	_ =	shalt  }
0x59: {  	_ =	shalt  }
0x5a: {  	_ =	shalt  }
0x5b: {  	_ =	shalt  }
0x5c: {  	_ =	shalt  }
0x5d: {  	_ =	shalt  }
0x5e: {  	_ =	shalt  }
0x5f: {  	_ =	shalt  }
0x60: {  	_ =	shalt  }
0x61: {  	_ =	shalt  }
0x62: {  	_ =	shalt  }
0x63: {  	_ =	shalt  }
0x64: {  	_ =	shalt  }
0x65: {  	_ =	shalt  }
0x66: {  	_ =	shalt  }
0x67: {  	_ =	shalt  }
0x68: {  	_ =	shalt  }
0x69: {  	_ =	shalt  }
0x6a: {  	_ =	shalt  }
0x6b: {  	_ =	shalt  }
0x6c: {  	_ =	shalt  }
0x6d: {  	_ =	shalt  }
0x6e: {  	_ =	shalt  }
0x6f: {  	_ =	shalt  }
0x70: {  	_ =	shalt  }
0x71: {  	_ =	shalt  }
0x72: {  	_ =	shalt  }
0x73: {  	_ =	shalt  }
0x74: {  	_ =	shalt  }
0x75: {  	_ =	shalt  }
0x76: {  	_ =	shalt  }
0x77: {  	_ =	shalt  }
0x78: {  	_ =	shalt  }
0x79: {  	_ =	shalt  }
0x7a: {  	_ =	shalt  }
0x7b: {  	_ =	shalt  }
0x7c: {  	_ =	shalt  }
0x7d: {  	_ =	shalt  }
0x7e: {  	_ =	shalt  }
0x7f: {  	_ =	shalt  }
0x80: {  	_ =	shalt  }
0x81: {  	_ =	shalt  }
0x82: {  	_ =	shalt  }
0x83: {  	_ =	shalt  }
0x84: {  	_ =	shalt  }
0x85: {  	_ =	shalt  }
0x86: {  	_ =	shalt  }
0x87: {  	_ =	shalt  }
.Lfunc_end0:
.L_simem_size_0:
called_computation.2_lowered:
.L_overlay_start_0:
0x88: {  	s2 =	sld [smem:$0x3FD9]  }
0x89: {  	s3 =	sld [smem:$0x3FFE];
	_ =	sdelay $0x1  }
0x8a: {  	s1 =	srdreg.scid  }
0x8b: {  	s0 =	sand.u32 $0x1, s1  }
0x8c: {  	s16 =	sshll.u32 s0, $0xA;
	s2 =	sadd.s32 s3, s2  }
0x8d: {  	s2 =	sadd.s32 s2, s16  }
0x8e: {  	[smem:$0x3FB7] =	sst s2  }
0x8f: {  	_ = 	snop  }
0x90: {  	(tm) =	ssettm $0x1  }
0x91: {  	s17 =	sld [smem:$0x3FFB];
	_ =	sdelay $0x3  }
0x92: {  	_ =	strace s17  }
0x93: {  	s2 =	sld [smem:$0x3FFC];
	_ =	sdelay $0x3  }
0x94: {  	_ =	strace s2  }
0x95: {  	s2 =	sld [smem:$0x3FFD];
	_ =	sdelay $0x3  }
0x96: {  	_ =	strace s2  }
0x97: {  	_ =	strace $0x8FFFFFFF  }
0x98: {  	s18 =	sld [smem:$0x3FDB];
	_ =	sdelay $0x1  }
0x99: {  	s19 =	simm.s32 $_scs_section_size  }
0x9a: {  	s4 =	simm.s32 $_size__tile_overlayer_lowered;
	s5 =	simm.s32 $_tile_overlayer_lowered  }
0x9b: {  	s22 =	simm.s32 $0x1BFF;
	s21 =	sshll.u32 s5, $0x1;
	s2 =	sadd.s32 s19, s18  }
0x9c: {  	s6 =	simm.s32 $0x0;
	s20 =	sshll.u32 s4, $0x1;
	s4 =	sadd.s32 s21, s2  }
0x9d: {  	[timem:s6], [sflag:s22] =	dma.local [hbm:s4], s20  }
0x9e: {  	_ =	swait.ge [sflag:s22], s20  }
0x9f: {  	s3 =	ssub.s32 $0x0, s20;
	[sflag:s22] =	ssyncset.done $0x0  }
0xa0: {  	[sflag:s22] =	ssyncadd.s32 s3;
	_ =	sdelay $0x1  }
0xa1: {  	s23 =	simm.s32 $0x1B8B  }
0xa2: {  	_ =	swait.ge [sflag:s23], $0x1  }
0xa3: {  	[sflag:s23] =	ssyncset.done $0x0  }
0xa4: {  	s25 =	simm.s32 $0x1B8E;
	s24 =	sld [smem:$0x3FFE];
	[sflag:s23] =	ssyncadd.s32 $0xFFFFFFFF  }
0xa5: {  	s26 =	simm.s32 $execute0_lowered;
	[smem:$0x3FD2] =	sst s25  }
0xa6: {  	s4 =	sshll.u32 s26, $0x1;
	_ =	strace $0x8000004C;
	[dreg:$0x1] =	wrdreg $0xFFFFFFFF  }
0xa7: {  	s28 =	simm.s32 $_size_execute0_lowered;
	s2 =	sadd.s32 s2, s4;
	[dreg:$0x0] =	wrdreg $0x0  }
0xa8: {  	s4 =	sshll.u32 s28, $0x1;
	[dreg:$0x2] =	wrdreg s2  }
0xa9: {  	[dreg:$0x3] =	wrdreg s4  }
0xaa: {  	[dreg:$0x4] =	wrdreg $0xC0  }
0xab: {  	_ =	task [dreg:s6], $0x5FFFF  }
0xac: {  	[dreg:$0x1] =	wrdreg $0xFFFFFFFF  }
0xad: {  	[dreg:$0x0] =	wrdreg $0x60  }
0xae: {  	[dreg:$0x2] =	wrdreg s24  }
0xaf: {  	[dreg:$0x3] =	wrdreg $0x82000  }
0xb0: {  	[dreg:$0x4] =	wrdreg $0x9  }
0xb1: {  	_ =	task.clear_ibuf [dreg:s6], $0x5FFFF;
	_ =	strace $0x9000004C  }
0xb2: {  	s29 =	simm.s32 $0x9;
	_ =	strace $0x8000004E  }
0xb3: {  	_ =	swait.ge [sflag:s29], $0x1  }
0xb4: {  	[sflag:s29] =	ssyncadd.s32 $0xFFFFFFFF  }
0xb5: {  	_ =	strace $0x9000004E  }
0xb6: {  	_ =	sfence  }
0xb7: {  	s30 =	sld [smem:$0x0];
	_ =	sdelay $0x2  }
0xb8: {  	s31 =	sshll.u32 s1, $0xD;
	s1 =	sshrl.u32 s1, $0x2  }
0xb9: {  	s3 =	sand.u32 $0x4000, s31;
	s1 =	sadd.s32 s1, s30  }
0xba: {  	s0 =	sor.u32 s3, s0;
	s1 =	sshll.u32 s1, $0x11  }
0xbb: {  	s0 =	sor.u32 s1, s0  }
0xbc: {  	s0 =	sadd.s32 $0x8F2B, s0  }
0xbd: {  	[sflag:s0] =	ssyncadd.remote.s32 $0x1  }
0xbe: {  	_ =	sfence.sel $0xFFFF  }
0xbf: {  	[dreg:$0x0] =	wrdreg $0xFFFFFFFF;
	(pc) =	sbr.abs _section_cstart, $3  }
0xc0: {  	[dreg:$0x1] =	wrdreg $0xFFFFFFFF  }
0xc1: {  	_ =	task.clear_ibuf [dreg:s6], $0x2FFFF;
	_ =	strace $0x9FFFFFFF  }
0xc2: {  	(tm) =	ssettm $0x7FFFFFFF  }
0xc3: {  	_ =	shalt  }
tec
execute0_lowered:
.L_overlay_start_1:
0x0: {  	(tag) =	ssettag $0x1  }
0x1: {  	s5 =	rddreg [dreg:$0x0]  }
0x2: {  	s2 =	rddreg [dreg:$0x1]  }
0x3: {  	s0 =	rddreg [dreg:$0x2]  }
0x4: {  	s4 =	srdreg.scid;
	s1 =	stileid.u32  }
0x5: {  	s3 =	simm.s32 $0x0;
	s19 =	simm.s32 $0x80;
	s6 =	smul.u32 $0x14000, s1  }
0x6: {  	s20 =	simm.s32 $0x200;
	s21 =	simm.s32 $0x180;
	s8 =	smul.u32 $0x50000, s1  }
0x7: {  	s22 =	simm.s32 $0x1;
	s13 =	sand.u32 $0x1, s4;
	s17 =	smul.u32 $0x5000, s1  }
0x8: {  	[smem:$0x7FF] =	sst s3;
	s4 =	sadd.s32 $0x19800, s5;
	s31 =	smul.u32 $0xA00, s1  }
0x9: {  	s14 =	sadd.s32 $0x5800, s5;
	s29 =	sshll.u32 s1, $0x6;
	s7 =	smul.u32 $0x140000, s13  }
0xa: {  	_ =	strace $0x8000004D;
	s9 =	sshll.u32 s13, $0x4;
	s15 =	smul.u32 $0x50000, s13  }
0xb: {  	s23 =	ssub.s32 $0x2, s13;
	s18 =	smul.u32 $0xA000, s13;
	s24 =	sor.u32 s1, s9  }
0xc: {  	s25 =	sshrl.u32 s23, $0x1;
	s8 =	sshrl.u32 s8, $0x2;
	s26 =	sshrl.u32 s6, $0x3  }
0xd: {  	s7 =	sadd.s32 s6, s7;
	s12 =	ssub.s32 s23, s25;
	s16 =	sadd.s32 s8, s2  }
0xe: {  	s15 =	sadd.s32 s17, s15;
	s18 =	sadd.s32 s18, s14;
	s23 =	simm.s32 $0x4200  }
0xf: {  	s25 =	simm.s32 $0x0;
	s7 =	sshrl.u32 s7, $0x3;
	s12 =	smax.u32 s12, $0x1  }
0x10: {  	s17 =	sor.u32 $0x280, s15;
	s15 =	sor.u32 $0x200, s15;
	s16 =	sshrl.u32 s16, $0x3  }
0x11: {  	s11 =	sadd.s32 s7, s5;
	s7 =	smul.u32 $0x5000, s24;
	s5 =	sadd.s32 s4, s26  }
0x12: {  	s30 =	sshrl.u32 s17, $0x3;
	s15 =	sshrl.u32 s15, $0x3;
	s17 =	simm.s32 $0x3  }
0x13: {  	s24 =	simm.s32 $0x2;
	s11 =	sadd.s32 $0x41800, s11;
	s28 =	sshrl.u32 s7, $0x3  }
0x14: {  	s13 =	sadd.s32 s30, s14;
	s7 =	sor.u32 $0x1C03, s29;
	s6 =	sadd.s32 s14, s28  }
0x15: {  	s14 =	sadd.s32 s15, s14;
	s15 =	sadd.s32 s31, s18;
	s18 =	simm.s32 $0x100  }
0x16: {  	s8 =	sadd.s32 $0x10, s6;
	s9 =	sadd.s32 $0x9E0, s6;
	s10 =	sadd.s32 $0x9F0, s6  }
.LBB2_1:
0x17: {  	[spmem:s16], [sflag:s7] =	dma.local [hbm:s5], $0x2800  }
0x18: {  	_ =	swait.ge [sflag:s17], $0x2800  }
0x19: {  	[sflag:s17] =	ssyncset.done $0x0  }
0x1a: {  	[sflag:s17] =	ssyncadd.s32 $0xFFFFD800  }
0x1b: {  	[bflag:$0x0] =	sbarrier.arrive $0xFFFF  }
0x1c: {  	[tilespmem:s3], [sflag:$0x3] =	stream.linear.gather [hbm4b:s6+s3], $0x80, $0x38;
	[tilespmem:$0x1C200] =	vst v63  }
0x1d: {  	_ =	swait.ge [sflag:s17], $0x80  }
0x1e: {  	[sflag:s17] =	ssyncset.done $0x0  }
0x1f: {  	[sflag:s17] =	ssyncadd.s32 $0xFFFFFF80  }
0x20: {  	[tilespmem:s18], [sflag:$0x3] =	stream.linear.gather [hbm4b:s8+s3], $0x80, $0x38;
	[tilespmem:$0x1C200] =	vst v63  }
0x21: {  	_ =	swait.ge [sflag:s17], $0x80  }
0x22: {  	[sflag:s17] =	ssyncset.done $0x0  }
0x23: {  	s26 =	sadd.s32 $0x0, s15;
	[sflag:s17] =	ssyncadd.s32 $0xFFFFFF80  }
0x24: {  	[tilespmem:s20], [sflag:$0x1] =	stream.indirect.gather [hbm4b:s4+s19], $0x80, s3, s19, $0xb8;
	[tilespmem:$0x1C200] =	vst v63  }
0x25: {  	s28 =	sadd.s32 $0x20, s26  }
0x26: {  	[tilespmem:s19], [sflag:$0x3] =	stream.linear.gather [hbm4b:s28+s3], $0x80, $0x38;
	[tilespmem:$0x1C200] =	vst v63  }
0x27: {  	_ =	swait.ge [sflag:s17], $0x80  }
0x28: {  	[sflag:s17] =	ssyncset.done $0x0  }
0x29: {  	s26 =	sadd.s32 $0x30, s26;
	[sflag:s17] =	ssyncadd.s32 $0xFFFFFF80  }
0x2a: {  	[tilespmem:s21], [sflag:$0x3] =	stream.linear.gather [hbm4b:s26+s3], $0x80, $0x38;
	[tilespmem:$0x1C200] =	vst v63  }
0x2b: {  	_ =	swait.ge [sflag:s17], $0x80  }
0x2c: {  	[sflag:s17] =	ssyncset.done $0x0  }
0x2d: {  	[sflag:s17] =	ssyncadd.s32 $0xFFFFFF80  }
0x2e: {  	_ =	swait.ge [sflag:s22], $0x4000  }
0x2f: {  	[sflag:s22] =	ssyncset.done $0x0  }
0x30: {  	[sflag:s22] =	ssyncadd.s32 $0xFFFFC000  }
0x31: {  	[tilespmem:s23], [sflag:$0x2] =	stream.indirect.gather [hbm4b:s4+s19], $0x80, s19, s19, $0xb8;
	[tilespmem:$0x1C200] =	vst v63  }
0x32: {  	_ = 	snop  }
0x33: {  	[spmem:s2] =	stream.indirect.scatter.add.f32 [tilespmem:s20], [sflag:$0x3], $0x80, s18, s19, $0xb8;
	[tilespmem:$0x1C200] =	vst v63  }
0x34: {  	_ =	swait.ge [sflag:s17], $0x4000  }
0x35: {  	[sflag:s17] =	ssyncset.done $0x0  }
0x36: {  	s30 =	sadd.s32 $0x0, s14;
	[sflag:s17] =	ssyncadd.s32 $0xFFFFC000  }
0x37: {  	[tilespmem:s3], [sflag:$0x3] =	stream.linear.gather [hbm4b:s30+s3], $0x80, $0x38;
	[tilespmem:$0x1C200] =	vst v63  }
0x38: {  	_ =	swait.ge [sflag:s17], $0x80  }
0x39: {  	[sflag:s17] =	ssyncset.done $0x0  }
0x3a: {  	s31 =	sadd.s32 $0x0, s13;
	[sflag:s17] =	ssyncadd.s32 $0xFFFFFF80  }
0x3b: {  	[tilespmem:s18], [sflag:$0x3] =	stream.linear.gather [hbm4b:s31+s3], $0x80, $0x38;
	[tilespmem:$0x1C200] =	vst v63  }
0x3c: {  	_ =	swait.ge [sflag:s17], $0x80  }
0x3d: {  	[sflag:s17] =	ssyncset.done $0x0  }
0x3e: {  	[sflag:s17] =	ssyncadd.s32 $0xFFFFFF80  }
0x3f: {  	_ =	swait.ge [sflag:s24], $0x4000  }
0x40: {  	[sflag:s24] =	ssyncset.done $0x0  }
0x41: {  	[sflag:s24] =	ssyncadd.s32 $0xFFFFC000  }
0x42: {  	[tilespmem:s20], [sflag:$0x1] =	stream.indirect.gather [hbm4b:s4+s19], $0x80, s3, s19, $0xb8;
	[tilespmem:$0x1C200] =	vst v63  }
0x43: {  	_ = 	snop  }
0x44: {  	[spmem:s2] =	stream.indirect.scatter.add.f32 [tilespmem:s23], [sflag:$0x3], $0x80, s21, s19, $0xb8;
	[tilespmem:$0x1C200] =	vst v63  }
0x45: {  	_ =	swait.ge [sflag:s17], $0x4000  }
0x46: {  	s29 =	simm.s32 $0x80;
	s26 =	simm.s32 $0x40;
	[sflag:s17] =	ssyncset.done $0x0  }
.LBB2_2:
0x47: {  	s30 =	sadd.s32 s26, s15  }
0x48: {  	[sflag:s17] =	ssyncadd.s32 $0xFFFFC000;
	s31 =	smov.u32 s29;
	s28 =	sadd.s32 $0x40, s29  }
0x49: {  	p0 =	sne.s32 s29, $0x980;
	s29 =	sadd.s32 $0x20, s30  }
0x4a: {  	[tilespmem:s19], [sflag:$0x3] =	stream.linear.gather [hbm4b:s29+s3], $0x80, $0x38;
	[tilespmem:$0x1C200] =	vst v63  }
0x4b: {  	_ =	swait.ge [sflag:s17], $0x80  }
0x4c: {  	[sflag:s17] =	ssyncset.done $0x0  }
0x4d: {  	s29 =	sadd.s32 $0x30, s30;
	[sflag:s17] =	ssyncadd.s32 $0xFFFFFF80  }
0x4e: {  	[tilespmem:s21], [sflag:$0x3] =	stream.linear.gather [hbm4b:s29+s3], $0x80, $0x38;
	[tilespmem:$0x1C200] =	vst v63  }
0x4f: {  	_ =	swait.ge [sflag:s17], $0x80  }
0x50: {  	[sflag:s17] =	ssyncset.done $0x0  }
0x51: {  	[sflag:s17] =	ssyncadd.s32 $0xFFFFFF80  }
0x52: {  	_ =	swait.ge [sflag:s22], $0x4000  }
0x53: {  	[sflag:s22] =	ssyncset.done $0x0  }
0x54: {  	[sflag:s22] =	ssyncadd.s32 $0xFFFFC000  }
0x55: {  	[tilespmem:s23], [sflag:$0x2] =	stream.indirect.gather [hbm4b:s4+s19], $0x80, s19, s19, $0xb8;
	[tilespmem:$0x1C200] =	vst v63  }
0x56: {  	_ = 	snop  }
0x57: {  	[spmem:s2] =	stream.indirect.scatter.add.f32 [tilespmem:s20], [sflag:$0x3], $0x80, s18, s19, $0xb8;
	[tilespmem:$0x1C200] =	vst v63  }
0x58: {  	_ =	swait.ge [sflag:s17], $0x4000  }
0x59: {  	[sflag:s17] =	ssyncset.done $0x0  }
0x5a: {  	s29 =	sadd.s32 s26, s14;
	[sflag:s17] =	ssyncadd.s32 $0xFFFFC000  }
0x5b: {  	[tilespmem:s3], [sflag:$0x3] =	stream.linear.gather [hbm4b:s29+s3], $0x80, $0x38;
	[tilespmem:$0x1C200] =	vst v63  }
0x5c: {  	_ =	swait.ge [sflag:s17], $0x80  }
0x5d: {  	[sflag:s17] =	ssyncset.done $0x0  }
0x5e: {  	s29 =	sadd.s32 s26, s13;
	s26 =	smov.u32 s31;
	[sflag:s17] =	ssyncadd.s32 $0xFFFFFF80  }
0x5f: {  	[tilespmem:s18], [sflag:$0x3] =	stream.linear.gather [hbm4b:s29+s3], $0x80, $0x38;
	[tilespmem:$0x1C200] =	vst v63  }
0x60: {  	_ =	swait.ge [sflag:s17], $0x80  }
0x61: {  	[sflag:s17] =	ssyncset.done $0x0  }
0x62: {  	[sflag:s17] =	ssyncadd.s32 $0xFFFFFF80  }
0x63: {  	_ =	swait.ge [sflag:s24], $0x4000  }
0x64: {  	[sflag:s24] =	ssyncset.done $0x0  }
0x65: {  	[sflag:s24] =	ssyncadd.s32 $0xFFFFC000  }
0x66: {  	[tilespmem:s20], [sflag:$0x1] =	stream.indirect.gather [hbm4b:s4+s19], $0x80, s3, s19, $0xb8;
	[tilespmem:$0x1C200] =	vst v63  }
.Ltmp0:
0x67: {  	_ = 	snop;
	(pc) =	sbr.rel @p0 .LBB2_2-.Ltmp0, $4  }
0x68: {  	_ = 	snop  }
0x69: {  	[spmem:s2] =	stream.indirect.scatter.add.f32 [tilespmem:s23], [sflag:$0x3], $0x80, s21, s19, $0xb8;
	[tilespmem:$0x1C200] =	vst v63  }
0x6a: {  	_ =	swait.ge [sflag:s17], $0x4000  }
0x6b: {  	s29 =	smov.u32 s28;
	[sflag:s17] =	ssyncset.done $0x0  }
0x6c: {  	s28 =	sadd.s32 s26, s15  }
0x6d: {  	[sflag:s17] =	ssyncadd.s32 $0xFFFFC000;
	s29 =	sadd.s32 $0x20, s28  }
0x6e: {  	[tilespmem:s19], [sflag:$0x3] =	stream.linear.gather [hbm4b:s29+s3], $0x80, $0x38;
	[tilespmem:$0x1C200] =	vst v63  }
0x6f: {  	_ =	swait.ge [sflag:s17], $0x80  }
0x70: {  	[sflag:s17] =	ssyncset.done $0x0  }
0x71: {  	s28 =	sadd.s32 $0x30, s28;
	[sflag:s17] =	ssyncadd.s32 $0xFFFFFF80  }
0x72: {  	[tilespmem:s21], [sflag:$0x3] =	stream.linear.gather [hbm4b:s28+s3], $0x80, $0x38;
	[tilespmem:$0x1C200] =	vst v63  }
0x73: {  	_ =	swait.ge [sflag:s17], $0x80  }
0x74: {  	[sflag:s17] =	ssyncset.done $0x0  }
0x75: {  	[sflag:s17] =	ssyncadd.s32 $0xFFFFFF80  }
0x76: {  	_ =	swait.ge [sflag:s22], $0x4000  }
0x77: {  	[sflag:s22] =	ssyncset.done $0x0  }
0x78: {  	[sflag:s22] =	ssyncadd.s32 $0xFFFFC000  }
0x79: {  	[tilespmem:s23], [sflag:$0x2] =	stream.indirect.gather [hbm4b:s4+s19], $0x80, s19, s19, $0xb8;
	[tilespmem:$0x1C200] =	vst v63  }
0x7a: {  	_ = 	snop  }
0x7b: {  	[spmem:s2] =	stream.indirect.scatter.add.f32 [tilespmem:s20], [sflag:$0x3], $0x80, s18, s19, $0xb8;
	[tilespmem:$0x1C200] =	vst v63  }
0x7c: {  	_ =	swait.ge [sflag:s17], $0x4000  }
0x7d: {  	[sflag:s17] =	ssyncset.done $0x0  }
0x7e: {  	s30 =	sadd.s32 s26, s14;
	[sflag:s17] =	ssyncadd.s32 $0xFFFFC000  }
0x7f: {  	[tilespmem:s3], [sflag:$0x3] =	stream.linear.gather [hbm4b:s30+s3], $0x80, $0x38;
	[tilespmem:$0x1C200] =	vst v63  }
0x80: {  	_ =	swait.ge [sflag:s17], $0x80  }
0x81: {  	[sflag:s17] =	ssyncset.done $0x0  }
0x82: {  	s31 =	sadd.s32 s26, s13;
	[sflag:s17] =	ssyncadd.s32 $0xFFFFFF80  }
0x83: {  	[tilespmem:s18], [sflag:$0x3] =	stream.linear.gather [hbm4b:s31+s3], $0x80, $0x38;
	[tilespmem:$0x1C200] =	vst v63  }
0x84: {  	_ =	swait.ge [sflag:s17], $0x80  }
0x85: {  	[sflag:s17] =	ssyncset.done $0x0  }
0x86: {  	[sflag:s17] =	ssyncadd.s32 $0xFFFFFF80  }
0x87: {  	_ =	swait.ge [sflag:s24], $0x4000  }
0x88: {  	[sflag:s24] =	ssyncset.done $0x0  }
0x89: {  	[sflag:s24] =	ssyncadd.s32 $0xFFFFC000  }
0x8a: {  	[tilespmem:s20], [sflag:$0x1] =	stream.indirect.gather [hbm4b:s4+s19], $0x80, s3, s19, $0xb8;
	[tilespmem:$0x1C200] =	vst v63  }
0x8b: {  	_ = 	snop  }
0x8c: {  	[spmem:s2] =	stream.indirect.scatter.add.f32 [tilespmem:s23], [sflag:$0x3], $0x80, s21, s19, $0xb8;
	[tilespmem:$0x1C200] =	vst v63  }
0x8d: {  	_ =	swait.ge [sflag:s17], $0x4000  }
0x8e: {  	[sflag:s17] =	ssyncset.done $0x0  }
0x8f: {  	[sflag:s17] =	ssyncadd.s32 $0xFFFFC000  }
0x90: {  	[tilespmem:s19], [sflag:$0x3] =	stream.linear.gather [hbm4b:s9+s3], $0x80, $0x38;
	[tilespmem:$0x1C200] =	vst v63  }
0x91: {  	_ =	swait.ge [sflag:s17], $0x80  }
0x92: {  	[sflag:s17] =	ssyncset.done $0x0  }
0x93: {  	[sflag:s17] =	ssyncadd.s32 $0xFFFFFF80  }
0x94: {  	[tilespmem:s21], [sflag:$0x3] =	stream.linear.gather [hbm4b:s10+s3], $0x80, $0x38;
	[tilespmem:$0x1C200] =	vst v63  }
0x95: {  	_ =	swait.ge [sflag:s17], $0x80  }
0x96: {  	[sflag:s17] =	ssyncset.done $0x0  }
0x97: {  	[sflag:s17] =	ssyncadd.s32 $0xFFFFFF80  }
0x98: {  	_ =	swait.ge [sflag:s22], $0x4000  }
0x99: {  	[sflag:s22] =	ssyncset.done $0x0  }
0x9a: {  	[sflag:s22] =	ssyncadd.s32 $0xFFFFC000  }
0x9b: {  	[tilespmem:s23], [sflag:$0x2] =	stream.indirect.gather [hbm4b:s4+s19], $0x80, s19, s19, $0xb8;
	[tilespmem:$0x1C200] =	vst v63  }
0x9c: {  	_ = 	snop  }
0x9d: {  	[spmem:s2] =	stream.indirect.scatter.add.f32 [tilespmem:s20], [sflag:$0x3], $0x80, s18, s19, $0xb8;
	[tilespmem:$0x1C200] =	vst v63  }
0x9e: {  	_ =	swait.ge [sflag:s17], $0x4000  }
0x9f: {  	[sflag:s17] =	ssyncset.done $0x0  }
0xa0: {  	[sflag:s17] =	ssyncadd.s32 $0xFFFFC000  }
0xa1: {  	_ =	swait.ge [sflag:s24], $0x4000  }
0xa2: {  	[sflag:s24] =	ssyncset.done $0x0  }
0xa3: {  	[sflag:s24] =	ssyncadd.s32 $0xFFFFC000  }
0xa4: {  	[spmem:s2] =	stream.indirect.scatter.add.f32 [tilespmem:s23], [sflag:$0x3], $0x80, s21, s19, $0xb8;
	[tilespmem:$0x1C200] =	vst v63  }
0xa5: {  	_ =	swait.ge [sflag:s17], $0x4000  }
0xa6: {  	s25 =	sadd.s32 $0x1, s25;
	[sflag:s17] =	ssyncset.done $0x0  }
0xa7: {  	p0 =	sne.s32 s25, s12;
	[sflag:s17] =	ssyncadd.s32 $0xFFFFC000  }
.Ltmp1:
0xa8: {  	[bflag:$0x0] =	sbarrier.arrive $0xFFFF;
	(pc) =	sbr.rel @p0 .LBB2_1-.Ltmp1, $4  }
0xa9: {  	[hbm:s11], [sflag:s7] =	dma.local [spmem:s16], $0x2800  }
0xaa: {  	_ =	swait.ge [sflag:s17], $0x2800  }
0xab: {  	[sflag:s17] =	ssyncset.done $0x0  }
0xac: {  	[sflag:s17] =	ssyncadd.s32 $0xFFFFD800  }
0xad: {  	_ =	sfence.sel $0x180000  }
0xae: {  	[bflag:$0x0] =	sbarrier.arrive $0xFFFF  }
0xaf: {  	p0 =	sne.s32 s1, $0x0;
	_ =	strace $0x9000004D  }
0xb0: {  	s0 =	sadd.s32 @!p0 $0x100000, s0;
	[bflag:$0x2] =	sbarrier.arrive $0xFFFF  }
0xb1: {  	[sflag:s0] =	ssyncadd.tile.s32 @!p0 $0x1;
	_ =	shalt  }
.Lfunc_end2:
_tile_overlayer_lowered:
.L_overlay_start_2:
0xb2: {  	(tag) =	ssettag $0x2  }
0xb3: {  	s0 =	rddreg [dreg:$0x0];
	s2 =	stileid.u32  }
0xb4: {  	s1 =	rddreg [dreg:$0x1];
	p0 =	sne.s32 s2, $0x0  }
0xb5: {  	s3 =	rddreg [dreg:$0x2];
	[bflag:$0x3] =	sbarrier.arrive $0xFFFF;
	s2 =	simm.s32 @!p0 $0x1C03  }
0xb6: {  	[timem:s3], [sflag:s2] =	dma.local @!p0 [hbm:s0], s1  }
0xb7: {  	s0 =	simm.s32 @!p0 $0x3  }
0xb8: {  	_ =	swait.ge @!p0 [sflag:s0], s1  }
0xb9: {  	s1 =	ssub.s32 @!p0 $0x0, s1;
	[sflag:s0] =	ssyncset.done @!p0 $0x0  }
0xba: {  	[sflag:s0] =	ssyncadd.s32 @!p0 s1  }
0xbb: {  	[bflag:$0x3] =	sbarrier.arrive $0xFFFF  }
0xbc: {  	_ =	shalt  }

// kernel: kernel.26.cloned.1.call-start
scs
__scs_entry_jumppad:
0x0: {  	(pc) =	sbr.rel $0x88, $3  }
0x1: {  	(tag) =	ssettag $0x0;
	lr =	simm.s32 $0x1  }
0x2: {  	[smem:$0x3F90] =	sst lr;
	_ =	strace $0xD0000000  }
0x3: {  	_ = 	snop  }
0x4: {  	_ = 	snop  }
0x5: {  	_ = 	snop  }
0x6: {  	_ = 	snop  }
0x7: {  	_ = 	snop  }
__scs_overlays_trampoline_lowered:
0x8: {  	[smem:$0x3F9F] =	sst s0  }
0x9: {  	[smem:$0x3FA0] =	sst s1  }
0xa: {  	[smem:$0x3FA1] =	sst s2  }
0xb: {  	[smem:$0x3FA2] =	sst s3  }
0xc: {  	[smem:$0x3FA3] =	sst s4  }
0xd: {  	[smem:$0x3FA4] =	sst s5  }
0xe: {  	[smem:$0x3FA5] =	sst s6  }
0xf: {  	[smem:$0x3FA6] =	sst s7  }
0x10: {  	[smem:$0x3FA7] =	sst s8  }
0x11: {  	[smem:$0x3FA8] =	sst s9;
	s0 =	simm.s32 @!p0 $0x0  }
0x12: {  	s1 =	sld [smem:$0x3F8E];
	s0 =	simm.s32 @p0 $0x1  }
0x13: {  	[smem:$0x3FA9] =	sst s0;
	s0 =	simm.s32 @!p1 $0x0  }
0x14: {  	s2 =	sld [smem:$0x3F8D];
	s0 =	simm.s32 @p1 $0x1  }
0x15: {  	[smem:$0x3FAA] =	sst s0;
	s0 =	simm.s32 @!p2 $0x0  }
0x16: {  	s3 =	sld [smem:$0x3FDB];
	s0 =	simm.s32 @p2 $0x1  }
0x17: {  	s4 =	simm.s32 $0x1BF5;
	[smem:$0x3FAC] =	sst s0  }
0x18: {  	s0 =	sld [smem:$0x3F8F];
	_ =	swait.ge [sflag:s4], $0x0  }
0x19: {  	s7 =	sld [smem:$0x3F90]  }
0x1a: {  	s8 =	sadd.s32 $0xFFFFE003, lr  }
0x1b: {  	s9 =	sadd.s32 $0xFFFFFEF7, lr;
	s5 =	simm.s32 $0xFFFFFFFF;
	p2 =	slt.u32 s8, $0xFFFFF086  }
0x1c: {  	p1 =	slt.u32 s9, $0xF7A;
	s5 =	simm.s32 @!p2 $0x0  }
0x1d: {  	s5 =	simm.s32 @p1 $0x1;
	p0 =	seq.s32 s7, s2  }
0x1e: {  	s7 =	smul.u32 @!p0 $0xF7A, s2;
	p2 =	seq.s32 @!p0 s5, $0x0  }
0x1f: {  	s9 =	smul.u32 $0xF7A, s1;
	s8 =	simm.s32 @!p0 $0x1BF5;
	p2 =	por !p2, p0  }
0x20: {  	[sflag:s8] =	ssyncset.s32 @!p0 $0xFFFFF086;
	s6 =	sadd.s32 @!p0 s3, s7;
	s7 =	simm.s32 @!p0 $0x108  }
0x21: {  	s3 =	sadd.s32 s3, s9;
	s6 =	sadd.s32 @!p0 $0x88, s6;
	s7 =	simm.s32 @p2 $0x1082  }
0x22: {  	[simem:s7], [sflag:s8] =	dma.local @!p0 [hbm:s6], $0xF7A  }
0x23: {  	s9 =	sor.u32 $0xD0000000, s2;
	s6 =	simm.s32 $0x108;
	_ =	swait.ge @!p0 [sflag:s8], $0x0  }
0x24: {  	s3 =	sadd.s32 $0x88, s3;
	s6 =	simm.s32 @!p1 $0x1082;
	[sflag:s4] =	ssyncset.s32 $0xFFFFF086  }
0x25: {  	[simem:s6], [sflag:s4] =	dma.local [hbm:s3], $0xF7A  }
0x26: {  	[smem:$0x3F90] =	sst s1;
	(tag) =	ssettag s2;
	_ =	strace s9  }
0x27: {  	s1 =	sld [smem:$0x3FA0]  }
0x28: {  	s2 =	sld [smem:$0x3FA1]  }
0x29: {  	s4 =	sld [smem:$0x3FA3]  }
0x2a: {  	p0 =	seq.s32 s5, $0x0;
	s5 =	sld [smem:$0x3FA4]  }
0x2b: {  	s6 =	sld [smem:$0x3FA5]  }
0x2c: {  	s7 =	sld [smem:$0x3FA6]  }
0x2d: {  	s3 =	simm.s32 $0x108;
	s8 =	sld [smem:$0x3FA7]  }
0x2e: {  	s3 =	simm.s32 @!p0 $0x1082;
	s9 =	sld [smem:$0x3FA8]  }
0x2f: {  	lr =	sadd.s32 s0, s3;
	s0 =	sld [smem:$0x3F9F]  }
0x30: {  	s3 =	sld [smem:$0x3FA2]  }
0x31: {  	[smem:$0x3FAB] =	sst s10  }
0x32: {  	s10 =	sld [smem:$0x3FA9];
	_ =	sdelay $0x3  }
0x33: {  	p0 =	seq.s32 s10, $0x1;
	s10 =	sld [smem:$0x3FAB];
	_ =	sdelay $0x3  }
0x34: {  	[smem:$0x3FAB] =	sst s10  }
0x35: {  	s10 =	sld [smem:$0x3FAA];
	_ =	sdelay $0x3  }
0x36: {  	p1 =	seq.s32 s10, $0x1;
	s10 =	sld [smem:$0x3FAB];
	_ =	sdelay $0x3  }
0x37: {  	[smem:$0x3FAB] =	sst s10  }
0x38: {  	s10 =	sld [smem:$0x3FAC]  }
0x39: {  	_ = 	snop;
	(pc) =	sbr.ind lr, $3  }
0x3a: {  	_ = 	snop  }
0x3b: {  	_ = 	snop  }
0x3c: {  	p2 =	seq.s32 s10, $0x1;
	s10 =	sld [smem:$0x3FAB]  }
0x3d: {  	_ =	shalt  }
0x3e: {  	_ =	shalt  }
0x3f: {  	_ =	shalt  }
0x40: {  	_ =	shalt  }
0x41: {  	_ =	shalt  }
0x42: {  	_ =	shalt  }
0x43: {  	_ =	shalt  }
0x44: {  	_ =	shalt  }
0x45: {  	_ =	shalt  }
0x46: {  	_ =	shalt  }
0x47: {  	_ =	shalt  }
0x48: {  	_ =	shalt  }
0x49: {  	_ =	shalt  }
0x4a: {  	_ =	shalt  }
0x4b: {  	_ =	shalt  }
0x4c: {  	_ =	shalt  }
0x4d: {  	_ =	shalt  }
0x4e: {  	_ =	shalt  }
0x4f: {  	_ =	shalt  }
0x50: {  	_ =	shalt  }
0x51: {  	_ =	shalt  }
0x52: {  	_ =	shalt  }
0x53: {  	_ =	shalt  }
0x54: {  	_ =	shalt  }
0x55: {  	_ =	shalt  }
0x56: {  	_ =	shalt  }
0x57: {  	_ =	shalt  }
0x58: {  	_ =	shalt  }
0x59: {  	_ =	shalt  }
0x5a: {  	_ =	shalt  }
0x5b: {  	_ =	shalt  }
0x5c: {  	_ =	shalt  }
0x5d: {  	_ =	shalt  }
0x5e: {  	_ =	shalt  }
0x5f: {  	_ =	shalt  }
0x60: {  	_ =	shalt  }
0x61: {  	_ =	shalt  }
0x62: {  	_ =	shalt  }
0x63: {  	_ =	shalt  }
0x64: {  	_ =	shalt  }
0x65: {  	_ =	shalt  }
0x66: {  	_ =	shalt  }
0x67: {  	_ =	shalt  }
0x68: {  	_ =	shalt  }
0x69: {  	_ =	shalt  }
0x6a: {  	_ =	shalt  }
0x6b: {  	_ =	shalt  }
0x6c: {  	_ =	shalt  }
0x6d: {  	_ =	shalt  }
0x6e: {  	_ =	shalt  }
0x6f: {  	_ =	shalt  }
0x70: {  	_ =	shalt  }
0x71: {  	_ =	shalt  }
0x72: {  	_ =	shalt  }
0x73: {  	_ =	shalt  }
0x74: {  	_ =	shalt  }
0x75: {  	_ =	shalt  }
0x76: {  	_ =	shalt  }
0x77: {  	_ =	shalt  }
0x78: {  	_ =	shalt  }
0x79: {  	_ =	shalt  }
0x7a: {  	_ =	shalt  }
0x7b: {  	_ =	shalt  }
0x7c: {  	_ =	shalt  }
0x7d: {  	_ =	shalt  }
0x7e: {  	_ =	shalt  }
0x7f: {  	_ =	shalt  }
0x80: {  	_ =	shalt  }
0x81: {  	_ =	shalt  }
0x82: {  	_ =	shalt  }
0x83: {  	_ =	shalt  }
0x84: {  	_ =	shalt  }
0x85: {  	_ =	shalt  }
0x86: {  	_ =	shalt  }
0x87: {  	_ =	shalt  }
.Lfunc_end0:
.L_simem_size_0:
called_computation.3_lowered:
.L_overlay_start_0:
0x88: {  	s2 =	sld [smem:$0x3FD9]  }
0x89: {  	s3 =	sld [smem:$0x3FFE];
	_ =	sdelay $0x1  }
0x8a: {  	s1 =	srdreg.scid  }
0x8b: {  	s0 =	sand.u32 $0x1, s1  }
0x8c: {  	s16 =	sshll.u32 s0, $0xA;
	s2 =	sadd.s32 s3, s2  }
0x8d: {  	s2 =	sadd.s32 s2, s16  }
0x8e: {  	[smem:$0x3FB7] =	sst s2  }
0x8f: {  	_ = 	snop  }
0x90: {  	(tm) =	ssettm $0x1  }
0x91: {  	s17 =	sld [smem:$0x3FFB];
	_ =	sdelay $0x3  }
0x92: {  	_ =	strace s17  }
0x93: {  	s2 =	sld [smem:$0x3FFC];
	_ =	sdelay $0x3  }
0x94: {  	_ =	strace s2  }
0x95: {  	s2 =	sld [smem:$0x3FFD];
	_ =	sdelay $0x3  }
0x96: {  	_ =	strace s2  }
0x97: {  	_ =	strace $0x8FFFFFFF  }
0x98: {  	s18 =	sld [smem:$0x3FDB];
	_ =	sdelay $0x1  }
0x99: {  	s19 =	simm.s32 $_scs_section_size  }
0x9a: {  	s4 =	simm.s32 $_size__tile_overlayer_lowered;
	s5 =	simm.s32 $_tile_overlayer_lowered  }
0x9b: {  	s22 =	simm.s32 $0x1BFF;
	s21 =	sshll.u32 s5, $0x1;
	s2 =	sadd.s32 s19, s18  }
0x9c: {  	s6 =	simm.s32 $0x0;
	s20 =	sshll.u32 s4, $0x1;
	s4 =	sadd.s32 s21, s2  }
0x9d: {  	[timem:s6], [sflag:s22] =	dma.local [hbm:s4], s20  }
0x9e: {  	_ =	swait.ge [sflag:s22], s20  }
0x9f: {  	s3 =	ssub.s32 $0x0, s20;
	[sflag:s22] =	ssyncset.done $0x0  }
0xa0: {  	[sflag:s22] =	ssyncadd.s32 s3;
	_ =	sdelay $0x1  }
0xa1: {  	s23 =	simm.s32 $0x1B8B  }
0xa2: {  	_ =	swait.ge [sflag:s23], $0x1  }
0xa3: {  	[sflag:s23] =	ssyncset.done $0x0  }
0xa4: {  	s25 =	simm.s32 $0x1B8E;
	s24 =	sld [smem:$0x3FFE];
	[sflag:s23] =	ssyncadd.s32 $0xFFFFFFFF  }
0xa5: {  	s26 =	simm.s32 $execute0_lowered;
	[smem:$0x3FD2] =	sst s25  }
0xa6: {  	s4 =	sshll.u32 s26, $0x1;
	_ =	strace $0x8000004F;
	[dreg:$0x1] =	wrdreg $0xFFFFFFFF  }
0xa7: {  	s28 =	simm.s32 $_size_execute0_lowered;
	s2 =	sadd.s32 s2, s4;
	[dreg:$0x0] =	wrdreg $0x0  }
0xa8: {  	s4 =	sshll.u32 s28, $0x1;
	[dreg:$0x2] =	wrdreg s2  }
0xa9: {  	[dreg:$0x3] =	wrdreg s4  }
0xaa: {  	[dreg:$0x4] =	wrdreg $0xC0  }
0xab: {  	_ =	task [dreg:s6], $0x5FFFF  }
0xac: {  	[dreg:$0x1] =	wrdreg $0xFFFFFFFF  }
0xad: {  	[dreg:$0x0] =	wrdreg $0x60  }
0xae: {  	[dreg:$0x2] =	wrdreg s24  }
0xaf: {  	[dreg:$0x3] =	wrdreg $0x82000  }
0xb0: {  	[dreg:$0x4] =	wrdreg $0x9  }
0xb1: {  	_ =	task.clear_ibuf [dreg:s6], $0x5FFFF;
	_ =	strace $0x9000004F  }
0xb2: {  	s29 =	simm.s32 $0x9;
	_ =	strace $0x80000051  }
0xb3: {  	_ =	swait.ge [sflag:s29], $0x1  }
0xb4: {  	[sflag:s29] =	ssyncadd.s32 $0xFFFFFFFF  }
0xb5: {  	_ =	strace $0x90000051  }
0xb6: {  	_ =	sfence  }
0xb7: {  	s30 =	sld [smem:$0x0];
	_ =	sdelay $0x2  }
0xb8: {  	s31 =	sshll.u32 s1, $0xD;
	s1 =	sshrl.u32 s1, $0x2  }
0xb9: {  	s3 =	sand.u32 $0x4000, s31;
	s1 =	sadd.s32 s1, s30  }
0xba: {  	s0 =	sor.u32 s3, s0;
	s1 =	sshll.u32 s1, $0x11  }
0xbb: {  	s0 =	sor.u32 s1, s0  }
0xbc: {  	s0 =	sadd.s32 $0x8F2B, s0  }
0xbd: {  	[sflag:s0] =	ssyncadd.remote.s32 $0x1  }
0xbe: {  	_ =	sfence.sel $0xFFFF  }
0xbf: {  	[dreg:$0x0] =	wrdreg $0xFFFFFFFF;
	(pc) =	sbr.abs _section_cstart, $3  }
0xc0: {  	[dreg:$0x1] =	wrdreg $0xFFFFFFFF  }
0xc1: {  	_ =	task.clear_ibuf [dreg:s6], $0x2FFFF;
	_ =	strace $0x9FFFFFFF  }
0xc2: {  	(tm) =	ssettm $0x7FFFFFFF  }
0xc3: {  	_ =	shalt  }
tec
execute0_lowered:
.L_overlay_start_1:
0x0: {  	(tag) =	ssettag $0x1  }
0x1: {  	s5 =	rddreg [dreg:$0x0]  }
0x2: {  	s2 =	rddreg [dreg:$0x1]  }
0x3: {  	s0 =	rddreg [dreg:$0x2]  }
0x4: {  	s4 =	srdreg.scid;
	s1 =	stileid.u32  }
0x5: {  	s3 =	simm.s32 $0x0;
	s19 =	simm.s32 $0x80;
	s6 =	smul.u32 $0x14000, s1  }
0x6: {  	s20 =	simm.s32 $0x200;
	s21 =	simm.s32 $0x180;
	s8 =	smul.u32 $0x50000, s1  }
0x7: {  	s22 =	simm.s32 $0x1;
	s13 =	sand.u32 $0x1, s4;
	s17 =	smul.u32 $0x5000, s1  }
0x8: {  	[smem:$0x7FF] =	sst s3;
	s4 =	sadd.s32 $0x19800, s5;
	s31 =	smul.u32 $0xA00, s1  }
0x9: {  	s14 =	sadd.s32 $0x5800, s5;
	s29 =	sshll.u32 s1, $0x6;
	s7 =	smul.u32 $0x140000, s13  }
0xa: {  	_ =	strace $0x80000050;
	s9 =	sshll.u32 s13, $0x4;
	s15 =	smul.u32 $0x50000, s13  }
0xb: {  	s23 =	ssub.s32 $0x2, s13;
	s18 =	smul.u32 $0xA000, s13;
	s24 =	sor.u32 s1, s9  }
0xc: {  	s25 =	sshrl.u32 s23, $0x1;
	s8 =	sshrl.u32 s8, $0x2;
	s26 =	sshrl.u32 s6, $0x3  }
0xd: {  	s7 =	sadd.s32 s6, s7;
	s12 =	ssub.s32 s23, s25;
	s16 =	sadd.s32 s8, s2  }
0xe: {  	s15 =	sadd.s32 s17, s15;
	s18 =	sadd.s32 s18, s14;
	s23 =	simm.s32 $0x4200  }
0xf: {  	s25 =	simm.s32 $0x0;
	s7 =	sshrl.u32 s7, $0x3;
	s12 =	smax.u32 s12, $0x1  }
0x10: {  	s17 =	sor.u32 $0x280, s15;
	s15 =	sor.u32 $0x200, s15;
	s16 =	sshrl.u32 s16, $0x3  }
0x11: {  	s11 =	sadd.s32 s7, s5;
	s7 =	smul.u32 $0x5000, s24;
	s5 =	sadd.s32 s4, s26  }
0x12: {  	s30 =	sshrl.u32 s17, $0x3;
	s15 =	sshrl.u32 s15, $0x3;
	s17 =	simm.s32 $0x3  }
0x13: {  	s24 =	simm.s32 $0x2;
	s11 =	sadd.s32 $0x41800, s11;
	s28 =	sshrl.u32 s7, $0x3  }
0x14: {  	s13 =	sadd.s32 s30, s14;
	s7 =	sor.u32 $0x1C03, s29;
	s6 =	sadd.s32 s14, s28  }
0x15: {  	s14 =	sadd.s32 s15, s14;
	s15 =	sadd.s32 s31, s18;
	s18 =	simm.s32 $0x100  }
0x16: {  	s8 =	sadd.s32 $0x10, s6;
	s9 =	sadd.s32 $0x9E0, s6;
	s10 =	sadd.s32 $0x9F0, s6  }
.LBB2_1:
0x17: {  	[spmem:s16], [sflag:s7] =	dma.local [hbm:s5], $0x2800  }
0x18: {  	_ =	swait.ge [sflag:s17], $0x2800  }
0x19: {  	[sflag:s17] =	ssyncset.done $0x0  }
0x1a: {  	[sflag:s17] =	ssyncadd.s32 $0xFFFFD800  }
0x1b: {  	[bflag:$0x0] =	sbarrier.arrive $0xFFFF  }
0x1c: {  	[tilespmem:s3], [sflag:$0x3] =	stream.linear.gather [hbm4b:s6+s3], $0x80, $0x38;
	[tilespmem:$0x1C200] =	vst v63  }
0x1d: {  	_ =	swait.ge [sflag:s17], $0x80  }
0x1e: {  	[sflag:s17] =	ssyncset.done $0x0  }
0x1f: {  	[sflag:s17] =	ssyncadd.s32 $0xFFFFFF80  }
0x20: {  	[tilespmem:s18], [sflag:$0x3] =	stream.linear.gather [hbm4b:s8+s3], $0x80, $0x38;
	[tilespmem:$0x1C200] =	vst v63  }
0x21: {  	_ =	swait.ge [sflag:s17], $0x80  }
0x22: {  	[sflag:s17] =	ssyncset.done $0x0  }
0x23: {  	s26 =	sadd.s32 $0x0, s15;
	[sflag:s17] =	ssyncadd.s32 $0xFFFFFF80  }
0x24: {  	[tilespmem:s20], [sflag:$0x1] =	stream.indirect.gather [hbm4b:s4+s19], $0x80, s3, s19, $0xb8;
	[tilespmem:$0x1C200] =	vst v63  }
0x25: {  	s28 =	sadd.s32 $0x20, s26  }
0x26: {  	[tilespmem:s19], [sflag:$0x3] =	stream.linear.gather [hbm4b:s28+s3], $0x80, $0x38;
	[tilespmem:$0x1C200] =	vst v63  }
0x27: {  	_ =	swait.ge [sflag:s17], $0x80  }
0x28: {  	[sflag:s17] =	ssyncset.done $0x0  }
0x29: {  	s26 =	sadd.s32 $0x30, s26;
	[sflag:s17] =	ssyncadd.s32 $0xFFFFFF80  }
0x2a: {  	[tilespmem:s21], [sflag:$0x3] =	stream.linear.gather [hbm4b:s26+s3], $0x80, $0x38;
	[tilespmem:$0x1C200] =	vst v63  }
0x2b: {  	_ =	swait.ge [sflag:s17], $0x80  }
0x2c: {  	[sflag:s17] =	ssyncset.done $0x0  }
0x2d: {  	[sflag:s17] =	ssyncadd.s32 $0xFFFFFF80  }
0x2e: {  	_ =	swait.ge [sflag:s22], $0x4000  }
0x2f: {  	[sflag:s22] =	ssyncset.done $0x0  }
0x30: {  	[sflag:s22] =	ssyncadd.s32 $0xFFFFC000  }
0x31: {  	[tilespmem:s23], [sflag:$0x2] =	stream.indirect.gather [hbm4b:s4+s19], $0x80, s19, s19, $0xb8;
	[tilespmem:$0x1C200] =	vst v63  }
0x32: {  	_ = 	snop  }
0x33: {  	[spmem:s2] =	stream.indirect.scatter.add.f32 [tilespmem:s20], [sflag:$0x3], $0x80, s18, s19, $0xb8;
	[tilespmem:$0x1C200] =	vst v63  }
0x34: {  	_ =	swait.ge [sflag:s17], $0x4000  }
0x35: {  	[sflag:s17] =	ssyncset.done $0x0  }
0x36: {  	s30 =	sadd.s32 $0x0, s14;
	[sflag:s17] =	ssyncadd.s32 $0xFFFFC000  }
0x37: {  	[tilespmem:s3], [sflag:$0x3] =	stream.linear.gather [hbm4b:s30+s3], $0x80, $0x38;
	[tilespmem:$0x1C200] =	vst v63  }
0x38: {  	_ =	swait.ge [sflag:s17], $0x80  }
0x39: {  	[sflag:s17] =	ssyncset.done $0x0  }
0x3a: {  	s31 =	sadd.s32 $0x0, s13;
	[sflag:s17] =	ssyncadd.s32 $0xFFFFFF80  }
0x3b: {  	[tilespmem:s18], [sflag:$0x3] =	stream.linear.gather [hbm4b:s31+s3], $0x80, $0x38;
	[tilespmem:$0x1C200] =	vst v63  }
0x3c: {  	_ =	swait.ge [sflag:s17], $0x80  }
0x3d: {  	[sflag:s17] =	ssyncset.done $0x0  }
0x3e: {  	[sflag:s17] =	ssyncadd.s32 $0xFFFFFF80  }
0x3f: {  	_ =	swait.ge [sflag:s24], $0x4000  }
0x40: {  	[sflag:s24] =	ssyncset.done $0x0  }
0x41: {  	[sflag:s24] =	ssyncadd.s32 $0xFFFFC000  }
0x42: {  	[tilespmem:s20], [sflag:$0x1] =	stream.indirect.gather [hbm4b:s4+s19], $0x80, s3, s19, $0xb8;
	[tilespmem:$0x1C200] =	vst v63  }
0x43: {  	_ = 	snop  }
0x44: {  	[spmem:s2] =	stream.indirect.scatter.add.f32 [tilespmem:s23], [sflag:$0x3], $0x80, s21, s19, $0xb8;
	[tilespmem:$0x1C200] =	vst v63  }
0x45: {  	_ =	swait.ge [sflag:s17], $0x4000  }
0x46: {  	s29 =	simm.s32 $0x80;
	s26 =	simm.s32 $0x40;
	[sflag:s17] =	ssyncset.done $0x0  }
.LBB2_2:
0x47: {  	s30 =	sadd.s32 s26, s15  }
0x48: {  	[sflag:s17] =	ssyncadd.s32 $0xFFFFC000;
	s31 =	smov.u32 s29;
	s28 =	sadd.s32 $0x40, s29  }
0x49: {  	p0 =	sne.s32 s29, $0x980;
	s29 =	sadd.s32 $0x20, s30  }
0x4a: {  	[tilespmem:s19], [sflag:$0x3] =	stream.linear.gather [hbm4b:s29+s3], $0x80, $0x38;
	[tilespmem:$0x1C200] =	vst v63  }
0x4b: {  	_ =	swait.ge [sflag:s17], $0x80  }
0x4c: {  	[sflag:s17] =	ssyncset.done $0x0  }
0x4d: {  	s29 =	sadd.s32 $0x30, s30;
	[sflag:s17] =	ssyncadd.s32 $0xFFFFFF80  }
0x4e: {  	[tilespmem:s21], [sflag:$0x3] =	stream.linear.gather [hbm4b:s29+s3], $0x80, $0x38;
	[tilespmem:$0x1C200] =	vst v63  }
0x4f: {  	_ =	swait.ge [sflag:s17], $0x80  }
0x50: {  	[sflag:s17] =	ssyncset.done $0x0  }
0x51: {  	[sflag:s17] =	ssyncadd.s32 $0xFFFFFF80  }
0x52: {  	_ =	swait.ge [sflag:s22], $0x4000  }
0x53: {  	[sflag:s22] =	ssyncset.done $0x0  }
0x54: {  	[sflag:s22] =	ssyncadd.s32 $0xFFFFC000  }
0x55: {  	[tilespmem:s23], [sflag:$0x2] =	stream.indirect.gather [hbm4b:s4+s19], $0x80, s19, s19, $0xb8;
	[tilespmem:$0x1C200] =	vst v63  }
0x56: {  	_ = 	snop  }
0x57: {  	[spmem:s2] =	stream.indirect.scatter.add.f32 [tilespmem:s20], [sflag:$0x3], $0x80, s18, s19, $0xb8;
	[tilespmem:$0x1C200] =	vst v63  }
0x58: {  	_ =	swait.ge [sflag:s17], $0x4000  }
0x59: {  	[sflag:s17] =	ssyncset.done $0x0  }
0x5a: {  	s29 =	sadd.s32 s26, s14;
	[sflag:s17] =	ssyncadd.s32 $0xFFFFC000  }
0x5b: {  	[tilespmem:s3], [sflag:$0x3] =	stream.linear.gather [hbm4b:s29+s3], $0x80, $0x38;
	[tilespmem:$0x1C200] =	vst v63  }
0x5c: {  	_ =	swait.ge [sflag:s17], $0x80  }
0x5d: {  	[sflag:s17] =	ssyncset.done $0x0  }
0x5e: {  	s29 =	sadd.s32 s26, s13;
	s26 =	smov.u32 s31;
	[sflag:s17] =	ssyncadd.s32 $0xFFFFFF80  }
0x5f: {  	[tilespmem:s18], [sflag:$0x3] =	stream.linear.gather [hbm4b:s29+s3], $0x80, $0x38;
	[tilespmem:$0x1C200] =	vst v63  }
0x60: {  	_ =	swait.ge [sflag:s17], $0x80  }
0x61: {  	[sflag:s17] =	ssyncset.done $0x0  }
0x62: {  	[sflag:s17] =	ssyncadd.s32 $0xFFFFFF80  }
0x63: {  	_ =	swait.ge [sflag:s24], $0x4000  }
0x64: {  	[sflag:s24] =	ssyncset.done $0x0  }
0x65: {  	[sflag:s24] =	ssyncadd.s32 $0xFFFFC000  }
0x66: {  	[tilespmem:s20], [sflag:$0x1] =	stream.indirect.gather [hbm4b:s4+s19], $0x80, s3, s19, $0xb8;
	[tilespmem:$0x1C200] =	vst v63  }
.Ltmp0:
0x67: {  	_ = 	snop;
	(pc) =	sbr.rel @p0 .LBB2_2-.Ltmp0, $4  }
0x68: {  	_ = 	snop  }
0x69: {  	[spmem:s2] =	stream.indirect.scatter.add.f32 [tilespmem:s23], [sflag:$0x3], $0x80, s21, s19, $0xb8;
	[tilespmem:$0x1C200] =	vst v63  }
0x6a: {  	_ =	swait.ge [sflag:s17], $0x4000  }
0x6b: {  	s29 =	smov.u32 s28;
	[sflag:s17] =	ssyncset.done $0x0  }
0x6c: {  	s28 =	sadd.s32 s26, s15  }
0x6d: {  	[sflag:s17] =	ssyncadd.s32 $0xFFFFC000;
	s29 =	sadd.s32 $0x20, s28  }
0x6e: {  	[tilespmem:s19], [sflag:$0x3] =	stream.linear.gather [hbm4b:s29+s3], $0x80, $0x38;
	[tilespmem:$0x1C200] =	vst v63  }
0x6f: {  	_ =	swait.ge [sflag:s17], $0x80  }
0x70: {  	[sflag:s17] =	ssyncset.done $0x0  }
0x71: {  	s28 =	sadd.s32 $0x30, s28;
	[sflag:s17] =	ssyncadd.s32 $0xFFFFFF80  }
0x72: {  	[tilespmem:s21], [sflag:$0x3] =	stream.linear.gather [hbm4b:s28+s3], $0x80, $0x38;
	[tilespmem:$0x1C200] =	vst v63  }
0x73: {  	_ =	swait.ge [sflag:s17], $0x80  }
0x74: {  	[sflag:s17] =	ssyncset.done $0x0  }
0x75: {  	[sflag:s17] =	ssyncadd.s32 $0xFFFFFF80  }
0x76: {  	_ =	swait.ge [sflag:s22], $0x4000  }
0x77: {  	[sflag:s22] =	ssyncset.done $0x0  }
0x78: {  	[sflag:s22] =	ssyncadd.s32 $0xFFFFC000  }
0x79: {  	[tilespmem:s23], [sflag:$0x2] =	stream.indirect.gather [hbm4b:s4+s19], $0x80, s19, s19, $0xb8;
	[tilespmem:$0x1C200] =	vst v63  }
0x7a: {  	_ = 	snop  }
0x7b: {  	[spmem:s2] =	stream.indirect.scatter.add.f32 [tilespmem:s20], [sflag:$0x3], $0x80, s18, s19, $0xb8;
	[tilespmem:$0x1C200] =	vst v63  }
0x7c: {  	_ =	swait.ge [sflag:s17], $0x4000  }
0x7d: {  	[sflag:s17] =	ssyncset.done $0x0  }
0x7e: {  	s30 =	sadd.s32 s26, s14;
	[sflag:s17] =	ssyncadd.s32 $0xFFFFC000  }
0x7f: {  	[tilespmem:s3], [sflag:$0x3] =	stream.linear.gather [hbm4b:s30+s3], $0x80, $0x38;
	[tilespmem:$0x1C200] =	vst v63  }
0x80: {  	_ =	swait.ge [sflag:s17], $0x80  }
0x81: {  	[sflag:s17] =	ssyncset.done $0x0  }
0x82: {  	s31 =	sadd.s32 s26, s13;
	[sflag:s17] =	ssyncadd.s32 $0xFFFFFF80  }
0x83: {  	[tilespmem:s18], [sflag:$0x3] =	stream.linear.gather [hbm4b:s31+s3], $0x80, $0x38;
	[tilespmem:$0x1C200] =	vst v63  }
0x84: {  	_ =	swait.ge [sflag:s17], $0x80  }
0x85: {  	[sflag:s17] =	ssyncset.done $0x0  }
0x86: {  	[sflag:s17] =	ssyncadd.s32 $0xFFFFFF80  }
0x87: {  	_ =	swait.ge [sflag:s24], $0x4000  }
0x88: {  	[sflag:s24] =	ssyncset.done $0x0  }
0x89: {  	[sflag:s24] =	ssyncadd.s32 $0xFFFFC000  }
0x8a: {  	[tilespmem:s20], [sflag:$0x1] =	stream.indirect.gather [hbm4b:s4+s19], $0x80, s3, s19, $0xb8;
	[tilespmem:$0x1C200] =	vst v63  }
0x8b: {  	_ = 	snop  }
0x8c: {  	[spmem:s2] =	stream.indirect.scatter.add.f32 [tilespmem:s23], [sflag:$0x3], $0x80, s21, s19, $0xb8;
	[tilespmem:$0x1C200] =	vst v63  }
0x8d: {  	_ =	swait.ge [sflag:s17], $0x4000  }
0x8e: {  	[sflag:s17] =	ssyncset.done $0x0  }
0x8f: {  	[sflag:s17] =	ssyncadd.s32 $0xFFFFC000  }
0x90: {  	[tilespmem:s19], [sflag:$0x3] =	stream.linear.gather [hbm4b:s9+s3], $0x80, $0x38;
	[tilespmem:$0x1C200] =	vst v63  }
0x91: {  	_ =	swait.ge [sflag:s17], $0x80  }
0x92: {  	[sflag:s17] =	ssyncset.done $0x0  }
0x93: {  	[sflag:s17] =	ssyncadd.s32 $0xFFFFFF80  }
0x94: {  	[tilespmem:s21], [sflag:$0x3] =	stream.linear.gather [hbm4b:s10+s3], $0x80, $0x38;
	[tilespmem:$0x1C200] =	vst v63  }
0x95: {  	_ =	swait.ge [sflag:s17], $0x80  }
0x96: {  	[sflag:s17] =	ssyncset.done $0x0  }
0x97: {  	[sflag:s17] =	ssyncadd.s32 $0xFFFFFF80  }
0x98: {  	_ =	swait.ge [sflag:s22], $0x4000  }
0x99: {  	[sflag:s22] =	ssyncset.done $0x0  }
0x9a: {  	[sflag:s22] =	ssyncadd.s32 $0xFFFFC000  }
0x9b: {  	[tilespmem:s23], [sflag:$0x2] =	stream.indirect.gather [hbm4b:s4+s19], $0x80, s19, s19, $0xb8;
	[tilespmem:$0x1C200] =	vst v63  }
0x9c: {  	_ = 	snop  }
0x9d: {  	[spmem:s2] =	stream.indirect.scatter.add.f32 [tilespmem:s20], [sflag:$0x3], $0x80, s18, s19, $0xb8;
	[tilespmem:$0x1C200] =	vst v63  }
0x9e: {  	_ =	swait.ge [sflag:s17], $0x4000  }
0x9f: {  	[sflag:s17] =	ssyncset.done $0x0  }
0xa0: {  	[sflag:s17] =	ssyncadd.s32 $0xFFFFC000  }
0xa1: {  	_ =	swait.ge [sflag:s24], $0x4000  }
0xa2: {  	[sflag:s24] =	ssyncset.done $0x0  }
0xa3: {  	[sflag:s24] =	ssyncadd.s32 $0xFFFFC000  }
0xa4: {  	[spmem:s2] =	stream.indirect.scatter.add.f32 [tilespmem:s23], [sflag:$0x3], $0x80, s21, s19, $0xb8;
	[tilespmem:$0x1C200] =	vst v63  }
0xa5: {  	_ =	swait.ge [sflag:s17], $0x4000  }
0xa6: {  	s25 =	sadd.s32 $0x1, s25;
	[sflag:s17] =	ssyncset.done $0x0  }
0xa7: {  	p0 =	sne.s32 s25, s12;
	[sflag:s17] =	ssyncadd.s32 $0xFFFFC000  }
.Ltmp1:
0xa8: {  	[bflag:$0x0] =	sbarrier.arrive $0xFFFF;
	(pc) =	sbr.rel @p0 .LBB2_1-.Ltmp1, $4  }
0xa9: {  	[hbm:s11], [sflag:s7] =	dma.local [spmem:s16], $0x2800  }
0xaa: {  	_ =	swait.ge [sflag:s17], $0x2800  }
0xab: {  	[sflag:s17] =	ssyncset.done $0x0  }
0xac: {  	[sflag:s17] =	ssyncadd.s32 $0xFFFFD800  }
0xad: {  	_ =	sfence.sel $0x180000  }
0xae: {  	[bflag:$0x0] =	sbarrier.arrive $0xFFFF  }
0xaf: {  	p0 =	sne.s32 s1, $0x0;
	_ =	strace $0x90000050  }
0xb0: {  	s0 =	sadd.s32 @!p0 $0x100000, s0;
	[bflag:$0x2] =	sbarrier.arrive $0xFFFF  }
0xb1: {  	[sflag:s0] =	ssyncadd.tile.s32 @!p0 $0x1;
	_ =	shalt  }
.Lfunc_end2:
_tile_overlayer_lowered:
.L_overlay_start_2:
0xb2: {  	(tag) =	ssettag $0x2  }
0xb3: {  	s0 =	rddreg [dreg:$0x0];
	s2 =	stileid.u32  }
0xb4: {  	s1 =	rddreg [dreg:$0x1];
	p0 =	sne.s32 s2, $0x0  }
0xb5: {  	s3 =	rddreg [dreg:$0x2];
	[bflag:$0x3] =	sbarrier.arrive $0xFFFF;
	s2 =	simm.s32 @!p0 $0x1C03  }
0xb6: {  	[timem:s3], [sflag:s2] =	dma.local @!p0 [hbm:s0], s1  }
0xb7: {  	s0 =	simm.s32 @!p0 $0x3  }
0xb8: {  	_ =	swait.ge @!p0 [sflag:s0], s1  }
0xb9: {  	s1 =	ssub.s32 @!p0 $0x0, s1;
	[sflag:s0] =	ssyncset.done @!p0 $0x0  }
0xba: {  	[sflag:s0] =	ssyncadd.s32 @!p0 s1  }
0xbb: {  	[bflag:$0x3] =	sbarrier.arrive $0xFFFF  }
0xbc: {  	_ =	shalt  }

// kernel: kernel.29.cloned.1.call-start
scs
__scs_entry_jumppad:
0x0: {  	(pc) =	sbr.rel $0x88, $3  }
0x1: {  	(tag) =	ssettag $0x0;
	lr =	simm.s32 $0x1  }
0x2: {  	[smem:$0x3F90] =	sst lr;
	_ =	strace $0xD0000000  }
0x3: {  	_ = 	snop  }
0x4: {  	_ = 	snop  }
0x5: {  	_ = 	snop  }
0x6: {  	_ = 	snop  }
0x7: {  	_ = 	snop  }
__scs_overlays_trampoline_lowered:
0x8: {  	[smem:$0x3F9F] =	sst s0  }
0x9: {  	[smem:$0x3FA0] =	sst s1  }
0xa: {  	[smem:$0x3FA1] =	sst s2  }
0xb: {  	[smem:$0x3FA2] =	sst s3  }
0xc: {  	[smem:$0x3FA3] =	sst s4  }
0xd: {  	[smem:$0x3FA4] =	sst s5  }
0xe: {  	[smem:$0x3FA5] =	sst s6  }
0xf: {  	[smem:$0x3FA6] =	sst s7  }
0x10: {  	[smem:$0x3FA7] =	sst s8  }
0x11: {  	[smem:$0x3FA8] =	sst s9;
	s0 =	simm.s32 @!p0 $0x0  }
0x12: {  	s1 =	sld [smem:$0x3F8E];
	s0 =	simm.s32 @p0 $0x1  }
0x13: {  	[smem:$0x3FA9] =	sst s0;
	s0 =	simm.s32 @!p1 $0x0  }
0x14: {  	s2 =	sld [smem:$0x3F8D];
	s0 =	simm.s32 @p1 $0x1  }
0x15: {  	[smem:$0x3FAA] =	sst s0;
	s0 =	simm.s32 @!p2 $0x0  }
0x16: {  	s3 =	sld [smem:$0x3FDB];
	s0 =	simm.s32 @p2 $0x1  }
0x17: {  	s4 =	simm.s32 $0x1BF5;
	[smem:$0x3FAC] =	sst s0  }
0x18: {  	s0 =	sld [smem:$0x3F8F];
	_ =	swait.ge [sflag:s4], $0x0  }
0x19: {  	s7 =	sld [smem:$0x3F90]  }
0x1a: {  	s8 =	sadd.s32 $0xFFFFE003, lr  }
0x1b: {  	s9 =	sadd.s32 $0xFFFFFEF7, lr;
	s5 =	simm.s32 $0xFFFFFFFF;
	p2 =	slt.u32 s8, $0xFFFFF086  }
0x1c: {  	p1 =	slt.u32 s9, $0xF7A;
	s5 =	simm.s32 @!p2 $0x0  }
0x1d: {  	s5 =	simm.s32 @p1 $0x1;
	p0 =	seq.s32 s7, s2  }
0x1e: {  	s7 =	smul.u32 @!p0 $0xF7A, s2;
	p2 =	seq.s32 @!p0 s5, $0x0  }
0x1f: {  	s9 =	smul.u32 $0xF7A, s1;
	s8 =	simm.s32 @!p0 $0x1BF5;
	p2 =	por !p2, p0  }
0x20: {  	[sflag:s8] =	ssyncset.s32 @!p0 $0xFFFFF086;
	s6 =	sadd.s32 @!p0 s3, s7;
	s7 =	simm.s32 @!p0 $0x108  }
0x21: {  	s3 =	sadd.s32 s3, s9;
	s6 =	sadd.s32 @!p0 $0x88, s6;
	s7 =	simm.s32 @p2 $0x1082  }
0x22: {  	[simem:s7], [sflag:s8] =	dma.local @!p0 [hbm:s6], $0xF7A  }
0x23: {  	s9 =	sor.u32 $0xD0000000, s2;
	s6 =	simm.s32 $0x108;
	_ =	swait.ge @!p0 [sflag:s8], $0x0  }
0x24: {  	s3 =	sadd.s32 $0x88, s3;
	s6 =	simm.s32 @!p1 $0x1082;
	[sflag:s4] =	ssyncset.s32 $0xFFFFF086  }
0x25: {  	[simem:s6], [sflag:s4] =	dma.local [hbm:s3], $0xF7A  }
0x26: {  	[smem:$0x3F90] =	sst s1;
	(tag) =	ssettag s2;
	_ =	strace s9  }
0x27: {  	s1 =	sld [smem:$0x3FA0]  }
0x28: {  	s2 =	sld [smem:$0x3FA1]  }
0x29: {  	s4 =	sld [smem:$0x3FA3]  }
0x2a: {  	p0 =	seq.s32 s5, $0x0;
	s5 =	sld [smem:$0x3FA4]  }
0x2b: {  	s6 =	sld [smem:$0x3FA5]  }
0x2c: {  	s7 =	sld [smem:$0x3FA6]  }
0x2d: {  	s3 =	simm.s32 $0x108;
	s8 =	sld [smem:$0x3FA7]  }
0x2e: {  	s3 =	simm.s32 @!p0 $0x1082;
	s9 =	sld [smem:$0x3FA8]  }
0x2f: {  	lr =	sadd.s32 s0, s3;
	s0 =	sld [smem:$0x3F9F]  }
0x30: {  	s3 =	sld [smem:$0x3FA2]  }
0x31: {  	[smem:$0x3FAB] =	sst s10  }
0x32: {  	s10 =	sld [smem:$0x3FA9];
	_ =	sdelay $0x3  }
0x33: {  	p0 =	seq.s32 s10, $0x1;
	s10 =	sld [smem:$0x3FAB];
	_ =	sdelay $0x3  }
0x34: {  	[smem:$0x3FAB] =	sst s10  }
0x35: {  	s10 =	sld [smem:$0x3FAA];
	_ =	sdelay $0x3  }
0x36: {  	p1 =	seq.s32 s10, $0x1;
	s10 =	sld [smem:$0x3FAB];
	_ =	sdelay $0x3  }
0x37: {  	[smem:$0x3FAB] =	sst s10  }
0x38: {  	s10 =	sld [smem:$0x3FAC]  }
0x39: {  	_ = 	snop;
	(pc) =	sbr.ind lr, $3  }
0x3a: {  	_ = 	snop  }
0x3b: {  	_ = 	snop  }
0x3c: {  	p2 =	seq.s32 s10, $0x1;
	s10 =	sld [smem:$0x3FAB]  }
0x3d: {  	_ =	shalt  }
0x3e: {  	_ =	shalt  }
0x3f: {  	_ =	shalt  }
0x40: {  	_ =	shalt  }
0x41: {  	_ =	shalt  }
0x42: {  	_ =	shalt  }
0x43: {  	_ =	shalt  }
0x44: {  	_ =	shalt  }
0x45: {  	_ =	shalt  }
0x46: {  	_ =	shalt  }
0x47: {  	_ =	shalt  }
0x48: {  	_ =	shalt  }
0x49: {  	_ =	shalt  }
0x4a: {  	_ =	shalt  }
0x4b: {  	_ =	shalt  }
0x4c: {  	_ =	shalt  }
0x4d: {  	_ =	shalt  }
0x4e: {  	_ =	shalt  }
0x4f: {  	_ =	shalt  }
0x50: {  	_ =	shalt  }
0x51: {  	_ =	shalt  }
0x52: {  	_ =	shalt  }
0x53: {  	_ =	shalt  }
0x54: {  	_ =	shalt  }
0x55: {  	_ =	shalt  }
0x56: {  	_ =	shalt  }
0x57: {  	_ =	shalt  }
0x58: {  	_ =	shalt  }
0x59: {  	_ =	shalt  }
0x5a: {  	_ =	shalt  }
0x5b: {  	_ =	shalt  }
0x5c: {  	_ =	shalt  }
0x5d: {  	_ =	shalt  }
0x5e: {  	_ =	shalt  }
0x5f: {  	_ =	shalt  }
0x60: {  	_ =	shalt  }
0x61: {  	_ =	shalt  }
0x62: {  	_ =	shalt  }
0x63: {  	_ =	shalt  }
0x64: {  	_ =	shalt  }
0x65: {  	_ =	shalt  }
0x66: {  	_ =	shalt  }
0x67: {  	_ =	shalt  }
0x68: {  	_ =	shalt  }
0x69: {  	_ =	shalt  }
0x6a: {  	_ =	shalt  }
0x6b: {  	_ =	shalt  }
0x6c: {  	_ =	shalt  }
0x6d: {  	_ =	shalt  }
0x6e: {  	_ =	shalt  }
0x6f: {  	_ =	shalt  }
0x70: {  	_ =	shalt  }
0x71: {  	_ =	shalt  }
0x72: {  	_ =	shalt  }
0x73: {  	_ =	shalt  }
0x74: {  	_ =	shalt  }
0x75: {  	_ =	shalt  }
0x76: {  	_ =	shalt  }
0x77: {  	_ =	shalt  }
0x78: {  	_ =	shalt  }
0x79: {  	_ =	shalt  }
0x7a: {  	_ =	shalt  }
0x7b: {  	_ =	shalt  }
0x7c: {  	_ =	shalt  }
0x7d: {  	_ =	shalt  }
0x7e: {  	_ =	shalt  }
0x7f: {  	_ =	shalt  }
0x80: {  	_ =	shalt  }
0x81: {  	_ =	shalt  }
0x82: {  	_ =	shalt  }
0x83: {  	_ =	shalt  }
0x84: {  	_ =	shalt  }
0x85: {  	_ =	shalt  }
0x86: {  	_ =	shalt  }
0x87: {  	_ =	shalt  }
.Lfunc_end0:
.L_simem_size_0:
called_computation.4_lowered:
.L_overlay_start_0:
0x88: {  	s2 =	sld [smem:$0x3FD9]  }
0x89: {  	s3 =	sld [smem:$0x3FFE];
	_ =	sdelay $0x1  }
0x8a: {  	s1 =	srdreg.scid  }
0x8b: {  	s0 =	sand.u32 $0x1, s1  }
0x8c: {  	s16 =	sshll.u32 s0, $0xA;
	s2 =	sadd.s32 s3, s2  }
0x8d: {  	s2 =	sadd.s32 s2, s16  }
0x8e: {  	[smem:$0x3FB7] =	sst s2  }
0x8f: {  	_ = 	snop  }
0x90: {  	(tm) =	ssettm $0x1  }
0x91: {  	s17 =	sld [smem:$0x3FFB];
	_ =	sdelay $0x3  }
0x92: {  	_ =	strace s17  }
0x93: {  	s2 =	sld [smem:$0x3FFC];
	_ =	sdelay $0x3  }
0x94: {  	_ =	strace s2  }
0x95: {  	s2 =	sld [smem:$0x3FFD];
	_ =	sdelay $0x3  }
0x96: {  	_ =	strace s2  }
0x97: {  	_ =	strace $0x8FFFFFFF  }
0x98: {  	s18 =	sld [smem:$0x3FDB];
	_ =	sdelay $0x1  }
0x99: {  	s19 =	simm.s32 $_scs_section_size  }
0x9a: {  	s4 =	simm.s32 $_size__tile_overlayer_lowered;
	s5 =	simm.s32 $_tile_overlayer_lowered  }
0x9b: {  	s22 =	simm.s32 $0x1BFF;
	s21 =	sshll.u32 s5, $0x1;
	s2 =	sadd.s32 s19, s18  }
0x9c: {  	s6 =	simm.s32 $0x0;
	s20 =	sshll.u32 s4, $0x1;
	s4 =	sadd.s32 s21, s2  }
0x9d: {  	[timem:s6], [sflag:s22] =	dma.local [hbm:s4], s20  }
0x9e: {  	_ =	swait.ge [sflag:s22], s20  }
0x9f: {  	s3 =	ssub.s32 $0x0, s20;
	[sflag:s22] =	ssyncset.done $0x0  }
0xa0: {  	[sflag:s22] =	ssyncadd.s32 s3;
	_ =	sdelay $0x1  }
0xa1: {  	s23 =	simm.s32 $0x1B8B  }
0xa2: {  	_ =	swait.ge [sflag:s23], $0x1  }
0xa3: {  	[sflag:s23] =	ssyncset.done $0x0  }
0xa4: {  	s25 =	simm.s32 $0x1B8E;
	s24 =	sld [smem:$0x3FFE];
	[sflag:s23] =	ssyncadd.s32 $0xFFFFFFFF  }
0xa5: {  	s26 =	simm.s32 $execute0_lowered;
	[smem:$0x3FD2] =	sst s25  }
0xa6: {  	s4 =	sshll.u32 s26, $0x1;
	_ =	strace $0x80000052;
	[dreg:$0x1] =	wrdreg $0xFFFFFFFF  }
0xa7: {  	s28 =	simm.s32 $_size_execute0_lowered;
	s2 =	sadd.s32 s2, s4;
	[dreg:$0x0] =	wrdreg $0x0  }
0xa8: {  	s4 =	sshll.u32 s28, $0x1;
	[dreg:$0x2] =	wrdreg s2  }
0xa9: {  	[dreg:$0x3] =	wrdreg s4  }
0xaa: {  	[dreg:$0x4] =	wrdreg $0xC0  }
0xab: {  	_ =	task [dreg:s6], $0x5FFFF  }
0xac: {  	[dreg:$0x1] =	wrdreg $0xFFFFFFFF  }
0xad: {  	[dreg:$0x0] =	wrdreg $0x60  }
0xae: {  	[dreg:$0x2] =	wrdreg s24  }
0xaf: {  	[dreg:$0x3] =	wrdreg $0x82000  }
0xb0: {  	[dreg:$0x4] =	wrdreg $0x9  }
0xb1: {  	_ =	task.clear_ibuf [dreg:s6], $0x5FFFF;
	_ =	strace $0x90000052  }
0xb2: {  	s29 =	simm.s32 $0x9;
	_ =	strace $0x80000054  }
0xb3: {  	_ =	swait.ge [sflag:s29], $0x1  }
0xb4: {  	[sflag:s29] =	ssyncadd.s32 $0xFFFFFFFF  }
0xb5: {  	_ =	strace $0x90000054  }
0xb6: {  	_ =	sfence  }
0xb7: {  	s30 =	sld [smem:$0x0];
	_ =	sdelay $0x2  }
0xb8: {  	s31 =	sshll.u32 s1, $0xD;
	s1 =	sshrl.u32 s1, $0x2  }
0xb9: {  	s3 =	sand.u32 $0x4000, s31;
	s1 =	sadd.s32 s1, s30  }
0xba: {  	s0 =	sor.u32 s3, s0;
	s1 =	sshll.u32 s1, $0x11  }
0xbb: {  	s0 =	sor.u32 s1, s0  }
0xbc: {  	s0 =	sadd.s32 $0x8F2B, s0  }
0xbd: {  	[sflag:s0] =	ssyncadd.remote.s32 $0x1  }
0xbe: {  	_ =	sfence.sel $0xFFFF  }
0xbf: {  	[dreg:$0x0] =	wrdreg $0xFFFFFFFF;
	(pc) =	sbr.abs _section_cstart, $3  }
0xc0: {  	[dreg:$0x1] =	wrdreg $0xFFFFFFFF  }
0xc1: {  	_ =	task.clear_ibuf [dreg:s6], $0x2FFFF;
	_ =	strace $0x9FFFFFFF  }
0xc2: {  	(tm) =	ssettm $0x7FFFFFFF  }
0xc3: {  	_ =	shalt  }
tec
execute0_lowered:
.L_overlay_start_1:
0x0: {  	(tag) =	ssettag $0x1  }
0x1: {  	s5 =	rddreg [dreg:$0x0]  }
0x2: {  	s2 =	rddreg [dreg:$0x1]  }
0x3: {  	s0 =	rddreg [dreg:$0x2]  }
0x4: {  	s4 =	srdreg.scid;
	s1 =	stileid.u32  }
0x5: {  	s3 =	simm.s32 $0x0;
	s19 =	simm.s32 $0x80;
	s6 =	smul.u32 $0x14000, s1  }
0x6: {  	s20 =	simm.s32 $0x200;
	s21 =	simm.s32 $0x180;
	s8 =	smul.u32 $0x50000, s1  }
0x7: {  	s22 =	simm.s32 $0x1;
	s13 =	sand.u32 $0x1, s4;
	s17 =	smul.u32 $0x5000, s1  }
0x8: {  	[smem:$0x7FF] =	sst s3;
	s4 =	sadd.s32 $0x19800, s5;
	s31 =	smul.u32 $0xA00, s1  }
0x9: {  	s14 =	sadd.s32 $0x5800, s5;
	s29 =	sshll.u32 s1, $0x6;
	s7 =	smul.u32 $0x140000, s13  }
0xa: {  	_ =	strace $0x80000053;
	s9 =	sshll.u32 s13, $0x4;
	s15 =	smul.u32 $0x50000, s13  }
0xb: {  	s23 =	ssub.s32 $0x2, s13;
	s18 =	smul.u32 $0xA000, s13;
	s24 =	sor.u32 s1, s9  }
0xc: {  	s25 =	sshrl.u32 s23, $0x1;
	s8 =	sshrl.u32 s8, $0x2;
	s26 =	sshrl.u32 s6, $0x3  }
0xd: {  	s7 =	sadd.s32 s6, s7;
	s12 =	ssub.s32 s23, s25;
	s16 =	sadd.s32 s8, s2  }
0xe: {  	s15 =	sadd.s32 s17, s15;
	s18 =	sadd.s32 s18, s14;
	s23 =	simm.s32 $0x4200  }
0xf: {  	s25 =	simm.s32 $0x0;
	s7 =	sshrl.u32 s7, $0x3;
	s12 =	smax.u32 s12, $0x1  }
0x10: {  	s17 =	sor.u32 $0x280, s15;
	s15 =	sor.u32 $0x200, s15;
	s16 =	sshrl.u32 s16, $0x3  }
0x11: {  	s11 =	sadd.s32 s7, s5;
	s7 =	smul.u32 $0x5000, s24;
	s5 =	sadd.s32 s4, s26  }
0x12: {  	s30 =	sshrl.u32 s17, $0x3;
	s15 =	sshrl.u32 s15, $0x3;
	s17 =	simm.s32 $0x3  }
0x13: {  	s24 =	simm.s32 $0x2;
	s11 =	sadd.s32 $0x41800, s11;
	s28 =	sshrl.u32 s7, $0x3  }
0x14: {  	s13 =	sadd.s32 s30, s14;
	s7 =	sor.u32 $0x1C03, s29;
	s6 =	sadd.s32 s14, s28  }
0x15: {  	s14 =	sadd.s32 s15, s14;
	s15 =	sadd.s32 s31, s18;
	s18 =	simm.s32 $0x100  }
0x16: {  	s8 =	sadd.s32 $0x10, s6;
	s9 =	sadd.s32 $0x9E0, s6;
	s10 =	sadd.s32 $0x9F0, s6  }
.LBB2_1:
0x17: {  	[spmem:s16], [sflag:s7] =	dma.local [hbm:s5], $0x2800  }
0x18: {  	_ =	swait.ge [sflag:s17], $0x2800  }
0x19: {  	[sflag:s17] =	ssyncset.done $0x0  }
0x1a: {  	[sflag:s17] =	ssyncadd.s32 $0xFFFFD800  }
0x1b: {  	[bflag:$0x0] =	sbarrier.arrive $0xFFFF  }
0x1c: {  	[tilespmem:s3], [sflag:$0x3] =	stream.linear.gather [hbm4b:s6+s3], $0x80, $0x38;
	[tilespmem:$0x1C200] =	vst v63  }
0x1d: {  	_ =	swait.ge [sflag:s17], $0x80  }
0x1e: {  	[sflag:s17] =	ssyncset.done $0x0  }
0x1f: {  	[sflag:s17] =	ssyncadd.s32 $0xFFFFFF80  }
0x20: {  	[tilespmem:s18], [sflag:$0x3] =	stream.linear.gather [hbm4b:s8+s3], $0x80, $0x38;
	[tilespmem:$0x1C200] =	vst v63  }
0x21: {  	_ =	swait.ge [sflag:s17], $0x80  }
0x22: {  	[sflag:s17] =	ssyncset.done $0x0  }
0x23: {  	s26 =	sadd.s32 $0x0, s15;
	[sflag:s17] =	ssyncadd.s32 $0xFFFFFF80  }
0x24: {  	[tilespmem:s20], [sflag:$0x1] =	stream.indirect.gather [hbm4b:s4+s19], $0x80, s3, s19, $0xb8;
	[tilespmem:$0x1C200] =	vst v63  }
0x25: {  	s28 =	sadd.s32 $0x20, s26  }
0x26: {  	[tilespmem:s19], [sflag:$0x3] =	stream.linear.gather [hbm4b:s28+s3], $0x80, $0x38;
	[tilespmem:$0x1C200] =	vst v63  }
0x27: {  	_ =	swait.ge [sflag:s17], $0x80  }
0x28: {  	[sflag:s17] =	ssyncset.done $0x0  }
0x29: {  	s26 =	sadd.s32 $0x30, s26;
	[sflag:s17] =	ssyncadd.s32 $0xFFFFFF80  }
0x2a: {  	[tilespmem:s21], [sflag:$0x3] =	stream.linear.gather [hbm4b:s26+s3], $0x80, $0x38;
	[tilespmem:$0x1C200] =	vst v63  }
0x2b: {  	_ =	swait.ge [sflag:s17], $0x80  }
0x2c: {  	[sflag:s17] =	ssyncset.done $0x0  }
0x2d: {  	[sflag:s17] =	ssyncadd.s32 $0xFFFFFF80  }
0x2e: {  	_ =	swait.ge [sflag:s22], $0x4000  }
0x2f: {  	[sflag:s22] =	ssyncset.done $0x0  }
0x30: {  	[sflag:s22] =	ssyncadd.s32 $0xFFFFC000  }
0x31: {  	[tilespmem:s23], [sflag:$0x2] =	stream.indirect.gather [hbm4b:s4+s19], $0x80, s19, s19, $0xb8;
	[tilespmem:$0x1C200] =	vst v63  }
0x32: {  	_ = 	snop  }
0x33: {  	[spmem:s2] =	stream.indirect.scatter.add.f32 [tilespmem:s20], [sflag:$0x3], $0x80, s18, s19, $0xb8;
	[tilespmem:$0x1C200] =	vst v63  }
0x34: {  	_ =	swait.ge [sflag:s17], $0x4000  }
0x35: {  	[sflag:s17] =	ssyncset.done $0x0  }
0x36: {  	s30 =	sadd.s32 $0x0, s14;
	[sflag:s17] =	ssyncadd.s32 $0xFFFFC000  }
0x37: {  	[tilespmem:s3], [sflag:$0x3] =	stream.linear.gather [hbm4b:s30+s3], $0x80, $0x38;
	[tilespmem:$0x1C200] =	vst v63  }
0x38: {  	_ =	swait.ge [sflag:s17], $0x80  }
0x39: {  	[sflag:s17] =	ssyncset.done $0x0  }
0x3a: {  	s31 =	sadd.s32 $0x0, s13;
	[sflag:s17] =	ssyncadd.s32 $0xFFFFFF80  }
0x3b: {  	[tilespmem:s18], [sflag:$0x3] =	stream.linear.gather [hbm4b:s31+s3], $0x80, $0x38;
	[tilespmem:$0x1C200] =	vst v63  }
0x3c: {  	_ =	swait.ge [sflag:s17], $0x80  }
0x3d: {  	[sflag:s17] =	ssyncset.done $0x0  }
0x3e: {  	[sflag:s17] =	ssyncadd.s32 $0xFFFFFF80  }
0x3f: {  	_ =	swait.ge [sflag:s24], $0x4000  }
0x40: {  	[sflag:s24] =	ssyncset.done $0x0  }
0x41: {  	[sflag:s24] =	ssyncadd.s32 $0xFFFFC000  }
0x42: {  	[tilespmem:s20], [sflag:$0x1] =	stream.indirect.gather [hbm4b:s4+s19], $0x80, s3, s19, $0xb8;
	[tilespmem:$0x1C200] =	vst v63  }
0x43: {  	_ = 	snop  }
0x44: {  	[spmem:s2] =	stream.indirect.scatter.add.f32 [tilespmem:s23], [sflag:$0x3], $0x80, s21, s19, $0xb8;
	[tilespmem:$0x1C200] =	vst v63  }
0x45: {  	_ =	swait.ge [sflag:s17], $0x4000  }
0x46: {  	s29 =	simm.s32 $0x80;
	s26 =	simm.s32 $0x40;
	[sflag:s17] =	ssyncset.done $0x0  }
.LBB2_2:
0x47: {  	s30 =	sadd.s32 s26, s15  }
0x48: {  	[sflag:s17] =	ssyncadd.s32 $0xFFFFC000;
	s31 =	smov.u32 s29;
	s28 =	sadd.s32 $0x40, s29  }
0x49: {  	p0 =	sne.s32 s29, $0x980;
	s29 =	sadd.s32 $0x20, s30  }
0x4a: {  	[tilespmem:s19], [sflag:$0x3] =	stream.linear.gather [hbm4b:s29+s3], $0x80, $0x38;
	[tilespmem:$0x1C200] =	vst v63  }
0x4b: {  	_ =	swait.ge [sflag:s17], $0x80  }
0x4c: {  	[sflag:s17] =	ssyncset.done $0x0  }
0x4d: {  	s29 =	sadd.s32 $0x30, s30;
	[sflag:s17] =	ssyncadd.s32 $0xFFFFFF80  }
0x4e: {  	[tilespmem:s21], [sflag:$0x3] =	stream.linear.gather [hbm4b:s29+s3], $0x80, $0x38;
	[tilespmem:$0x1C200] =	vst v63  }
0x4f: {  	_ =	swait.ge [sflag:s17], $0x80  }
0x50: {  	[sflag:s17] =	ssyncset.done $0x0  }
0x51: {  	[sflag:s17] =	ssyncadd.s32 $0xFFFFFF80  }
0x52: {  	_ =	swait.ge [sflag:s22], $0x4000  }
0x53: {  	[sflag:s22] =	ssyncset.done $0x0  }
0x54: {  	[sflag:s22] =	ssyncadd.s32 $0xFFFFC000  }
0x55: {  	[tilespmem:s23], [sflag:$0x2] =	stream.indirect.gather [hbm4b:s4+s19], $0x80, s19, s19, $0xb8;
	[tilespmem:$0x1C200] =	vst v63  }
0x56: {  	_ = 	snop  }
0x57: {  	[spmem:s2] =	stream.indirect.scatter.add.f32 [tilespmem:s20], [sflag:$0x3], $0x80, s18, s19, $0xb8;
	[tilespmem:$0x1C200] =	vst v63  }
0x58: {  	_ =	swait.ge [sflag:s17], $0x4000  }
0x59: {  	[sflag:s17] =	ssyncset.done $0x0  }
0x5a: {  	s29 =	sadd.s32 s26, s14;
	[sflag:s17] =	ssyncadd.s32 $0xFFFFC000  }
0x5b: {  	[tilespmem:s3], [sflag:$0x3] =	stream.linear.gather [hbm4b:s29+s3], $0x80, $0x38;
	[tilespmem:$0x1C200] =	vst v63  }
0x5c: {  	_ =	swait.ge [sflag:s17], $0x80  }
0x5d: {  	[sflag:s17] =	ssyncset.done $0x0  }
0x5e: {  	s29 =	sadd.s32 s26, s13;
	s26 =	smov.u32 s31;
	[sflag:s17] =	ssyncadd.s32 $0xFFFFFF80  }
0x5f: {  	[tilespmem:s18], [sflag:$0x3] =	stream.linear.gather [hbm4b:s29+s3], $0x80, $0x38;
	[tilespmem:$0x1C200] =	vst v63  }
0x60: {  	_ =	swait.ge [sflag:s17], $0x80  }
0x61: {  	[sflag:s17] =	ssyncset.done $0x0  }
0x62: {  	[sflag:s17] =	ssyncadd.s32 $0xFFFFFF80  }
0x63: {  	_ =	swait.ge [sflag:s24], $0x4000  }
0x64: {  	[sflag:s24] =	ssyncset.done $0x0  }
0x65: {  	[sflag:s24] =	ssyncadd.s32 $0xFFFFC000  }
0x66: {  	[tilespmem:s20], [sflag:$0x1] =	stream.indirect.gather [hbm4b:s4+s19], $0x80, s3, s19, $0xb8;
	[tilespmem:$0x1C200] =	vst v63  }
.Ltmp0:
0x67: {  	_ = 	snop;
	(pc) =	sbr.rel @p0 .LBB2_2-.Ltmp0, $4  }
0x68: {  	_ = 	snop  }
0x69: {  	[spmem:s2] =	stream.indirect.scatter.add.f32 [tilespmem:s23], [sflag:$0x3], $0x80, s21, s19, $0xb8;
	[tilespmem:$0x1C200] =	vst v63  }
0x6a: {  	_ =	swait.ge [sflag:s17], $0x4000  }
0x6b: {  	s29 =	smov.u32 s28;
	[sflag:s17] =	ssyncset.done $0x0  }
0x6c: {  	s28 =	sadd.s32 s26, s15  }
0x6d: {  	[sflag:s17] =	ssyncadd.s32 $0xFFFFC000;
	s29 =	sadd.s32 $0x20, s28  }
0x6e: {  	[tilespmem:s19], [sflag:$0x3] =	stream.linear.gather [hbm4b:s29+s3], $0x80, $0x38;
	[tilespmem:$0x1C200] =	vst v63  }
0x6f: {  	_ =	swait.ge [sflag:s17], $0x80  }
0x70: {  	[sflag:s17] =	ssyncset.done $0x0  }
0x71: {  	s28 =	sadd.s32 $0x30, s28;
	[sflag:s17] =	ssyncadd.s32 $0xFFFFFF80  }
0x72: {  	[tilespmem:s21], [sflag:$0x3] =	stream.linear.gather [hbm4b:s28+s3], $0x80, $0x38;
	[tilespmem:$0x1C200] =	vst v63  }
0x73: {  	_ =	swait.ge [sflag:s17], $0x80  }
0x74: {  	[sflag:s17] =	ssyncset.done $0x0  }
0x75: {  	[sflag:s17] =	ssyncadd.s32 $0xFFFFFF80  }
0x76: {  	_ =	swait.ge [sflag:s22], $0x4000  }
0x77: {  	[sflag:s22] =	ssyncset.done $0x0  }
0x78: {  	[sflag:s22] =	ssyncadd.s32 $0xFFFFC000  }
0x79: {  	[tilespmem:s23], [sflag:$0x2] =	stream.indirect.gather [hbm4b:s4+s19], $0x80, s19, s19, $0xb8;
	[tilespmem:$0x1C200] =	vst v63  }
0x7a: {  	_ = 	snop  }
0x7b: {  	[spmem:s2] =	stream.indirect.scatter.add.f32 [tilespmem:s20], [sflag:$0x3], $0x80, s18, s19, $0xb8;
	[tilespmem:$0x1C200] =	vst v63  }
0x7c: {  	_ =	swait.ge [sflag:s17], $0x4000  }
0x7d: {  	[sflag:s17] =	ssyncset.done $0x0  }
0x7e: {  	s30 =	sadd.s32 s26, s14;
	[sflag:s17] =	ssyncadd.s32 $0xFFFFC000  }
0x7f: {  	[tilespmem:s3], [sflag:$0x3] =	stream.linear.gather [hbm4b:s30+s3], $0x80, $0x38;
	[tilespmem:$0x1C200] =	vst v63  }
0x80: {  	_ =	swait.ge [sflag:s17], $0x80  }
0x81: {  	[sflag:s17] =	ssyncset.done $0x0  }
0x82: {  	s31 =	sadd.s32 s26, s13;
	[sflag:s17] =	ssyncadd.s32 $0xFFFFFF80  }
0x83: {  	[tilespmem:s18], [sflag:$0x3] =	stream.linear.gather [hbm4b:s31+s3], $0x80, $0x38;
	[tilespmem:$0x1C200] =	vst v63  }
0x84: {  	_ =	swait.ge [sflag:s17], $0x80  }
0x85: {  	[sflag:s17] =	ssyncset.done $0x0  }
0x86: {  	[sflag:s17] =	ssyncadd.s32 $0xFFFFFF80  }
0x87: {  	_ =	swait.ge [sflag:s24], $0x4000  }
0x88: {  	[sflag:s24] =	ssyncset.done $0x0  }
0x89: {  	[sflag:s24] =	ssyncadd.s32 $0xFFFFC000  }
0x8a: {  	[tilespmem:s20], [sflag:$0x1] =	stream.indirect.gather [hbm4b:s4+s19], $0x80, s3, s19, $0xb8;
	[tilespmem:$0x1C200] =	vst v63  }
0x8b: {  	_ = 	snop  }
0x8c: {  	[spmem:s2] =	stream.indirect.scatter.add.f32 [tilespmem:s23], [sflag:$0x3], $0x80, s21, s19, $0xb8;
	[tilespmem:$0x1C200] =	vst v63  }
0x8d: {  	_ =	swait.ge [sflag:s17], $0x4000  }
0x8e: {  	[sflag:s17] =	ssyncset.done $0x0  }
0x8f: {  	[sflag:s17] =	ssyncadd.s32 $0xFFFFC000  }
0x90: {  	[tilespmem:s19], [sflag:$0x3] =	stream.linear.gather [hbm4b:s9+s3], $0x80, $0x38;
	[tilespmem:$0x1C200] =	vst v63  }
0x91: {  	_ =	swait.ge [sflag:s17], $0x80  }
0x92: {  	[sflag:s17] =	ssyncset.done $0x0  }
0x93: {  	[sflag:s17] =	ssyncadd.s32 $0xFFFFFF80  }
0x94: {  	[tilespmem:s21], [sflag:$0x3] =	stream.linear.gather [hbm4b:s10+s3], $0x80, $0x38;
	[tilespmem:$0x1C200] =	vst v63  }
0x95: {  	_ =	swait.ge [sflag:s17], $0x80  }
0x96: {  	[sflag:s17] =	ssyncset.done $0x0  }
0x97: {  	[sflag:s17] =	ssyncadd.s32 $0xFFFFFF80  }
0x98: {  	_ =	swait.ge [sflag:s22], $0x4000  }
0x99: {  	[sflag:s22] =	ssyncset.done $0x0  }
0x9a: {  	[sflag:s22] =	ssyncadd.s32 $0xFFFFC000  }
0x9b: {  	[tilespmem:s23], [sflag:$0x2] =	stream.indirect.gather [hbm4b:s4+s19], $0x80, s19, s19, $0xb8;
	[tilespmem:$0x1C200] =	vst v63  }
0x9c: {  	_ = 	snop  }
0x9d: {  	[spmem:s2] =	stream.indirect.scatter.add.f32 [tilespmem:s20], [sflag:$0x3], $0x80, s18, s19, $0xb8;
	[tilespmem:$0x1C200] =	vst v63  }
0x9e: {  	_ =	swait.ge [sflag:s17], $0x4000  }
0x9f: {  	[sflag:s17] =	ssyncset.done $0x0  }
0xa0: {  	[sflag:s17] =	ssyncadd.s32 $0xFFFFC000  }
0xa1: {  	_ =	swait.ge [sflag:s24], $0x4000  }
0xa2: {  	[sflag:s24] =	ssyncset.done $0x0  }
0xa3: {  	[sflag:s24] =	ssyncadd.s32 $0xFFFFC000  }
0xa4: {  	[spmem:s2] =	stream.indirect.scatter.add.f32 [tilespmem:s23], [sflag:$0x3], $0x80, s21, s19, $0xb8;
	[tilespmem:$0x1C200] =	vst v63  }
0xa5: {  	_ =	swait.ge [sflag:s17], $0x4000  }
0xa6: {  	s25 =	sadd.s32 $0x1, s25;
	[sflag:s17] =	ssyncset.done $0x0  }
0xa7: {  	p0 =	sne.s32 s25, s12;
	[sflag:s17] =	ssyncadd.s32 $0xFFFFC000  }
.Ltmp1:
0xa8: {  	[bflag:$0x0] =	sbarrier.arrive $0xFFFF;
	(pc) =	sbr.rel @p0 .LBB2_1-.Ltmp1, $4  }
0xa9: {  	[hbm:s11], [sflag:s7] =	dma.local [spmem:s16], $0x2800  }
0xaa: {  	_ =	swait.ge [sflag:s17], $0x2800  }
0xab: {  	[sflag:s17] =	ssyncset.done $0x0  }
0xac: {  	[sflag:s17] =	ssyncadd.s32 $0xFFFFD800  }
0xad: {  	_ =	sfence.sel $0x180000  }
0xae: {  	[bflag:$0x0] =	sbarrier.arrive $0xFFFF  }
0xaf: {  	p0 =	sne.s32 s1, $0x0;
	_ =	strace $0x90000053  }
0xb0: {  	s0 =	sadd.s32 @!p0 $0x100000, s0;
	[bflag:$0x2] =	sbarrier.arrive $0xFFFF  }
0xb1: {  	[sflag:s0] =	ssyncadd.tile.s32 @!p0 $0x1;
	_ =	shalt  }
.Lfunc_end2:
_tile_overlayer_lowered:
.L_overlay_start_2:
0xb2: {  	(tag) =	ssettag $0x2  }
0xb3: {  	s0 =	rddreg [dreg:$0x0];
	s2 =	stileid.u32  }
0xb4: {  	s1 =	rddreg [dreg:$0x1];
	p0 =	sne.s32 s2, $0x0  }
0xb5: {  	s3 =	rddreg [dreg:$0x2];
	[bflag:$0x3] =	sbarrier.arrive $0xFFFF;
	s2 =	simm.s32 @!p0 $0x1C03  }
0xb6: {  	[timem:s3], [sflag:s2] =	dma.local @!p0 [hbm:s0], s1  }
0xb7: {  	s0 =	simm.s32 @!p0 $0x3  }
0xb8: {  	_ =	swait.ge @!p0 [sflag:s0], s1  }
0xb9: {  	s1 =	ssub.s32 @!p0 $0x0, s1;
	[sflag:s0] =	ssyncset.done @!p0 $0x0  }
0xba: {  	[sflag:s0] =	ssyncadd.s32 @!p0 s1  }
0xbb: {  	[bflag:$0x3] =	sbarrier.arrive $0xFFFF  }
0xbc: {  	_ =	shalt  }

// kernel: kernel.32.cloned.1.call-start
scs
__scs_entry_jumppad:
0x0: {  	(pc) =	sbr.rel $0x88, $3  }
0x1: {  	(tag) =	ssettag $0x0;
	lr =	simm.s32 $0x1  }
0x2: {  	[smem:$0x3F90] =	sst lr;
	_ =	strace $0xD0000000  }
0x3: {  	_ = 	snop  }
0x4: {  	_ = 	snop  }
0x5: {  	_ = 	snop  }
0x6: {  	_ = 	snop  }
0x7: {  	_ = 	snop  }
__scs_overlays_trampoline_lowered:
0x8: {  	[smem:$0x3F9F] =	sst s0  }
0x9: {  	[smem:$0x3FA0] =	sst s1  }
0xa: {  	[smem:$0x3FA1] =	sst s2  }
0xb: {  	[smem:$0x3FA2] =	sst s3  }
0xc: {  	[smem:$0x3FA3] =	sst s4  }
0xd: {  	[smem:$0x3FA4] =	sst s5  }
0xe: {  	[smem:$0x3FA5] =	sst s6  }
0xf: {  	[smem:$0x3FA6] =	sst s7  }
0x10: {  	[smem:$0x3FA7] =	sst s8  }
0x11: {  	[smem:$0x3FA8] =	sst s9;
	s0 =	simm.s32 @!p0 $0x0  }
0x12: {  	s1 =	sld [smem:$0x3F8E];
	s0 =	simm.s32 @p0 $0x1  }
0x13: {  	[smem:$0x3FA9] =	sst s0;
	s0 =	simm.s32 @!p1 $0x0  }
0x14: {  	s2 =	sld [smem:$0x3F8D];
	s0 =	simm.s32 @p1 $0x1  }
0x15: {  	[smem:$0x3FAA] =	sst s0;
	s0 =	simm.s32 @!p2 $0x0  }
0x16: {  	s3 =	sld [smem:$0x3FDB];
	s0 =	simm.s32 @p2 $0x1  }
0x17: {  	s4 =	simm.s32 $0x1BF5;
	[smem:$0x3FAC] =	sst s0  }
0x18: {  	s0 =	sld [smem:$0x3F8F];
	_ =	swait.ge [sflag:s4], $0x0  }
0x19: {  	s7 =	sld [smem:$0x3F90]  }
0x1a: {  	s8 =	sadd.s32 $0xFFFFE003, lr  }
0x1b: {  	s9 =	sadd.s32 $0xFFFFFEF7, lr;
	s5 =	simm.s32 $0xFFFFFFFF;
	p2 =	slt.u32 s8, $0xFFFFF086  }
0x1c: {  	p1 =	slt.u32 s9, $0xF7A;
	s5 =	simm.s32 @!p2 $0x0  }
0x1d: {  	s5 =	simm.s32 @p1 $0x1;
	p0 =	seq.s32 s7, s2  }
0x1e: {  	s7 =	smul.u32 @!p0 $0xF7A, s2;
	p2 =	seq.s32 @!p0 s5, $0x0  }
0x1f: {  	s9 =	smul.u32 $0xF7A, s1;
	s8 =	simm.s32 @!p0 $0x1BF5;
	p2 =	por !p2, p0  }
0x20: {  	[sflag:s8] =	ssyncset.s32 @!p0 $0xFFFFF086;
	s6 =	sadd.s32 @!p0 s3, s7;
	s7 =	simm.s32 @!p0 $0x108  }
0x21: {  	s3 =	sadd.s32 s3, s9;
	s6 =	sadd.s32 @!p0 $0x88, s6;
	s7 =	simm.s32 @p2 $0x1082  }
0x22: {  	[simem:s7], [sflag:s8] =	dma.local @!p0 [hbm:s6], $0xF7A  }
0x23: {  	s9 =	sor.u32 $0xD0000000, s2;
	s6 =	simm.s32 $0x108;
	_ =	swait.ge @!p0 [sflag:s8], $0x0  }
0x24: {  	s3 =	sadd.s32 $0x88, s3;
	s6 =	simm.s32 @!p1 $0x1082;
	[sflag:s4] =	ssyncset.s32 $0xFFFFF086  }
0x25: {  	[simem:s6], [sflag:s4] =	dma.local [hbm:s3], $0xF7A  }
0x26: {  	[smem:$0x3F90] =	sst s1;
	(tag) =	ssettag s2;
	_ =	strace s9  }
0x27: {  	s1 =	sld [smem:$0x3FA0]  }
0x28: {  	s2 =	sld [smem:$0x3FA1]  }
0x29: {  	s4 =	sld [smem:$0x3FA3]  }
0x2a: {  	p0 =	seq.s32 s5, $0x0;
	s5 =	sld [smem:$0x3FA4]  }
0x2b: {  	s6 =	sld [smem:$0x3FA5]  }
0x2c: {  	s7 =	sld [smem:$0x3FA6]  }
0x2d: {  	s3 =	simm.s32 $0x108;
	s8 =	sld [smem:$0x3FA7]  }
0x2e: {  	s3 =	simm.s32 @!p0 $0x1082;
	s9 =	sld [smem:$0x3FA8]  }
0x2f: {  	lr =	sadd.s32 s0, s3;
	s0 =	sld [smem:$0x3F9F]  }
0x30: {  	s3 =	sld [smem:$0x3FA2]  }
0x31: {  	[smem:$0x3FAB] =	sst s10  }
0x32: {  	s10 =	sld [smem:$0x3FA9];
	_ =	sdelay $0x3  }
0x33: {  	p0 =	seq.s32 s10, $0x1;
	s10 =	sld [smem:$0x3FAB];
	_ =	sdelay $0x3  }
0x34: {  	[smem:$0x3FAB] =	sst s10  }
0x35: {  	s10 =	sld [smem:$0x3FAA];
	_ =	sdelay $0x3  }
0x36: {  	p1 =	seq.s32 s10, $0x1;
	s10 =	sld [smem:$0x3FAB];
	_ =	sdelay $0x3  }
0x37: {  	[smem:$0x3FAB] =	sst s10  }
0x38: {  	s10 =	sld [smem:$0x3FAC]  }
0x39: {  	_ = 	snop;
	(pc) =	sbr.ind lr, $3  }
0x3a: {  	_ = 	snop  }
0x3b: {  	_ = 	snop  }
0x3c: {  	p2 =	seq.s32 s10, $0x1;
	s10 =	sld [smem:$0x3FAB]  }
0x3d: {  	_ =	shalt  }
0x3e: {  	_ =	shalt  }
0x3f: {  	_ =	shalt  }
0x40: {  	_ =	shalt  }
0x41: {  	_ =	shalt  }
0x42: {  	_ =	shalt  }
0x43: {  	_ =	shalt  }
0x44: {  	_ =	shalt  }
0x45: {  	_ =	shalt  }
0x46: {  	_ =	shalt  }
0x47: {  	_ =	shalt  }
0x48: {  	_ =	shalt  }
0x49: {  	_ =	shalt  }
0x4a: {  	_ =	shalt  }
0x4b: {  	_ =	shalt  }
0x4c: {  	_ =	shalt  }
0x4d: {  	_ =	shalt  }
0x4e: {  	_ =	shalt  }
0x4f: {  	_ =	shalt  }
0x50: {  	_ =	shalt  }
0x51: {  	_ =	shalt  }
0x52: {  	_ =	shalt  }
0x53: {  	_ =	shalt  }
0x54: {  	_ =	shalt  }
0x55: {  	_ =	shalt  }
0x56: {  	_ =	shalt  }
0x57: {  	_ =	shalt  }
0x58: {  	_ =	shalt  }
0x59: {  	_ =	shalt  }
0x5a: {  	_ =	shalt  }
0x5b: {  	_ =	shalt  }
0x5c: {  	_ =	shalt  }
0x5d: {  	_ =	shalt  }
0x5e: {  	_ =	shalt  }
0x5f: {  	_ =	shalt  }
0x60: {  	_ =	shalt  }
0x61: {  	_ =	shalt  }
0x62: {  	_ =	shalt  }
0x63: {  	_ =	shalt  }
0x64: {  	_ =	shalt  }
0x65: {  	_ =	shalt  }
0x66: {  	_ =	shalt  }
0x67: {  	_ =	shalt  }
0x68: {  	_ =	shalt  }
0x69: {  	_ =	shalt  }
0x6a: {  	_ =	shalt  }
0x6b: {  	_ =	shalt  }
0x6c: {  	_ =	shalt  }
0x6d: {  	_ =	shalt  }
0x6e: {  	_ =	shalt  }
0x6f: {  	_ =	shalt  }
0x70: {  	_ =	shalt  }
0x71: {  	_ =	shalt  }
0x72: {  	_ =	shalt  }
0x73: {  	_ =	shalt  }
0x74: {  	_ =	shalt  }
0x75: {  	_ =	shalt  }
0x76: {  	_ =	shalt  }
0x77: {  	_ =	shalt  }
0x78: {  	_ =	shalt  }
0x79: {  	_ =	shalt  }
0x7a: {  	_ =	shalt  }
0x7b: {  	_ =	shalt  }
0x7c: {  	_ =	shalt  }
0x7d: {  	_ =	shalt  }
0x7e: {  	_ =	shalt  }
0x7f: {  	_ =	shalt  }
0x80: {  	_ =	shalt  }
0x81: {  	_ =	shalt  }
0x82: {  	_ =	shalt  }
0x83: {  	_ =	shalt  }
0x84: {  	_ =	shalt  }
0x85: {  	_ =	shalt  }
0x86: {  	_ =	shalt  }
0x87: {  	_ =	shalt  }
.Lfunc_end0:
.L_simem_size_0:
called_computation.5_lowered:
.L_overlay_start_0:
0x88: {  	s2 =	sld [smem:$0x3FD9]  }
0x89: {  	s3 =	sld [smem:$0x3FFE];
	_ =	sdelay $0x1  }
0x8a: {  	s1 =	srdreg.scid  }
0x8b: {  	s0 =	sand.u32 $0x1, s1  }
0x8c: {  	s16 =	sshll.u32 s0, $0xA;
	s2 =	sadd.s32 s3, s2  }
0x8d: {  	s2 =	sadd.s32 s2, s16  }
0x8e: {  	[smem:$0x3FB7] =	sst s2  }
0x8f: {  	_ = 	snop  }
0x90: {  	(tm) =	ssettm $0x1  }
0x91: {  	s17 =	sld [smem:$0x3FFB];
	_ =	sdelay $0x3  }
0x92: {  	_ =	strace s17  }
0x93: {  	s2 =	sld [smem:$0x3FFC];
	_ =	sdelay $0x3  }
0x94: {  	_ =	strace s2  }
0x95: {  	s2 =	sld [smem:$0x3FFD];
	_ =	sdelay $0x3  }
0x96: {  	_ =	strace s2  }
0x97: {  	_ =	strace $0x8FFFFFFF  }
0x98: {  	s18 =	sld [smem:$0x3FDB];
	_ =	sdelay $0x1  }
0x99: {  	s19 =	simm.s32 $_scs_section_size  }
0x9a: {  	s4 =	simm.s32 $_size__tile_overlayer_lowered;
	s5 =	simm.s32 $_tile_overlayer_lowered  }
0x9b: {  	s22 =	simm.s32 $0x1BFF;
	s21 =	sshll.u32 s5, $0x1;
	s2 =	sadd.s32 s19, s18  }
0x9c: {  	s6 =	simm.s32 $0x0;
	s20 =	sshll.u32 s4, $0x1;
	s4 =	sadd.s32 s21, s2  }
0x9d: {  	[timem:s6], [sflag:s22] =	dma.local [hbm:s4], s20  }
0x9e: {  	_ =	swait.ge [sflag:s22], s20  }
0x9f: {  	s3 =	ssub.s32 $0x0, s20;
	[sflag:s22] =	ssyncset.done $0x0  }
0xa0: {  	[sflag:s22] =	ssyncadd.s32 s3;
	_ =	sdelay $0x1  }
0xa1: {  	s23 =	simm.s32 $0x1B8B  }
0xa2: {  	_ =	swait.ge [sflag:s23], $0x1  }
0xa3: {  	[sflag:s23] =	ssyncset.done $0x0  }
0xa4: {  	s25 =	simm.s32 $0x1B8E;
	s24 =	sld [smem:$0x3FFE];
	[sflag:s23] =	ssyncadd.s32 $0xFFFFFFFF  }
0xa5: {  	s26 =	simm.s32 $execute0_lowered;
	[smem:$0x3FD2] =	sst s25  }
0xa6: {  	s4 =	sshll.u32 s26, $0x1;
	_ =	strace $0x80000055;
	[dreg:$0x1] =	wrdreg $0xFFFFFFFF  }
0xa7: {  	s28 =	simm.s32 $_size_execute0_lowered;
	s2 =	sadd.s32 s2, s4;
	[dreg:$0x0] =	wrdreg $0x0  }
0xa8: {  	s4 =	sshll.u32 s28, $0x1;
	[dreg:$0x2] =	wrdreg s2  }
0xa9: {  	[dreg:$0x3] =	wrdreg s4  }
0xaa: {  	[dreg:$0x4] =	wrdreg $0xC0  }
0xab: {  	_ =	task [dreg:s6], $0x5FFFF  }
0xac: {  	[dreg:$0x1] =	wrdreg $0xFFFFFFFF  }
0xad: {  	[dreg:$0x0] =	wrdreg $0x60  }
0xae: {  	[dreg:$0x2] =	wrdreg s24  }
0xaf: {  	[dreg:$0x3] =	wrdreg $0x82000  }
0xb0: {  	[dreg:$0x4] =	wrdreg $0x9  }
0xb1: {  	_ =	task.clear_ibuf [dreg:s6], $0x5FFFF;
	_ =	strace $0x90000055  }
0xb2: {  	s29 =	simm.s32 $0x9;
	_ =	strace $0x80000057  }
0xb3: {  	_ =	swait.ge [sflag:s29], $0x1  }
0xb4: {  	[sflag:s29] =	ssyncadd.s32 $0xFFFFFFFF  }
0xb5: {  	_ =	strace $0x90000057  }
0xb6: {  	_ =	sfence  }
0xb7: {  	s30 =	sld [smem:$0x0];
	_ =	sdelay $0x2  }
0xb8: {  	s31 =	sshll.u32 s1, $0xD;
	s1 =	sshrl.u32 s1, $0x2  }
0xb9: {  	s3 =	sand.u32 $0x4000, s31;
	s1 =	sadd.s32 s1, s30  }
0xba: {  	s0 =	sor.u32 s3, s0;
	s1 =	sshll.u32 s1, $0x11  }
0xbb: {  	s0 =	sor.u32 s1, s0  }
0xbc: {  	s0 =	sadd.s32 $0x8F2B, s0  }
0xbd: {  	[sflag:s0] =	ssyncadd.remote.s32 $0x1  }
0xbe: {  	_ =	sfence.sel $0xFFFF  }
0xbf: {  	[dreg:$0x0] =	wrdreg $0xFFFFFFFF;
	(pc) =	sbr.abs _section_cstart, $3  }
0xc0: {  	[dreg:$0x1] =	wrdreg $0xFFFFFFFF  }
0xc1: {  	_ =	task.clear_ibuf [dreg:s6], $0x2FFFF;
	_ =	strace $0x9FFFFFFF  }
0xc2: {  	(tm) =	ssettm $0x7FFFFFFF  }
0xc3: {  	_ =	shalt  }
tec
execute0_lowered:
.L_overlay_start_1:
0x0: {  	(tag) =	ssettag $0x1  }
0x1: {  	s5 =	rddreg [dreg:$0x0]  }
0x2: {  	s2 =	rddreg [dreg:$0x1]  }
0x3: {  	s0 =	rddreg [dreg:$0x2]  }
0x4: {  	s4 =	srdreg.scid;
	s1 =	stileid.u32  }
0x5: {  	s3 =	simm.s32 $0x0;
	s19 =	simm.s32 $0x80;
	s6 =	smul.u32 $0x14000, s1  }
0x6: {  	s20 =	simm.s32 $0x200;
	s21 =	simm.s32 $0x180;
	s8 =	smul.u32 $0x50000, s1  }
0x7: {  	s22 =	simm.s32 $0x1;
	s13 =	sand.u32 $0x1, s4;
	s17 =	smul.u32 $0x5000, s1  }
0x8: {  	[smem:$0x7FF] =	sst s3;
	s4 =	sadd.s32 $0x19800, s5;
	s31 =	smul.u32 $0xA00, s1  }
0x9: {  	s14 =	sadd.s32 $0x5800, s5;
	s29 =	sshll.u32 s1, $0x6;
	s7 =	smul.u32 $0x140000, s13  }
0xa: {  	_ =	strace $0x80000056;
	s9 =	sshll.u32 s13, $0x4;
	s15 =	smul.u32 $0x50000, s13  }
0xb: {  	s23 =	ssub.s32 $0x2, s13;
	s18 =	smul.u32 $0xA000, s13;
	s24 =	sor.u32 s1, s9  }
0xc: {  	s25 =	sshrl.u32 s23, $0x1;
	s8 =	sshrl.u32 s8, $0x2;
	s26 =	sshrl.u32 s6, $0x3  }
0xd: {  	s7 =	sadd.s32 s6, s7;
	s12 =	ssub.s32 s23, s25;
	s16 =	sadd.s32 s8, s2  }
0xe: {  	s15 =	sadd.s32 s17, s15;
	s18 =	sadd.s32 s18, s14;
	s23 =	simm.s32 $0x4200  }
0xf: {  	s25 =	simm.s32 $0x0;
	s7 =	sshrl.u32 s7, $0x3;
	s12 =	smax.u32 s12, $0x1  }
0x10: {  	s17 =	sor.u32 $0x280, s15;
	s15 =	sor.u32 $0x200, s15;
	s16 =	sshrl.u32 s16, $0x3  }
0x11: {  	s11 =	sadd.s32 s7, s5;
	s7 =	smul.u32 $0x5000, s24;
	s5 =	sadd.s32 s4, s26  }
0x12: {  	s30 =	sshrl.u32 s17, $0x3;
	s15 =	sshrl.u32 s15, $0x3;
	s17 =	simm.s32 $0x3  }
0x13: {  	s24 =	simm.s32 $0x2;
	s11 =	sadd.s32 $0x41800, s11;
	s28 =	sshrl.u32 s7, $0x3  }
0x14: {  	s13 =	sadd.s32 s30, s14;
	s7 =	sor.u32 $0x1C03, s29;
	s6 =	sadd.s32 s14, s28  }
0x15: {  	s14 =	sadd.s32 s15, s14;
	s15 =	sadd.s32 s31, s18;
	s18 =	simm.s32 $0x100  }
0x16: {  	s8 =	sadd.s32 $0x10, s6;
	s9 =	sadd.s32 $0x9E0, s6;
	s10 =	sadd.s32 $0x9F0, s6  }
.LBB2_1:
0x17: {  	[spmem:s16], [sflag:s7] =	dma.local [hbm:s5], $0x2800  }
0x18: {  	_ =	swait.ge [sflag:s17], $0x2800  }
0x19: {  	[sflag:s17] =	ssyncset.done $0x0  }
0x1a: {  	[sflag:s17] =	ssyncadd.s32 $0xFFFFD800  }
0x1b: {  	[bflag:$0x0] =	sbarrier.arrive $0xFFFF  }
0x1c: {  	[tilespmem:s3], [sflag:$0x3] =	stream.linear.gather [hbm4b:s6+s3], $0x80, $0x38;
	[tilespmem:$0x1C200] =	vst v63  }
0x1d: {  	_ =	swait.ge [sflag:s17], $0x80  }
0x1e: {  	[sflag:s17] =	ssyncset.done $0x0  }
0x1f: {  	[sflag:s17] =	ssyncadd.s32 $0xFFFFFF80  }
0x20: {  	[tilespmem:s18], [sflag:$0x3] =	stream.linear.gather [hbm4b:s8+s3], $0x80, $0x38;
	[tilespmem:$0x1C200] =	vst v63  }
0x21: {  	_ =	swait.ge [sflag:s17], $0x80  }
0x22: {  	[sflag:s17] =	ssyncset.done $0x0  }
0x23: {  	s26 =	sadd.s32 $0x0, s15;
	[sflag:s17] =	ssyncadd.s32 $0xFFFFFF80  }
0x24: {  	[tilespmem:s20], [sflag:$0x1] =	stream.indirect.gather [hbm4b:s4+s19], $0x80, s3, s19, $0xb8;
	[tilespmem:$0x1C200] =	vst v63  }
0x25: {  	s28 =	sadd.s32 $0x20, s26  }
0x26: {  	[tilespmem:s19], [sflag:$0x3] =	stream.linear.gather [hbm4b:s28+s3], $0x80, $0x38;
	[tilespmem:$0x1C200] =	vst v63  }
0x27: {  	_ =	swait.ge [sflag:s17], $0x80  }
0x28: {  	[sflag:s17] =	ssyncset.done $0x0  }
0x29: {  	s26 =	sadd.s32 $0x30, s26;
	[sflag:s17] =	ssyncadd.s32 $0xFFFFFF80  }
0x2a: {  	[tilespmem:s21], [sflag:$0x3] =	stream.linear.gather [hbm4b:s26+s3], $0x80, $0x38;
	[tilespmem:$0x1C200] =	vst v63  }
0x2b: {  	_ =	swait.ge [sflag:s17], $0x80  }
0x2c: {  	[sflag:s17] =	ssyncset.done $0x0  }
0x2d: {  	[sflag:s17] =	ssyncadd.s32 $0xFFFFFF80  }
0x2e: {  	_ =	swait.ge [sflag:s22], $0x4000  }
0x2f: {  	[sflag:s22] =	ssyncset.done $0x0  }
0x30: {  	[sflag:s22] =	ssyncadd.s32 $0xFFFFC000  }
0x31: {  	[tilespmem:s23], [sflag:$0x2] =	stream.indirect.gather [hbm4b:s4+s19], $0x80, s19, s19, $0xb8;
	[tilespmem:$0x1C200] =	vst v63  }
0x32: {  	_ = 	snop  }
0x33: {  	[spmem:s2] =	stream.indirect.scatter.add.f32 [tilespmem:s20], [sflag:$0x3], $0x80, s18, s19, $0xb8;
	[tilespmem:$0x1C200] =	vst v63  }
0x34: {  	_ =	swait.ge [sflag:s17], $0x4000  }
0x35: {  	[sflag:s17] =	ssyncset.done $0x0  }
0x36: {  	s30 =	sadd.s32 $0x0, s14;
	[sflag:s17] =	ssyncadd.s32 $0xFFFFC000  }
0x37: {  	[tilespmem:s3], [sflag:$0x3] =	stream.linear.gather [hbm4b:s30+s3], $0x80, $0x38;
	[tilespmem:$0x1C200] =	vst v63  }
0x38: {  	_ =	swait.ge [sflag:s17], $0x80  }
0x39: {  	[sflag:s17] =	ssyncset.done $0x0  }
0x3a: {  	s31 =	sadd.s32 $0x0, s13;
	[sflag:s17] =	ssyncadd.s32 $0xFFFFFF80  }
0x3b: {  	[tilespmem:s18], [sflag:$0x3] =	stream.linear.gather [hbm4b:s31+s3], $0x80, $0x38;
	[tilespmem:$0x1C200] =	vst v63  }
0x3c: {  	_ =	swait.ge [sflag:s17], $0x80  }
0x3d: {  	[sflag:s17] =	ssyncset.done $0x0  }
0x3e: {  	[sflag:s17] =	ssyncadd.s32 $0xFFFFFF80  }
0x3f: {  	_ =	swait.ge [sflag:s24], $0x4000  }
0x40: {  	[sflag:s24] =	ssyncset.done $0x0  }
0x41: {  	[sflag:s24] =	ssyncadd.s32 $0xFFFFC000  }
0x42: {  	[tilespmem:s20], [sflag:$0x1] =	stream.indirect.gather [hbm4b:s4+s19], $0x80, s3, s19, $0xb8;
	[tilespmem:$0x1C200] =	vst v63  }
0x43: {  	_ = 	snop  }
0x44: {  	[spmem:s2] =	stream.indirect.scatter.add.f32 [tilespmem:s23], [sflag:$0x3], $0x80, s21, s19, $0xb8;
	[tilespmem:$0x1C200] =	vst v63  }
0x45: {  	_ =	swait.ge [sflag:s17], $0x4000  }
0x46: {  	s29 =	simm.s32 $0x80;
	s26 =	simm.s32 $0x40;
	[sflag:s17] =	ssyncset.done $0x0  }
.LBB2_2:
0x47: {  	s30 =	sadd.s32 s26, s15  }
0x48: {  	[sflag:s17] =	ssyncadd.s32 $0xFFFFC000;
	s31 =	smov.u32 s29;
	s28 =	sadd.s32 $0x40, s29  }
0x49: {  	p0 =	sne.s32 s29, $0x980;
	s29 =	sadd.s32 $0x20, s30  }
0x4a: {  	[tilespmem:s19], [sflag:$0x3] =	stream.linear.gather [hbm4b:s29+s3], $0x80, $0x38;
	[tilespmem:$0x1C200] =	vst v63  }
0x4b: {  	_ =	swait.ge [sflag:s17], $0x80  }
0x4c: {  	[sflag:s17] =	ssyncset.done $0x0  }
0x4d: {  	s29 =	sadd.s32 $0x30, s30;
	[sflag:s17] =	ssyncadd.s32 $0xFFFFFF80  }
0x4e: {  	[tilespmem:s21], [sflag:$0x3] =	stream.linear.gather [hbm4b:s29+s3], $0x80, $0x38;
	[tilespmem:$0x1C200] =	vst v63  }
0x4f: {  	_ =	swait.ge [sflag:s17], $0x80  }
0x50: {  	[sflag:s17] =	ssyncset.done $0x0  }
0x51: {  	[sflag:s17] =	ssyncadd.s32 $0xFFFFFF80  }
0x52: {  	_ =	swait.ge [sflag:s22], $0x4000  }
0x53: {  	[sflag:s22] =	ssyncset.done $0x0  }
0x54: {  	[sflag:s22] =	ssyncadd.s32 $0xFFFFC000  }
0x55: {  	[tilespmem:s23], [sflag:$0x2] =	stream.indirect.gather [hbm4b:s4+s19], $0x80, s19, s19, $0xb8;
	[tilespmem:$0x1C200] =	vst v63  }
0x56: {  	_ = 	snop  }
0x57: {  	[spmem:s2] =	stream.indirect.scatter.add.f32 [tilespmem:s20], [sflag:$0x3], $0x80, s18, s19, $0xb8;
	[tilespmem:$0x1C200] =	vst v63  }
0x58: {  	_ =	swait.ge [sflag:s17], $0x4000  }
0x59: {  	[sflag:s17] =	ssyncset.done $0x0  }
0x5a: {  	s29 =	sadd.s32 s26, s14;
	[sflag:s17] =	ssyncadd.s32 $0xFFFFC000  }
0x5b: {  	[tilespmem:s3], [sflag:$0x3] =	stream.linear.gather [hbm4b:s29+s3], $0x80, $0x38;
	[tilespmem:$0x1C200] =	vst v63  }
0x5c: {  	_ =	swait.ge [sflag:s17], $0x80  }
0x5d: {  	[sflag:s17] =	ssyncset.done $0x0  }
0x5e: {  	s29 =	sadd.s32 s26, s13;
	s26 =	smov.u32 s31;
	[sflag:s17] =	ssyncadd.s32 $0xFFFFFF80  }
0x5f: {  	[tilespmem:s18], [sflag:$0x3] =	stream.linear.gather [hbm4b:s29+s3], $0x80, $0x38;
	[tilespmem:$0x1C200] =	vst v63  }
0x60: {  	_ =	swait.ge [sflag:s17], $0x80  }
0x61: {  	[sflag:s17] =	ssyncset.done $0x0  }
0x62: {  	[sflag:s17] =	ssyncadd.s32 $0xFFFFFF80  }
0x63: {  	_ =	swait.ge [sflag:s24], $0x4000  }
0x64: {  	[sflag:s24] =	ssyncset.done $0x0  }
0x65: {  	[sflag:s24] =	ssyncadd.s32 $0xFFFFC000  }
0x66: {  	[tilespmem:s20], [sflag:$0x1] =	stream.indirect.gather [hbm4b:s4+s19], $0x80, s3, s19, $0xb8;
	[tilespmem:$0x1C200] =	vst v63  }
.Ltmp0:
0x67: {  	_ = 	snop;
	(pc) =	sbr.rel @p0 .LBB2_2-.Ltmp0, $4  }
0x68: {  	_ = 	snop  }
0x69: {  	[spmem:s2] =	stream.indirect.scatter.add.f32 [tilespmem:s23], [sflag:$0x3], $0x80, s21, s19, $0xb8;
	[tilespmem:$0x1C200] =	vst v63  }
0x6a: {  	_ =	swait.ge [sflag:s17], $0x4000  }
0x6b: {  	s29 =	smov.u32 s28;
	[sflag:s17] =	ssyncset.done $0x0  }
0x6c: {  	s28 =	sadd.s32 s26, s15  }
0x6d: {  	[sflag:s17] =	ssyncadd.s32 $0xFFFFC000;
	s29 =	sadd.s32 $0x20, s28  }
0x6e: {  	[tilespmem:s19], [sflag:$0x3] =	stream.linear.gather [hbm4b:s29+s3], $0x80, $0x38;
	[tilespmem:$0x1C200] =	vst v63  }
0x6f: {  	_ =	swait.ge [sflag:s17], $0x80  }
0x70: {  	[sflag:s17] =	ssyncset.done $0x0  }
0x71: {  	s28 =	sadd.s32 $0x30, s28;
	[sflag:s17] =	ssyncadd.s32 $0xFFFFFF80  }
0x72: {  	[tilespmem:s21], [sflag:$0x3] =	stream.linear.gather [hbm4b:s28+s3], $0x80, $0x38;
	[tilespmem:$0x1C200] =	vst v63  }
0x73: {  	_ =	swait.ge [sflag:s17], $0x80  }
0x74: {  	[sflag:s17] =	ssyncset.done $0x0  }
0x75: {  	[sflag:s17] =	ssyncadd.s32 $0xFFFFFF80  }
0x76: {  	_ =	swait.ge [sflag:s22], $0x4000  }
0x77: {  	[sflag:s22] =	ssyncset.done $0x0  }
0x78: {  	[sflag:s22] =	ssyncadd.s32 $0xFFFFC000  }
0x79: {  	[tilespmem:s23], [sflag:$0x2] =	stream.indirect.gather [hbm4b:s4+s19], $0x80, s19, s19, $0xb8;
	[tilespmem:$0x1C200] =	vst v63  }
0x7a: {  	_ = 	snop  }
0x7b: {  	[spmem:s2] =	stream.indirect.scatter.add.f32 [tilespmem:s20], [sflag:$0x3], $0x80, s18, s19, $0xb8;
	[tilespmem:$0x1C200] =	vst v63  }
0x7c: {  	_ =	swait.ge [sflag:s17], $0x4000  }
0x7d: {  	[sflag:s17] =	ssyncset.done $0x0  }
0x7e: {  	s30 =	sadd.s32 s26, s14;
	[sflag:s17] =	ssyncadd.s32 $0xFFFFC000  }
0x7f: {  	[tilespmem:s3], [sflag:$0x3] =	stream.linear.gather [hbm4b:s30+s3], $0x80, $0x38;
	[tilespmem:$0x1C200] =	vst v63  }
0x80: {  	_ =	swait.ge [sflag:s17], $0x80  }
0x81: {  	[sflag:s17] =	ssyncset.done $0x0  }
0x82: {  	s31 =	sadd.s32 s26, s13;
	[sflag:s17] =	ssyncadd.s32 $0xFFFFFF80  }
0x83: {  	[tilespmem:s18], [sflag:$0x3] =	stream.linear.gather [hbm4b:s31+s3], $0x80, $0x38;
	[tilespmem:$0x1C200] =	vst v63  }
0x84: {  	_ =	swait.ge [sflag:s17], $0x80  }
0x85: {  	[sflag:s17] =	ssyncset.done $0x0  }
0x86: {  	[sflag:s17] =	ssyncadd.s32 $0xFFFFFF80  }
0x87: {  	_ =	swait.ge [sflag:s24], $0x4000  }
0x88: {  	[sflag:s24] =	ssyncset.done $0x0  }
0x89: {  	[sflag:s24] =	ssyncadd.s32 $0xFFFFC000  }
0x8a: {  	[tilespmem:s20], [sflag:$0x1] =	stream.indirect.gather [hbm4b:s4+s19], $0x80, s3, s19, $0xb8;
	[tilespmem:$0x1C200] =	vst v63  }
0x8b: {  	_ = 	snop  }
0x8c: {  	[spmem:s2] =	stream.indirect.scatter.add.f32 [tilespmem:s23], [sflag:$0x3], $0x80, s21, s19, $0xb8;
	[tilespmem:$0x1C200] =	vst v63  }
0x8d: {  	_ =	swait.ge [sflag:s17], $0x4000  }
0x8e: {  	[sflag:s17] =	ssyncset.done $0x0  }
0x8f: {  	[sflag:s17] =	ssyncadd.s32 $0xFFFFC000  }
0x90: {  	[tilespmem:s19], [sflag:$0x3] =	stream.linear.gather [hbm4b:s9+s3], $0x80, $0x38;
	[tilespmem:$0x1C200] =	vst v63  }
0x91: {  	_ =	swait.ge [sflag:s17], $0x80  }
0x92: {  	[sflag:s17] =	ssyncset.done $0x0  }
0x93: {  	[sflag:s17] =	ssyncadd.s32 $0xFFFFFF80  }
0x94: {  	[tilespmem:s21], [sflag:$0x3] =	stream.linear.gather [hbm4b:s10+s3], $0x80, $0x38;
	[tilespmem:$0x1C200] =	vst v63  }
0x95: {  	_ =	swait.ge [sflag:s17], $0x80  }
0x96: {  	[sflag:s17] =	ssyncset.done $0x0  }
0x97: {  	[sflag:s17] =	ssyncadd.s32 $0xFFFFFF80  }
0x98: {  	_ =	swait.ge [sflag:s22], $0x4000  }
0x99: {  	[sflag:s22] =	ssyncset.done $0x0  }
0x9a: {  	[sflag:s22] =	ssyncadd.s32 $0xFFFFC000  }
0x9b: {  	[tilespmem:s23], [sflag:$0x2] =	stream.indirect.gather [hbm4b:s4+s19], $0x80, s19, s19, $0xb8;
	[tilespmem:$0x1C200] =	vst v63  }
0x9c: {  	_ = 	snop  }
0x9d: {  	[spmem:s2] =	stream.indirect.scatter.add.f32 [tilespmem:s20], [sflag:$0x3], $0x80, s18, s19, $0xb8;
	[tilespmem:$0x1C200] =	vst v63  }
0x9e: {  	_ =	swait.ge [sflag:s17], $0x4000  }
0x9f: {  	[sflag:s17] =	ssyncset.done $0x0  }
0xa0: {  	[sflag:s17] =	ssyncadd.s32 $0xFFFFC000  }
0xa1: {  	_ =	swait.ge [sflag:s24], $0x4000  }
0xa2: {  	[sflag:s24] =	ssyncset.done $0x0  }
0xa3: {  	[sflag:s24] =	ssyncadd.s32 $0xFFFFC000  }
0xa4: {  	[spmem:s2] =	stream.indirect.scatter.add.f32 [tilespmem:s23], [sflag:$0x3], $0x80, s21, s19, $0xb8;
	[tilespmem:$0x1C200] =	vst v63  }
0xa5: {  	_ =	swait.ge [sflag:s17], $0x4000  }
0xa6: {  	s25 =	sadd.s32 $0x1, s25;
	[sflag:s17] =	ssyncset.done $0x0  }
0xa7: {  	p0 =	sne.s32 s25, s12;
	[sflag:s17] =	ssyncadd.s32 $0xFFFFC000  }
.Ltmp1:
0xa8: {  	[bflag:$0x0] =	sbarrier.arrive $0xFFFF;
	(pc) =	sbr.rel @p0 .LBB2_1-.Ltmp1, $4  }
0xa9: {  	[hbm:s11], [sflag:s7] =	dma.local [spmem:s16], $0x2800  }
0xaa: {  	_ =	swait.ge [sflag:s17], $0x2800  }
0xab: {  	[sflag:s17] =	ssyncset.done $0x0  }
0xac: {  	[sflag:s17] =	ssyncadd.s32 $0xFFFFD800  }
0xad: {  	_ =	sfence.sel $0x180000  }
0xae: {  	[bflag:$0x0] =	sbarrier.arrive $0xFFFF  }
0xaf: {  	p0 =	sne.s32 s1, $0x0;
	_ =	strace $0x90000056  }
0xb0: {  	s0 =	sadd.s32 @!p0 $0x100000, s0;
	[bflag:$0x2] =	sbarrier.arrive $0xFFFF  }
0xb1: {  	[sflag:s0] =	ssyncadd.tile.s32 @!p0 $0x1;
	_ =	shalt  }
.Lfunc_end2:
_tile_overlayer_lowered:
.L_overlay_start_2:
0xb2: {  	(tag) =	ssettag $0x2  }
0xb3: {  	s0 =	rddreg [dreg:$0x0];
	s2 =	stileid.u32  }
0xb4: {  	s1 =	rddreg [dreg:$0x1];
	p0 =	sne.s32 s2, $0x0  }
0xb5: {  	s3 =	rddreg [dreg:$0x2];
	[bflag:$0x3] =	sbarrier.arrive $0xFFFF;
	s2 =	simm.s32 @!p0 $0x1C03  }
0xb6: {  	[timem:s3], [sflag:s2] =	dma.local @!p0 [hbm:s0], s1  }
0xb7: {  	s0 =	simm.s32 @!p0 $0x3  }
0xb8: {  	_ =	swait.ge @!p0 [sflag:s0], s1  }
0xb9: {  	s1 =	ssub.s32 @!p0 $0x0, s1;
	[sflag:s0] =	ssyncset.done @!p0 $0x0  }
0xba: {  	[sflag:s0] =	ssyncadd.s32 @!p0 s1  }
0xbb: {  	[bflag:$0x3] =	sbarrier.arrive $0xFFFF  }
0xbc: {  	_ =	shalt  }

// kernel: kernel.35.cloned.1.call-start
scs
__scs_entry_jumppad:
0x0: {  	(pc) =	sbr.rel $0x88, $3  }
0x1: {  	(tag) =	ssettag $0x0;
	lr =	simm.s32 $0x1  }
0x2: {  	[smem:$0x3F90] =	sst lr;
	_ =	strace $0xD0000000  }
0x3: {  	_ = 	snop  }
0x4: {  	_ = 	snop  }
0x5: {  	_ = 	snop  }
0x6: {  	_ = 	snop  }
0x7: {  	_ = 	snop  }
__scs_overlays_trampoline_lowered:
0x8: {  	[smem:$0x3F9F] =	sst s0  }
0x9: {  	[smem:$0x3FA0] =	sst s1  }
0xa: {  	[smem:$0x3FA1] =	sst s2  }
0xb: {  	[smem:$0x3FA2] =	sst s3  }
0xc: {  	[smem:$0x3FA3] =	sst s4  }
0xd: {  	[smem:$0x3FA4] =	sst s5  }
0xe: {  	[smem:$0x3FA5] =	sst s6  }
0xf: {  	[smem:$0x3FA6] =	sst s7  }
0x10: {  	[smem:$0x3FA7] =	sst s8  }
0x11: {  	[smem:$0x3FA8] =	sst s9;
	s0 =	simm.s32 @!p0 $0x0  }
0x12: {  	s1 =	sld [smem:$0x3F8E];
	s0 =	simm.s32 @p0 $0x1  }
0x13: {  	[smem:$0x3FA9] =	sst s0;
	s0 =	simm.s32 @!p1 $0x0  }
0x14: {  	s2 =	sld [smem:$0x3F8D];
	s0 =	simm.s32 @p1 $0x1  }
0x15: {  	[smem:$0x3FAA] =	sst s0;
	s0 =	simm.s32 @!p2 $0x0  }
0x16: {  	s3 =	sld [smem:$0x3FDB];
	s0 =	simm.s32 @p2 $0x1  }
0x17: {  	s4 =	simm.s32 $0x1BF5;
	[smem:$0x3FAC] =	sst s0  }
0x18: {  	s0 =	sld [smem:$0x3F8F];
	_ =	swait.ge [sflag:s4], $0x0  }
0x19: {  	s7 =	sld [smem:$0x3F90]  }
0x1a: {  	s8 =	sadd.s32 $0xFFFFE003, lr  }
0x1b: {  	s9 =	sadd.s32 $0xFFFFFEF7, lr;
	s5 =	simm.s32 $0xFFFFFFFF;
	p2 =	slt.u32 s8, $0xFFFFF086  }
0x1c: {  	p1 =	slt.u32 s9, $0xF7A;
	s5 =	simm.s32 @!p2 $0x0  }
0x1d: {  	s5 =	simm.s32 @p1 $0x1;
	p0 =	seq.s32 s7, s2  }
0x1e: {  	s7 =	smul.u32 @!p0 $0xF7A, s2;
	p2 =	seq.s32 @!p0 s5, $0x0  }
0x1f: {  	s9 =	smul.u32 $0xF7A, s1;
	s8 =	simm.s32 @!p0 $0x1BF5;
	p2 =	por !p2, p0  }
0x20: {  	[sflag:s8] =	ssyncset.s32 @!p0 $0xFFFFF086;
	s6 =	sadd.s32 @!p0 s3, s7;
	s7 =	simm.s32 @!p0 $0x108  }
0x21: {  	s3 =	sadd.s32 s3, s9;
	s6 =	sadd.s32 @!p0 $0x88, s6;
	s7 =	simm.s32 @p2 $0x1082  }
0x22: {  	[simem:s7], [sflag:s8] =	dma.local @!p0 [hbm:s6], $0xF7A  }
0x23: {  	s9 =	sor.u32 $0xD0000000, s2;
	s6 =	simm.s32 $0x108;
	_ =	swait.ge @!p0 [sflag:s8], $0x0  }
0x24: {  	s3 =	sadd.s32 $0x88, s3;
	s6 =	simm.s32 @!p1 $0x1082;
	[sflag:s4] =	ssyncset.s32 $0xFFFFF086  }
0x25: {  	[simem:s6], [sflag:s4] =	dma.local [hbm:s3], $0xF7A  }
0x26: {  	[smem:$0x3F90] =	sst s1;
	(tag) =	ssettag s2;
	_ =	strace s9  }
0x27: {  	s1 =	sld [smem:$0x3FA0]  }
0x28: {  	s2 =	sld [smem:$0x3FA1]  }
0x29: {  	s4 =	sld [smem:$0x3FA3]  }
0x2a: {  	p0 =	seq.s32 s5, $0x0;
	s5 =	sld [smem:$0x3FA4]  }
0x2b: {  	s6 =	sld [smem:$0x3FA5]  }
0x2c: {  	s7 =	sld [smem:$0x3FA6]  }
0x2d: {  	s3 =	simm.s32 $0x108;
	s8 =	sld [smem:$0x3FA7]  }
0x2e: {  	s3 =	simm.s32 @!p0 $0x1082;
	s9 =	sld [smem:$0x3FA8]  }
0x2f: {  	lr =	sadd.s32 s0, s3;
	s0 =	sld [smem:$0x3F9F]  }
0x30: {  	s3 =	sld [smem:$0x3FA2]  }
0x31: {  	[smem:$0x3FAB] =	sst s10  }
0x32: {  	s10 =	sld [smem:$0x3FA9];
	_ =	sdelay $0x3  }
0x33: {  	p0 =	seq.s32 s10, $0x1;
	s10 =	sld [smem:$0x3FAB];
	_ =	sdelay $0x3  }
0x34: {  	[smem:$0x3FAB] =	sst s10  }
0x35: {  	s10 =	sld [smem:$0x3FAA];
	_ =	sdelay $0x3  }
0x36: {  	p1 =	seq.s32 s10, $0x1;
	s10 =	sld [smem:$0x3FAB];
	_ =	sdelay $0x3  }
0x37: {  	[smem:$0x3FAB] =	sst s10  }
0x38: {  	s10 =	sld [smem:$0x3FAC]  }
0x39: {  	_ = 	snop;
	(pc) =	sbr.ind lr, $3  }
0x3a: {  	_ = 	snop  }
0x3b: {  	_ = 	snop  }
0x3c: {  	p2 =	seq.s32 s10, $0x1;
	s10 =	sld [smem:$0x3FAB]  }
0x3d: {  	_ =	shalt  }
0x3e: {  	_ =	shalt  }
0x3f: {  	_ =	shalt  }
0x40: {  	_ =	shalt  }
0x41: {  	_ =	shalt  }
0x42: {  	_ =	shalt  }
0x43: {  	_ =	shalt  }
0x44: {  	_ =	shalt  }
0x45: {  	_ =	shalt  }
0x46: {  	_ =	shalt  }
0x47: {  	_ =	shalt  }
0x48: {  	_ =	shalt  }
0x49: {  	_ =	shalt  }
0x4a: {  	_ =	shalt  }
0x4b: {  	_ =	shalt  }
0x4c: {  	_ =	shalt  }
0x4d: {  	_ =	shalt  }
0x4e: {  	_ =	shalt  }
0x4f: {  	_ =	shalt  }
0x50: {  	_ =	shalt  }
0x51: {  	_ =	shalt  }
0x52: {  	_ =	shalt  }
0x53: {  	_ =	shalt  }
0x54: {  	_ =	shalt  }
0x55: {  	_ =	shalt  }
0x56: {  	_ =	shalt  }
0x57: {  	_ =	shalt  }
0x58: {  	_ =	shalt  }
0x59: {  	_ =	shalt  }
0x5a: {  	_ =	shalt  }
0x5b: {  	_ =	shalt  }
0x5c: {  	_ =	shalt  }
0x5d: {  	_ =	shalt  }
0x5e: {  	_ =	shalt  }
0x5f: {  	_ =	shalt  }
0x60: {  	_ =	shalt  }
0x61: {  	_ =	shalt  }
0x62: {  	_ =	shalt  }
0x63: {  	_ =	shalt  }
0x64: {  	_ =	shalt  }
0x65: {  	_ =	shalt  }
0x66: {  	_ =	shalt  }
0x67: {  	_ =	shalt  }
0x68: {  	_ =	shalt  }
0x69: {  	_ =	shalt  }
0x6a: {  	_ =	shalt  }
0x6b: {  	_ =	shalt  }
0x6c: {  	_ =	shalt  }
0x6d: {  	_ =	shalt  }
0x6e: {  	_ =	shalt  }
0x6f: {  	_ =	shalt  }
0x70: {  	_ =	shalt  }
0x71: {  	_ =	shalt  }
0x72: {  	_ =	shalt  }
0x73: {  	_ =	shalt  }
0x74: {  	_ =	shalt  }
0x75: {  	_ =	shalt  }
0x76: {  	_ =	shalt  }
0x77: {  	_ =	shalt  }
0x78: {  	_ =	shalt  }
0x79: {  	_ =	shalt  }
0x7a: {  	_ =	shalt  }
0x7b: {  	_ =	shalt  }
0x7c: {  	_ =	shalt  }
0x7d: {  	_ =	shalt  }
0x7e: {  	_ =	shalt  }
0x7f: {  	_ =	shalt  }
0x80: {  	_ =	shalt  }
0x81: {  	_ =	shalt  }
0x82: {  	_ =	shalt  }
0x83: {  	_ =	shalt  }
0x84: {  	_ =	shalt  }
0x85: {  	_ =	shalt  }
0x86: {  	_ =	shalt  }
0x87: {  	_ =	shalt  }
.Lfunc_end0:
.L_simem_size_0:
called_computation.6_lowered:
.L_overlay_start_0:
0x88: {  	s2 =	sld [smem:$0x3FD9]  }
0x89: {  	s3 =	sld [smem:$0x3FFE];
	_ =	sdelay $0x1  }
0x8a: {  	s1 =	srdreg.scid  }
0x8b: {  	s0 =	sand.u32 $0x1, s1  }
0x8c: {  	s16 =	sshll.u32 s0, $0xA;
	s2 =	sadd.s32 s3, s2  }
0x8d: {  	s2 =	sadd.s32 s2, s16  }
0x8e: {  	[smem:$0x3FB7] =	sst s2  }
0x8f: {  	_ = 	snop  }
0x90: {  	(tm) =	ssettm $0x1  }
0x91: {  	s17 =	sld [smem:$0x3FFB];
	_ =	sdelay $0x3  }
0x92: {  	_ =	strace s17  }
0x93: {  	s2 =	sld [smem:$0x3FFC];
	_ =	sdelay $0x3  }
0x94: {  	_ =	strace s2  }
0x95: {  	s2 =	sld [smem:$0x3FFD];
	_ =	sdelay $0x3  }
0x96: {  	_ =	strace s2  }
0x97: {  	_ =	strace $0x8FFFFFFF  }
0x98: {  	s18 =	sld [smem:$0x3FDB];
	_ =	sdelay $0x1  }
0x99: {  	s19 =	simm.s32 $_scs_section_size  }
0x9a: {  	s4 =	simm.s32 $_size__tile_overlayer_lowered;
	s5 =	simm.s32 $_tile_overlayer_lowered  }
0x9b: {  	s22 =	simm.s32 $0x1BFF;
	s21 =	sshll.u32 s5, $0x1;
	s2 =	sadd.s32 s19, s18  }
0x9c: {  	s6 =	simm.s32 $0x0;
	s20 =	sshll.u32 s4, $0x1;
	s4 =	sadd.s32 s21, s2  }
0x9d: {  	[timem:s6], [sflag:s22] =	dma.local [hbm:s4], s20  }
0x9e: {  	_ =	swait.ge [sflag:s22], s20  }
0x9f: {  	s3 =	ssub.s32 $0x0, s20;
	[sflag:s22] =	ssyncset.done $0x0  }
0xa0: {  	[sflag:s22] =	ssyncadd.s32 s3;
	_ =	sdelay $0x1  }
0xa1: {  	s23 =	simm.s32 $0x1B8B  }
0xa2: {  	_ =	swait.ge [sflag:s23], $0x1  }
0xa3: {  	[sflag:s23] =	ssyncset.done $0x0  }
0xa4: {  	s25 =	simm.s32 $0x1B8E;
	s24 =	sld [smem:$0x3FFE];
	[sflag:s23] =	ssyncadd.s32 $0xFFFFFFFF  }
0xa5: {  	s26 =	simm.s32 $execute0_lowered;
	[smem:$0x3FD2] =	sst s25  }
0xa6: {  	s4 =	sshll.u32 s26, $0x1;
	_ =	strace $0x80000058;
	[dreg:$0x1] =	wrdreg $0xFFFFFFFF  }
0xa7: {  	s28 =	simm.s32 $_size_execute0_lowered;
	s2 =	sadd.s32 s2, s4;
	[dreg:$0x0] =	wrdreg $0x0  }
0xa8: {  	s4 =	sshll.u32 s28, $0x1;
	[dreg:$0x2] =	wrdreg s2  }
0xa9: {  	[dreg:$0x3] =	wrdreg s4  }
0xaa: {  	[dreg:$0x4] =	wrdreg $0xC0  }
0xab: {  	_ =	task [dreg:s6], $0x5FFFF  }
0xac: {  	[dreg:$0x1] =	wrdreg $0xFFFFFFFF  }
0xad: {  	[dreg:$0x0] =	wrdreg $0x60  }
0xae: {  	[dreg:$0x2] =	wrdreg s24  }
0xaf: {  	[dreg:$0x3] =	wrdreg $0x82000  }
0xb0: {  	[dreg:$0x4] =	wrdreg $0x9  }
0xb1: {  	_ =	task.clear_ibuf [dreg:s6], $0x5FFFF;
	_ =	strace $0x90000058  }
0xb2: {  	s29 =	simm.s32 $0x9;
	_ =	strace $0x8000005A  }
0xb3: {  	_ =	swait.ge [sflag:s29], $0x1  }
0xb4: {  	[sflag:s29] =	ssyncadd.s32 $0xFFFFFFFF  }
0xb5: {  	_ =	strace $0x9000005A  }
0xb6: {  	_ =	sfence  }
0xb7: {  	s30 =	sld [smem:$0x0];
	_ =	sdelay $0x2  }
0xb8: {  	s31 =	sshll.u32 s1, $0xD;
	s1 =	sshrl.u32 s1, $0x2  }
0xb9: {  	s3 =	sand.u32 $0x4000, s31;
	s1 =	sadd.s32 s1, s30  }
0xba: {  	s0 =	sor.u32 s3, s0;
	s1 =	sshll.u32 s1, $0x11  }
0xbb: {  	s0 =	sor.u32 s1, s0  }
0xbc: {  	s0 =	sadd.s32 $0x8F2B, s0  }
0xbd: {  	[sflag:s0] =	ssyncadd.remote.s32 $0x1  }
0xbe: {  	_ =	sfence.sel $0xFFFF  }
0xbf: {  	[dreg:$0x0] =	wrdreg $0xFFFFFFFF;
	(pc) =	sbr.abs _section_cstart, $3  }
0xc0: {  	[dreg:$0x1] =	wrdreg $0xFFFFFFFF  }
0xc1: {  	_ =	task.clear_ibuf [dreg:s6], $0x2FFFF;
	_ =	strace $0x9FFFFFFF  }
0xc2: {  	(tm) =	ssettm $0x7FFFFFFF  }
0xc3: {  	_ =	shalt  }
tec
execute0_lowered:
.L_overlay_start_1:
0x0: {  	(tag) =	ssettag $0x1  }
0x1: {  	s5 =	rddreg [dreg:$0x0]  }
0x2: {  	s2 =	rddreg [dreg:$0x1]  }
0x3: {  	s0 =	rddreg [dreg:$0x2]  }
0x4: {  	s4 =	srdreg.scid;
	s1 =	stileid.u32  }
0x5: {  	s3 =	simm.s32 $0x0;
	s19 =	simm.s32 $0x80;
	s6 =	smul.u32 $0x14000, s1  }
0x6: {  	s20 =	simm.s32 $0x200;
	s21 =	simm.s32 $0x180;
	s8 =	smul.u32 $0x50000, s1  }
0x7: {  	s22 =	simm.s32 $0x1;
	s13 =	sand.u32 $0x1, s4;
	s17 =	smul.u32 $0x5000, s1  }
0x8: {  	[smem:$0x7FF] =	sst s3;
	s4 =	sadd.s32 $0x19800, s5;
	s31 =	smul.u32 $0xA00, s1  }
0x9: {  	s14 =	sadd.s32 $0x5800, s5;
	s29 =	sshll.u32 s1, $0x6;
	s7 =	smul.u32 $0x140000, s13  }
0xa: {  	_ =	strace $0x80000059;
	s9 =	sshll.u32 s13, $0x4;
	s15 =	smul.u32 $0x50000, s13  }
0xb: {  	s23 =	ssub.s32 $0x2, s13;
	s18 =	smul.u32 $0xA000, s13;
	s24 =	sor.u32 s1, s9  }
0xc: {  	s25 =	sshrl.u32 s23, $0x1;
	s8 =	sshrl.u32 s8, $0x2;
	s26 =	sshrl.u32 s6, $0x3  }
0xd: {  	s7 =	sadd.s32 s6, s7;
	s12 =	ssub.s32 s23, s25;
	s16 =	sadd.s32 s8, s2  }
0xe: {  	s15 =	sadd.s32 s17, s15;
	s18 =	sadd.s32 s18, s14;
	s23 =	simm.s32 $0x4200  }
0xf: {  	s25 =	simm.s32 $0x0;
	s7 =	sshrl.u32 s7, $0x3;
	s12 =	smax.u32 s12, $0x1  }
0x10: {  	s17 =	sor.u32 $0x280, s15;
	s15 =	sor.u32 $0x200, s15;
	s16 =	sshrl.u32 s16, $0x3  }
0x11: {  	s11 =	sadd.s32 s7, s5;
	s7 =	smul.u32 $0x5000, s24;
	s5 =	sadd.s32 s4, s26  }
0x12: {  	s30 =	sshrl.u32 s17, $0x3;
	s15 =	sshrl.u32 s15, $0x3;
	s17 =	simm.s32 $0x3  }
0x13: {  	s24 =	simm.s32 $0x2;
	s11 =	sadd.s32 $0x41800, s11;
	s28 =	sshrl.u32 s7, $0x3  }
0x14: {  	s13 =	sadd.s32 s30, s14;
	s7 =	sor.u32 $0x1C03, s29;
	s6 =	sadd.s32 s14, s28  }
0x15: {  	s14 =	sadd.s32 s15, s14;
	s15 =	sadd.s32 s31, s18;
	s18 =	simm.s32 $0x100  }
0x16: {  	s8 =	sadd.s32 $0x10, s6;
	s9 =	sadd.s32 $0x9E0, s6;
	s10 =	sadd.s32 $0x9F0, s6  }
.LBB2_1:
0x17: {  	[spmem:s16], [sflag:s7] =	dma.local [hbm:s5], $0x2800  }
0x18: {  	_ =	swait.ge [sflag:s17], $0x2800  }
0x19: {  	[sflag:s17] =	ssyncset.done $0x0  }
0x1a: {  	[sflag:s17] =	ssyncadd.s32 $0xFFFFD800  }
0x1b: {  	[bflag:$0x0] =	sbarrier.arrive $0xFFFF  }
0x1c: {  	[tilespmem:s3], [sflag:$0x3] =	stream.linear.gather [hbm4b:s6+s3], $0x80, $0x38;
	[tilespmem:$0x1C200] =	vst v63  }
0x1d: {  	_ =	swait.ge [sflag:s17], $0x80  }
0x1e: {  	[sflag:s17] =	ssyncset.done $0x0  }
0x1f: {  	[sflag:s17] =	ssyncadd.s32 $0xFFFFFF80  }
0x20: {  	[tilespmem:s18], [sflag:$0x3] =	stream.linear.gather [hbm4b:s8+s3], $0x80, $0x38;
	[tilespmem:$0x1C200] =	vst v63  }
0x21: {  	_ =	swait.ge [sflag:s17], $0x80  }
0x22: {  	[sflag:s17] =	ssyncset.done $0x0  }
0x23: {  	s26 =	sadd.s32 $0x0, s15;
	[sflag:s17] =	ssyncadd.s32 $0xFFFFFF80  }
0x24: {  	[tilespmem:s20], [sflag:$0x1] =	stream.indirect.gather [hbm4b:s4+s19], $0x80, s3, s19, $0xb8;
	[tilespmem:$0x1C200] =	vst v63  }
0x25: {  	s28 =	sadd.s32 $0x20, s26  }
0x26: {  	[tilespmem:s19], [sflag:$0x3] =	stream.linear.gather [hbm4b:s28+s3], $0x80, $0x38;
	[tilespmem:$0x1C200] =	vst v63  }
0x27: {  	_ =	swait.ge [sflag:s17], $0x80  }
0x28: {  	[sflag:s17] =	ssyncset.done $0x0  }
0x29: {  	s26 =	sadd.s32 $0x30, s26;
	[sflag:s17] =	ssyncadd.s32 $0xFFFFFF80  }
0x2a: {  	[tilespmem:s21], [sflag:$0x3] =	stream.linear.gather [hbm4b:s26+s3], $0x80, $0x38;
	[tilespmem:$0x1C200] =	vst v63  }
0x2b: {  	_ =	swait.ge [sflag:s17], $0x80  }
0x2c: {  	[sflag:s17] =	ssyncset.done $0x0  }
0x2d: {  	[sflag:s17] =	ssyncadd.s32 $0xFFFFFF80  }
0x2e: {  	_ =	swait.ge [sflag:s22], $0x4000  }
0x2f: {  	[sflag:s22] =	ssyncset.done $0x0  }
0x30: {  	[sflag:s22] =	ssyncadd.s32 $0xFFFFC000  }
0x31: {  	[tilespmem:s23], [sflag:$0x2] =	stream.indirect.gather [hbm4b:s4+s19], $0x80, s19, s19, $0xb8;
	[tilespmem:$0x1C200] =	vst v63  }
0x32: {  	_ = 	snop  }
0x33: {  	[spmem:s2] =	stream.indirect.scatter.add.f32 [tilespmem:s20], [sflag:$0x3], $0x80, s18, s19, $0xb8;
	[tilespmem:$0x1C200] =	vst v63  }
0x34: {  	_ =	swait.ge [sflag:s17], $0x4000  }
0x35: {  	[sflag:s17] =	ssyncset.done $0x0  }
0x36: {  	s30 =	sadd.s32 $0x0, s14;
	[sflag:s17] =	ssyncadd.s32 $0xFFFFC000  }
0x37: {  	[tilespmem:s3], [sflag:$0x3] =	stream.linear.gather [hbm4b:s30+s3], $0x80, $0x38;
	[tilespmem:$0x1C200] =	vst v63  }
0x38: {  	_ =	swait.ge [sflag:s17], $0x80  }
0x39: {  	[sflag:s17] =	ssyncset.done $0x0  }
0x3a: {  	s31 =	sadd.s32 $0x0, s13;
	[sflag:s17] =	ssyncadd.s32 $0xFFFFFF80  }
0x3b: {  	[tilespmem:s18], [sflag:$0x3] =	stream.linear.gather [hbm4b:s31+s3], $0x80, $0x38;
	[tilespmem:$0x1C200] =	vst v63  }
0x3c: {  	_ =	swait.ge [sflag:s17], $0x80  }
0x3d: {  	[sflag:s17] =	ssyncset.done $0x0  }
0x3e: {  	[sflag:s17] =	ssyncadd.s32 $0xFFFFFF80  }
0x3f: {  	_ =	swait.ge [sflag:s24], $0x4000  }
0x40: {  	[sflag:s24] =	ssyncset.done $0x0  }
0x41: {  	[sflag:s24] =	ssyncadd.s32 $0xFFFFC000  }
0x42: {  	[tilespmem:s20], [sflag:$0x1] =	stream.indirect.gather [hbm4b:s4+s19], $0x80, s3, s19, $0xb8;
	[tilespmem:$0x1C200] =	vst v63  }
0x43: {  	_ = 	snop  }
0x44: {  	[spmem:s2] =	stream.indirect.scatter.add.f32 [tilespmem:s23], [sflag:$0x3], $0x80, s21, s19, $0xb8;
	[tilespmem:$0x1C200] =	vst v63  }
0x45: {  	_ =	swait.ge [sflag:s17], $0x4000  }
0x46: {  	s29 =	simm.s32 $0x80;
	s26 =	simm.s32 $0x40;
	[sflag:s17] =	ssyncset.done $0x0  }
.LBB2_2:
0x47: {  	s30 =	sadd.s32 s26, s15  }
0x48: {  	[sflag:s17] =	ssyncadd.s32 $0xFFFFC000;
	s31 =	smov.u32 s29;
	s28 =	sadd.s32 $0x40, s29  }
0x49: {  	p0 =	sne.s32 s29, $0x980;
	s29 =	sadd.s32 $0x20, s30  }
0x4a: {  	[tilespmem:s19], [sflag:$0x3] =	stream.linear.gather [hbm4b:s29+s3], $0x80, $0x38;
	[tilespmem:$0x1C200] =	vst v63  }
0x4b: {  	_ =	swait.ge [sflag:s17], $0x80  }
0x4c: {  	[sflag:s17] =	ssyncset.done $0x0  }
0x4d: {  	s29 =	sadd.s32 $0x30, s30;
	[sflag:s17] =	ssyncadd.s32 $0xFFFFFF80  }
0x4e: {  	[tilespmem:s21], [sflag:$0x3] =	stream.linear.gather [hbm4b:s29+s3], $0x80, $0x38;
	[tilespmem:$0x1C200] =	vst v63  }
0x4f: {  	_ =	swait.ge [sflag:s17], $0x80  }
0x50: {  	[sflag:s17] =	ssyncset.done $0x0  }
0x51: {  	[sflag:s17] =	ssyncadd.s32 $0xFFFFFF80  }
0x52: {  	_ =	swait.ge [sflag:s22], $0x4000  }
0x53: {  	[sflag:s22] =	ssyncset.done $0x0  }
0x54: {  	[sflag:s22] =	ssyncadd.s32 $0xFFFFC000  }
0x55: {  	[tilespmem:s23], [sflag:$0x2] =	stream.indirect.gather [hbm4b:s4+s19], $0x80, s19, s19, $0xb8;
	[tilespmem:$0x1C200] =	vst v63  }
0x56: {  	_ = 	snop  }
0x57: {  	[spmem:s2] =	stream.indirect.scatter.add.f32 [tilespmem:s20], [sflag:$0x3], $0x80, s18, s19, $0xb8;
	[tilespmem:$0x1C200] =	vst v63  }
0x58: {  	_ =	swait.ge [sflag:s17], $0x4000  }
0x59: {  	[sflag:s17] =	ssyncset.done $0x0  }
0x5a: {  	s29 =	sadd.s32 s26, s14;
	[sflag:s17] =	ssyncadd.s32 $0xFFFFC000  }
0x5b: {  	[tilespmem:s3], [sflag:$0x3] =	stream.linear.gather [hbm4b:s29+s3], $0x80, $0x38;
	[tilespmem:$0x1C200] =	vst v63  }
0x5c: {  	_ =	swait.ge [sflag:s17], $0x80  }
0x5d: {  	[sflag:s17] =	ssyncset.done $0x0  }
0x5e: {  	s29 =	sadd.s32 s26, s13;
	s26 =	smov.u32 s31;
	[sflag:s17] =	ssyncadd.s32 $0xFFFFFF80  }
0x5f: {  	[tilespmem:s18], [sflag:$0x3] =	stream.linear.gather [hbm4b:s29+s3], $0x80, $0x38;
	[tilespmem:$0x1C200] =	vst v63  }
0x60: {  	_ =	swait.ge [sflag:s17], $0x80  }
0x61: {  	[sflag:s17] =	ssyncset.done $0x0  }
0x62: {  	[sflag:s17] =	ssyncadd.s32 $0xFFFFFF80  }
0x63: {  	_ =	swait.ge [sflag:s24], $0x4000  }
0x64: {  	[sflag:s24] =	ssyncset.done $0x0  }
0x65: {  	[sflag:s24] =	ssyncadd.s32 $0xFFFFC000  }
0x66: {  	[tilespmem:s20], [sflag:$0x1] =	stream.indirect.gather [hbm4b:s4+s19], $0x80, s3, s19, $0xb8;
	[tilespmem:$0x1C200] =	vst v63  }
.Ltmp0:
0x67: {  	_ = 	snop;
	(pc) =	sbr.rel @p0 .LBB2_2-.Ltmp0, $4  }
0x68: {  	_ = 	snop  }
0x69: {  	[spmem:s2] =	stream.indirect.scatter.add.f32 [tilespmem:s23], [sflag:$0x3], $0x80, s21, s19, $0xb8;
	[tilespmem:$0x1C200] =	vst v63  }
0x6a: {  	_ =	swait.ge [sflag:s17], $0x4000  }
0x6b: {  	s29 =	smov.u32 s28;
	[sflag:s17] =	ssyncset.done $0x0  }
0x6c: {  	s28 =	sadd.s32 s26, s15  }
0x6d: {  	[sflag:s17] =	ssyncadd.s32 $0xFFFFC000;
	s29 =	sadd.s32 $0x20, s28  }
0x6e: {  	[tilespmem:s19], [sflag:$0x3] =	stream.linear.gather [hbm4b:s29+s3], $0x80, $0x38;
	[tilespmem:$0x1C200] =	vst v63  }
0x6f: {  	_ =	swait.ge [sflag:s17], $0x80  }
0x70: {  	[sflag:s17] =	ssyncset.done $0x0  }
0x71: {  	s28 =	sadd.s32 $0x30, s28;
	[sflag:s17] =	ssyncadd.s32 $0xFFFFFF80  }
0x72: {  	[tilespmem:s21], [sflag:$0x3] =	stream.linear.gather [hbm4b:s28+s3], $0x80, $0x38;
	[tilespmem:$0x1C200] =	vst v63  }
0x73: {  	_ =	swait.ge [sflag:s17], $0x80  }
0x74: {  	[sflag:s17] =	ssyncset.done $0x0  }
0x75: {  	[sflag:s17] =	ssyncadd.s32 $0xFFFFFF80  }
0x76: {  	_ =	swait.ge [sflag:s22], $0x4000  }
0x77: {  	[sflag:s22] =	ssyncset.done $0x0  }
0x78: {  	[sflag:s22] =	ssyncadd.s32 $0xFFFFC000  }
0x79: {  	[tilespmem:s23], [sflag:$0x2] =	stream.indirect.gather [hbm4b:s4+s19], $0x80, s19, s19, $0xb8;
	[tilespmem:$0x1C200] =	vst v63  }
0x7a: {  	_ = 	snop  }
0x7b: {  	[spmem:s2] =	stream.indirect.scatter.add.f32 [tilespmem:s20], [sflag:$0x3], $0x80, s18, s19, $0xb8;
	[tilespmem:$0x1C200] =	vst v63  }
0x7c: {  	_ =	swait.ge [sflag:s17], $0x4000  }
0x7d: {  	[sflag:s17] =	ssyncset.done $0x0  }
0x7e: {  	s30 =	sadd.s32 s26, s14;
	[sflag:s17] =	ssyncadd.s32 $0xFFFFC000  }
0x7f: {  	[tilespmem:s3], [sflag:$0x3] =	stream.linear.gather [hbm4b:s30+s3], $0x80, $0x38;
	[tilespmem:$0x1C200] =	vst v63  }
0x80: {  	_ =	swait.ge [sflag:s17], $0x80  }
0x81: {  	[sflag:s17] =	ssyncset.done $0x0  }
0x82: {  	s31 =	sadd.s32 s26, s13;
	[sflag:s17] =	ssyncadd.s32 $0xFFFFFF80  }
0x83: {  	[tilespmem:s18], [sflag:$0x3] =	stream.linear.gather [hbm4b:s31+s3], $0x80, $0x38;
	[tilespmem:$0x1C200] =	vst v63  }
0x84: {  	_ =	swait.ge [sflag:s17], $0x80  }
0x85: {  	[sflag:s17] =	ssyncset.done $0x0  }
0x86: {  	[sflag:s17] =	ssyncadd.s32 $0xFFFFFF80  }
0x87: {  	_ =	swait.ge [sflag:s24], $0x4000  }
0x88: {  	[sflag:s24] =	ssyncset.done $0x0  }
0x89: {  	[sflag:s24] =	ssyncadd.s32 $0xFFFFC000  }
0x8a: {  	[tilespmem:s20], [sflag:$0x1] =	stream.indirect.gather [hbm4b:s4+s19], $0x80, s3, s19, $0xb8;
	[tilespmem:$0x1C200] =	vst v63  }
0x8b: {  	_ = 	snop  }
0x8c: {  	[spmem:s2] =	stream.indirect.scatter.add.f32 [tilespmem:s23], [sflag:$0x3], $0x80, s21, s19, $0xb8;
	[tilespmem:$0x1C200] =	vst v63  }
0x8d: {  	_ =	swait.ge [sflag:s17], $0x4000  }
0x8e: {  	[sflag:s17] =	ssyncset.done $0x0  }
0x8f: {  	[sflag:s17] =	ssyncadd.s32 $0xFFFFC000  }
0x90: {  	[tilespmem:s19], [sflag:$0x3] =	stream.linear.gather [hbm4b:s9+s3], $0x80, $0x38;
	[tilespmem:$0x1C200] =	vst v63  }
0x91: {  	_ =	swait.ge [sflag:s17], $0x80  }
0x92: {  	[sflag:s17] =	ssyncset.done $0x0  }
0x93: {  	[sflag:s17] =	ssyncadd.s32 $0xFFFFFF80  }
0x94: {  	[tilespmem:s21], [sflag:$0x3] =	stream.linear.gather [hbm4b:s10+s3], $0x80, $0x38;
	[tilespmem:$0x1C200] =	vst v63  }
0x95: {  	_ =	swait.ge [sflag:s17], $0x80  }
0x96: {  	[sflag:s17] =	ssyncset.done $0x0  }
0x97: {  	[sflag:s17] =	ssyncadd.s32 $0xFFFFFF80  }
0x98: {  	_ =	swait.ge [sflag:s22], $0x4000  }
0x99: {  	[sflag:s22] =	ssyncset.done $0x0  }
0x9a: {  	[sflag:s22] =	ssyncadd.s32 $0xFFFFC000  }
0x9b: {  	[tilespmem:s23], [sflag:$0x2] =	stream.indirect.gather [hbm4b:s4+s19], $0x80, s19, s19, $0xb8;
	[tilespmem:$0x1C200] =	vst v63  }
0x9c: {  	_ = 	snop  }
0x9d: {  	[spmem:s2] =	stream.indirect.scatter.add.f32 [tilespmem:s20], [sflag:$0x3], $0x80, s18, s19, $0xb8;
	[tilespmem:$0x1C200] =	vst v63  }
0x9e: {  	_ =	swait.ge [sflag:s17], $0x4000  }
0x9f: {  	[sflag:s17] =	ssyncset.done $0x0  }
0xa0: {  	[sflag:s17] =	ssyncadd.s32 $0xFFFFC000  }
0xa1: {  	_ =	swait.ge [sflag:s24], $0x4000  }
0xa2: {  	[sflag:s24] =	ssyncset.done $0x0  }
0xa3: {  	[sflag:s24] =	ssyncadd.s32 $0xFFFFC000  }
0xa4: {  	[spmem:s2] =	stream.indirect.scatter.add.f32 [tilespmem:s23], [sflag:$0x3], $0x80, s21, s19, $0xb8;
	[tilespmem:$0x1C200] =	vst v63  }
0xa5: {  	_ =	swait.ge [sflag:s17], $0x4000  }
0xa6: {  	s25 =	sadd.s32 $0x1, s25;
	[sflag:s17] =	ssyncset.done $0x0  }
0xa7: {  	p0 =	sne.s32 s25, s12;
	[sflag:s17] =	ssyncadd.s32 $0xFFFFC000  }
.Ltmp1:
0xa8: {  	[bflag:$0x0] =	sbarrier.arrive $0xFFFF;
	(pc) =	sbr.rel @p0 .LBB2_1-.Ltmp1, $4  }
0xa9: {  	[hbm:s11], [sflag:s7] =	dma.local [spmem:s16], $0x2800  }
0xaa: {  	_ =	swait.ge [sflag:s17], $0x2800  }
0xab: {  	[sflag:s17] =	ssyncset.done $0x0  }
0xac: {  	[sflag:s17] =	ssyncadd.s32 $0xFFFFD800  }
0xad: {  	_ =	sfence.sel $0x180000  }
0xae: {  	[bflag:$0x0] =	sbarrier.arrive $0xFFFF  }
0xaf: {  	p0 =	sne.s32 s1, $0x0;
	_ =	strace $0x90000059  }
0xb0: {  	s0 =	sadd.s32 @!p0 $0x100000, s0;
	[bflag:$0x2] =	sbarrier.arrive $0xFFFF  }
0xb1: {  	[sflag:s0] =	ssyncadd.tile.s32 @!p0 $0x1;
	_ =	shalt  }
.Lfunc_end2:
_tile_overlayer_lowered:
.L_overlay_start_2:
0xb2: {  	(tag) =	ssettag $0x2  }
0xb3: {  	s0 =	rddreg [dreg:$0x0];
	s2 =	stileid.u32  }
0xb4: {  	s1 =	rddreg [dreg:$0x1];
	p0 =	sne.s32 s2, $0x0  }
0xb5: {  	s3 =	rddreg [dreg:$0x2];
	[bflag:$0x3] =	sbarrier.arrive $0xFFFF;
	s2 =	simm.s32 @!p0 $0x1C03  }
0xb6: {  	[timem:s3], [sflag:s2] =	dma.local @!p0 [hbm:s0], s1  }
0xb7: {  	s0 =	simm.s32 @!p0 $0x3  }
0xb8: {  	_ =	swait.ge @!p0 [sflag:s0], s1  }
0xb9: {  	s1 =	ssub.s32 @!p0 $0x0, s1;
	[sflag:s0] =	ssyncset.done @!p0 $0x0  }
0xba: {  	[sflag:s0] =	ssyncadd.s32 @!p0 s1  }
0xbb: {  	[bflag:$0x3] =	sbarrier.arrive $0xFFFF  }
0xbc: {  	_ =	shalt  }

</sc_bundles>
